<compile_context>
chip_gen: v7x
topology: tpu7x:2x2x1
jax: 0.10.2.dev20260603
libtpu: 0.0.44.dev20260713+nightly
codegen_flags: <defaults>
</compile_context>

<pallas_src>
import functools

import jax
import jax.numpy as jnp
from jax import lax
from jax.experimental import pallas as pl
from jax.experimental.pallas import tpu as pltpu
from jax.experimental.pallas import tpu_sc as plsc

N_NODES = 10000
N_EDGES = 320000
DIM = 128
N_GRAPHS = 16
OUT_CH = 10

NC = 2
NS = 16
NW = NC * NS
CHUNK = 80
EPW = N_EDGES // NW
NCHUNK = EPW // CHUNK
RPT = 624
TAIL = N_NODES - NS * RPT

_LANES = 16


def _agg_body(h_hbm, src_hbm, dst_hbm, out_hbm,
              acc, dst_v, si0, si1, si2, rows0, rows1, rows2,
              sem0, sem1, sem2, sem3, sem4, sem5, sem6, sem7, sem8):
    c = lax.axis_index("c")
    s = lax.axis_index("s")
    wid = c * NS + s

    dst_cp = pltpu.async_copy(dst_hbm.at[wid], dst_v, sem0)

    @pl.loop(0, CHUNK)
    def _zero(r):
        for j in range(0, DIM, _LANES):
            rows0[r, pl.ds(j, _LANES)] = jnp.zeros((_LANES,), jnp.float32)

    @pl.loop(0, RPT // CHUNK)
    def _init(j):
        pltpu.sync_copy(rows0, acc.at[pl.ds(s * RPT + j * CHUNK, CHUNK)])

    pltpu.sync_copy(rows0.at[pl.ds(0, RPT % CHUNK)],
                    acc.at[pl.ds(s * RPT + RPT - RPT % CHUNK, RPT % CHUNK)])

    @pl.when(s == NS - 1)
    def _init_tail():
        pltpu.sync_copy(rows0.at[pl.ds(0, TAIL)],
                        acc.at[pl.ds(NS * RPT, TAIL)])

    dst_cp.wait()
    plsc.subcore_barrier()

    rows = (rows0, rows1, rows2)
    sidx = (si0, si1, si2)
    gsem = (sem0, sem1, sem2)
    ssem = (sem3, sem4, sem5)
    isem = (sem6, sem7, sem8)

    def _start_i(t, b):
        pltpu.async_copy(src_hbm.at[wid].at[t], sidx[b], isem[b])

    def _wait_i(t, b):
        pltpu.make_async_copy(src_hbm.at[wid].at[t], sidx[b], isem[b]).wait()

    def _start_g(t, b):
        _wait_i(t, b)
        pltpu.async_copy(h_hbm.at[sidx[b]], rows[b], gsem[b])

    def _wait_g(t, b):
        pltpu.make_async_copy(h_hbm.at[sidx[b]], rows[b], gsem[b]).wait()

    def _start_s(t, b):
        pltpu.async_copy(rows[b], acc.at[dst_v.at[t]], ssem[b], add=True)

    def _wait_s(t, b):
        pltpu.make_async_copy(rows[b], acc.at[dst_v.at[t]], ssem[b]).wait()

    _start_i(0, 0)
    _start_i(1, 1)
    _start_g(0, 0)
    _start_g(1, 1)

    @pl.loop(0, NCHUNK // 3)
    def _chunk(k):
        t = 3 * k
        for i in range(3):
            b2 = (i + 2) % 3
            n = t + i
            _start_i(n + 2, b2)
            _wait_g(n, i)
            _start_s(n, i)

            @pl.when(n >= 1)
            def _ws():
                _wait_s(n - 1, b2)

            _start_g(n + 2, b2)

    t = (NCHUNK // 3) * 3
    _wait_g(t, 0)
    _start_s(t, 0)
    _wait_g(t + 1, 1)
    _start_s(t + 1, 1)
    _wait_s(t - 1, 2)
    _wait_s(t, 0)
    _wait_s(t + 1, 1)

    plsc.subcore_barrier()

    pltpu.sync_copy(acc.at[pl.ds(s * RPT, RPT)],
                    out_hbm.at[c].at[pl.ds(s * RPT, RPT)])

    @pl.when(s == NS - 1)
    def _out_tail():
        pltpu.sync_copy(acc.at[pl.ds(NS * RPT, TAIL)],
                        out_hbm.at[c].at[pl.ds(NS * RPT, TAIL)])


_agg = pl.kernel(
    _agg_body,
    out_type=jax.ShapeDtypeStruct((NC, N_NODES, DIM), jnp.float32),
    mesh=plsc.VectorSubcoreMesh(core_axis_name="c", subcore_axis_name="s"),
    scratch_types=[
        pltpu.VMEM_SHARED((N_NODES, DIM), jnp.float32),
        pltpu.VMEM((NCHUNK, CHUNK), jnp.int32),
        pltpu.VMEM((CHUNK,), jnp.int32),
        pltpu.VMEM((CHUNK,), jnp.int32),
        pltpu.VMEM((CHUNK,), jnp.int32),
        pltpu.VMEM((CHUNK, DIM), jnp.float32),
        pltpu.VMEM((CHUNK, DIM), jnp.float32),
        pltpu.VMEM((CHUNK, DIM), jnp.float32),
    ] + [pltpu.SemaphoreType.DMA] * 9,
)


_HI = lax.Precision.HIGHEST
_RB = 2000
_NRB = N_NODES // _RB


def _dot3(a, w_hi, w_lo):
    a_hi = a.astype(jnp.bfloat16)
    a_lo = (a - a_hi.astype(jnp.float32)).astype(jnp.bfloat16)
    f32 = jnp.float32
    return (jnp.dot(a_hi, w_hi, preferred_element_type=f32)
            + (jnp.dot(a_hi, w_lo, preferred_element_type=f32)
               + jnp.dot(a_lo, w_hi, preferred_element_type=f32)))


def _layer_math(x_blk, a0_ref, a1_ref, w1hi_ref, w1lo_ref, b1s_ref,
                w2hi_ref, w2lo_ref, b2_ref):
    h = x_blk + a0_ref[...] + a1_ref[...]
    t = _dot3(h, w1hi_ref[...], w1lo_ref[...]) + b1s_ref[...]
    t = jnp.maximum(t, 0.0)
    o = _dot3(t, w2hi_ref[...], w2lo_ref[...]) + b2_ref[...]
    return jnp.maximum(o, 0.0)


def _mlp_body(x_ref, a0_ref, a1_ref, w1hi_ref, w1lo_ref, b1s_ref,
              w2hi_ref, w2lo_ref, b2_ref, o_ref):
    o_ref[...] = _layer_math(x_ref[...], a0_ref, a1_ref, w1hi_ref, w1lo_ref,
                             b1s_ref, w2hi_ref, w2lo_ref, b2_ref)


def _mlp(h, agg, wsplit, b1s, b2):
    return pl.pallas_call(
        _mlp_body,
        grid=(_NRB,),
        in_specs=[
            pl.BlockSpec((_RB, DIM), lambda i: (i, 0)),
            pl.BlockSpec((_RB, DIM), lambda i: (i, 0)),
            pl.BlockSpec((_RB, DIM), lambda i: (i, 0)),
            pl.BlockSpec((DIM, DIM), lambda i: (0, 0)),
            pl.BlockSpec((DIM, DIM), lambda i: (0, 0)),
            pl.BlockSpec((1, DIM), lambda i: (0, 0)),
            pl.BlockSpec((DIM, DIM), lambda i: (0, 0)),
            pl.BlockSpec((DIM, DIM), lambda i: (0, 0)),
            pl.BlockSpec((1, DIM), lambda i: (0, 0)),
        ],
        out_specs=pl.BlockSpec((_RB, DIM), lambda i: (i, 0)),
        out_shape=jax.ShapeDtypeStruct((N_NODES, DIM), jnp.float32),
    )(h, agg[0], agg[1], wsplit[0], wsplit[1], b1s, wsplit[2], wsplit[3], b2)


def _head_body(x_ref, a0_ref, a1_ref, batch_ref, w1hi_ref, w1lo_ref,
               b1s_ref, w2hi_ref, w2lo_ref, b2_ref, l1w_ref, l1b_ref,
               l2w_ref, l2b_ref, o_ref, pool_acc):
    i = pl.program_id(0)
    h5 = _layer_math(x_ref[...], a0_ref, a1_ref, w1hi_ref, w1lo_ref,
                     b1s_ref, w2hi_ref, w2lo_ref, b2_ref)
    b = batch_ref[0, 0, :]
    onehot = (b[:, None] == lax.broadcasted_iota(
        jnp.int32, (1, N_GRAPHS), 1)).astype(jnp.float32)
    part = lax.dot_general(onehot, h5, (((0,), (0,)), ((), ())),
                           precision=_HI)

    @pl.when(i == 0)
    def _first():
        pool_acc[...] = part

    @pl.when(i > 0)
    def _rest():
        pool_acc[...] += part

    @pl.when(i == _NRB - 1)
    def _final():
        pooled = pool_acc[...]
        u = jnp.dot(pooled, l1w_ref[...], precision=_HI) + l1b_ref[...]
        u = jnp.maximum(u, 0.0)
        o = jnp.dot(u, l2w_ref[...], precision=_HI) + l2b_ref[...]
        m = jnp.max(o, axis=-1, keepdims=True)
        e = o - m
        o_ref[...] = e - jnp.log(jnp.sum(jnp.exp(e), axis=-1, keepdims=True))


def _head(h, agg, batch_r, wsplit, b1s, b2, l1w, l1b, l2w, l2b):
    return pl.pallas_call(
        _head_body,
        grid=(_NRB,),
        in_specs=[
            pl.BlockSpec((_RB, DIM), lambda i: (i, 0)),
            pl.BlockSpec((_RB, DIM), lambda i: (i, 0)),
            pl.BlockSpec((_RB, DIM), lambda i: (i, 0)),
            pl.BlockSpec((1, 1, _RB), lambda i: (i, 0, 0)),
            pl.BlockSpec((DIM, DIM), lambda i: (0, 0)),
            pl.BlockSpec((DIM, DIM), lambda i: (0, 0)),
            pl.BlockSpec((1, DIM), lambda i: (0, 0)),
            pl.BlockSpec((DIM, DIM), lambda i: (0, 0)),
            pl.BlockSpec((DIM, DIM), lambda i: (0, 0)),
            pl.BlockSpec((1, DIM), lambda i: (0, 0)),
            pl.BlockSpec((DIM, DIM), lambda i: (0, 0)),
            pl.BlockSpec((1, DIM), lambda i: (0, 0)),
            pl.BlockSpec((DIM, OUT_CH), lambda i: (0, 0)),
            pl.BlockSpec((1, OUT_CH), lambda i: (0, 0)),
        ],
        out_specs=pl.BlockSpec((N_GRAPHS, OUT_CH), lambda i: (0, 0)),
        out_shape=jax.ShapeDtypeStruct((N_GRAPHS, OUT_CH), jnp.float32),
        scratch_shapes=[pltpu.VMEM((N_GRAPHS, DIM), jnp.float32)],
    )(h, agg[0], agg[1], batch_r, wsplit[0], wsplit[1], b1s,
      wsplit[2], wsplit[3], b2, l1w, l1b, l2w, l2b)


def kernel(x, edge_index, batch, params):
    src = edge_index[0].astype(jnp.int32).reshape(NW, NCHUNK, CHUNK)
    dst = edge_index[1].astype(jnp.int32).reshape(NW, NCHUNK, CHUNK)
    batch_r = batch.astype(jnp.int32).reshape(_NRB, 1, _RB)

    bn_rsqrt = 1.0 / jnp.sqrt(jnp.float32(1.0 + 1e-5))
    h = x
    out = None
    for li in range(1, 6):
        p = params[f"conv{li}"]
        scale = p["g"] * bn_rsqrt
        w1s = p["W1"] * scale[None, :]
        b1s = (p["b1"] * scale + p["b"]).reshape(1, DIM)
        w2 = p["W2"]
        b2 = p["b2"].reshape(1, DIM)

        def _split(w):
            w_hi = w.astype(jnp.bfloat16)
            w_lo = (w - w_hi.astype(jnp.float32)).astype(jnp.bfloat16)
            return w_hi, w_lo

        w1hi, w1lo = _split(w1s)
        w2hi, w2lo = _split(w2)
        wsplit = (w1hi, w1lo, w2hi, w2lo)
        agg = _agg(h, src, dst)
        if li < 5:
            h = _mlp(h, agg, wsplit, b1s, b2)
        else:
            out = _head(h, agg, batch_r, wsplit, b1s, b2,
                        params["lin1_W"], params["lin1_b"].reshape(1, DIM),
                        params["lin2_W"], params["lin2_b"].reshape(1, OUT_CH))
    return out

# --- scband reference (transcript-rebuilt; emitter-appended) ---
"""Pipeline reference for scband-gin-5l-2826088481299 (READ-ONLY COPY).

The authoritative reference and input builder live on the scoring server;
editing this copy changes nothing except your own understanding.
"""

import jax, jax.numpy as jnp
import numpy as np

N_NODES = 10000
N_EDGES = 320000
DIM = 128
IN_CH = 128
OUT_CH = 10
N_GRAPHS = 16


def _mk_conv_params(key, in_dim, dim):
    k1, k2, k3, k4, k5, k6 = jax.random.split(key, 6)
    return {
        'W1': jax.random.normal(k1, (in_dim, dim), dtype=jnp.float32) * 0.05,
        'b1': jax.random.normal(k2, (dim,), dtype=jnp.float32) * 0.05,
        'g': jnp.ones((dim,), dtype=jnp.float32) + jax.random.normal(k3, (dim,), dtype=jnp.float32) * 0.01,
        'b': jax.random.normal(k4, (dim,), dtype=jnp.float32) * 0.01,
        'W2': jax.random.normal(k5, (dim, dim), dtype=jnp.float32) * 0.05,
        'b2': jax.random.normal(k6, (dim,), dtype=jnp.float32) * 0.05,
    }


def setup_inputs(seed: int = 0) -> dict:
    key = jax.random.key(seed)
    ks = jax.random.split(key, 12)
    x = jax.random.normal(ks[0], (N_NODES, IN_CH), dtype=jnp.float32)
    edge_index = jax.random.randint(ks[1], (2, N_EDGES), 0, N_NODES, dtype=jnp.int64 if jax.config.jax_enable_x64 else jnp.int32)
    batch = jnp.sort(jax.random.randint(ks[2], (N_NODES,), 0, N_GRAPHS, dtype=jnp.int64 if jax.config.jax_enable_x64 else jnp.int32))
    params = {
        'conv1': _mk_conv_params(ks[3], IN_CH, DIM),
        'conv2': _mk_conv_params(ks[4], DIM, DIM),
        'conv3': _mk_conv_params(ks[5], DIM, DIM),
        'conv4': _mk_conv_params(ks[6], DIM, DIM),
        'conv5': _mk_conv_params(ks[7], DIM, DIM),
        'lin1_W': jax.random.normal(ks[8], (DIM, DIM), dtype=jnp.float32) * 0.05,
        'lin1_b': jax.random.normal(ks[9], (DIM,), dtype=jnp.float32) * 0.05,
        'lin2_W': jax.random.normal(ks[10], (DIM, OUT_CH), dtype=jnp.float32) * 0.05,
        'lin2_b': jax.random.normal(ks[11], (OUT_CH,), dtype=jnp.float32) * 0.05,
    }
    return {'x': x, 'edge_index': edge_index, 'batch': batch, 'params': params}


def _gin_conv(x, edge_index, p):
    # sum aggregation of source features into target nodes (scatter-add)
    msgs = jnp.take(x, edge_index[0], axis=0)
    agg = jnp.zeros_like(x).at[edge_index[1]].add(msgs)
    h = (1.0 + 0.0) * x + agg  # eps = 0 (GINConv default, train_eps=False)
    h = h @ p['W1'] + p['b1']
    # BatchNorm1d in eval mode: running_mean=0, running_var=1
    h = (h - 0.0) / jnp.sqrt(1.0 + 1e-5) * p['g'] + p['b']
    h = jax.nn.relu(h)
    h = h @ p['W2'] + p['b2']
    h = jax.nn.relu(h)
    return h


def reference(x, edge_index, batch, params):
    h = _gin_conv(x, edge_index, params['conv1'])
    h = _gin_conv(h, edge_index, params['conv2'])
    h = _gin_conv(h, edge_index, params['conv3'])
    h = _gin_conv(h, edge_index, params['conv4'])
    h = _gin_conv(h, edge_index, params['conv5'])
    pooled = jax.ops.segment_sum(h, batch, num_segments=N_GRAPHS)
    out = jax.nn.relu(pooled @ params['lin1_W'] + params['lin1_b'])
    # dropout p=0.5 is identity in eval mode
    out = out @ params['lin2_W'] + params['lin2_b']
    return jax.nn.log_softmax(out, axis=-1)

if __name__ == "__main__":
    import jax
    _d = setup_inputs()
    print(jax.jit(kernel)(*tuple(_d.values())))

</pallas_src>

<mosaic_0001>
#map = affine_map<(d0, d1) -> (0, 0)>
#map1 = affine_map<(d0, d1) -> (0, 0, 0)>
module attributes {stable_mosaic.version = 14 : i64} {
  func.func @_agg_body(%arg0: i32, %arg1: i32, %arg2: memref<10000x128xf32, #tpu.memory_space<hbm>>, %arg3: memref<32x125x80xi32, #tpu.memory_space<hbm>>, %arg4: memref<32x125x80xi32, #tpu.memory_space<hbm>>, %arg5: memref<2x10000x128xf32, #tpu.memory_space<hbm>>, %arg6: memref<10000x128xf32, #tpu.memory_space<vmem_shared>>, %arg7: memref<125x80xi32, #tpu.memory_space<vmem>>, %arg8: memref<80xi32, #tpu.memory_space<vmem>>, %arg9: memref<80xi32, #tpu.memory_space<vmem>>, %arg10: memref<80xi32, #tpu.memory_space<vmem>>, %arg11: memref<80x128xf32, #tpu.memory_space<vmem>>, %arg12: memref<80x128xf32, #tpu.memory_space<vmem>>, %arg13: memref<80x128xf32, #tpu.memory_space<vmem>>, %arg14: memref<!tpu.dma_semaphore, #tpu.memory_space<semaphore_mem>>, %arg15: memref<!tpu.dma_semaphore, #tpu.memory_space<semaphore_mem>>, %arg16: memref<!tpu.dma_semaphore, #tpu.memory_space<semaphore_mem>>, %arg17: memref<!tpu.dma_semaphore, #tpu.memory_space<semaphore_mem>>, %arg18: memref<!tpu.dma_semaphore, #tpu.memory_space<semaphore_mem>>, %arg19: memref<!tpu.dma_semaphore, #tpu.memory_space<semaphore_mem>>, %arg20: memref<!tpu.dma_semaphore, #tpu.memory_space<semaphore_mem>>, %arg21: memref<!tpu.dma_semaphore, #tpu.memory_space<semaphore_mem>>, %arg22: memref<!tpu.dma_semaphore, #tpu.memory_space<semaphore_mem>>) attributes {dimension_semantics = [#tpu.dimension_semantics<core_parallel>, #tpu.dimension_semantics<subcore_parallel>], iteration_bounds = array<i64: 2, 16>, scalar_prefetch = 0 : i64, scratch_operands = 17 : i64, tpu.core_type = #tpu.core_type<sc_vector_subcore>, window_params = [{transform_indices = #map}, {transform_indices = #map1}, {transform_indices = #map1}, {transform_indices = #map1}]} {
    %mul3A = arith.constant 16 : i32
    %mul3A_0 = arith.muli %arg0, %mul3A : i32
    %add3A = arith.addi %mul3A_0, %arg1 : i32
    %dma_start3A = arith.constant 0 : i32
    %dma_start3A_1 = arith.constant 0 : i32
    %dma_start3A_2 = tpu.memref_slice %arg4[%add3A, %dma_start3A, %dma_start3A_1] : memref<32x125x80xi32, #tpu.memory_space<hbm>> -> memref<1x125x80xi32, #tpu.memory_space<hbm>>
    %dma_start3A_3 = tpu.memref_squeeze %dma_start3A_2 : memref<1x125x80xi32, #tpu.memory_space<hbm>> -> memref<125x80xi32, #tpu.memory_space<hbm>>
    %dma_start3A_4 = arith.constant 0 : i32
    %dma_start3A_5 = arith.constant 0 : i32
    %dma_start3A_6 = tpu.memref_slice %arg4[%add3A, %dma_start3A_4, %dma_start3A_5] : memref<32x125x80xi32, #tpu.memory_space<hbm>> -> memref<1x125x80xi32, #tpu.memory_space<hbm>>
    %dma_start3A_7 = tpu.memref_squeeze %dma_start3A_6 : memref<1x125x80xi32, #tpu.memory_space<hbm>> -> memref<125x80xi32, #tpu.memory_space<hbm>>
    tpu.enqueue_dma source(%dma_start3A_7 : memref<125x80xi32, #tpu.memory_space<hbm>>) target(%arg7 : memref<125x80xi32, #tpu.memory_space<vmem>>) target_semaphore(%arg14 : memref<!tpu.dma_semaphore, #tpu.memory_space<semaphore_mem>>)
    %scan3A = arith.constant 0 : i32
    %scan3A_8 = arith.constant 80 : i32
    %scan3A_9 = arith.addi %scan3A, %scan3A_8 : i32
    %scan3A_10 = arith.constant 1 : i32
    scf.for %scan3A_153 = %scan3A to %scan3A_9 step %scan3A_10  : i32 {
      %mul3A_154 = arith.constant 1 : i32
      %mul3A_155 = arith.muli %scan3A_153, %mul3A_154 : i32
      %add3A_156 = arith.constant 0 : i32
      %add3A_157 = arith.addi %add3A_156, %mul3A_155 : i32
      %broadcast_in_dim3A = arith.constant 0.000000e+00 : f32
      %broadcast_in_dim3A_158 = vector.broadcast %broadcast_in_dim3A : f32 to vector<16xf32>
      %swap3A = arith.index_cast %add3A_157 : i32 to index
      %swap3A_159 = arith.constant 0 : index
      %swap3A_160 = tpu.vector_load %arg11[%swap3A, %swap3A_159] {strides = array<i32>} : memref<80x128xf32, #tpu.memory_space<vmem>>, vector<1x16xf32>,
      %swap3A_161 = vector.shape_cast %swap3A_160 : vector<1x16xf32> to vector<16xf32>
      %swap3A_162 = vector.shape_cast %broadcast_in_dim3A_158 : vector<16xf32> to vector<1x16xf32>
      tpu.vector_store %arg11[%swap3A, %swap3A_159], %swap3A_162 {strides = array<i32>} : memref<80x128xf32, #tpu.memory_space<vmem>>, vector<1x16xf32>,
      %broadcast_in_dim3A_163 = arith.constant 0.000000e+00 : f32
      %broadcast_in_dim3A_164 = vector.broadcast %broadcast_in_dim3A_163 : f32 to vector<16xf32>
      %swap3A_165 = arith.index_cast %add3A_157 : i32 to index
      %swap3A_166 = arith.constant 16 : index
      %swap3A_167 = tpu.vector_load %arg11[%swap3A_165, %swap3A_166] {strides = array<i32>} : memref<80x128xf32, #tpu.memory_space<vmem>>, vector<1x16xf32>,
      %swap3A_168 = vector.shape_cast %swap3A_167 : vector<1x16xf32> to vector<16xf32>
      %swap3A_169 = vector.shape_cast %broadcast_in_dim3A_164 : vector<16xf32> to vector<1x16xf32>
      tpu.vector_store %arg11[%swap3A_165, %swap3A_166], %swap3A_169 {strides = array<i32>} : memref<80x128xf32, #tpu.memory_space<vmem>>, vector<1x16xf32>,
      %broadcast_in_dim3A_170 = arith.constant 0.000000e+00 : f32
      %broadcast_in_dim3A_171 = vector.broadcast %broadcast_in_dim3A_170 : f32 to vector<16xf32>
      %swap3A_172 = arith.index_cast %add3A_157 : i32 to index
      %swap3A_173 = arith.constant 32 : index
      %swap3A_174 = tpu.vector_load %arg11[%swap3A_172, %swap3A_173] {strides = array<i32>} : memref<80x128xf32, #tpu.memory_space<vmem>>, vector<1x16xf32>,
      %swap3A_175 = vector.shape_cast %swap3A_174 : vector<1x16xf32> to vector<16xf32>
      %swap3A_176 = vector.shape_cast %broadcast_in_dim3A_171 : vector<16xf32> to vector<1x16xf32>
      tpu.vector_store %arg11[%swap3A_172, %swap3A_173], %swap3A_176 {strides = array<i32>} : memref<80x128xf32, #tpu.memory_space<vmem>>, vector<1x16xf32>,
      %broadcast_in_dim3A_177 = arith.constant 0.000000e+00 : f32
      %broadcast_in_dim3A_178 = vector.broadcast %broadcast_in_dim3A_177 : f32 to vector<16xf32>
      %swap3A_179 = arith.index_cast %add3A_157 : i32 to index
      %swap3A_180 = arith.constant 48 : index
      %swap3A_181 = tpu.vector_load %arg11[%swap3A_179, %swap3A_180] {strides = array<i32>} : memref<80x128xf32, #tpu.memory_space<vmem>>, vector<1x16xf32>,
      %swap3A_182 = vector.shape_cast %swap3A_181 : vector<1x16xf32> to vector<16xf32>
      %swap3A_183 = vector.shape_cast %broadcast_in_dim3A_178 : vector<16xf32> to vector<1x16xf32>
      tpu.vector_store %arg11[%swap3A_179, %swap3A_180], %swap3A_183 {strides = array<i32>} : memref<80x128xf32, #tpu.memory_space<vmem>>, vector<1x16xf32>,
      %broadcast_in_dim3A_184 = arith.constant 0.000000e+00 : f32
      %broadcast_in_dim3A_185 = vector.broadcast %broadcast_in_dim3A_184 : f32 to vector<16xf32>
      %swap3A_186 = arith.index_cast %add3A_157 : i32 to index
      %swap3A_187 = arith.constant 64 : index
      %swap3A_188 = tpu.vector_load %arg11[%swap3A_186, %swap3A_187] {strides = array<i32>} : memref<80x128xf32, #tpu.memory_space<vmem>>, vector<1x16xf32>,
      %swap3A_189 = vector.shape_cast %swap3A_188 : vector<1x16xf32> to vector<16xf32>
      %swap3A_190 = vector.shape_cast %broadcast_in_dim3A_185 : vector<16xf32> to vector<1x16xf32>
      tpu.vector_store %arg11[%swap3A_186, %swap3A_187], %swap3A_190 {strides = array<i32>} : memref<80x128xf32, #tpu.memory_space<vmem>>, vector<1x16xf32>,
      %broadcast_in_dim3A_191 = arith.constant 0.000000e+00 : f32
      %broadcast_in_dim3A_192 = vector.broadcast %broadcast_in_dim3A_191 : f32 to vector<16xf32>
      %swap3A_193 = arith.index_cast %add3A_157 : i32 to index
      %swap3A_194 = arith.constant 80 : index
      %swap3A_195 = tpu.vector_load %arg11[%swap3A_193, %swap3A_194] {strides = array<i32>} : memref<80x128xf32, #tpu.memory_space<vmem>>, vector<1x16xf32>,
      %swap3A_196 = vector.shape_cast %swap3A_195 : vector<1x16xf32> to vector<16xf32>
      %swap3A_197 = vector.shape_cast %broadcast_in_dim3A_192 : vector<16xf32> to vector<1x16xf32>
      tpu.vector_store %arg11[%swap3A_193, %swap3A_194], %swap3A_197 {strides = array<i32>} : memref<80x128xf32, #tpu.memory_space<vmem>>, vector<1x16xf32>,
      %broadcast_in_dim3A_198 = arith.constant 0.000000e+00 : f32
      %broadcast_in_dim3A_199 = vector.broadcast %broadcast_in_dim3A_198 : f32 to vector<16xf32>
      %swap3A_200 = arith.index_cast %add3A_157 : i32 to index
      %swap3A_201 = arith.constant 96 : index
      %swap3A_202 = tpu.vector_load %arg11[%swap3A_200, %swap3A_201] {strides = array<i32>} : memref<80x128xf32, #tpu.memory_space<vmem>>, vector<1x16xf32>,
      %swap3A_203 = vector.shape_cast %swap3A_202 : vector<1x16xf32> to vector<16xf32>
      %swap3A_204 = vector.shape_cast %broadcast_in_dim3A_199 : vector<16xf32> to vector<1x16xf32>
      tpu.vector_store %arg11[%swap3A_200, %swap3A_201], %swap3A_204 {strides = array<i32>} : memref<80x128xf32, #tpu.memory_space<vmem>>, vector<1x16xf32>,
      %broadcast_in_dim3A_205 = arith.constant 0.000000e+00 : f32
      %broadcast_in_dim3A_206 = vector.broadcast %broadcast_in_dim3A_205 : f32 to vector<16xf32>
      %swap3A_207 = arith.index_cast %add3A_157 : i32 to index
      %swap3A_208 = arith.constant 112 : index
      %swap3A_209 = tpu.vector_load %arg11[%swap3A_207, %swap3A_208] {strides = array<i32>} : memref<80x128xf32, #tpu.memory_space<vmem>>, vector<1x16xf32>,
      %swap3A_210 = vector.shape_cast %swap3A_209 : vector<1x16xf32> to vector<16xf32>
      %swap3A_211 = vector.shape_cast %broadcast_in_dim3A_206 : vector<16xf32> to vector<1x16xf32>
      tpu.vector_store %arg11[%swap3A_207, %swap3A_208], %swap3A_211 {strides = array<i32>} : memref<80x128xf32, #tpu.memory_space<vmem>>, vector<1x16xf32>,
    }
    %scan3A_11 = arith.constant 80 : i32
    %scan3A_12 = arith.constant 0 : i32
    %scan3A_13 = arith.constant 7 : i32
    %scan3A_14 = arith.addi %scan3A_12, %scan3A_13 : i32
    %scan3A_15 = arith.constant 1 : i32
    scf.for %scan3A_153 = %scan3A_12 to %scan3A_14 step %scan3A_15  : i32 {
      %mul3A_154 = arith.constant 1 : i32
      %mul3A_155 = arith.muli %scan3A_153, %mul3A_154 : i32
      %add3A_156 = arith.constant 0 : i32
      %add3A_157 = arith.addi %add3A_156, %mul3A_155 : i32
      %mul3A_158 = arith.constant 624 : i32
      %mul3A_159 = arith.muli %arg1, %mul3A_158 : i32
      %mul3A_160 = arith.constant 80 : i32
      %mul3A_161 = arith.muli %add3A_157, %mul3A_160 : i32
      %add3A_162 = arith.addi %mul3A_159, %mul3A_161 : i32
      "tpu.region"() ({
        %run_scoped3A = tpu.sem_alloc : memref<!tpu.dma_semaphore, #tpu.memory_space<semaphore_mem>>
        %dma_start3A_163 = arith.constant 0 : i32
        %dma_start3A_164 = tpu.memref_slice %arg6[%add3A_162, %dma_start3A_163] : memref<10000x128xf32, #tpu.memory_space<vmem_shared>> -> memref<80x128xf32, #tpu.memory_space<vmem_shared>>
        %dma_start3A_165 = arith.constant 0 : i32
        %dma_start3A_166 = tpu.memref_slice %arg6[%add3A_162, %dma_start3A_165] : memref<10000x128xf32, #tpu.memory_space<vmem_shared>> -> memref<80x128xf32, #tpu.memory_space<vmem_shared>>
        tpu.enqueue_dma source(%arg11 : memref<80x128xf32, #tpu.memory_space<vmem>>) target(%dma_start3A_166 : memref<80x128xf32, #tpu.memory_space<vmem_shared>>) target_semaphore(%run_scoped3A : memref<!tpu.dma_semaphore, #tpu.memory_space<semaphore_mem>>)
        %dma_wait3A_167 = arith.constant 0 : i32
        %dma_wait3A_168 = tpu.memref_slice %arg6[%add3A_162, %dma_wait3A_167] : memref<10000x128xf32, #tpu.memory_space<vmem_shared>> -> memref<80x128xf32, #tpu.memory_space<vmem_shared>>
        %dma_wait3A_169 = arith.constant 0 : i32
        %dma_wait3A_170 = tpu.memref_slice %arg6[%add3A_162, %dma_wait3A_169] : memref<10000x128xf32, #tpu.memory_space<vmem_shared>> -> memref<80x128xf32, #tpu.memory_space<vmem_shared>>
        tpu.wait_dma2 semaphore(%run_scoped3A : memref<!tpu.dma_semaphore, #tpu.memory_space<semaphore_mem>>) src(%arg11 : memref<80x128xf32, #tpu.memory_space<vmem>>) dst(%dma_wait3A_170 : memref<80x128xf32, #tpu.memory_space<vmem_shared>>)
        tpu.yield
      }) : () -> ()
    }
    %scan3A_16 = arith.constant 7 : i32
    %mul3A_17 = arith.constant 624 : i32
    %mul3A_18 = arith.muli %arg1, %mul3A_17 : i32
    %add3A_19 = arith.constant 624 : i32
    %add3A_20 = arith.addi %mul3A_18, %add3A_19 : i32
    %sub3A = arith.constant 64 : i32
    %sub3A_21 = arith.subi %add3A_20, %sub3A : i32
    "tpu.region"() ({
      %run_scoped3A = tpu.sem_alloc : memref<!tpu.dma_semaphore, #tpu.memory_space<semaphore_mem>>
      %dma_start3A_153 = arith.constant 0 : i32
      %dma_start3A_154 = arith.constant 0 : i32
      %dma_start3A_155 = tpu.memref_slice %arg11[%dma_start3A_153, %dma_start3A_154] : memref<80x128xf32, #tpu.memory_space<vmem>> -> memref<64x128xf32, #tpu.memory_space<vmem>>
      %dma_start3A_156 = arith.constant 0 : i32
      %dma_start3A_157 = tpu.memref_slice %arg6[%sub3A_21, %dma_start3A_156] : memref<10000x128xf32, #tpu.memory_space<vmem_shared>> -> memref<64x128xf32, #tpu.memory_space<vmem_shared>>
      %dma_start3A_158 = arith.constant 0 : i32
      %dma_start3A_159 = tpu.memref_slice %arg6[%sub3A_21, %dma_start3A_158] : memref<10000x128xf32, #tpu.memory_space<vmem_shared>> -> memref<64x128xf32, #tpu.memory_space<vmem_shared>>
      %dma_start3A_160 = arith.constant 0 : i32
      %dma_start3A_161 = arith.constant 0 : i32
      %dma_start3A_162 = tpu.memref_slice %arg11[%dma_start3A_160, %dma_start3A_161] : memref<80x128xf32, #tpu.memory_space<vmem>> -> memref<64x128xf32, #tpu.memory_space<vmem>>
      tpu.enqueue_dma source(%dma_start3A_162 : memref<64x128xf32, #tpu.memory_space<vmem>>) target(%dma_start3A_159 : memref<64x128xf32, #tpu.memory_space<vmem_shared>>) target_semaphore(%run_scoped3A : memref<!tpu.dma_semaphore, #tpu.memory_space<semaphore_mem>>)
      %dma_wait3A_163 = arith.constant 0 : i32
      %dma_wait3A_164 = arith.constant 0 : i32
      %dma_wait3A_165 = tpu.memref_slice %arg11[%dma_wait3A_163, %dma_wait3A_164] : memref<80x128xf32, #tpu.memory_space<vmem>> -> memref<64x128xf32, #tpu.memory_space<vmem>>
      %dma_wait3A_166 = arith.constant 0 : i32
      %dma_wait3A_167 = tpu.memref_slice %arg6[%sub3A_21, %dma_wait3A_166] : memref<10000x128xf32, #tpu.memory_space<vmem_shared>> -> memref<64x128xf32, #tpu.memory_space<vmem_shared>>
      %dma_wait3A_168 = arith.constant 0 : i32
      %dma_wait3A_169 = tpu.memref_slice %arg6[%sub3A_21, %dma_wait3A_168] : memref<10000x128xf32, #tpu.memory_space<vmem_shared>> -> memref<64x128xf32, #tpu.memory_space<vmem_shared>>
      %dma_wait3A_170 = arith.constant 0 : i32
      %dma_wait3A_171 = arith.constant 0 : i32
      %dma_wait3A_172 = tpu.memref_slice %arg11[%dma_wait3A_170, %dma_wait3A_171] : memref<80x128xf32, #tpu.memory_space<vmem>> -> memref<64x128xf32, #tpu.memory_space<vmem>>
      tpu.wait_dma2 semaphore(%run_scoped3A : memref<!tpu.dma_semaphore, #tpu.memory_space<semaphore_mem>>) src(%dma_wait3A_172 : memref<64x128xf32, #tpu.memory_space<vmem>>) dst(%dma_wait3A_169 : memref<64x128xf32, #tpu.memory_space<vmem_shared>>)
      tpu.yield
    }) : () -> ()
    %eq3A = arith.constant 15 : i32
    %eq3A_22 = arith.cmpi eq, %arg1, %eq3A : i32
    %convert_element_type3A = arith.extui %eq3A_22 : i1 to i32
    %cond3A = arith.constant 0 : i32
    %cond3A_23 = arith.cmpi ne, %convert_element_type3A, %cond3A : i32
    scf.if %cond3A_23 {
      "tpu.region"() ({
        %run_scoped3A = tpu.sem_alloc : memref<!tpu.dma_semaphore, #tpu.memory_space<semaphore_mem>>
        %dma_start3A_153 = arith.constant 0 : i32
        %dma_start3A_154 = arith.constant 0 : i32
        %dma_start3A_155 = tpu.memref_slice %arg11[%dma_start3A_153, %dma_start3A_154] : memref<80x128xf32, #tpu.memory_space<vmem>> -> memref<16x128xf32, #tpu.memory_space<vmem>>
        %dma_start3A_156 = arith.constant 9984 : i32
        %dma_start3A_157 = arith.constant 0 : i32
        %dma_start3A_158 = tpu.memref_slice %arg6[%dma_start3A_156, %dma_start3A_157] : memref<10000x128xf32, #tpu.memory_space<vmem_shared>> -> memref<16x128xf32, #tpu.memory_space<vmem_shared>>
        %dma_start3A_159 = arith.constant 9984 : i32
        %dma_start3A_160 = arith.constant 0 : i32
        %dma_start3A_161 = tpu.memref_slice %arg6[%dma_start3A_159, %dma_start3A_160] : memref<10000x128xf32, #tpu.memory_space<vmem_shared>> -> memref<16x128xf32, #tpu.memory_space<vmem_shared>>
        %dma_start3A_162 = arith.constant 0 : i32
        %dma_start3A_163 = arith.constant 0 : i32
        %dma_start3A_164 = tpu.memref_slice %arg11[%dma_start3A_162, %dma_start3A_163] : memref<80x128xf32, #tpu.memory_space<vmem>> -> memref<16x128xf32, #tpu.memory_space<vmem>>
        tpu.enqueue_dma source(%dma_start3A_164 : memref<16x128xf32, #tpu.memory_space<vmem>>) target(%dma_start3A_161 : memref<16x128xf32, #tpu.memory_space<vmem_shared>>) target_semaphore(%run_scoped3A : memref<!tpu.dma_semaphore, #tpu.memory_space<semaphore_mem>>)
        %dma_wait3A_165 = arith.constant 0 : i32
        %dma_wait3A_166 = arith.constant 0 : i32
        %dma_wait3A_167 = tpu.memref_slice %arg11[%dma_wait3A_165, %dma_wait3A_166] : memref<80x128xf32, #tpu.memory_space<vmem>> -> memref<16x128xf32, #tpu.memory_space<vmem>>
        %dma_wait3A_168 = arith.constant 9984 : i32
        %dma_wait3A_169 = arith.constant 0 : i32
        %dma_wait3A_170 = tpu.memref_slice %arg6[%dma_wait3A_168, %dma_wait3A_169] : memref<10000x128xf32, #tpu.memory_space<vmem_shared>> -> memref<16x128xf32, #tpu.memory_space<vmem_shared>>
        %dma_wait3A_171 = arith.constant 9984 : i32
        %dma_wait3A_172 = arith.constant 0 : i32
        %dma_wait3A_173 = tpu.memref_slice %arg6[%dma_wait3A_171, %dma_wait3A_172] : memref<10000x128xf32, #tpu.memory_space<vmem_shared>> -> memref<16x128xf32, #tpu.memory_space<vmem_shared>>
        %dma_wait3A_174 = arith.constant 0 : i32
        %dma_wait3A_175 = arith.constant 0 : i32
        %dma_wait3A_176 = tpu.memref_slice %arg11[%dma_wait3A_174, %dma_wait3A_175] : memref<80x128xf32, #tpu.memory_space<vmem>> -> memref<16x128xf32, #tpu.memory_space<vmem>>
        tpu.wait_dma2 semaphore(%run_scoped3A : memref<!tpu.dma_semaphore, #tpu.memory_space<semaphore_mem>>) src(%dma_wait3A_176 : memref<16x128xf32, #tpu.memory_space<vmem>>) dst(%dma_wait3A_173 : memref<16x128xf32, #tpu.memory_space<vmem_shared>>)
        tpu.yield
      }) : () -> ()
    } else {
    }
    %dma_wait3A = arith.constant 0 : i32
    %dma_wait3A_24 = arith.constant 0 : i32
    %dma_wait3A_25 = tpu.memref_slice %arg4[%add3A, %dma_wait3A, %dma_wait3A_24] : memref<32x125x80xi32, #tpu.memory_space<hbm>> -> memref<1x125x80xi32, #tpu.memory_space<hbm>>
    %dma_wait3A_26 = tpu.memref_squeeze %dma_wait3A_25 : memref<1x125x80xi32, #tpu.memory_space<hbm>> -> memref<125x80xi32, #tpu.memory_space<hbm>>
    %dma_wait3A_27 = arith.constant 0 : i32
    %dma_wait3A_28 = arith.constant 0 : i32
    %dma_wait3A_29 = tpu.memref_slice %arg4[%add3A, %dma_wait3A_27, %dma_wait3A_28] : memref<32x125x80xi32, #tpu.memory_space<hbm>> -> memref<1x125x80xi32, #tpu.memory_space<hbm>>
    %dma_wait3A_30 = tpu.memref_squeeze %dma_wait3A_29 : memref<1x125x80xi32, #tpu.memory_space<hbm>> -> memref<125x80xi32, #tpu.memory_space<hbm>>
    tpu.wait_dma2 semaphore(%arg14 : memref<!tpu.dma_semaphore, #tpu.memory_space<semaphore_mem>>) src(%dma_wait3A_30 : memref<125x80xi32, #tpu.memory_space<hbm>>) dst(%arg7 : memref<125x80xi32, #tpu.memory_space<vmem>>)
    %barrier3A = arith.constant 0 : index
    tpu.barrier barrier_id(%barrier3A)
    %dma_start3A_31 = arith.constant 0 : i32
    %dma_start3A_32 = arith.constant 0 : i32
    %dma_start3A_33 = arith.constant 0 : i32
    %dma_start3A_34 = tpu.memref_slice %arg3[%add3A, %dma_start3A_32, %dma_start3A_33] : memref<32x125x80xi32, #tpu.memory_space<hbm>> -> memref<1x125x80xi32, #tpu.memory_space<hbm>>
    %dma_start3A_35 = tpu.memref_squeeze %dma_start3A_34 : memref<1x125x80xi32, #tpu.memory_space<hbm>> -> memref<125x80xi32, #tpu.memory_space<hbm>>
    %dma_start3A_36 = arith.constant 0 : i32
    %dma_start3A_37 = tpu.memref_slice %dma_start3A_35[%dma_start3A_31, %dma_start3A_36] : memref<125x80xi32, #tpu.memory_space<hbm>> -> memref<1x80xi32, #tpu.memory_space<hbm>>
    %dma_start3A_38 = tpu.memref_squeeze %dma_start3A_37 : memref<1x80xi32, #tpu.memory_space<hbm>> -> memref<80xi32, #tpu.memory_space<hbm>>
    %dma_start3A_39 = arith.constant 0 : i32
    %dma_start3A_40 = arith.constant 0 : i32
    %dma_start3A_41 = tpu.memref_slice %arg3[%add3A, %dma_start3A_39, %dma_start3A_40] : memref<32x125x80xi32, #tpu.memory_space<hbm>> -> memref<1x125x80xi32, #tpu.memory_space<hbm>>
    %dma_start3A_42 = tpu.memref_squeeze %dma_start3A_41 : memref<1x125x80xi32, #tpu.memory_space<hbm>> -> memref<125x80xi32, #tpu.memory_space<hbm>>
    %dma_start3A_43 = arith.constant 0 : i32
    %dma_start3A_44 = tpu.memref_slice %dma_start3A_42[%dma_start3A_31, %dma_start3A_43] : memref<125x80xi32, #tpu.memory_space<hbm>> -> memref<1x80xi32, #tpu.memory_space<hbm>>
    %dma_start3A_45 = tpu.memref_squeeze %dma_start3A_44 : memref<1x80xi32, #tpu.memory_space<hbm>> -> memref<80xi32, #tpu.memory_space<hbm>>
    tpu.enqueue_dma source(%dma_start3A_45 : memref<80xi32, #tpu.memory_space<hbm>>) target(%arg8 : memref<80xi32, #tpu.memory_space<vmem>>) target_semaphore(%arg20 : memref<!tpu.dma_semaphore, #tpu.memory_space<semaphore_mem>>)
    %dma_start3A_46 = arith.constant 1 : i32
    %dma_start3A_47 = arith.constant 0 : i32
    %dma_start3A_48 = arith.constant 0 : i32
    %dma_start3A_49 = tpu.memref_slice %arg3[%add3A, %dma_start3A_47, %dma_start3A_48] : memref<32x125x80xi32, #tpu.memory_space<hbm>> -> memref<1x125x80xi32, #tpu.memory_space<hbm>>
    %dma_start3A_50 = tpu.memref_squeeze %dma_start3A_49 : memref<1x125x80xi32, #tpu.memory_space<hbm>> -> memref<125x80xi32, #tpu.memory_space<hbm>>
    %dma_start3A_51 = arith.constant 0 : i32
    %dma_start3A_52 = tpu.memref_slice %dma_start3A_50[%dma_start3A_46, %dma_start3A_51] : memref<125x80xi32, #tpu.memory_space<hbm>> -> memref<1x80xi32, #tpu.memory_space<hbm>>
    %dma_start3A_53 = tpu.memref_squeeze %dma_start3A_52 : memref<1x80xi32, #tpu.memory_space<hbm>> -> memref<80xi32, #tpu.memory_space<hbm>>
    %dma_start3A_54 = arith.constant 0 : i32
    %dma_start3A_55 = arith.constant 0 : i32
    %dma_start3A_56 = tpu.memref_slice %arg3[%add3A, %dma_start3A_54, %dma_start3A_55] : memref<32x125x80xi32, #tpu.memory_space<hbm>> -> memref<1x125x80xi32, #tpu.memory_space<hbm>>
    %dma_start3A_57 = tpu.memref_squeeze %dma_start3A_56 : memref<1x125x80xi32, #tpu.memory_space<hbm>> -> memref<125x80xi32, #tpu.memory_space<hbm>>
    %dma_start3A_58 = arith.constant 0 : i32
    %dma_start3A_59 = tpu.memref_slice %dma_start3A_57[%dma_start3A_46, %dma_start3A_58] : memref<125x80xi32, #tpu.memory_space<hbm>> -> memref<1x80xi32, #tpu.memory_space<hbm>>
    %dma_start3A_60 = tpu.memref_squeeze %dma_start3A_59 : memref<1x80xi32, #tpu.memory_space<hbm>> -> memref<80xi32, #tpu.memory_space<hbm>>
    tpu.enqueue_dma source(%dma_start3A_60 : memref<80xi32, #tpu.memory_space<hbm>>) target(%arg9 : memref<80xi32, #tpu.memory_space<vmem>>) target_semaphore(%arg21 : memref<!tpu.dma_semaphore, #tpu.memory_space<semaphore_mem>>)
    %dma_wait3A_61 = arith.constant 0 : i32
    %dma_wait3A_62 = arith.constant 0 : i32
    %dma_wait3A_63 = arith.constant 0 : i32
    %dma_wait3A_64 = tpu.memref_slice %arg3[%add3A, %dma_wait3A_62, %dma_wait3A_63] : memref<32x125x80xi32, #tpu.memory_space<hbm>> -> memref<1x125x80xi32, #tpu.memory_space<hbm>>
    %dma_wait3A_65 = tpu.memref_squeeze %dma_wait3A_64 : memref<1x125x80xi32, #tpu.memory_space<hbm>> -> memref<125x80xi32, #tpu.memory_space<hbm>>
    %dma_wait3A_66 = arith.constant 0 : i32
    %dma_wait3A_67 = tpu.memref_slice %dma_wait3A_65[%dma_wait3A_61, %dma_wait3A_66] : memref<125x80xi32, #tpu.memory_space<hbm>> -> memref<1x80xi32, #tpu.memory_space<hbm>>
    %dma_wait3A_68 = tpu.memref_squeeze %dma_wait3A_67 : memref<1x80xi32, #tpu.memory_space<hbm>> -> memref<80xi32, #tpu.memory_space<hbm>>
    %dma_wait3A_69 = arith.constant 0 : i32
    %dma_wait3A_70 = arith.constant 0 : i32
    %dma_wait3A_71 = tpu.memref_slice %arg3[%add3A, %dma_wait3A_69, %dma_wait3A_70] : memref<32x125x80xi32, #tpu.memory_space<hbm>> -> memref<1x125x80xi32, #tpu.memory_space<hbm>>
    %dma_wait3A_72 = tpu.memref_squeeze %dma_wait3A_71 : memref<1x125x80xi32, #tpu.memory_space<hbm>> -> memref<125x80xi32, #tpu.memory_space<hbm>>
    %dma_wait3A_73 = arith.constant 0 : i32
    %dma_wait3A_74 = tpu.memref_slice %dma_wait3A_72[%dma_wait3A_61, %dma_wait3A_73] : memref<125x80xi32, #tpu.memory_space<hbm>> -> memref<1x80xi32, #tpu.memory_space<hbm>>
    %dma_wait3A_75 = tpu.memref_squeeze %dma_wait3A_74 : memref<1x80xi32, #tpu.memory_space<hbm>> -> memref<80xi32, #tpu.memory_space<hbm>>
    tpu.wait_dma2 semaphore(%arg20 : memref<!tpu.dma_semaphore, #tpu.memory_space<semaphore_mem>>) src(%dma_wait3A_75 : memref<80xi32, #tpu.memory_space<hbm>>) dst(%arg8 : memref<80xi32, #tpu.memory_space<vmem>>)
    %dma_start3A_76 = arith.constant 0 : i32
    %dma_start3A_77 = arith.constant 0 : i32
    %dma_start3A_78 = tpu.memref_slice %arg2[%dma_start3A_76, %dma_start3A_77] : memref<10000x128xf32, #tpu.memory_space<hbm>> -> memref<10000x128xf32, #tpu.memory_space<hbm>>
    tpu.enqueue_indirect_dma source(%dma_start3A_78 : memref<10000x128xf32, #tpu.memory_space<hbm>>) target(%arg11 : memref<80x128xf32, #tpu.memory_space<vmem>>) offsets(%arg8 : memref<80xi32, #tpu.memory_space<vmem>>) semaphore(%arg14 : memref<!tpu.dma_semaphore, #tpu.memory_space<semaphore_mem>>)
    %dma_wait3A_79 = arith.constant 1 : i32
    %dma_wait3A_80 = arith.constant 0 : i32
    %dma_wait3A_81 = arith.constant 0 : i32
    %dma_wait3A_82 = tpu.memref_slice %arg3[%add3A, %dma_wait3A_80, %dma_wait3A_81] : memref<32x125x80xi32, #tpu.memory_space<hbm>> -> memref<1x125x80xi32, #tpu.memory_space<hbm>>
    %dma_wait3A_83 = tpu.memref_squeeze %dma_wait3A_82 : memref<1x125x80xi32, #tpu.memory_space<hbm>> -> memref<125x80xi32, #tpu.memory_space<hbm>>
    %dma_wait3A_84 = arith.constant 0 : i32
    %dma_wait3A_85 = tpu.memref_slice %dma_wait3A_83[%dma_wait3A_79, %dma_wait3A_84] : memref<125x80xi32, #tpu.memory_space<hbm>> -> memref<1x80xi32, #tpu.memory_space<hbm>>
    %dma_wait3A_86 = tpu.memref_squeeze %dma_wait3A_85 : memref<1x80xi32, #tpu.memory_space<hbm>> -> memref<80xi32, #tpu.memory_space<hbm>>
    %dma_wait3A_87 = arith.constant 0 : i32
    %dma_wait3A_88 = arith.constant 0 : i32
    %dma_wait3A_89 = tpu.memref_slice %arg3[%add3A, %dma_wait3A_87, %dma_wait3A_88] : memref<32x125x80xi32, #tpu.memory_space<hbm>> -> memref<1x125x80xi32, #tpu.memory_space<hbm>>
    %dma_wait3A_90 = tpu.memref_squeeze %dma_wait3A_89 : memref<1x125x80xi32, #tpu.memory_space<hbm>> -> memref<125x80xi32, #tpu.memory_space<hbm>>
    %dma_wait3A_91 = arith.constant 0 : i32
    %dma_wait3A_92 = tpu.memref_slice %dma_wait3A_90[%dma_wait3A_79, %dma_wait3A_91] : memref<125x80xi32, #tpu.memory_space<hbm>> -> memref<1x80xi32, #tpu.memory_space<hbm>>
    %dma_wait3A_93 = tpu.memref_squeeze %dma_wait3A_92 : memref<1x80xi32, #tpu.memory_space<hbm>> -> memref<80xi32, #tpu.memory_space<hbm>>
    tpu.wait_dma2 semaphore(%arg21 : memref<!tpu.dma_semaphore, #tpu.memory_space<semaphore_mem>>) src(%dma_wait3A_93 : memref<80xi32, #tpu.memory_space<hbm>>) dst(%arg9 : memref<80xi32, #tpu.memory_space<vmem>>)
    %dma_start3A_94 = arith.constant 0 : i32
    %dma_start3A_95 = arith.constant 0 : i32
    %dma_start3A_96 = tpu.memref_slice %arg2[%dma_start3A_94, %dma_start3A_95] : memref<10000x128xf32, #tpu.memory_space<hbm>> -> memref<10000x128xf32, #tpu.memory_space<hbm>>
    tpu.enqueue_indirect_dma source(%dma_start3A_96 : memref<10000x128xf32, #tpu.memory_space<hbm>>) target(%arg12 : memref<80x128xf32, #tpu.memory_space<vmem>>) offsets(%arg9 : memref<80xi32, #tpu.memory_space<vmem>>) semaphore(%arg15 : memref<!tpu.dma_semaphore, #tpu.memory_space<semaphore_mem>>)
    %scan3A_97 = arith.constant 0 : i32
    %scan3A_98 = arith.constant 41 : i32
    %scan3A_99 = arith.addi %scan3A_97, %scan3A_98 : i32
    %scan3A_100 = arith.constant 1 : i32
    scf.for %scan3A_153 = %scan3A_97 to %scan3A_99 step %scan3A_100  : i32 {
      %mul3A_154 = arith.constant 1 : i32
      %mul3A_155 = arith.muli %scan3A_153, %mul3A_154 : i32
      %add3A_156 = arith.constant 0 : i32
      %add3A_157 = arith.addi %add3A_156, %mul3A_155 : i32
      %mul3A_158 = arith.constant 3 : i32
      %mul3A_159 = arith.muli %mul3A_158, %add3A_157 : i32
      %add3A_160 = arith.constant 0 : i32
      %add3A_161 = arith.addi %mul3A_159, %add3A_160 : i32
      %add3A_162 = arith.constant 2 : i32
      %add3A_163 = arith.addi %add3A_161, %add3A_162 : i32
      %dma_start3A_164 = arith.constant 0 : i32
      %dma_start3A_165 = arith.constant 0 : i32
      %dma_start3A_166 = tpu.memref_slice %arg3[%add3A, %dma_start3A_164, %dma_start3A_165] : memref<32x125x80xi32, #tpu.memory_space<hbm>> -> memref<1x125x80xi32, #tpu.memory_space<hbm>>
      %dma_start3A_167 = tpu.memref_squeeze %dma_start3A_166 : memref<1x125x80xi32, #tpu.memory_space<hbm>> -> memref<125x80xi32, #tpu.memory_space<hbm>>
      %dma_start3A_168 = arith.constant 0 : i32
      %dma_start3A_169 = tpu.memref_slice %dma_start3A_167[%add3A_163, %dma_start3A_168] : memref<125x80xi32, #tpu.memory_space<hbm>> -> memref<1x80xi32, #tpu.memory_space<hbm>>
      %dma_start3A_170 = tpu.memref_squeeze %dma_start3A_169 : memref<1x80xi32, #tpu.memory_space<hbm>> -> memref<80xi32, #tpu.memory_space<hbm>>
      %dma_start3A_171 = arith.constant 0 : i32
      %dma_start3A_172 = arith.constant 0 : i32
      %dma_start3A_173 = tpu.memref_slice %arg3[%add3A, %dma_start3A_171, %dma_start3A_172] : memref<32x125x80xi32, #tpu.memory_space<hbm>> -> memref<1x125x80xi32, #tpu.memory_space<hbm>>
      %dma_start3A_174 = tpu.memref_squeeze %dma_start3A_173 : memref<1x125x80xi32, #tpu.memory_space<hbm>> -> memref<125x80xi32, #tpu.memory_space<hbm>>
      %dma_start3A_175 = arith.constant 0 : i32
      %dma_start3A_176 = tpu.memref_slice %dma_start3A_174[%add3A_163, %dma_start3A_175] : memref<125x80xi32, #tpu.memory_space<hbm>> -> memref<1x80xi32, #tpu.memory_space<hbm>>
      %dma_start3A_177 = tpu.memref_squeeze %dma_start3A_176 : memref<1x80xi32, #tpu.memory_space<hbm>> -> memref<80xi32, #tpu.memory_space<hbm>>
      tpu.enqueue_dma source(%dma_start3A_177 : memref<80xi32, #tpu.memory_space<hbm>>) target(%arg10 : memref<80xi32, #tpu.memory_space<vmem>>) target_semaphore(%arg22 : memref<!tpu.dma_semaphore, #tpu.memory_space<semaphore_mem>>)
      %dma_wait3A_178 = arith.constant 0 : i32
      %dma_wait3A_179 = arith.constant 0 : i32
      %dma_wait3A_180 = tpu.memref_slice %arg2[%dma_wait3A_178, %dma_wait3A_179] : memref<10000x128xf32, #tpu.memory_space<hbm>> -> memref<10000x128xf32, #tpu.memory_space<hbm>>
      tpu.wait_indirect_dma semaphore(%arg14 : memref<!tpu.dma_semaphore, #tpu.memory_space<semaphore_mem>>) src(%dma_wait3A_180 : memref<10000x128xf32, #tpu.memory_space<hbm>>) dst(%arg11 : memref<80x128xf32, #tpu.memory_space<vmem>>)
      %dma_start3A_181 = arith.constant 0 : i32
      %dma_start3A_182 = tpu.memref_slice %arg7[%add3A_161, %dma_start3A_181] : memref<125x80xi32, #tpu.memory_space<vmem>> -> memref<1x80xi32, #tpu.memory_space<vmem>>
      %dma_start3A_183 = tpu.memref_squeeze %dma_start3A_182 : memref<1x80xi32, #tpu.memory_space<vmem>> -> memref<80xi32, #tpu.memory_space<vmem>>
      %dma_start3A_184 = arith.constant 0 : i32
      %dma_start3A_185 = arith.constant 0 : i32
      %dma_start3A_186 = tpu.memref_slice %arg6[%dma_start3A_184, %dma_start3A_185] : memref<10000x128xf32, #tpu.memory_space<vmem_shared>> -> memref<10000x128xf32, #tpu.memory_space<vmem_shared>>
      tpu.enqueue_indirect_dma source(%arg11 : memref<80x128xf32, #tpu.memory_space<vmem>>) target(%dma_start3A_186 : memref<10000x128xf32, #tpu.memory_space<vmem_shared>>) offsets(%dma_start3A_183 : memref<80xi32, #tpu.memory_space<vmem>>) semaphore(%arg17 : memref<!tpu.dma_semaphore, #tpu.memory_space<semaphore_mem>>) {add = true}
      %ge3A = arith.constant 1 : i32
      %ge3A_187 = arith.cmpi sge, %add3A_161, %ge3A : i32
      %convert_element_type3A_188 = arith.extui %ge3A_187 : i1 to i32
      %cond3A_189 = arith.constant 0 : i32
      %cond3A_190 = arith.cmpi ne, %convert_element_type3A_188, %cond3A_189 : i32
      scf.if %cond3A_190 {
        %sub3A_312 = arith.constant 1 : i32
        %sub3A_313 = arith.subi %add3A_161, %sub3A_312 : i32
        %dma_wait3A_314 = arith.constant 0 : i32
        %dma_wait3A_315 = tpu.memref_slice %arg7[%sub3A_313, %dma_wait3A_314] : memref<125x80xi32, #tpu.memory_space<vmem>> -> memref<1x80xi32, #tpu.memory_space<vmem>>
        %dma_wait3A_316 = tpu.memref_squeeze %dma_wait3A_315 : memref<1x80xi32, #tpu.memory_space<vmem>> -> memref<80xi32, #tpu.memory_space<vmem>>
        %dma_wait3A_317 = arith.constant 0 : i32
        %dma_wait3A_318 = arith.constant 0 : i32
        %dma_wait3A_319 = tpu.memref_slice %arg6[%dma_wait3A_317, %dma_wait3A_318] : memref<10000x128xf32, #tpu.memory_space<vmem_shared>> -> memref<10000x128xf32, #tpu.memory_space<vmem_shared>>
        tpu.wait_indirect_dma semaphore(%arg19 : memref<!tpu.dma_semaphore, #tpu.memory_space<semaphore_mem>>) src(%arg13 : memref<80x128xf32, #tpu.memory_space<vmem>>) dst(%dma_wait3A_319 : memref<10000x128xf32, #tpu.memory_space<vmem_shared>>)
      } else {
      }
      %add3A_191 = arith.constant 2 : i32
      %add3A_192 = arith.addi %add3A_161, %add3A_191 : i32
      %dma_wait3A_193 = arith.constant 0 : i32
      %dma_wait3A_194 = arith.constant 0 : i32
      %dma_wait3A_195 = tpu.memref_slice %arg3[%add3A, %dma_wait3A_193, %dma_wait3A_194] : memref<32x125x80xi32, #tpu.memory_space<hbm>> -> memref<1x125x80xi32, #tpu.memory_space<hbm>>
      %dma_wait3A_196 = tpu.memref_squeeze %dma_wait3A_195 : memref<1x125x80xi32, #tpu.memory_space<hbm>> -> memref<125x80xi32, #tpu.memory_space<hbm>>
      %dma_wait3A_197 = arith.constant 0 : i32
      %dma_wait3A_198 = tpu.memref_slice %dma_wait3A_196[%add3A_192, %dma_wait3A_197] : memref<125x80xi32, #tpu.memory_space<hbm>> -> memref<1x80xi32, #tpu.memory_space<hbm>>
      %dma_wait3A_199 = tpu.memref_squeeze %dma_wait3A_198 : memref<1x80xi32, #tpu.memory_space<hbm>> -> memref<80xi32, #tpu.memory_space<hbm>>
      %dma_wait3A_200 = arith.constant 0 : i32
      %dma_wait3A_201 = arith.constant 0 : i32
      %dma_wait3A_202 = tpu.memref_slice %arg3[%add3A, %dma_wait3A_200, %dma_wait3A_201] : memref<32x125x80xi32, #tpu.memory_space<hbm>> -> memref<1x125x80xi32, #tpu.memory_space<hbm>>
      %dma_wait3A_203 = tpu.memref_squeeze %dma_wait3A_202 : memref<1x125x80xi32, #tpu.memory_space<hbm>> -> memref<125x80xi32, #tpu.memory_space<hbm>>
      %dma_wait3A_204 = arith.constant 0 : i32
      %dma_wait3A_205 = tpu.memref_slice %dma_wait3A_203[%add3A_192, %dma_wait3A_204] : memref<125x80xi32, #tpu.memory_space<hbm>> -> memref<1x80xi32, #tpu.memory_space<hbm>>
      %dma_wait3A_206 = tpu.memref_squeeze %dma_wait3A_205 : memref<1x80xi32, #tpu.memory_space<hbm>> -> memref<80xi32, #tpu.memory_space<hbm>>
      tpu.wait_dma2 semaphore(%arg22 : memref<!tpu.dma_semaphore, #tpu.memory_space<semaphore_mem>>) src(%dma_wait3A_206 : memref<80xi32, #tpu.memory_space<hbm>>) dst(%arg10 : memref<80xi32, #tpu.memory_space<vmem>>)
      %dma_start3A_207 = arith.constant 0 : i32
      %dma_start3A_208 = arith.constant 0 : i32
      %dma_start3A_209 = tpu.memref_slice %arg2[%dma_start3A_207, %dma_start3A_208] : memref<10000x128xf32, #tpu.memory_space<hbm>> -> memref<10000x128xf32, #tpu.memory_space<hbm>>
      tpu.enqueue_indirect_dma source(%dma_start3A_209 : memref<10000x128xf32, #tpu.memory_space<hbm>>) target(%arg13 : memref<80x128xf32, #tpu.memory_space<vmem>>) offsets(%arg10 : memref<80xi32, #tpu.memory_space<vmem>>) semaphore(%arg16 : memref<!tpu.dma_semaphore, #tpu.memory_space<semaphore_mem>>)
      %add3A_210 = arith.constant 1 : i32
      %add3A_211 = arith.addi %mul3A_159, %add3A_210 : i32
      %add3A_212 = arith.constant 2 : i32
      %add3A_213 = arith.addi %add3A_211, %add3A_212 : i32
      %dma_start3A_214 = arith.constant 0 : i32
      %dma_start3A_215 = arith.constant 0 : i32
      %dma_start3A_216 = tpu.memref_slice %arg3[%add3A, %dma_start3A_214, %dma_start3A_215] : memref<32x125x80xi32, #tpu.memory_space<hbm>> -> memref<1x125x80xi32, #tpu.memory_space<hbm>>
      %dma_start3A_217 = tpu.memref_squeeze %dma_start3A_216 : memref<1x125x80xi32, #tpu.memory_space<hbm>> -> memref<125x80xi32, #tpu.memory_space<hbm>>
      %dma_start3A_218 = arith.constant 0 : i32
      %dma_start3A_219 = tpu.memref_slice %dma_start3A_217[%add3A_213, %dma_start3A_218] : memref<125x80xi32, #tpu.memory_space<hbm>> -> memref<1x80xi32, #tpu.memory_space<hbm>>
      %dma_start3A_220 = tpu.memref_squeeze %dma_start3A_219 : memref<1x80xi32, #tpu.memory_space<hbm>> -> memref<80xi32, #tpu.memory_space<hbm>>
      %dma_start3A_221 = arith.constant 0 : i32
      %dma_start3A_222 = arith.constant 0 : i32
      %dma_start3A_223 = tpu.memref_slice %arg3[%add3A, %dma_start3A_221, %dma_start3A_222] : memref<32x125x80xi32, #tpu.memory_space<hbm>> -> memref<1x125x80xi32, #tpu.memory_space<hbm>>
      %dma_start3A_224 = tpu.memref_squeeze %dma_start3A_223 : memref<1x125x80xi32, #tpu.memory_space<hbm>> -> memref<125x80xi32, #tpu.memory_space<hbm>>
      %dma_start3A_225 = arith.constant 0 : i32
      %dma_start3A_226 = tpu.memref_slice %dma_start3A_224[%add3A_213, %dma_start3A_225] : memref<125x80xi32, #tpu.memory_space<hbm>> -> memref<1x80xi32, #tpu.memory_space<hbm>>
      %dma_start3A_227 = tpu.memref_squeeze %dma_start3A_226 : memref<1x80xi32, #tpu.memory_space<hbm>> -> memref<80xi32, #tpu.memory_space<hbm>>
      tpu.enqueue_dma source(%dma_start3A_227 : memref<80xi32, #tpu.memory_space<hbm>>) target(%arg8 : memref<80xi32, #tpu.memory_space<vmem>>) target_semaphore(%arg20 : memref<!tpu.dma_semaphore, #tpu.memory_space<semaphore_mem>>)
      %dma_wait3A_228 = arith.constant 0 : i32
      %dma_wait3A_229 = arith.constant 0 : i32
      %dma_wait3A_230 = tpu.memref_slice %arg2[%dma_wait3A_228, %dma_wait3A_229] : memref<10000x128xf32, #tpu.memory_space<hbm>> -> memref<10000x128xf32, #tpu.memory_space<hbm>>
      tpu.wait_indirect_dma semaphore(%arg15 : memref<!tpu.dma_semaphore, #tpu.memory_space<semaphore_mem>>) src(%dma_wait3A_230 : memref<10000x128xf32, #tpu.memory_space<hbm>>) dst(%arg12 : memref<80x128xf32, #tpu.memory_space<vmem>>)
      %dma_start3A_231 = arith.constant 0 : i32
      %dma_start3A_232 = tpu.memref_slice %arg7[%add3A_211, %dma_start3A_231] : memref<125x80xi32, #tpu.memory_space<vmem>> -> memref<1x80xi32, #tpu.memory_space<vmem>>
      %dma_start3A_233 = tpu.memref_squeeze %dma_start3A_232 : memref<1x80xi32, #tpu.memory_space<vmem>> -> memref<80xi32, #tpu.memory_space<vmem>>
      %dma_start3A_234 = arith.constant 0 : i32
      %dma_start3A_235 = arith.constant 0 : i32
      %dma_start3A_236 = tpu.memref_slice %arg6[%dma_start3A_234, %dma_start3A_235] : memref<10000x128xf32, #tpu.memory_space<vmem_shared>> -> memref<10000x128xf32, #tpu.memory_space<vmem_shared>>
      tpu.enqueue_indirect_dma source(%arg12 : memref<80x128xf32, #tpu.memory_space<vmem>>) target(%dma_start3A_236 : memref<10000x128xf32, #tpu.memory_space<vmem_shared>>) offsets(%dma_start3A_233 : memref<80xi32, #tpu.memory_space<vmem>>) semaphore(%arg18 : memref<!tpu.dma_semaphore, #tpu.memory_space<semaphore_mem>>) {add = true}
      %ge3A_237 = arith.constant 1 : i32
      %ge3A_238 = arith.cmpi sge, %add3A_211, %ge3A_237 : i32
      %convert_element_type3A_239 = arith.extui %ge3A_238 : i1 to i32
      %cond3A_240 = arith.constant 0 : i32
      %cond3A_241 = arith.cmpi ne, %convert_element_type3A_239, %cond3A_240 : i32
      scf.if %cond3A_241 {
        %sub3A_312 = arith.constant 1 : i32
        %sub3A_313 = arith.subi %add3A_211, %sub3A_312 : i32
        %dma_wait3A_314 = arith.constant 0 : i32
        %dma_wait3A_315 = tpu.memref_slice %arg7[%sub3A_313, %dma_wait3A_314] : memref<125x80xi32, #tpu.memory_space<vmem>> -> memref<1x80xi32, #tpu.memory_space<vmem>>
        %dma_wait3A_316 = tpu.memref_squeeze %dma_wait3A_315 : memref<1x80xi32, #tpu.memory_space<vmem>> -> memref<80xi32, #tpu.memory_space<vmem>>
        %dma_wait3A_317 = arith.constant 0 : i32
        %dma_wait3A_318 = arith.constant 0 : i32
        %dma_wait3A_319 = tpu.memref_slice %arg6[%dma_wait3A_317, %dma_wait3A_318] : memref<10000x128xf32, #tpu.memory_space<vmem_shared>> -> memref<10000x128xf32, #tpu.memory_space<vmem_shared>>
        tpu.wait_indirect_dma semaphore(%arg17 : memref<!tpu.dma_semaphore, #tpu.memory_space<semaphore_mem>>) src(%arg11 : memref<80x128xf32, #tpu.memory_space<vmem>>) dst(%dma_wait3A_319 : memref<10000x128xf32, #tpu.memory_space<vmem_shared>>)
      } else {
      }
      %add3A_242 = arith.constant 2 : i32
      %add3A_243 = arith.addi %add3A_211, %add3A_242 : i32
      %dma_wait3A_244 = arith.constant 0 : i32
      %dma_wait3A_245 = arith.constant 0 : i32
      %dma_wait3A_246 = tpu.memref_slice %arg3[%add3A, %dma_wait3A_244, %dma_wait3A_245] : memref<32x125x80xi32, #tpu.memory_space<hbm>> -> memref<1x125x80xi32, #tpu.memory_space<hbm>>
      %dma_wait3A_247 = tpu.memref_squeeze %dma_wait3A_246 : memref<1x125x80xi32, #tpu.memory_space<hbm>> -> memref<125x80xi32, #tpu.memory_space<hbm>>
      %dma_wait3A_248 = arith.constant 0 : i32
      %dma_wait3A_249 = tpu.memref_slice %dma_wait3A_247[%add3A_243, %dma_wait3A_248] : memref<125x80xi32, #tpu.memory_space<hbm>> -> memref<1x80xi32, #tpu.memory_space<hbm>>
      %dma_wait3A_250 = tpu.memref_squeeze %dma_wait3A_249 : memref<1x80xi32, #tpu.memory_space<hbm>> -> memref<80xi32, #tpu.memory_space<hbm>>
      %dma_wait3A_251 = arith.constant 0 : i32
      %dma_wait3A_252 = arith.constant 0 : i32
      %dma_wait3A_253 = tpu.memref_slice %arg3[%add3A, %dma_wait3A_251, %dma_wait3A_252] : memref<32x125x80xi32, #tpu.memory_space<hbm>> -> memref<1x125x80xi32, #tpu.memory_space<hbm>>
      %dma_wait3A_254 = tpu.memref_squeeze %dma_wait3A_253 : memref<1x125x80xi32, #tpu.memory_space<hbm>> -> memref<125x80xi32, #tpu.memory_space<hbm>>
      %dma_wait3A_255 = arith.constant 0 : i32
      %dma_wait3A_256 = tpu.memref_slice %dma_wait3A_254[%add3A_243, %dma_wait3A_255] : memref<125x80xi32, #tpu.memory_space<hbm>> -> memref<1x80xi32, #tpu.memory_space<hbm>>
      %dma_wait3A_257 = tpu.memref_squeeze %dma_wait3A_256 : memref<1x80xi32, #tpu.memory_space<hbm>> -> memref<80xi32, #tpu.memory_space<hbm>>
      tpu.wait_dma2 semaphore(%arg20 : memref<!tpu.dma_semaphore, #tpu.memory_space<semaphore_mem>>) src(%dma_wait3A_257 : memref<80xi32, #tpu.memory_space<hbm>>) dst(%arg8 : memref<80xi32, #tpu.memory_space<vmem>>)
      %dma_start3A_258 = arith.constant 0 : i32
      %dma_start3A_259 = arith.constant 0 : i32
      %dma_start3A_260 = tpu.memref_slice %arg2[%dma_start3A_258, %dma_start3A_259] : memref<10000x128xf32, #tpu.memory_space<hbm>> -> memref<10000x128xf32, #tpu.memory_space<hbm>>
      tpu.enqueue_indirect_dma source(%dma_start3A_260 : memref<10000x128xf32, #tpu.memory_space<hbm>>) target(%arg11 : memref<80x128xf32, #tpu.memory_space<vmem>>) offsets(%arg8 : memref<80xi32, #tpu.memory_space<vmem>>) semaphore(%arg14 : memref<!tpu.dma_semaphore, #tpu.memory_space<semaphore_mem>>)
      %add3A_261 = arith.constant 2 : i32
      %add3A_262 = arith.addi %mul3A_159, %add3A_261 : i32
      %add3A_263 = arith.constant 2 : i32
      %add3A_264 = arith.addi %add3A_262, %add3A_263 : i32
      %dma_start3A_265 = arith.constant 0 : i32
      %dma_start3A_266 = arith.constant 0 : i32
      %dma_start3A_267 = tpu.memref_slice %arg3[%add3A, %dma_start3A_265, %dma_start3A_266] : memref<32x125x80xi32, #tpu.memory_space<hbm>> -> memref<1x125x80xi32, #tpu.memory_space<hbm>>
      %dma_start3A_268 = tpu.memref_squeeze %dma_start3A_267 : memref<1x125x80xi32, #tpu.memory_space<hbm>> -> memref<125x80xi32, #tpu.memory_space<hbm>>
      %dma_start3A_269 = arith.constant 0 : i32
      %dma_start3A_270 = tpu.memref_slice %dma_start3A_268[%add3A_264, %dma_start3A_269] : memref<125x80xi32, #tpu.memory_space<hbm>> -> memref<1x80xi32, #tpu.memory_space<hbm>>
      %dma_start3A_271 = tpu.memref_squeeze %dma_start3A_270 : memref<1x80xi32, #tpu.memory_space<hbm>> -> memref<80xi32, #tpu.memory_space<hbm>>
      %dma_start3A_272 = arith.constant 0 : i32
      %dma_start3A_273 = arith.constant 0 : i32
      %dma_start3A_274 = tpu.memref_slice %arg3[%add3A, %dma_start3A_272, %dma_start3A_273] : memref<32x125x80xi32, #tpu.memory_space<hbm>> -> memref<1x125x80xi32, #tpu.memory_space<hbm>>
      %dma_start3A_275 = tpu.memref_squeeze %dma_start3A_274 : memref<1x125x80xi32, #tpu.memory_space<hbm>> -> memref<125x80xi32, #tpu.memory_space<hbm>>
      %dma_start3A_276 = arith.constant 0 : i32
      %dma_start3A_277 = tpu.memref_slice %dma_start3A_275[%add3A_264, %dma_start3A_276] : memref<125x80xi32, #tpu.memory_space<hbm>> -> memref<1x80xi32, #tpu.memory_space<hbm>>
      %dma_start3A_278 = tpu.memref_squeeze %dma_start3A_277 : memref<1x80xi32, #tpu.memory_space<hbm>> -> memref<80xi32, #tpu.memory_space<hbm>>
      tpu.enqueue_dma source(%dma_start3A_278 : memref<80xi32, #tpu.memory_space<hbm>>) target(%arg9 : memref<80xi32, #tpu.memory_space<vmem>>) target_semaphore(%arg21 : memref<!tpu.dma_semaphore, #tpu.memory_space<semaphore_mem>>)
      %dma_wait3A_279 = arith.constant 0 : i32
      %dma_wait3A_280 = arith.constant 0 : i32
      %dma_wait3A_281 = tpu.memref_slice %arg2[%dma_wait3A_279, %dma_wait3A_280] : memref<10000x128xf32, #tpu.memory_space<hbm>> -> memref<10000x128xf32, #tpu.memory_space<hbm>>
      tpu.wait_indirect_dma semaphore(%arg16 : memref<!tpu.dma_semaphore, #tpu.memory_space<semaphore_mem>>) src(%dma_wait3A_281 : memref<10000x128xf32, #tpu.memory_space<hbm>>) dst(%arg13 : memref<80x128xf32, #tpu.memory_space<vmem>>)
      %dma_start3A_282 = arith.constant 0 : i32
      %dma_start3A_283 = tpu.memref_slice %arg7[%add3A_262, %dma_start3A_282] : memref<125x80xi32, #tpu.memory_space<vmem>> -> memref<1x80xi32, #tpu.memory_space<vmem>>
      %dma_start3A_284 = tpu.memref_squeeze %dma_start3A_283 : memref<1x80xi32, #tpu.memory_space<vmem>> -> memref<80xi32, #tpu.memory_space<vmem>>
      %dma_start3A_285 = arith.constant 0 : i32
      %dma_start3A_286 = arith.constant 0 : i32
      %dma_start3A_287 = tpu.memref_slice %arg6[%dma_start3A_285, %dma_start3A_286] : memref<10000x128xf32, #tpu.memory_space<vmem_shared>> -> memref<10000x128xf32, #tpu.memory_space<vmem_shared>>
      tpu.enqueue_indirect_dma source(%arg13 : memref<80x128xf32, #tpu.memory_space<vmem>>) target(%dma_start3A_287 : memref<10000x128xf32, #tpu.memory_space<vmem_shared>>) offsets(%dma_start3A_284 : memref<80xi32, #tpu.memory_space<vmem>>) semaphore(%arg19 : memref<!tpu.dma_semaphore, #tpu.memory_space<semaphore_mem>>) {add = true}
      %ge3A_288 = arith.constant 1 : i32
      %ge3A_289 = arith.cmpi sge, %add3A_262, %ge3A_288 : i32
      %convert_element_type3A_290 = arith.extui %ge3A_289 : i1 to i32
      %cond3A_291 = arith.constant 0 : i32
      %cond3A_292 = arith.cmpi ne, %convert_element_type3A_290, %cond3A_291 : i32
      scf.if %cond3A_292 {
        %sub3A_312 = arith.constant 1 : i32
        %sub3A_313 = arith.subi %add3A_262, %sub3A_312 : i32
        %dma_wait3A_314 = arith.constant 0 : i32
        %dma_wait3A_315 = tpu.memref_slice %arg7[%sub3A_313, %dma_wait3A_314] : memref<125x80xi32, #tpu.memory_space<vmem>> -> memref<1x80xi32, #tpu.memory_space<vmem>>
        %dma_wait3A_316 = tpu.memref_squeeze %dma_wait3A_315 : memref<1x80xi32, #tpu.memory_space<vmem>> -> memref<80xi32, #tpu.memory_space<vmem>>
        %dma_wait3A_317 = arith.constant 0 : i32
        %dma_wait3A_318 = arith.constant 0 : i32
        %dma_wait3A_319 = tpu.memref_slice %arg6[%dma_wait3A_317, %dma_wait3A_318] : memref<10000x128xf32, #tpu.memory_space<vmem_shared>> -> memref<10000x128xf32, #tpu.memory_space<vmem_shared>>
        tpu.wait_indirect_dma semaphore(%arg18 : memref<!tpu.dma_semaphore, #tpu.memory_space<semaphore_mem>>) src(%arg12 : memref<80x128xf32, #tpu.memory_space<vmem>>) dst(%dma_wait3A_319 : memref<10000x128xf32, #tpu.memory_space<vmem_shared>>)
      } else {
      }
      %add3A_293 = arith.constant 2 : i32
      %add3A_294 = arith.addi %add3A_262, %add3A_293 : i32
      %dma_wait3A_295 = arith.constant 0 : i32
      %dma_wait3A_296 = arith.constant 0 : i32
      %dma_wait3A_297 = tpu.memref_slice %arg3[%add3A, %dma_wait3A_295, %dma_wait3A_296] : memref<32x125x80xi32, #tpu.memory_space<hbm>> -> memref<1x125x80xi32, #tpu.memory_space<hbm>>
      %dma_wait3A_298 = tpu.memref_squeeze %dma_wait3A_297 : memref<1x125x80xi32, #tpu.memory_space<hbm>> -> memref<125x80xi32, #tpu.memory_space<hbm>>
      %dma_wait3A_299 = arith.constant 0 : i32
      %dma_wait3A_300 = tpu.memref_slice %dma_wait3A_298[%add3A_294, %dma_wait3A_299] : memref<125x80xi32, #tpu.memory_space<hbm>> -> memref<1x80xi32, #tpu.memory_space<hbm>>
      %dma_wait3A_301 = tpu.memref_squeeze %dma_wait3A_300 : memref<1x80xi32, #tpu.memory_space<hbm>> -> memref<80xi32, #tpu.memory_space<hbm>>
      %dma_wait3A_302 = arith.constant 0 : i32
      %dma_wait3A_303 = arith.constant 0 : i32
      %dma_wait3A_304 = tpu.memref_slice %arg3[%add3A, %dma_wait3A_302, %dma_wait3A_303] : memref<32x125x80xi32, #tpu.memory_space<hbm>> -> memref<1x125x80xi32, #tpu.memory_space<hbm>>
      %dma_wait3A_305 = tpu.memref_squeeze %dma_wait3A_304 : memref<1x125x80xi32, #tpu.memory_space<hbm>> -> memref<125x80xi32, #tpu.memory_space<hbm>>
      %dma_wait3A_306 = arith.constant 0 : i32
      %dma_wait3A_307 = tpu.memref_slice %dma_wait3A_305[%add3A_294, %dma_wait3A_306] : memref<125x80xi32, #tpu.memory_space<hbm>> -> memref<1x80xi32, #tpu.memory_space<hbm>>
      %dma_wait3A_308 = tpu.memref_squeeze %dma_wait3A_307 : memref<1x80xi32, #tpu.memory_space<hbm>> -> memref<80xi32, #tpu.memory_space<hbm>>
      tpu.wait_dma2 semaphore(%arg21 : memref<!tpu.dma_semaphore, #tpu.memory_space<semaphore_mem>>) src(%dma_wait3A_308 : memref<80xi32, #tpu.memory_space<hbm>>) dst(%arg9 : memref<80xi32, #tpu.memory_space<vmem>>)
      %dma_start3A_309 = arith.constant 0 : i32
      %dma_start3A_310 = arith.constant 0 : i32
      %dma_start3A_311 = tpu.memref_slice %arg2[%dma_start3A_309, %dma_start3A_310] : memref<10000x128xf32, #tpu.memory_space<hbm>> -> memref<10000x128xf32, #tpu.memory_space<hbm>>
      tpu.enqueue_indirect_dma source(%dma_start3A_311 : memref<10000x128xf32, #tpu.memory_space<hbm>>) target(%arg12 : memref<80x128xf32, #tpu.memory_space<vmem>>) offsets(%arg9 : memref<80xi32, #tpu.memory_space<vmem>>) semaphore(%arg15 : memref<!tpu.dma_semaphore, #tpu.memory_space<semaphore_mem>>)
    }
    %scan3A_101 = arith.constant 41 : i32
    %dma_wait3A_102 = arith.constant 0 : i32
    %dma_wait3A_103 = arith.constant 0 : i32
    %dma_wait3A_104 = tpu.memref_slice %arg2[%dma_wait3A_102, %dma_wait3A_103] : memref<10000x128xf32, #tpu.memory_space<hbm>> -> memref<10000x128xf32, #tpu.memory_space<hbm>>
    tpu.wait_indirect_dma semaphore(%arg14 : memref<!tpu.dma_semaphore, #tpu.memory_space<semaphore_mem>>) src(%dma_wait3A_104 : memref<10000x128xf32, #tpu.memory_space<hbm>>) dst(%arg11 : memref<80x128xf32, #tpu.memory_space<vmem>>)
    %dma_start3A_105 = arith.constant 123 : i32
    %dma_start3A_106 = arith.constant 0 : i32
    %dma_start3A_107 = tpu.memref_slice %arg7[%dma_start3A_105, %dma_start3A_106] : memref<125x80xi32, #tpu.memory_space<vmem>> -> memref<1x80xi32, #tpu.memory_space<vmem>>
    %dma_start3A_108 = tpu.memref_squeeze %dma_start3A_107 : memref<1x80xi32, #tpu.memory_space<vmem>> -> memref<80xi32, #tpu.memory_space<vmem>>
    %dma_start3A_109 = arith.constant 0 : i32
    %dma_start3A_110 = arith.constant 0 : i32
    %dma_start3A_111 = tpu.memref_slice %arg6[%dma_start3A_109, %dma_start3A_110] : memref<10000x128xf32, #tpu.memory_space<vmem_shared>> -> memref<10000x128xf32, #tpu.memory_space<vmem_shared>>
    tpu.enqueue_indirect_dma source(%arg11 : memref<80x128xf32, #tpu.memory_space<vmem>>) target(%dma_start3A_111 : memref<10000x128xf32, #tpu.memory_space<vmem_shared>>) offsets(%dma_start3A_108 : memref<80xi32, #tpu.memory_space<vmem>>) semaphore(%arg17 : memref<!tpu.dma_semaphore, #tpu.memory_space<semaphore_mem>>) {add = true}
    %dma_wait3A_112 = arith.constant 0 : i32
    %dma_wait3A_113 = arith.constant 0 : i32
    %dma_wait3A_114 = tpu.memref_slice %arg2[%dma_wait3A_112, %dma_wait3A_113] : memref<10000x128xf32, #tpu.memory_space<hbm>> -> memref<10000x128xf32, #tpu.memory_space<hbm>>
    tpu.wait_indirect_dma semaphore(%arg15 : memref<!tpu.dma_semaphore, #tpu.memory_space<semaphore_mem>>) src(%dma_wait3A_114 : memref<10000x128xf32, #tpu.memory_space<hbm>>) dst(%arg12 : memref<80x128xf32, #tpu.memory_space<vmem>>)
    %dma_start3A_115 = arith.constant 124 : i32
    %dma_start3A_116 = arith.constant 0 : i32
    %dma_start3A_117 = tpu.memref_slice %arg7[%dma_start3A_115, %dma_start3A_116] : memref<125x80xi32, #tpu.memory_space<vmem>> -> memref<1x80xi32, #tpu.memory_space<vmem>>
    %dma_start3A_118 = tpu.memref_squeeze %dma_start3A_117 : memref<1x80xi32, #tpu.memory_space<vmem>> -> memref<80xi32, #tpu.memory_space<vmem>>
    %dma_start3A_119 = arith.constant 0 : i32
    %dma_start3A_120 = arith.constant 0 : i32
    %dma_start3A_121 = tpu.memref_slice %arg6[%dma_start3A_119, %dma_start3A_120] : memref<10000x128xf32, #tpu.memory_space<vmem_shared>> -> memref<10000x128xf32, #tpu.memory_space<vmem_shared>>
    tpu.enqueue_indirect_dma source(%arg12 : memref<80x128xf32, #tpu.memory_space<vmem>>) target(%dma_start3A_121 : memref<10000x128xf32, #tpu.memory_space<vmem_shared>>) offsets(%dma_start3A_118 : memref<80xi32, #tpu.memory_space<vmem>>) semaphore(%arg18 : memref<!tpu.dma_semaphore, #tpu.memory_space<semaphore_mem>>) {add = true}
    %dma_wait3A_122 = arith.constant 122 : i32
    %dma_wait3A_123 = arith.constant 0 : i32
    %dma_wait3A_124 = tpu.memref_slice %arg7[%dma_wait3A_122, %dma_wait3A_123] : memref<125x80xi32, #tpu.memory_space<vmem>> -> memref<1x80xi32, #tpu.memory_space<vmem>>
    %dma_wait3A_125 = tpu.memref_squeeze %dma_wait3A_124 : memref<1x80xi32, #tpu.memory_space<vmem>> -> memref<80xi32, #tpu.memory_space<vmem>>
    %dma_wait3A_126 = arith.constant 0 : i32
    %dma_wait3A_127 = arith.constant 0 : i32
    %dma_wait3A_128 = tpu.memref_slice %arg6[%dma_wait3A_126, %dma_wait3A_127] : memref<10000x128xf32, #tpu.memory_space<vmem_shared>> -> memref<10000x128xf32, #tpu.memory_space<vmem_shared>>
    tpu.wait_indirect_dma semaphore(%arg19 : memref<!tpu.dma_semaphore, #tpu.memory_space<semaphore_mem>>) src(%arg13 : memref<80x128xf32, #tpu.memory_space<vmem>>) dst(%dma_wait3A_128 : memref<10000x128xf32, #tpu.memory_space<vmem_shared>>)
    %dma_wait3A_129 = arith.constant 123 : i32
    %dma_wait3A_130 = arith.constant 0 : i32
    %dma_wait3A_131 = tpu.memref_slice %arg7[%dma_wait3A_129, %dma_wait3A_130] : memref<125x80xi32, #tpu.memory_space<vmem>> -> memref<1x80xi32, #tpu.memory_space<vmem>>
    %dma_wait3A_132 = tpu.memref_squeeze %dma_wait3A_131 : memref<1x80xi32, #tpu.memory_space<vmem>> -> memref<80xi32, #tpu.memory_space<vmem>>
    %dma_wait3A_133 = arith.constant 0 : i32
    %dma_wait3A_134 = arith.constant 0 : i32
    %dma_wait3A_135 = tpu.memref_slice %arg6[%dma_wait3A_133, %dma_wait3A_134] : memref<10000x128xf32, #tpu.memory_space<vmem_shared>> -> memref<10000x128xf32, #tpu.memory_space<vmem_shared>>
    tpu.wait_indirect_dma semaphore(%arg17 : memref<!tpu.dma_semaphore, #tpu.memory_space<semaphore_mem>>) src(%arg11 : memref<80x128xf32, #tpu.memory_space<vmem>>) dst(%dma_wait3A_135 : memref<10000x128xf32, #tpu.memory_space<vmem_shared>>)
    %dma_wait3A_136 = arith.constant 124 : i32
    %dma_wait3A_137 = arith.constant 0 : i32
    %dma_wait3A_138 = tpu.memref_slice %arg7[%dma_wait3A_136, %dma_wait3A_137] : memref<125x80xi32, #tpu.memory_space<vmem>> -> memref<1x80xi32, #tpu.memory_space<vmem>>
    %dma_wait3A_139 = tpu.memref_squeeze %dma_wait3A_138 : memref<1x80xi32, #tpu.memory_space<vmem>> -> memref<80xi32, #tpu.memory_space<vmem>>
    %dma_wait3A_140 = arith.constant 0 : i32
    %dma_wait3A_141 = arith.constant 0 : i32
    %dma_wait3A_142 = tpu.memref_slice %arg6[%dma_wait3A_140, %dma_wait3A_141] : memref<10000x128xf32, #tpu.memory_space<vmem_shared>> -> memref<10000x128xf32, #tpu.memory_space<vmem_shared>>
    tpu.wait_indirect_dma semaphore(%arg18 : memref<!tpu.dma_semaphore, #tpu.memory_space<semaphore_mem>>) src(%arg12 : memref<80x128xf32, #tpu.memory_space<vmem>>) dst(%dma_wait3A_142 : memref<10000x128xf32, #tpu.memory_space<vmem_shared>>)
    %barrier3A_143 = arith.constant 0 : index
    tpu.barrier barrier_id(%barrier3A_143)
    %mul3A_144 = arith.constant 624 : i32
    %mul3A_145 = arith.muli %arg1, %mul3A_144 : i32
    %mul3A_146 = arith.constant 624 : i32
    %mul3A_147 = arith.muli %arg1, %mul3A_146 : i32
    "tpu.region"() ({
      %run_scoped3A = tpu.sem_alloc : memref<!tpu.dma_semaphore, #tpu.memory_space<semaphore_mem>>
      %dma_start3A_153 = arith.constant 0 : i32
      %dma_start3A_154 = arith.constant 0 : i32
      %dma_start3A_155 = tpu.memref_slice %arg5[%arg0, %dma_start3A_153, %dma_start3A_154] : memref<2x10000x128xf32, #tpu.memory_space<hbm>> -> memref<1x10000x128xf32, #tpu.memory_space<hbm>>
      %dma_start3A_156 = tpu.memref_squeeze %dma_start3A_155 : memref<1x10000x128xf32, #tpu.memory_space<hbm>> -> memref<10000x128xf32, #tpu.memory_space<hbm>>
      %dma_start3A_157 = arith.constant 0 : i32
      %dma_start3A_158 = tpu.memref_slice %dma_start3A_156[%mul3A_147, %dma_start3A_157] : memref<10000x128xf32, #tpu.memory_space<hbm>> -> memref<624x128xf32, #tpu.memory_space<hbm>>
      %dma_start3A_159 = arith.constant 0 : i32
      %dma_start3A_160 = tpu.memref_slice %arg6[%mul3A_145, %dma_start3A_159] : memref<10000x128xf32, #tpu.memory_space<vmem_shared>> -> memref<624x128xf32, #tpu.memory_space<vmem_shared>>
      tpu.enqueue_dma source(%dma_start3A_160 : memref<624x128xf32, #tpu.memory_space<vmem_shared>>) target(%dma_start3A_158 : memref<624x128xf32, #tpu.memory_space<hbm>>) target_semaphore(%run_scoped3A : memref<!tpu.dma_semaphore, #tpu.memory_space<semaphore_mem>>)
      %dma_wait3A_161 = arith.constant 0 : i32
      %dma_wait3A_162 = arith.constant 0 : i32
      %dma_wait3A_163 = tpu.memref_slice %arg5[%arg0, %dma_wait3A_161, %dma_wait3A_162] : memref<2x10000x128xf32, #tpu.memory_space<hbm>> -> memref<1x10000x128xf32, #tpu.memory_space<hbm>>
      %dma_wait3A_164 = tpu.memref_squeeze %dma_wait3A_163 : memref<1x10000x128xf32, #tpu.memory_space<hbm>> -> memref<10000x128xf32, #tpu.memory_space<hbm>>
      %dma_wait3A_165 = arith.constant 0 : i32
      %dma_wait3A_166 = tpu.memref_slice %dma_wait3A_164[%mul3A_147, %dma_wait3A_165] : memref<10000x128xf32, #tpu.memory_space<hbm>> -> memref<624x128xf32, #tpu.memory_space<hbm>>
      %dma_wait3A_167 = arith.constant 0 : i32
      %dma_wait3A_168 = tpu.memref_slice %arg6[%mul3A_145, %dma_wait3A_167] : memref<10000x128xf32, #tpu.memory_space<vmem_shared>> -> memref<624x128xf32, #tpu.memory_space<vmem_shared>>
      tpu.wait_dma2 semaphore(%run_scoped3A : memref<!tpu.dma_semaphore, #tpu.memory_space<semaphore_mem>>) src(%dma_wait3A_168 : memref<624x128xf32, #tpu.memory_space<vmem_shared>>) dst(%dma_wait3A_166 : memref<624x128xf32, #tpu.memory_space<hbm>>)
      tpu.yield
    }) : () -> ()
    %eq3A_148 = arith.constant 15 : i32
    %eq3A_149 = arith.cmpi eq, %arg1, %eq3A_148 : i32
    %convert_element_type3A_150 = arith.extui %eq3A_149 : i1 to i32
    %cond3A_151 = arith.constant 0 : i32
    %cond3A_152 = arith.cmpi ne, %convert_element_type3A_150, %cond3A_151 : i32
    scf.if %cond3A_152 {
      "tpu.region"() ({
        %run_scoped3A = tpu.sem_alloc : memref<!tpu.dma_semaphore, #tpu.memory_space<semaphore_mem>>
        %dma_start3A_153 = arith.constant 0 : i32
        %dma_start3A_154 = arith.constant 0 : i32
        %dma_start3A_155 = tpu.memref_slice %arg5[%arg0, %dma_start3A_153, %dma_start3A_154] : memref<2x10000x128xf32, #tpu.memory_space<hbm>> -> memref<1x10000x128xf32, #tpu.memory_space<hbm>>
        %dma_start3A_156 = tpu.memref_squeeze %dma_start3A_155 : memref<1x10000x128xf32, #tpu.memory_space<hbm>> -> memref<10000x128xf32, #tpu.memory_space<hbm>>
        %dma_start3A_157 = arith.constant 9984 : i32
        %dma_start3A_158 = arith.constant 0 : i32
        %dma_start3A_159 = tpu.memref_slice %dma_start3A_156[%dma_start3A_157, %dma_start3A_158] : memref<10000x128xf32, #tpu.memory_space<hbm>> -> memref<16x128xf32, #tpu.memory_space<hbm>>
        %dma_start3A_160 = arith.constant 9984 : i32
        %dma_start3A_161 = arith.constant 0 : i32
        %dma_start3A_162 = tpu.memref_slice %arg6[%dma_start3A_160, %dma_start3A_161] : memref<10000x128xf32, #tpu.memory_space<vmem_shared>> -> memref<16x128xf32, #tpu.memory_space<vmem_shared>>
        tpu.enqueue_dma source(%dma_start3A_162 : memref<16x128xf32, #tpu.memory_space<vmem_shared>>) target(%dma_start3A_159 : memref<16x128xf32, #tpu.memory_space<hbm>>) target_semaphore(%run_scoped3A : memref<!tpu.dma_semaphore, #tpu.memory_space<semaphore_mem>>)
        %dma_wait3A_163 = arith.constant 0 : i32
        %dma_wait3A_164 = arith.constant 0 : i32
        %dma_wait3A_165 = tpu.memref_slice %arg5[%arg0, %dma_wait3A_163, %dma_wait3A_164] : memref<2x10000x128xf32, #tpu.memory_space<hbm>> -> memref<1x10000x128xf32, #tpu.memory_space<hbm>>
        %dma_wait3A_166 = tpu.memref_squeeze %dma_wait3A_165 : memref<1x10000x128xf32, #tpu.memory_space<hbm>> -> memref<10000x128xf32, #tpu.memory_space<hbm>>
        %dma_wait3A_167 = arith.constant 9984 : i32
        %dma_wait3A_168 = arith.constant 0 : i32
        %dma_wait3A_169 = tpu.memref_slice %dma_wait3A_166[%dma_wait3A_167, %dma_wait3A_168] : memref<10000x128xf32, #tpu.memory_space<hbm>> -> memref<16x128xf32, #tpu.memory_space<hbm>>
        %dma_wait3A_170 = arith.constant 9984 : i32
        %dma_wait3A_171 = arith.constant 0 : i32
        %dma_wait3A_172 = tpu.memref_slice %arg6[%dma_wait3A_170, %dma_wait3A_171] : memref<10000x128xf32, #tpu.memory_space<vmem_shared>> -> memref<16x128xf32, #tpu.memory_space<vmem_shared>>
        tpu.wait_dma2 semaphore(%run_scoped3A : memref<!tpu.dma_semaphore, #tpu.memory_space<semaphore_mem>>) src(%dma_wait3A_172 : memref<16x128xf32, #tpu.memory_space<vmem_shared>>) dst(%dma_wait3A_169 : memref<16x128xf32, #tpu.memory_space<hbm>>)
        tpu.yield
      }) : () -> ()
    } else {
    }
    return
  }
}

#map = affine_map<(d0, d1) -> (0, 0)>
#map1 = affine_map<(d0, d1) -> (0, 0, 0)>
module attributes {stable_mosaic.version = 14 : i64} {
  func.func @_agg_body(%arg0: i32, %arg1: i32, %arg2: memref<10000x128xf32, #tpu.memory_space<hbm>>, %arg3: memref<32x125x80xi32, #tpu.memory_space<hbm>>, %arg4: memref<32x125x80xi32, #tpu.memory_space<hbm>>, %arg5: memref<2x10000x128xf32, #tpu.memory_space<hbm>>, %arg6: memref<10000x128xf32, #tpu.memory_space<vmem_shared>>, %arg7: memref<125x80xi32, #tpu.memory_space<vmem>>, %arg8: memref<80xi32, #tpu.memory_space<vmem>>, %arg9: memref<80xi32, #tpu.memory_space<vmem>>, %arg10: memref<80xi32, #tpu.memory_space<vmem>>, %arg11: memref<80x128xf32, #tpu.memory_space<vmem>>, %arg12: memref<80x128xf32, #tpu.memory_space<vmem>>, %arg13: memref<80x128xf32, #tpu.memory_space<vmem>>, %arg14: memref<!tpu.dma_semaphore, #tpu.memory_space<semaphore_mem>>, %arg15: memref<!tpu.dma_semaphore, #tpu.memory_space<semaphore_mem>>, %arg16: memref<!tpu.dma_semaphore, #tpu.memory_space<semaphore_mem>>, %arg17: memref<!tpu.dma_semaphore, #tpu.memory_space<semaphore_mem>>, %arg18: memref<!tpu.dma_semaphore, #tpu.memory_space<semaphore_mem>>, %arg19: memref<!tpu.dma_semaphore, #tpu.memory_space<semaphore_mem>>, %arg20: memref<!tpu.dma_semaphore, #tpu.memory_space<semaphore_mem>>, %arg21: memref<!tpu.dma_semaphore, #tpu.memory_space<semaphore_mem>>, %arg22: memref<!tpu.dma_semaphore, #tpu.memory_space<semaphore_mem>>) attributes {dimension_semantics = [#tpu.dimension_semantics<core_parallel>, #tpu.dimension_semantics<subcore_parallel>], iteration_bounds = array<i64: 2, 16>, scalar_prefetch = 0 : i64, scratch_operands = 17 : i64, tpu.core_type = #tpu.core_type<sc_vector_subcore>, window_params = [{transform_indices = #map}, {transform_indices = #map1}, {transform_indices = #map1}, {transform_indices = #map1}]} {
    %mul3A = arith.constant 16 : i32
    %mul3A_0 = arith.muli %arg0, %mul3A : i32
    %add3A = arith.addi %mul3A_0, %arg1 : i32
    %dma_start3A = arith.constant 0 : i32
    %dma_start3A_1 = arith.constant 0 : i32
    %dma_start3A_2 = tpu.memref_slice %arg4[%add3A, %dma_start3A, %dma_start3A_1] : memref<32x125x80xi32, #tpu.memory_space<hbm>> -> memref<1x125x80xi32, #tpu.memory_space<hbm>>
    %dma_start3A_3 = tpu.memref_squeeze %dma_start3A_2 : memref<1x125x80xi32, #tpu.memory_space<hbm>> -> memref<125x80xi32, #tpu.memory_space<hbm>>
    %dma_start3A_4 = arith.constant 0 : i32
    %dma_start3A_5 = arith.constant 0 : i32
    %dma_start3A_6 = tpu.memref_slice %arg4[%add3A, %dma_start3A_4, %dma_start3A_5] : memref<32x125x80xi32, #tpu.memory_space<hbm>> -> memref<1x125x80xi32, #tpu.memory_space<hbm>>
    %dma_start3A_7 = tpu.memref_squeeze %dma_start3A_6 : memref<1x125x80xi32, #tpu.memory_space<hbm>> -> memref<125x80xi32, #tpu.memory_space<hbm>>
    tpu.enqueue_dma source(%dma_start3A_7 : memref<125x80xi32, #tpu.memory_space<hbm>>) target(%arg7 : memref<125x80xi32, #tpu.memory_space<vmem>>) target_semaphore(%arg14 : memref<!tpu.dma_semaphore, #tpu.memory_space<semaphore_mem>>)
    %scan3A = arith.constant 0 : i32
    %scan3A_8 = arith.constant 80 : i32
    %scan3A_9 = arith.addi %scan3A, %scan3A_8 : i32
    %scan3A_10 = arith.constant 1 : i32
    scf.for %scan3A_153 = %scan3A to %scan3A_9 step %scan3A_10  : i32 {
      %mul3A_154 = arith.constant 1 : i32
      %mul3A_155 = arith.muli %scan3A_153, %mul3A_154 : i32
      %add3A_156 = arith.constant 0 : i32
      %add3A_157 = arith.addi %add3A_156, %mul3A_155 : i32
      %broadcast_in_dim3A = arith.constant 0.000000e+00 : f32
      %broadcast_in_dim3A_158 = vector.broadcast %broadcast_in_dim3A : f32 to vector<16xf32>
      %swap3A = arith.index_cast %add3A_157 : i32 to index
      %swap3A_159 = arith.constant 0 : index
      %swap3A_160 = tpu.vector_load %arg11[%swap3A, %swap3A_159] {strides = array<i32>} : memref<80x128xf32, #tpu.memory_space<vmem>>, vector<1x16xf32>,
      %swap3A_161 = vector.shape_cast %swap3A_160 : vector<1x16xf32> to vector<16xf32>
      %swap3A_162 = vector.shape_cast %broadcast_in_dim3A_158 : vector<16xf32> to vector<1x16xf32>
      tpu.vector_store %arg11[%swap3A, %swap3A_159], %swap3A_162 {strides = array<i32>} : memref<80x128xf32, #tpu.memory_space<vmem>>, vector<1x16xf32>,
      %broadcast_in_dim3A_163 = arith.constant 0.000000e+00 : f32
      %broadcast_in_dim3A_164 = vector.broadcast %broadcast_in_dim3A_163 : f32 to vector<16xf32>
      %swap3A_165 = arith.index_cast %add3A_157 : i32 to index
      %swap3A_166 = arith.constant 16 : index
      %swap3A_167 = tpu.vector_load %arg11[%swap3A_165, %swap3A_166] {strides = array<i32>} : memref<80x128xf32, #tpu.memory_space<vmem>>, vector<1x16xf32>,
      %swap3A_168 = vector.shape_cast %swap3A_167 : vector<1x16xf32> to vector<16xf32>
      %swap3A_169 = vector.shape_cast %broadcast_in_dim3A_164 : vector<16xf32> to vector<1x16xf32>
      tpu.vector_store %arg11[%swap3A_165, %swap3A_166], %swap3A_169 {strides = array<i32>} : memref<80x128xf32, #tpu.memory_space<vmem>>, vector<1x16xf32>,
      %broadcast_in_dim3A_170 = arith.constant 0.000000e+00 : f32
      %broadcast_in_dim3A_171 = vector.broadcast %broadcast_in_dim3A_170 : f32 to vector<16xf32>
      %swap3A_172 = arith.index_cast %add3A_157 : i32 to index
      %swap3A_173 = arith.constant 32 : index
      %swap3A_174 = tpu.vector_load %arg11[%swap3A_172, %swap3A_173] {strides = array<i32>} : memref<80x128xf32, #tpu.memory_space<vmem>>, vector<1x16xf32>,
      %swap3A_175 = vector.shape_cast %swap3A_174 : vector<1x16xf32> to vector<16xf32>
      %swap3A_176 = vector.shape_cast %broadcast_in_dim3A_171 : vector<16xf32> to vector<1x16xf32>
      tpu.vector_store %arg11[%swap3A_172, %swap3A_173], %swap3A_176 {strides = array<i32>} : memref<80x128xf32, #tpu.memory_space<vmem>>, vector<1x16xf32>,
      %broadcast_in_dim3A_177 = arith.constant 0.000000e+00 : f32
      %broadcast_in_dim3A_178 = vector.broadcast %broadcast_in_dim3A_177 : f32 to vector<16xf32>
      %swap3A_179 = arith.index_cast %add3A_157 : i32 to index
      %swap3A_180 = arith.constant 48 : index
      %swap3A_181 = tpu.vector_load %arg11[%swap3A_179, %swap3A_180] {strides = array<i32>} : memref<80x128xf32, #tpu.memory_space<vmem>>, vector<1x16xf32>,
      %swap3A_182 = vector.shape_cast %swap3A_181 : vector<1x16xf32> to vector<16xf32>
      %swap3A_183 = vector.shape_cast %broadcast_in_dim3A_178 : vector<16xf32> to vector<1x16xf32>
      tpu.vector_store %arg11[%swap3A_179, %swap3A_180], %swap3A_183 {strides = array<i32>} : memref<80x128xf32, #tpu.memory_space<vmem>>, vector<1x16xf32>,
      %broadcast_in_dim3A_184 = arith.constant 0.000000e+00 : f32
      %broadcast_in_dim3A_185 = vector.broadcast %broadcast_in_dim3A_184 : f32 to vector<16xf32>
      %swap3A_186 = arith.index_cast %add3A_157 : i32 to index
      %swap3A_187 = arith.constant 64 : index
      %swap3A_188 = tpu.vector_load %arg11[%swap3A_186, %swap3A_187] {strides = array<i32>} : memref<80x128xf32, #tpu.memory_space<vmem>>, vector<1x16xf32>,
      %swap3A_189 = vector.shape_cast %swap3A_188 : vector<1x16xf32> to vector<16xf32>
      %swap3A_190 = vector.shape_cast %broadcast_in_dim3A_185 : vector<16xf32> to vector<1x16xf32>
      tpu.vector_store %arg11[%swap3A_186, %swap3A_187], %swap3A_190 {strides = array<i32>} : memref<80x128xf32, #tpu.memory_space<vmem>>, vector<1x16xf32>,
      %broadcast_in_dim3A_191 = arith.constant 0.000000e+00 : f32
      %broadcast_in_dim3A_192 = vector.broadcast %broadcast_in_dim3A_191 : f32 to vector<16xf32>
      %swap3A_193 = arith.index_cast %add3A_157 : i32 to index
      %swap3A_194 = arith.constant 80 : index
      %swap3A_195 = tpu.vector_load %arg11[%swap3A_193, %swap3A_194] {strides = array<i32>} : memref<80x128xf32, #tpu.memory_space<vmem>>, vector<1x16xf32>,
      %swap3A_196 = vector.shape_cast %swap3A_195 : vector<1x16xf32> to vector<16xf32>
      %swap3A_197 = vector.shape_cast %broadcast_in_dim3A_192 : vector<16xf32> to vector<1x16xf32>
      tpu.vector_store %arg11[%swap3A_193, %swap3A_194], %swap3A_197 {strides = array<i32>} : memref<80x128xf32, #tpu.memory_space<vmem>>, vector<1x16xf32>,
      %broadcast_in_dim3A_198 = arith.constant 0.000000e+00 : f32
      %broadcast_in_dim3A_199 = vector.broadcast %broadcast_in_dim3A_198 : f32 to vector<16xf32>
      %swap3A_200 = arith.index_cast %add3A_157 : i32 to index
      %swap3A_201 = arith.constant 96 : index
      %swap3A_202 = tpu.vector_load %arg11[%swap3A_200, %swap3A_201] {strides = array<i32>} : memref<80x128xf32, #tpu.memory_space<vmem>>, vector<1x16xf32>,
      %swap3A_203 = vector.shape_cast %swap3A_202 : vector<1x16xf32> to vector<16xf32>
      %swap3A_204 = vector.shape_cast %broadcast_in_dim3A_199 : vector<16xf32> to vector<1x16xf32>
      tpu.vector_store %arg11[%swap3A_200, %swap3A_201], %swap3A_204 {strides = array<i32>} : memref<80x128xf32, #tpu.memory_space<vmem>>, vector<1x16xf32>,
      %broadcast_in_dim3A_205 = arith.constant 0.000000e+00 : f32
      %broadcast_in_dim3A_206 = vector.broadcast %broadcast_in_dim3A_205 : f32 to vector<16xf32>
      %swap3A_207 = arith.index_cast %add3A_157 : i32 to index
      %swap3A_208 = arith.constant 112 : index
      %swap3A_209 = tpu.vector_load %arg11[%swap3A_207, %swap3A_208] {strides = array<i32>} : memref<80x128xf32, #tpu.memory_space<vmem>>, vector<1x16xf32>,
      %swap3A_210 = vector.shape_cast %swap3A_209 : vector<1x16xf32> to vector<16xf32>
      %swap3A_211 = vector.shape_cast %broadcast_in_dim3A_206 : vector<16xf32> to vector<1x16xf32>
      tpu.vector_store %arg11[%swap3A_207, %swap3A_208], %swap3A_211 {strides = array<i32>} : memref<80x128xf32, #tpu.memory_space<vmem>>, vector<1x16xf32>,
    }
    %scan3A_11 = arith.constant 80 : i32
    %scan3A_12 = arith.constant 0 : i32
    %scan3A_13 = arith.constant 7 : i32
    %scan3A_14 = arith.addi %scan3A_12, %scan3A_13 : i32
    %scan3A_15 = arith.constant 1 : i32
    scf.for %scan3A_153 = %scan3A_12 to %scan3A_14 step %scan3A_15  : i32 {
      %mul3A_154 = arith.constant 1 : i32
      %mul3A_155 = arith.muli %scan3A_153, %mul3A_154 : i32
      %add3A_156 = arith.constant 0 : i32
      %add3A_157 = arith.addi %add3A_156, %mul3A_155 : i32
      %mul3A_158 = arith.constant 624 : i32
      %mul3A_159 = arith.muli %arg1, %mul3A_158 : i32
      %mul3A_160 = arith.constant 80 : i32
      %mul3A_161 = arith.muli %add3A_157, %mul3A_160 : i32
      %add3A_162 = arith.addi %mul3A_159, %mul3A_161 : i32
      "tpu.region"() ({
        %run_scoped3A = tpu.sem_alloc : memref<!tpu.dma_semaphore, #tpu.memory_space<semaphore_mem>>
        %dma_start3A_163 = arith.constant 0 : i32
        %dma_start3A_164 = tpu.memref_slice %arg6[%add3A_162, %dma_start3A_163] : memref<10000x128xf32, #tpu.memory_space<vmem_shared>> -> memref<80x128xf32, #tpu.memory_space<vmem_shared>>
        %dma_start3A_165 = arith.constant 0 : i32
        %dma_start3A_166 = tpu.memref_slice %arg6[%add3A_162, %dma_start3A_165] : memref<10000x128xf32, #tpu.memory_space<vmem_shared>> -> memref<80x128xf32, #tpu.memory_space<vmem_shared>>
        tpu.enqueue_dma source(%arg11 : memref<80x128xf32, #tpu.memory_space<vmem>>) target(%dma_start3A_166 : memref<80x128xf32, #tpu.memory_space<vmem_shared>>) target_semaphore(%run_scoped3A : memref<!tpu.dma_semaphore, #tpu.memory_space<semaphore_mem>>)
        %dma_wait3A_167 = arith.constant 0 : i32
        %dma_wait3A_168 = tpu.memref_slice %arg6[%add3A_162, %dma_wait3A_167] : memref<10000x128xf32, #tpu.memory_space<vmem_shared>> -> memref<80x128xf32, #tpu.memory_space<vmem_shared>>
        %dma_wait3A_169 = arith.constant 0 : i32
        %dma_wait3A_170 = tpu.memref_slice %arg6[%add3A_162, %dma_wait3A_169] : memref<10000x128xf32, #tpu.memory_space<vmem_shared>> -> memref<80x128xf32, #tpu.memory_space<vmem_shared>>
        tpu.wait_dma2 semaphore(%run_scoped3A : memref<!tpu.dma_semaphore, #tpu.memory_space<semaphore_mem>>) src(%arg11 : memref<80x128xf32, #tpu.memory_space<vmem>>) dst(%dma_wait3A_170 : memref<80x128xf32, #tpu.memory_space<vmem_shared>>)
        tpu.yield
      }) : () -> ()
    }
    %scan3A_16 = arith.constant 7 : i32
    %mul3A_17 = arith.constant 624 : i32
    %mul3A_18 = arith.muli %arg1, %mul3A_17 : i32
    %add3A_19 = arith.constant 624 : i32
    %add3A_20 = arith.addi %mul3A_18, %add3A_19 : i32
    %sub3A = arith.constant 64 : i32
    %sub3A_21 = arith.subi %add3A_20, %sub3A : i32
    "tpu.region"() ({
      %run_scoped3A = tpu.sem_alloc : memref<!tpu.dma_semaphore, #tpu.memory_space<semaphore_mem>>
      %dma_start3A_153 = arith.constant 0 : i32
      %dma_start3A_154 = arith.constant 0 : i32
      %dma_start3A_155 = tpu.memref_slice %arg11[%dma_start3A_153, %dma_start3A_154] : memref<80x128xf32, #tpu.memory_space<vmem>> -> memref<64x128xf32, #tpu.memory_space<vmem>>
      %dma_start3A_156 = arith.constant 0 : i32
      %dma_start3A_157 = tpu.memref_slice %arg6[%sub3A_21, %dma_start3A_156] : memref<10000x128xf32, #tpu.memory_space<vmem_shared>> -> memref<64x128xf32, #tpu.memory_space<vmem_shared>>
      %dma_start3A_158 = arith.constant 0 : i32
      %dma_start3A_159 = tpu.memref_slice %arg6[%sub3A_21, %dma_start3A_158] : memref<10000x128xf32, #tpu.memory_space<vmem_shared>> -> memref<64x128xf32, #tpu.memory_space<vmem_shared>>
      %dma_start3A_160 = arith.constant 0 : i32
      %dma_start3A_161 = arith.constant 0 : i32
      %dma_start3A_162 = tpu.memref_slice %arg11[%dma_start3A_160, %dma_start3A_161] : memref<80x128xf32, #tpu.memory_space<vmem>> -> memref<64x128xf32, #tpu.memory_space<vmem>>
      tpu.enqueue_dma source(%dma_start3A_162 : memref<64x128xf32, #tpu.memory_space<vmem>>) target(%dma_start3A_159 : memref<64x128xf32, #tpu.memory_space<vmem_shared>>) target_semaphore(%run_scoped3A : memref<!tpu.dma_semaphore, #tpu.memory_space<semaphore_mem>>)
      %dma_wait3A_163 = arith.constant 0 : i32
      %dma_wait3A_164 = arith.constant 0 : i32
      %dma_wait3A_165 = tpu.memref_slice %arg11[%dma_wait3A_163, %dma_wait3A_164] : memref<80x128xf32, #tpu.memory_space<vmem>> -> memref<64x128xf32, #tpu.memory_space<vmem>>
      %dma_wait3A_166 = arith.constant 0 : i32
      %dma_wait3A_167 = tpu.memref_slice %arg6[%sub3A_21, %dma_wait3A_166] : memref<10000x128xf32, #tpu.memory_space<vmem_shared>> -> memref<64x128xf32, #tpu.memory_space<vmem_shared>>
      %dma_wait3A_168 = arith.constant 0 : i32
      %dma_wait3A_169 = tpu.memref_slice %arg6[%sub3A_21, %dma_wait3A_168] : memref<10000x128xf32, #tpu.memory_space<vmem_shared>> -> memref<64x128xf32, #tpu.memory_space<vmem_shared>>
      %dma_wait3A_170 = arith.constant 0 : i32
      %dma_wait3A_171 = arith.constant 0 : i32
      %dma_wait3A_172 = tpu.memref_slice %arg11[%dma_wait3A_170, %dma_wait3A_171] : memref<80x128xf32, #tpu.memory_space<vmem>> -> memref<64x128xf32, #tpu.memory_space<vmem>>
      tpu.wait_dma2 semaphore(%run_scoped3A : memref<!tpu.dma_semaphore, #tpu.memory_space<semaphore_mem>>) src(%dma_wait3A_172 : memref<64x128xf32, #tpu.memory_space<vmem>>) dst(%dma_wait3A_169 : memref<64x128xf32, #tpu.memory_space<vmem_shared>>)
      tpu.yield
    }) : () -> ()
    %eq3A = arith.constant 15 : i32
    %eq3A_22 = arith.cmpi eq, %arg1, %eq3A : i32
    %convert_element_type3A = arith.extui %eq3A_22 : i1 to i32
    %cond3A = arith.constant 0 : i32
    %cond3A_23 = arith.cmpi ne, %convert_element_type3A, %cond3A : i32
    scf.if %cond3A_23 {
      "tpu.region"() ({
        %run_scoped3A = tpu.sem_alloc : memref<!tpu.dma_semaphore, #tpu.memory_space<semaphore_mem>>
        %dma_start3A_153 = arith.constant 0 : i32
        %dma_start3A_154 = arith.constant 0 : i32
        %dma_start3A_155 = tpu.memref_slice %arg11[%dma_start3A_153, %dma_start3A_154] : memref<80x128xf32, #tpu.memory_space<vmem>> -> memref<16x128xf32, #tpu.memory_space<vmem>>
        %dma_start3A_156 = arith.constant 9984 : i32
        %dma_start3A_157 = arith.constant 0 : i32
        %dma_start3A_158 = tpu.memref_slice %arg6[%dma_start3A_156, %dma_start3A_157] : memref<10000x128xf32, #tpu.memory_space<vmem_shared>> -> memref<16x128xf32, #tpu.memory_space<vmem_shared>>
        %dma_start3A_159 = arith.constant 9984 : i32
        %dma_start3A_160 = arith.constant 0 : i32
        %dma_start3A_161 = tpu.memref_slice %arg6[%dma_start3A_159, %dma_start3A_160] : memref<10000x128xf32, #tpu.memory_space<vmem_shared>> -> memref<16x128xf32, #tpu.memory_space<vmem_shared>>
        %dma_start3A_162 = arith.constant 0 : i32
        %dma_start3A_163 = arith.constant 0 : i32
        %dma_start3A_164 = tpu.memref_slice %arg11[%dma_start3A_162, %dma_start3A_163] : memref<80x128xf32, #tpu.memory_space<vmem>> -> memref<16x128xf32, #tpu.memory_space<vmem>>
        tpu.enqueue_dma source(%dma_start3A_164 : memref<16x128xf32, #tpu.memory_space<vmem>>) target(%dma_start3A_161 : memref<16x128xf32, #tpu.memory_space<vmem_shared>>) target_semaphore(%run_scoped3A : memref<!tpu.dma_semaphore, #tpu.memory_space<semaphore_mem>>)
        %dma_wait3A_165 = arith.constant 0 : i32
        %dma_wait3A_166 = arith.constant 0 : i32
        %dma_wait3A_167 = tpu.memref_slice %arg11[%dma_wait3A_165, %dma_wait3A_166] : memref<80x128xf32, #tpu.memory_space<vmem>> -> memref<16x128xf32, #tpu.memory_space<vmem>>
        %dma_wait3A_168 = arith.constant 9984 : i32
        %dma_wait3A_169 = arith.constant 0 : i32
        %dma_wait3A_170 = tpu.memref_slice %arg6[%dma_wait3A_168, %dma_wait3A_169] : memref<10000x128xf32, #tpu.memory_space<vmem_shared>> -> memref<16x128xf32, #tpu.memory_space<vmem_shared>>
        %dma_wait3A_171 = arith.constant 9984 : i32
        %dma_wait3A_172 = arith.constant 0 : i32
        %dma_wait3A_173 = tpu.memref_slice %arg6[%dma_wait3A_171, %dma_wait3A_172] : memref<10000x128xf32, #tpu.memory_space<vmem_shared>> -> memref<16x128xf32, #tpu.memory_space<vmem_shared>>
        %dma_wait3A_174 = arith.constant 0 : i32
        %dma_wait3A_175 = arith.constant 0 : i32
        %dma_wait3A_176 = tpu.memref_slice %arg11[%dma_wait3A_174, %dma_wait3A_175] : memref<80x128xf32, #tpu.memory_space<vmem>> -> memref<16x128xf32, #tpu.memory_space<vmem>>
        tpu.wait_dma2 semaphore(%run_scoped3A : memref<!tpu.dma_semaphore, #tpu.memory_space<semaphore_mem>>) src(%dma_wait3A_176 : memref<16x128xf32, #tpu.memory_space<vmem>>) dst(%dma_wait3A_173 : memref<16x128xf32, #tpu.memory_space<vmem_shared>>)
        tpu.yield
      }) : () -> ()
    } else {
    }
    %dma_wait3A = arith.constant 0 : i32
    %dma_wait3A_24 = arith.constant 0 : i32
    %dma_wait3A_25 = tpu.memref_slice %arg4[%add3A, %dma_wait3A, %dma_wait3A_24] : memref<32x125x80xi32, #tpu.memory_space<hbm>> -> memref<1x125x80xi32, #tpu.memory_space<hbm>>
    %dma_wait3A_26 = tpu.memref_squeeze %dma_wait3A_25 : memref<1x125x80xi32, #tpu.memory_space<hbm>> -> memref<125x80xi32, #tpu.memory_space<hbm>>
    %dma_wait3A_27 = arith.constant 0 : i32
    %dma_wait3A_28 = arith.constant 0 : i32
    %dma_wait3A_29 = tpu.memref_slice %arg4[%add3A, %dma_wait3A_27, %dma_wait3A_28] : memref<32x125x80xi32, #tpu.memory_space<hbm>> -> memref<1x125x80xi32, #tpu.memory_space<hbm>>
    %dma_wait3A_30 = tpu.memref_squeeze %dma_wait3A_29 : memref<1x125x80xi32, #tpu.memory_space<hbm>> -> memref<125x80xi32, #tpu.memory_space<hbm>>
    tpu.wait_dma2 semaphore(%arg14 : memref<!tpu.dma_semaphore, #tpu.memory_space<semaphore_mem>>) src(%dma_wait3A_30 : memref<125x80xi32, #tpu.memory_space<hbm>>) dst(%arg7 : memref<125x80xi32, #tpu.memory_space<vmem>>)
    %barrier3A = arith.constant 0 : index
    tpu.barrier barrier_id(%barrier3A)
    %dma_start3A_31 = arith.constant 0 : i32
    %dma_start3A_32 = arith.constant 0 : i32
    %dma_start3A_33 = arith.constant 0 : i32
    %dma_start3A_34 = tpu.memref_slice %arg3[%add3A, %dma_start3A_32, %dma_start3A_33] : memref<32x125x80xi32, #tpu.memory_space<hbm>> -> memref<1x125x80xi32, #tpu.memory_space<hbm>>
    %dma_start3A_35 = tpu.memref_squeeze %dma_start3A_34 : memref<1x125x80xi32, #tpu.memory_space<hbm>> -> memref<125x80xi32, #tpu.memory_space<hbm>>
    %dma_start3A_36 = arith.constant 0 : i32
    %dma_start3A_37 = tpu.memref_slice %dma_start3A_35[%dma_start3A_31, %dma_start3A_36] : memref<125x80xi32, #tpu.memory_space<hbm>> -> memref<1x80xi32, #tpu.memory_space<hbm>>
    %dma_start3A_38 = tpu.memref_squeeze %dma_start3A_37 : memref<1x80xi32, #tpu.memory_space<hbm>> -> memref<80xi32, #tpu.memory_space<hbm>>
    %dma_start3A_39 = arith.constant 0 : i32
    %dma_start3A_40 = arith.constant 0 : i32
    %dma_start3A_41 = tpu.memref_slice %arg3[%add3A, %dma_start3A_39, %dma_start3A_40] : memref<32x125x80xi32, #tpu.memory_space<hbm>> -> memref<1x125x80xi32, #tpu.memory_space<hbm>>
    %dma_start3A_42 = tpu.memref_squeeze %dma_start3A_41 : memref<1x125x80xi32, #tpu.memory_space<hbm>> -> memref<125x80xi32, #tpu.memory_space<hbm>>
    %dma_start3A_43 = arith.constant 0 : i32
    %dma_start3A_44 = tpu.memref_slice %dma_start3A_42[%dma_start3A_31, %dma_start3A_43] : memref<125x80xi32, #tpu.memory_space<hbm>> -> memref<1x80xi32, #tpu.memory_space<hbm>>
    %dma_start3A_45 = tpu.memref_squeeze %dma_start3A_44 : memref<1x80xi32, #tpu.memory_space<hbm>> -> memref<80xi32, #tpu.memory_space<hbm>>
    tpu.enqueue_dma source(%dma_start3A_45 : memref<80xi32, #tpu.memory_space<hbm>>) target(%arg8 : memref<80xi32, #tpu.memory_space<vmem>>) target_semaphore(%arg20 : memref<!tpu.dma_semaphore, #tpu.memory_space<semaphore_mem>>)
    %dma_start3A_46 = arith.constant 1 : i32
    %dma_start3A_47 = arith.constant 0 : i32
    %dma_start3A_48 = arith.constant 0 : i32
    %dma_start3A_49 = tpu.memref_slice %arg3[%add3A, %dma_start3A_47, %dma_start3A_48] : memref<32x125x80xi32, #tpu.memory_space<hbm>> -> memref<1x125x80xi32, #tpu.memory_space<hbm>>
    %dma_start3A_50 = tpu.memref_squeeze %dma_start3A_49 : memref<1x125x80xi32, #tpu.memory_space<hbm>> -> memref<125x80xi32, #tpu.memory_space<hbm>>
    %dma_start3A_51 = arith.constant 0 : i32
    %dma_start3A_52 = tpu.memref_slice %dma_start3A_50[%dma_start3A_46, %dma_start3A_51] : memref<125x80xi32, #tpu.memory_space<hbm>> -> memref<1x80xi32, #tpu.memory_space<hbm>>
    %dma_start3A_53 = tpu.memref_squeeze %dma_start3A_52 : memref<1x80xi32, #tpu.memory_space<hbm>> -> memref<80xi32, #tpu.memory_space<hbm>>
    %dma_start3A_54 = arith.constant 0 : i32
    %dma_start3A_55 = arith.constant 0 : i32
    %dma_start3A_56 = tpu.memref_slice %arg3[%add3A, %dma_start3A_54, %dma_start3A_55] : memref<32x125x80xi32, #tpu.memory_space<hbm>> -> memref<1x125x80xi32, #tpu.memory_space<hbm>>
    %dma_start3A_57 = tpu.memref_squeeze %dma_start3A_56 : memref<1x125x80xi32, #tpu.memory_space<hbm>> -> memref<125x80xi32, #tpu.memory_space<hbm>>
    %dma_start3A_58 = arith.constant 0 : i32
    %dma_start3A_59 = tpu.memref_slice %dma_start3A_57[%dma_start3A_46, %dma_start3A_58] : memref<125x80xi32, #tpu.memory_space<hbm>> -> memref<1x80xi32, #tpu.memory_space<hbm>>
    %dma_start3A_60 = tpu.memref_squeeze %dma_start3A_59 : memref<1x80xi32, #tpu.memory_space<hbm>> -> memref<80xi32, #tpu.memory_space<hbm>>
    tpu.enqueue_dma source(%dma_start3A_60 : memref<80xi32, #tpu.memory_space<hbm>>) target(%arg9 : memref<80xi32, #tpu.memory_space<vmem>>) target_semaphore(%arg21 : memref<!tpu.dma_semaphore, #tpu.memory_space<semaphore_mem>>)
    %dma_wait3A_61 = arith.constant 0 : i32
    %dma_wait3A_62 = arith.constant 0 : i32
    %dma_wait3A_63 = arith.constant 0 : i32
    %dma_wait3A_64 = tpu.memref_slice %arg3[%add3A, %dma_wait3A_62, %dma_wait3A_63] : memref<32x125x80xi32, #tpu.memory_space<hbm>> -> memref<1x125x80xi32, #tpu.memory_space<hbm>>
    %dma_wait3A_65 = tpu.memref_squeeze %dma_wait3A_64 : memref<1x125x80xi32, #tpu.memory_space<hbm>> -> memref<125x80xi32, #tpu.memory_space<hbm>>
    %dma_wait3A_66 = arith.constant 0 : i32
    %dma_wait3A_67 = tpu.memref_slice %dma_wait3A_65[%dma_wait3A_61, %dma_wait3A_66] : memref<125x80xi32, #tpu.memory_space<hbm>> -> memref<1x80xi32, #tpu.memory_space<hbm>>
    %dma_wait3A_68 = tpu.memref_squeeze %dma_wait3A_67 : memref<1x80xi32, #tpu.memory_space<hbm>> -> memref<80xi32, #tpu.memory_space<hbm>>
    %dma_wait3A_69 = arith.constant 0 : i32
    %dma_wait3A_70 = arith.constant 0 : i32
    %dma_wait3A_71 = tpu.memref_slice %arg3[%add3A, %dma_wait3A_69, %dma_wait3A_70] : memref<32x125x80xi32, #tpu.memory_space<hbm>> -> memref<1x125x80xi32, #tpu.memory_space<hbm>>
    %dma_wait3A_72 = tpu.memref_squeeze %dma_wait3A_71 : memref<1x125x80xi32, #tpu.memory_space<hbm>> -> memref<125x80xi32, #tpu.memory_space<hbm>>
    %dma_wait3A_73 = arith.constant 0 : i32
    %dma_wait3A_74 = tpu.memref_slice %dma_wait3A_72[%dma_wait3A_61, %dma_wait3A_73] : memref<125x80xi32, #tpu.memory_space<hbm>> -> memref<1x80xi32, #tpu.memory_space<hbm>>
    %dma_wait3A_75 = tpu.memref_squeeze %dma_wait3A_74 : memref<1x80xi32, #tpu.memory_space<hbm>> -> memref<80xi32, #tpu.memory_space<hbm>>
    tpu.wait_dma2 semaphore(%arg20 : memref<!tpu.dma_semaphore, #tpu.memory_space<semaphore_mem>>) src(%dma_wait3A_75 : memref<80xi32, #tpu.memory_space<hbm>>) dst(%arg8 : memref<80xi32, #tpu.memory_space<vmem>>)
    %dma_start3A_76 = arith.constant 0 : i32
    %dma_start3A_77 = arith.constant 0 : i32
    %dma_start3A_78 = tpu.memref_slice %arg2[%dma_start3A_76, %dma_start3A_77] : memref<10000x128xf32, #tpu.memory_space<hbm>> -> memref<10000x128xf32, #tpu.memory_space<hbm>>
    tpu.enqueue_indirect_dma source(%dma_start3A_78 : memref<10000x128xf32, #tpu.memory_space<hbm>>) target(%arg11 : memref<80x128xf32, #tpu.memory_space<vmem>>) offsets(%arg8 : memref<80xi32, #tpu.memory_space<vmem>>) semaphore(%arg14 : memref<!tpu.dma_semaphore, #tpu.memory_space<semaphore_mem>>)
    %dma_wait3A_79 = arith.constant 1 : i32
    %dma_wait3A_80 = arith.constant 0 : i32
    %dma_wait3A_81 = arith.constant 0 : i32
    %dma_wait3A_82 = tpu.memref_slice %arg3[%add3A, %dma_wait3A_80, %dma_wait3A_81] : memref<32x125x80xi32, #tpu.memory_space<hbm>> -> memref<1x125x80xi32, #tpu.memory_space<hbm>>
    %dma_wait3A_83 = tpu.memref_squeeze %dma_wait3A_82 : memref<1x125x80xi32, #tpu.memory_space<hbm>> -> memref<125x80xi32, #tpu.memory_space<hbm>>
    %dma_wait3A_84 = arith.constant 0 : i32
    %dma_wait3A_85 = tpu.memref_slice %dma_wait3A_83[%dma_wait3A_79, %dma_wait3A_84] : memref<125x80xi32, #tpu.memory_space<hbm>> -> memref<1x80xi32, #tpu.memory_space<hbm>>
    %dma_wait3A_86 = tpu.memref_squeeze %dma_wait3A_85 : memref<1x80xi32, #tpu.memory_space<hbm>> -> memref<80xi32, #tpu.memory_space<hbm>>
    %dma_wait3A_87 = arith.constant 0 : i32
    %dma_wait3A_88 = arith.constant 0 : i32
    %dma_wait3A_89 = tpu.memref_slice %arg3[%add3A, %dma_wait3A_87, %dma_wait3A_88] : memref<32x125x80xi32, #tpu.memory_space<hbm>> -> memref<1x125x80xi32, #tpu.memory_space<hbm>>
    %dma_wait3A_90 = tpu.memref_squeeze %dma_wait3A_89 : memref<1x125x80xi32, #tpu.memory_space<hbm>> -> memref<125x80xi32, #tpu.memory_space<hbm>>
    %dma_wait3A_91 = arith.constant 0 : i32
    %dma_wait3A_92 = tpu.memref_slice %dma_wait3A_90[%dma_wait3A_79, %dma_wait3A_91] : memref<125x80xi32, #tpu.memory_space<hbm>> -> memref<1x80xi32, #tpu.memory_space<hbm>>
    %dma_wait3A_93 = tpu.memref_squeeze %dma_wait3A_92 : memref<1x80xi32, #tpu.memory_space<hbm>> -> memref<80xi32, #tpu.memory_space<hbm>>
    tpu.wait_dma2 semaphore(%arg21 : memref<!tpu.dma_semaphore, #tpu.memory_space<semaphore_mem>>) src(%dma_wait3A_93 : memref<80xi32, #tpu.memory_space<hbm>>) dst(%arg9 : memref<80xi32, #tpu.memory_space<vmem>>)
    %dma_start3A_94 = arith.constant 0 : i32
    %dma_start3A_95 = arith.constant 0 : i32
    %dma_start3A_96 = tpu.memref_slice %arg2[%dma_start3A_94, %dma_start3A_95] : memref<10000x128xf32, #tpu.memory_space<hbm>> -> memref<10000x128xf32, #tpu.memory_space<hbm>>
    tpu.enqueue_indirect_dma source(%dma_start3A_96 : memref<10000x128xf32, #tpu.memory_space<hbm>>) target(%arg12 : memref<80x128xf32, #tpu.memory_space<vmem>>) offsets(%arg9 : memref<80xi32, #tpu.memory_space<vmem>>) semaphore(%arg15 : memref<!tpu.dma_semaphore, #tpu.memory_space<semaphore_mem>>)
    %scan3A_97 = arith.constant 0 : i32
    %scan3A_98 = arith.constant 41 : i32
    %scan3A_99 = arith.addi %scan3A_97, %scan3A_98 : i32
    %scan3A_100 = arith.constant 1 : i32
    scf.for %scan3A_153 = %scan3A_97 to %scan3A_99 step %scan3A_100  : i32 {
      %mul3A_154 = arith.constant 1 : i32
      %mul3A_155 = arith.muli %scan3A_153, %mul3A_154 : i32
      %add3A_156 = arith.constant 0 : i32
      %add3A_157 = arith.addi %add3A_156, %mul3A_155 : i32
      %mul3A_158 = arith.constant 3 : i32
      %mul3A_159 = arith.muli %mul3A_158, %add3A_157 : i32
      %add3A_160 = arith.constant 0 : i32
      %add3A_161 = arith.addi %mul3A_159, %add3A_160 : i32
      %add3A_162 = arith.constant 2 : i32
      %add3A_163 = arith.addi %add3A_161, %add3A_162 : i32
      %dma_start3A_164 = arith.constant 0 : i32
      %dma_start3A_165 = arith.constant 0 : i32
      %dma_start3A_166 = tpu.memref_slice %arg3[%add3A, %dma_start3A_164, %dma_start3A_165] : memref<32x125x80xi32, #tpu.memory_space<hbm>> -> memref<1x125x80xi32, #tpu.memory_space<hbm>>
      %dma_start3A_167 = tpu.memref_squeeze %dma_start3A_166 : memref<1x125x80xi32, #tpu.memory_space<hbm>> -> memref<125x80xi32, #tpu.memory_space<hbm>>
      %dma_start3A_168 = arith.constant 0 : i32
      %dma_start3A_169 = tpu.memref_slice %dma_start3A_167[%add3A_163, %dma_start3A_168] : memref<125x80xi32, #tpu.memory_space<hbm>> -> memref<1x80xi32, #tpu.memory_space<hbm>>
      %dma_start3A_170 = tpu.memref_squeeze %dma_start3A_169 : memref<1x80xi32, #tpu.memory_space<hbm>> -> memref<80xi32, #tpu.memory_space<hbm>>
      %dma_start3A_171 = arith.constant 0 : i32
      %dma_start3A_172 = arith.constant 0 : i32
      %dma_start3A_173 = tpu.memref_slice %arg3[%add3A, %dma_start3A_171, %dma_start3A_172] : memref<32x125x80xi32, #tpu.memory_space<hbm>> -> memref<1x125x80xi32, #tpu.memory_space<hbm>>
      %dma_start3A_174 = tpu.memref_squeeze %dma_start3A_173 : memref<1x125x80xi32, #tpu.memory_space<hbm>> -> memref<125x80xi32, #tpu.memory_space<hbm>>
      %dma_start3A_175 = arith.constant 0 : i32
      %dma_start3A_176 = tpu.memref_slice %dma_start3A_174[%add3A_163, %dma_start3A_175] : memref<125x80xi32, #tpu.memory_space<hbm>> -> memref<1x80xi32, #tpu.memory_space<hbm>>
      %dma_start3A_177 = tpu.memref_squeeze %dma_start3A_176 : memref<1x80xi32, #tpu.memory_space<hbm>> -> memref<80xi32, #tpu.memory_space<hbm>>
      tpu.enqueue_dma source(%dma_start3A_177 : memref<80xi32, #tpu.memory_space<hbm>>) target(%arg10 : memref<80xi32, #tpu.memory_space<vmem>>) target_semaphore(%arg22 : memref<!tpu.dma_semaphore, #tpu.memory_space<semaphore_mem>>)
      %dma_wait3A_178 = arith.constant 0 : i32
      %dma_wait3A_179 = arith.constant 0 : i32
      %dma_wait3A_180 = tpu.memref_slice %arg2[%dma_wait3A_178, %dma_wait3A_179] : memref<10000x128xf32, #tpu.memory_space<hbm>> -> memref<10000x128xf32, #tpu.memory_space<hbm>>
      tpu.wait_indirect_dma semaphore(%arg14 : memref<!tpu.dma_semaphore, #tpu.memory_space<semaphore_mem>>) src(%dma_wait3A_180 : memref<10000x128xf32, #tpu.memory_space<hbm>>) dst(%arg11 : memref<80x128xf32, #tpu.memory_space<vmem>>)
      %dma_start3A_181 = arith.constant 0 : i32
      %dma_start3A_182 = tpu.memref_slice %arg7[%add3A_161, %dma_start3A_181] : memref<125x80xi32, #tpu.memory_space<vmem>> -> memref<1x80xi32, #tpu.memory_space<vmem>>
      %dma_start3A_183 = tpu.memref_squeeze %dma_start3A_182 : memref<1x80xi32, #tpu.memory_space<vmem>> -> memref<80xi32, #tpu.memory_space<vmem>>
      %dma_start3A_184 = arith.constant 0 : i32
      %dma_start3A_185 = arith.constant 0 : i32
      %dma_start3A_186 = tpu.memref_slice %arg6[%dma_start3A_184, %dma_start3A_185] : memref<10000x128xf32, #tpu.memory_space<vmem_shared>> -> memref<10000x128xf32, #tpu.memory_space<vmem_shared>>
      tpu.enqueue_indirect_dma source(%arg11 : memref<80x128xf32, #tpu.memory_space<vmem>>) target(%dma_start3A_186 : memref<10000x128xf32, #tpu.memory_space<vmem_shared>>) offsets(%dma_start3A_183 : memref<80xi32, #tpu.memory_space<vmem>>) semaphore(%arg17 : memref<!tpu.dma_semaphore, #tpu.memory_space<semaphore_mem>>) {add = true}
      %ge3A = arith.constant 1 : i32
      %ge3A_187 = arith.cmpi sge, %add3A_161, %ge3A : i32
      %convert_element_type3A_188 = arith.extui %ge3A_187 : i1 to i32
      %cond3A_189 = arith.constant 0 : i32
      %cond3A_190 = arith.cmpi ne, %convert_element_type3A_188, %cond3A_189 : i32
      scf.if %cond3A_190 {
        %sub3A_312 = arith.constant 1 : i32
        %sub3A_313 = arith.subi %add3A_161, %sub3A_312 : i32
        %dma_wait3A_314 = arith.constant 0 : i32
        %dma_wait3A_315 = tpu.memref_slice %arg7[%sub3A_313, %dma_wait3A_314] : memref<125x80xi32, #tpu.memory_space<vmem>> -> memref<1x80xi32, #tpu.memory_space<vmem>>
        %dma_wait3A_316 = tpu.memref_squeeze %dma_wait3A_315 : memref<1x80xi32, #tpu.memory_space<vmem>> -> memref<80xi32, #tpu.memory_space<vmem>>
        %dma_wait3A_317 = arith.constant 0 : i32
        %dma_wait3A_318 = arith.constant 0 : i32
        %dma_wait3A_319 = tpu.memref_slice %arg6[%dma_wait3A_317, %dma_wait3A_318] : memref<10000x128xf32, #tpu.memory_space<vmem_shared>> -> memref<10000x128xf32, #tpu.memory_space<vmem_shared>>
        tpu.wait_indirect_dma semaphore(%arg19 : memref<!tpu.dma_semaphore, #tpu.memory_space<semaphore_mem>>) src(%arg13 : memref<80x128xf32, #tpu.memory_space<vmem>>) dst(%dma_wait3A_319 : memref<10000x128xf32, #tpu.memory_space<vmem_shared>>)
      } else {
      }
      %add3A_191 = arith.constant 2 : i32
      %add3A_192 = arith.addi %add3A_161, %add3A_191 : i32
      %dma_wait3A_193 = arith.constant 0 : i32
      %dma_wait3A_194 = arith.constant 0 : i32
      %dma_wait3A_195 = tpu.memref_slice %arg3[%add3A, %dma_wait3A_193, %dma_wait3A_194] : memref<32x125x80xi32, #tpu.memory_space<hbm>> -> memref<1x125x80xi32, #tpu.memory_space<hbm>>
      %dma_wait3A_196 = tpu.memref_squeeze %dma_wait3A_195 : memref<1x125x80xi32, #tpu.memory_space<hbm>> -> memref<125x80xi32, #tpu.memory_space<hbm>>
      %dma_wait3A_197 = arith.constant 0 : i32
      %dma_wait3A_198 = tpu.memref_slice %dma_wait3A_196[%add3A_192, %dma_wait3A_197] : memref<125x80xi32, #tpu.memory_space<hbm>> -> memref<1x80xi32, #tpu.memory_space<hbm>>
      %dma_wait3A_199 = tpu.memref_squeeze %dma_wait3A_198 : memref<1x80xi32, #tpu.memory_space<hbm>> -> memref<80xi32, #tpu.memory_space<hbm>>
      %dma_wait3A_200 = arith.constant 0 : i32
      %dma_wait3A_201 = arith.constant 0 : i32
      %dma_wait3A_202 = tpu.memref_slice %arg3[%add3A, %dma_wait3A_200, %dma_wait3A_201] : memref<32x125x80xi32, #tpu.memory_space<hbm>> -> memref<1x125x80xi32, #tpu.memory_space<hbm>>
      %dma_wait3A_203 = tpu.memref_squeeze %dma_wait3A_202 : memref<1x125x80xi32, #tpu.memory_space<hbm>> -> memref<125x80xi32, #tpu.memory_space<hbm>>
      %dma_wait3A_204 = arith.constant 0 : i32
      %dma_wait3A_205 = tpu.memref_slice %dma_wait3A_203[%add3A_192, %dma_wait3A_204] : memref<125x80xi32, #tpu.memory_space<hbm>> -> memref<1x80xi32, #tpu.memory_space<hbm>>
      %dma_wait3A_206 = tpu.memref_squeeze %dma_wait3A_205 : memref<1x80xi32, #tpu.memory_space<hbm>> -> memref<80xi32, #tpu.memory_space<hbm>>
      tpu.wait_dma2 semaphore(%arg22 : memref<!tpu.dma_semaphore, #tpu.memory_space<semaphore_mem>>) src(%dma_wait3A_206 : memref<80xi32, #tpu.memory_space<hbm>>) dst(%arg10 : memref<80xi32, #tpu.memory_space<vmem>>)
      %dma_start3A_207 = arith.constant 0 : i32
      %dma_start3A_208 = arith.constant 0 : i32
      %dma_start3A_209 = tpu.memref_slice %arg2[%dma_start3A_207, %dma_start3A_208] : memref<10000x128xf32, #tpu.memory_space<hbm>> -> memref<10000x128xf32, #tpu.memory_space<hbm>>
      tpu.enqueue_indirect_dma source(%dma_start3A_209 : memref<10000x128xf32, #tpu.memory_space<hbm>>) target(%arg13 : memref<80x128xf32, #tpu.memory_space<vmem>>) offsets(%arg10 : memref<80xi32, #tpu.memory_space<vmem>>) semaphore(%arg16 : memref<!tpu.dma_semaphore, #tpu.memory_space<semaphore_mem>>)
      %add3A_210 = arith.constant 1 : i32
      %add3A_211 = arith.addi %mul3A_159, %add3A_210 : i32
      %add3A_212 = arith.constant 2 : i32
      %add3A_213 = arith.addi %add3A_211, %add3A_212 : i32
      %dma_start3A_214 = arith.constant 0 : i32
      %dma_start3A_215 = arith.constant 0 : i32
      %dma_start3A_216 = tpu.memref_slice %arg3[%add3A, %dma_start3A_214, %dma_start3A_215] : memref<32x125x80xi32, #tpu.memory_space<hbm>> -> memref<1x125x80xi32, #tpu.memory_space<hbm>>
      %dma_start3A_217 = tpu.memref_squeeze %dma_start3A_216 : memref<1x125x80xi32, #tpu.memory_space<hbm>> -> memref<125x80xi32, #tpu.memory_space<hbm>>
      %dma_start3A_218 = arith.constant 0 : i32
      %dma_start3A_219 = tpu.memref_slice %dma_start3A_217[%add3A_213, %dma_start3A_218] : memref<125x80xi32, #tpu.memory_space<hbm>> -> memref<1x80xi32, #tpu.memory_space<hbm>>
      %dma_start3A_220 = tpu.memref_squeeze %dma_start3A_219 : memref<1x80xi32, #tpu.memory_space<hbm>> -> memref<80xi32, #tpu.memory_space<hbm>>
      %dma_start3A_221 = arith.constant 0 : i32
      %dma_start3A_222 = arith.constant 0 : i32
      %dma_start3A_223 = tpu.memref_slice %arg3[%add3A, %dma_start3A_221, %dma_start3A_222] : memref<32x125x80xi32, #tpu.memory_space<hbm>> -> memref<1x125x80xi32, #tpu.memory_space<hbm>>
      %dma_start3A_224 = tpu.memref_squeeze %dma_start3A_223 : memref<1x125x80xi32, #tpu.memory_space<hbm>> -> memref<125x80xi32, #tpu.memory_space<hbm>>
      %dma_start3A_225 = arith.constant 0 : i32
      %dma_start3A_226 = tpu.memref_slice %dma_start3A_224[%add3A_213, %dma_start3A_225] : memref<125x80xi32, #tpu.memory_space<hbm>> -> memref<1x80xi32, #tpu.memory_space<hbm>>
      %dma_start3A_227 = tpu.memref_squeeze %dma_start3A_226 : memref<1x80xi32, #tpu.memory_space<hbm>> -> memref<80xi32, #tpu.memory_space<hbm>>
      tpu.enqueue_dma source(%dma_start3A_227 : memref<80xi32, #tpu.memory_space<hbm>>) target(%arg8 : memref<80xi32, #tpu.memory_space<vmem>>) target_semaphore(%arg20 : memref<!tpu.dma_semaphore, #tpu.memory_space<semaphore_mem>>)
      %dma_wait3A_228 = arith.constant 0 : i32
      %dma_wait3A_229 = arith.constant 0 : i32
      %dma_wait3A_230 = tpu.memref_slice %arg2[%dma_wait3A_228, %dma_wait3A_229] : memref<10000x128xf32, #tpu.memory_space<hbm>> -> memref<10000x128xf32, #tpu.memory_space<hbm>>
      tpu.wait_indirect_dma semaphore(%arg15 : memref<!tpu.dma_semaphore, #tpu.memory_space<semaphore_mem>>) src(%dma_wait3A_230 : memref<10000x128xf32, #tpu.memory_space<hbm>>) dst(%arg12 : memref<80x128xf32, #tpu.memory_space<vmem>>)
      %dma_start3A_231 = arith.constant 0 : i32
      %dma_start3A_232 = tpu.memref_slice %arg7[%add3A_211, %dma_start3A_231] : memref<125x80xi32, #tpu.memory_space<vmem>> -> memref<1x80xi32, #tpu.memory_space<vmem>>
      %dma_start3A_233 = tpu.memref_squeeze %dma_start3A_232 : memref<1x80xi32, #tpu.memory_space<vmem>> -> memref<80xi32, #tpu.memory_space<vmem>>
      %dma_start3A_234 = arith.constant 0 : i32
      %dma_start3A_235 = arith.constant 0 : i32
      %dma_start3A_236 = tpu.memref_slice %arg6[%dma_start3A_234, %dma_start3A_235] : memref<10000x128xf32, #tpu.memory_space<vmem_shared>> -> memref<10000x128xf32, #tpu.memory_space<vmem_shared>>
      tpu.enqueue_indirect_dma source(%arg12 : memref<80x128xf32, #tpu.memory_space<vmem>>) target(%dma_start3A_236 : memref<10000x128xf32, #tpu.memory_space<vmem_shared>>) offsets(%dma_start3A_233 : memref<80xi32, #tpu.memory_space<vmem>>) semaphore(%arg18 : memref<!tpu.dma_semaphore, #tpu.memory_space<semaphore_mem>>) {add = true}
      %ge3A_237 = arith.constant 1 : i32
      %ge3A_238 = arith.cmpi sge, %add3A_211, %ge3A_237 : i32
      %convert_element_type3A_239 = arith.extui %ge3A_238 : i1 to i32
      %cond3A_240 = arith.constant 0 : i32
      %cond3A_241 = arith.cmpi ne, %convert_element_type3A_239, %cond3A_240 : i32
      scf.if %cond3A_241 {
        %sub3A_312 = arith.constant 1 : i32
        %sub3A_313 = arith.subi %add3A_211, %sub3A_312 : i32
        %dma_wait3A_314 = arith.constant 0 : i32
        %dma_wait3A_315 = tpu.memref_slice %arg7[%sub3A_313, %dma_wait3A_314] : memref<125x80xi32, #tpu.memory_space<vmem>> -> memref<1x80xi32, #tpu.memory_space<vmem>>
        %dma_wait3A_316 = tpu.memref_squeeze %dma_wait3A_315 : memref<1x80xi32, #tpu.memory_space<vmem>> -> memref<80xi32, #tpu.memory_space<vmem>>
        %dma_wait3A_317 = arith.constant 0 : i32
        %dma_wait3A_318 = arith.constant 0 : i32
        %dma_wait3A_319 = tpu.memref_slice %arg6[%dma_wait3A_317, %dma_wait3A_318] : memref<10000x128xf32, #tpu.memory_space<vmem_shared>> -> memref<10000x128xf32, #tpu.memory_space<vmem_shared>>
        tpu.wait_indirect_dma semaphore(%arg17 : memref<!tpu.dma_semaphore, #tpu.memory_space<semaphore_mem>>) src(%arg11 : memref<80x128xf32, #tpu.memory_space<vmem>>) dst(%dma_wait3A_319 : memref<10000x128xf32, #tpu.memory_space<vmem_shared>>)
      } else {
      }
      %add3A_242 = arith.constant 2 : i32
      %add3A_243 = arith.addi %add3A_211, %add3A_242 : i32
      %dma_wait3A_244 = arith.constant 0 : i32
      %dma_wait3A_245 = arith.constant 0 : i32
      %dma_wait3A_246 = tpu.memref_slice %arg3[%add3A, %dma_wait3A_244, %dma_wait3A_245] : memref<32x125x80xi32, #tpu.memory_space<hbm>> -> memref<1x125x80xi32, #tpu.memory_space<hbm>>
      %dma_wait3A_247 = tpu.memref_squeeze %dma_wait3A_246 : memref<1x125x80xi32, #tpu.memory_space<hbm>> -> memref<125x80xi32, #tpu.memory_space<hbm>>
      %dma_wait3A_248 = arith.constant 0 : i32
      %dma_wait3A_249 = tpu.memref_slice %dma_wait3A_247[%add3A_243, %dma_wait3A_248] : memref<125x80xi32, #tpu.memory_space<hbm>> -> memref<1x80xi32, #tpu.memory_space<hbm>>
      %dma_wait3A_250 = tpu.memref_squeeze %dma_wait3A_249 : memref<1x80xi32, #tpu.memory_space<hbm>> -> memref<80xi32, #tpu.memory_space<hbm>>
      %dma_wait3A_251 = arith.constant 0 : i32
      %dma_wait3A_252 = arith.constant 0 : i32
      %dma_wait3A_253 = tpu.memref_slice %arg3[%add3A, %dma_wait3A_251, %dma_wait3A_252] : memref<32x125x80xi32, #tpu.memory_space<hbm>> -> memref<1x125x80xi32, #tpu.memory_space<hbm>>
      %dma_wait3A_254 = tpu.memref_squeeze %dma_wait3A_253 : memref<1x125x80xi32, #tpu.memory_space<hbm>> -> memref<125x80xi32, #tpu.memory_space<hbm>>
      %dma_wait3A_255 = arith.constant 0 : i32
      %dma_wait3A_256 = tpu.memref_slice %dma_wait3A_254[%add3A_243, %dma_wait3A_255] : memref<125x80xi32, #tpu.memory_space<hbm>> -> memref<1x80xi32, #tpu.memory_space<hbm>>
      %dma_wait3A_257 = tpu.memref_squeeze %dma_wait3A_256 : memref<1x80xi32, #tpu.memory_space<hbm>> -> memref<80xi32, #tpu.memory_space<hbm>>
      tpu.wait_dma2 semaphore(%arg20 : memref<!tpu.dma_semaphore, #tpu.memory_space<semaphore_mem>>) src(%dma_wait3A_257 : memref<80xi32, #tpu.memory_space<hbm>>) dst(%arg8 : memref<80xi32, #tpu.memory_space<vmem>>)
      %dma_start3A_258 = arith.constant 0 : i32
      %dma_start3A_259 = arith.constant 0 : i32
      %dma_start3A_260 = tpu.memref_slice %arg2[%dma_start3A_258, %dma_start3A_259] : memref<10000x128xf32, #tpu.memory_space<hbm>> -> memref<10000x128xf32, #tpu.memory_space<hbm>>
      tpu.enqueue_indirect_dma source(%dma_start3A_260 : memref<10000x128xf32, #tpu.memory_space<hbm>>) target(%arg11 : memref<80x128xf32, #tpu.memory_space<vmem>>) offsets(%arg8 : memref<80xi32, #tpu.memory_space<vmem>>) semaphore(%arg14 : memref<!tpu.dma_semaphore, #tpu.memory_space<semaphore_mem>>)
      %add3A_261 = arith.constant 2 : i32
      %add3A_262 = arith.addi %mul3A_159, %add3A_261 : i32
      %add3A_263 = arith.constant 2 : i32
      %add3A_264 = arith.addi %add3A_262, %add3A_263 : i32
      %dma_start3A_265 = arith.constant 0 : i32
      %dma_start3A_266 = arith.constant 0 : i32
      %dma_start3A_267 = tpu.memref_slice %arg3[%add3A, %dma_start3A_265, %dma_start3A_266] : memref<32x125x80xi32, #tpu.memory_space<hbm>> -> memref<1x125x80xi32, #tpu.memory_space<hbm>>
      %dma_start3A_268 = tpu.memref_squeeze %dma_start3A_267 : memref<1x125x80xi32, #tpu.memory_space<hbm>> -> memref<125x80xi32, #tpu.memory_space<hbm>>
      %dma_start3A_269 = arith.constant 0 : i32
      %dma_start3A_270 = tpu.memref_slice %dma_start3A_268[%add3A_264, %dma_start3A_269] : memref<125x80xi32, #tpu.memory_space<hbm>> -> memref<1x80xi32, #tpu.memory_space<hbm>>
      %dma_start3A_271 = tpu.memref_squeeze %dma_start3A_270 : memref<1x80xi32, #tpu.memory_space<hbm>> -> memref<80xi32, #tpu.memory_space<hbm>>
      %dma_start3A_272 = arith.constant 0 : i32
      %dma_start3A_273 = arith.constant 0 : i32
      %dma_start3A_274 = tpu.memref_slice %arg3[%add3A, %dma_start3A_272, %dma_start3A_273] : memref<32x125x80xi32, #tpu.memory_space<hbm>> -> memref<1x125x80xi32, #tpu.memory_space<hbm>>
      %dma_start3A_275 = tpu.memref_squeeze %dma_start3A_274 : memref<1x125x80xi32, #tpu.memory_space<hbm>> -> memref<125x80xi32, #tpu.memory_space<hbm>>
      %dma_start3A_276 = arith.constant 0 : i32
      %dma_start3A_277 = tpu.memref_slice %dma_start3A_275[%add3A_264, %dma_start3A_276] : memref<125x80xi32, #tpu.memory_space<hbm>> -> memref<1x80xi32, #tpu.memory_space<hbm>>
      %dma_start3A_278 = tpu.memref_squeeze %dma_start3A_277 : memref<1x80xi32, #tpu.memory_space<hbm>> -> memref<80xi32, #tpu.memory_space<hbm>>
      tpu.enqueue_dma source(%dma_start3A_278 : memref<80xi32, #tpu.memory_space<hbm>>) target(%arg9 : memref<80xi32, #tpu.memory_space<vmem>>) target_semaphore(%arg21 : memref<!tpu.dma_semaphore, #tpu.memory_space<semaphore_mem>>)
      %dma_wait3A_279 = arith.constant 0 : i32
      %dma_wait3A_280 = arith.constant 0 : i32
      %dma_wait3A_281 = tpu.memref_slice %arg2[%dma_wait3A_279, %dma_wait3A_280] : memref<10000x128xf32, #tpu.memory_space<hbm>> -> memref<10000x128xf32, #tpu.memory_space<hbm>>
      tpu.wait_indirect_dma semaphore(%arg16 : memref<!tpu.dma_semaphore, #tpu.memory_space<semaphore_mem>>) src(%dma_wait3A_281 : memref<10000x128xf32, #tpu.memory_space<hbm>>) dst(%arg13 : memref<80x128xf32, #tpu.memory_space<vmem>>)
      %dma_start3A_282 = arith.constant 0 : i32
      %dma_start3A_283 = tpu.memref_slice %arg7[%add3A_262, %dma_start3A_282] : memref<125x80xi32, #tpu.memory_space<vmem>> -> memref<1x80xi32, #tpu.memory_space<vmem>>
      %dma_start3A_284 = tpu.memref_squeeze %dma_start3A_283 : memref<1x80xi32, #tpu.memory_space<vmem>> -> memref<80xi32, #tpu.memory_space<vmem>>
      %dma_start3A_285 = arith.constant 0 : i32
      %dma_start3A_286 = arith.constant 0 : i32
      %dma_start3A_287 = tpu.memref_slice %arg6[%dma_start3A_285, %dma_start3A_286] : memref<10000x128xf32, #tpu.memory_space<vmem_shared>> -> memref<10000x128xf32, #tpu.memory_space<vmem_shared>>
      tpu.enqueue_indirect_dma source(%arg13 : memref<80x128xf32, #tpu.memory_space<vmem>>) target(%dma_start3A_287 : memref<10000x128xf32, #tpu.memory_space<vmem_shared>>) offsets(%dma_start3A_284 : memref<80xi32, #tpu.memory_space<vmem>>) semaphore(%arg19 : memref<!tpu.dma_semaphore, #tpu.memory_space<semaphore_mem>>) {add = true}
      %ge3A_288 = arith.constant 1 : i32
      %ge3A_289 = arith.cmpi sge, %add3A_262, %ge3A_288 : i32
      %convert_element_type3A_290 = arith.extui %ge3A_289 : i1 to i32
      %cond3A_291 = arith.constant 0 : i32
      %cond3A_292 = arith.cmpi ne, %convert_element_type3A_290, %cond3A_291 : i32
      scf.if %cond3A_292 {
        %sub3A_312 = arith.constant 1 : i32
        %sub3A_313 = arith.subi %add3A_262, %sub3A_312 : i32
        %dma_wait3A_314 = arith.constant 0 : i32
        %dma_wait3A_315 = tpu.memref_slice %arg7[%sub3A_313, %dma_wait3A_314] : memref<125x80xi32, #tpu.memory_space<vmem>> -> memref<1x80xi32, #tpu.memory_space<vmem>>
        %dma_wait3A_316 = tpu.memref_squeeze %dma_wait3A_315 : memref<1x80xi32, #tpu.memory_space<vmem>> -> memref<80xi32, #tpu.memory_space<vmem>>
        %dma_wait3A_317 = arith.constant 0 : i32
        %dma_wait3A_318 = arith.constant 0 : i32
        %dma_wait3A_319 = tpu.memref_slice %arg6[%dma_wait3A_317, %dma_wait3A_318] : memref<10000x128xf32, #tpu.memory_space<vmem_shared>> -> memref<10000x128xf32, #tpu.memory_space<vmem_shared>>
        tpu.wait_indirect_dma semaphore(%arg18 : memref<!tpu.dma_semaphore, #tpu.memory_space<semaphore_mem>>) src(%arg12 : memref<80x128xf32, #tpu.memory_space<vmem>>) dst(%dma_wait3A_319 : memref<10000x128xf32, #tpu.memory_space<vmem_shared>>)
      } else {
      }
      %add3A_293 = arith.constant 2 : i32
      %add3A_294 = arith.addi %add3A_262, %add3A_293 : i32
      %dma_wait3A_295 = arith.constant 0 : i32
      %dma_wait3A_296 = arith.constant 0 : i32
      %dma_wait3A_297 = tpu.memref_slice %arg3[%add3A, %dma_wait3A_295, %dma_wait3A_296] : memref<32x125x80xi32, #tpu.memory_space<hbm>> -> memref<1x125x80xi32, #tpu.memory_space<hbm>>
      %dma_wait3A_298 = tpu.memref_squeeze %dma_wait3A_297 : memref<1x125x80xi32, #tpu.memory_space<hbm>> -> memref<125x80xi32, #tpu.memory_space<hbm>>
      %dma_wait3A_299 = arith.constant 0 : i32
      %dma_wait3A_300 = tpu.memref_slice %dma_wait3A_298[%add3A_294, %dma_wait3A_299] : memref<125x80xi32, #tpu.memory_space<hbm>> -> memref<1x80xi32, #tpu.memory_space<hbm>>
      %dma_wait3A_301 = tpu.memref_squeeze %dma_wait3A_300 : memref<1x80xi32, #tpu.memory_space<hbm>> -> memref<80xi32, #tpu.memory_space<hbm>>
      %dma_wait3A_302 = arith.constant 0 : i32
      %dma_wait3A_303 = arith.constant 0 : i32
      %dma_wait3A_304 = tpu.memref_slice %arg3[%add3A, %dma_wait3A_302, %dma_wait3A_303] : memref<32x125x80xi32, #tpu.memory_space<hbm>> -> memref<1x125x80xi32, #tpu.memory_space<hbm>>
      %dma_wait3A_305 = tpu.memref_squeeze %dma_wait3A_304 : memref<1x125x80xi32, #tpu.memory_space<hbm>> -> memref<125x80xi32, #tpu.memory_space<hbm>>
      %dma_wait3A_306 = arith.constant 0 : i32
      %dma_wait3A_307 = tpu.memref_slice %dma_wait3A_305[%add3A_294, %dma_wait3A_306] : memref<125x80xi32, #tpu.memory_space<hbm>> -> memref<1x80xi32, #tpu.memory_space<hbm>>
      %dma_wait3A_308 = tpu.memref_squeeze %dma_wait3A_307 : memref<1x80xi32, #tpu.memory_space<hbm>> -> memref<80xi32, #tpu.memory_space<hbm>>
      tpu.wait_dma2 semaphore(%arg21 : memref<!tpu.dma_semaphore, #tpu.memory_space<semaphore_mem>>) src(%dma_wait3A_308 : memref<80xi32, #tpu.memory_space<hbm>>) dst(%arg9 : memref<80xi32, #tpu.memory_space<vmem>>)
      %dma_start3A_309 = arith.constant 0 : i32
      %dma_start3A_310 = arith.constant 0 : i32
      %dma_start3A_311 = tpu.memref_slice %arg2[%dma_start3A_309, %dma_start3A_310] : memref<10000x128xf32, #tpu.memory_space<hbm>> -> memref<10000x128xf32, #tpu.memory_space<hbm>>
      tpu.enqueue_indirect_dma source(%dma_start3A_311 : memref<10000x128xf32, #tpu.memory_space<hbm>>) target(%arg12 : memref<80x128xf32, #tpu.memory_space<vmem>>) offsets(%arg9 : memref<80xi32, #tpu.memory_space<vmem>>) semaphore(%arg15 : memref<!tpu.dma_semaphore, #tpu.memory_space<semaphore_mem>>)
    }
    %scan3A_101 = arith.constant 41 : i32
    %dma_wait3A_102 = arith.constant 0 : i32
    %dma_wait3A_103 = arith.constant 0 : i32
    %dma_wait3A_104 = tpu.memref_slice %arg2[%dma_wait3A_102, %dma_wait3A_103] : memref<10000x128xf32, #tpu.memory_space<hbm>> -> memref<10000x128xf32, #tpu.memory_space<hbm>>
    tpu.wait_indirect_dma semaphore(%arg14 : memref<!tpu.dma_semaphore, #tpu.memory_space<semaphore_mem>>) src(%dma_wait3A_104 : memref<10000x128xf32, #tpu.memory_space<hbm>>) dst(%arg11 : memref<80x128xf32, #tpu.memory_space<vmem>>)
    %dma_start3A_105 = arith.constant 123 : i32
    %dma_start3A_106 = arith.constant 0 : i32
    %dma_start3A_107 = tpu.memref_slice %arg7[%dma_start3A_105, %dma_start3A_106] : memref<125x80xi32, #tpu.memory_space<vmem>> -> memref<1x80xi32, #tpu.memory_space<vmem>>
    %dma_start3A_108 = tpu.memref_squeeze %dma_start3A_107 : memref<1x80xi32, #tpu.memory_space<vmem>> -> memref<80xi32, #tpu.memory_space<vmem>>
    %dma_start3A_109 = arith.constant 0 : i32
    %dma_start3A_110 = arith.constant 0 : i32
    %dma_start3A_111 = tpu.memref_slice %arg6[%dma_start3A_109, %dma_start3A_110] : memref<10000x128xf32, #tpu.memory_space<vmem_shared>> -> memref<10000x128xf32, #tpu.memory_space<vmem_shared>>
    tpu.enqueue_indirect_dma source(%arg11 : memref<80x128xf32, #tpu.memory_space<vmem>>) target(%dma_start3A_111 : memref<10000x128xf32, #tpu.memory_space<vmem_shared>>) offsets(%dma_start3A_108 : memref<80xi32, #tpu.memory_space<vmem>>) semaphore(%arg17 : memref<!tpu.dma_semaphore, #tpu.memory_space<semaphore_mem>>) {add = true}
    %dma_wait3A_112 = arith.constant 0 : i32
    %dma_wait3A_113 = arith.constant 0 : i32
    %dma_wait3A_114 = tpu.memref_slice %arg2[%dma_wait3A_112, %dma_wait3A_113] : memref<10000x128xf32, #tpu.memory_space<hbm>> -> memref<10000x128xf32, #tpu.memory_space<hbm>>
    tpu.wait_indirect_dma semaphore(%arg15 : memref<!tpu.dma_semaphore, #tpu.memory_space<semaphore_mem>>) src(%dma_wait3A_114 : memref<10000x128xf32, #tpu.memory_space<hbm>>) dst(%arg12 : memref<80x128xf32, #tpu.memory_space<vmem>>)
    %dma_start3A_115 = arith.constant 124 : i32
    %dma_start3A_116 = arith.constant 0 : i32
    %dma_start3A_117 = tpu.memref_slice %arg7[%dma_start3A_115, %dma_start3A_116] : memref<125x80xi32, #tpu.memory_space<vmem>> -> memref<1x80xi32, #tpu.memory_space<vmem>>
    %dma_start3A_118 = tpu.memref_squeeze %dma_start3A_117 : memref<1x80xi32, #tpu.memory_space<vmem>> -> memref<80xi32, #tpu.memory_space<vmem>>
    %dma_start3A_119 = arith.constant 0 : i32
    %dma_start3A_120 = arith.constant 0 : i32
    %dma_start3A_121 = tpu.memref_slice %arg6[%dma_start3A_119, %dma_start3A_120] : memref<10000x128xf32, #tpu.memory_space<vmem_shared>> -> memref<10000x128xf32, #tpu.memory_space<vmem_shared>>
    tpu.enqueue_indirect_dma source(%arg12 : memref<80x128xf32, #tpu.memory_space<vmem>>) target(%dma_start3A_121 : memref<10000x128xf32, #tpu.memory_space<vmem_shared>>) offsets(%dma_start3A_118 : memref<80xi32, #tpu.memory_space<vmem>>) semaphore(%arg18 : memref<!tpu.dma_semaphore, #tpu.memory_space<semaphore_mem>>) {add = true}
    %dma_wait3A_122 = arith.constant 122 : i32
    %dma_wait3A_123 = arith.constant 0 : i32
    %dma_wait3A_124 = tpu.memref_slice %arg7[%dma_wait3A_122, %dma_wait3A_123] : memref<125x80xi32, #tpu.memory_space<vmem>> -> memref<1x80xi32, #tpu.memory_space<vmem>>
    %dma_wait3A_125 = tpu.memref_squeeze %dma_wait3A_124 : memref<1x80xi32, #tpu.memory_space<vmem>> -> memref<80xi32, #tpu.memory_space<vmem>>
    %dma_wait3A_126 = arith.constant 0 : i32
    %dma_wait3A_127 = arith.constant 0 : i32
    %dma_wait3A_128 = tpu.memref_slice %arg6[%dma_wait3A_126, %dma_wait3A_127] : memref<10000x128xf32, #tpu.memory_space<vmem_shared>> -> memref<10000x128xf32, #tpu.memory_space<vmem_shared>>
    tpu.wait_indirect_dma semaphore(%arg19 : memref<!tpu.dma_semaphore, #tpu.memory_space<semaphore_mem>>) src(%arg13 : memref<80x128xf32, #tpu.memory_space<vmem>>) dst(%dma_wait3A_128 : memref<10000x128xf32, #tpu.memory_space<vmem_shared>>)
    %dma_wait3A_129 = arith.constant 123 : i32
    %dma_wait3A_130 = arith.constant 0 : i32
    %dma_wait3A_131 = tpu.memref_slice %arg7[%dma_wait3A_129, %dma_wait3A_130] : memref<125x80xi32, #tpu.memory_space<vmem>> -> memref<1x80xi32, #tpu.memory_space<vmem>>
    %dma_wait3A_132 = tpu.memref_squeeze %dma_wait3A_131 : memref<1x80xi32, #tpu.memory_space<vmem>> -> memref<80xi32, #tpu.memory_space<vmem>>
    %dma_wait3A_133 = arith.constant 0 : i32
    %dma_wait3A_134 = arith.constant 0 : i32
    %dma_wait3A_135 = tpu.memref_slice %arg6[%dma_wait3A_133, %dma_wait3A_134] : memref<10000x128xf32, #tpu.memory_space<vmem_shared>> -> memref<10000x128xf32, #tpu.memory_space<vmem_shared>>
    tpu.wait_indirect_dma semaphore(%arg17 : memref<!tpu.dma_semaphore, #tpu.memory_space<semaphore_mem>>) src(%arg11 : memref<80x128xf32, #tpu.memory_space<vmem>>) dst(%dma_wait3A_135 : memref<10000x128xf32, #tpu.memory_space<vmem_shared>>)
    %dma_wait3A_136 = arith.constant 124 : i32
    %dma_wait3A_137 = arith.constant 0 : i32
    %dma_wait3A_138 = tpu.memref_slice %arg7[%dma_wait3A_136, %dma_wait3A_137] : memref<125x80xi32, #tpu.memory_space<vmem>> -> memref<1x80xi32, #tpu.memory_space<vmem>>
    %dma_wait3A_139 = tpu.memref_squeeze %dma_wait3A_138 : memref<1x80xi32, #tpu.memory_space<vmem>> -> memref<80xi32, #tpu.memory_space<vmem>>
    %dma_wait3A_140 = arith.constant 0 : i32
    %dma_wait3A_141 = arith.constant 0 : i32
    %dma_wait3A_142 = tpu.memref_slice %arg6[%dma_wait3A_140, %dma_wait3A_141] : memref<10000x128xf32, #tpu.memory_space<vmem_shared>> -> memref<10000x128xf32, #tpu.memory_space<vmem_shared>>
    tpu.wait_indirect_dma semaphore(%arg18 : memref<!tpu.dma_semaphore, #tpu.memory_space<semaphore_mem>>) src(%arg12 : memref<80x128xf32, #tpu.memory_space<vmem>>) dst(%dma_wait3A_142 : memref<10000x128xf32, #tpu.memory_space<vmem_shared>>)
    %barrier3A_143 = arith.constant 0 : index
    tpu.barrier barrier_id(%barrier3A_143)
    %mul3A_144 = arith.constant 624 : i32
    %mul3A_145 = arith.muli %arg1, %mul3A_144 : i32
    %mul3A_146 = arith.constant 624 : i32
    %mul3A_147 = arith.muli %arg1, %mul3A_146 : i32
    "tpu.region"() ({
      %run_scoped3A = tpu.sem_alloc : memref<!tpu.dma_semaphore, #tpu.memory_space<semaphore_mem>>
      %dma_start3A_153 = arith.constant 0 : i32
      %dma_start3A_154 = arith.constant 0 : i32
      %dma_start3A_155 = tpu.memref_slice %arg5[%arg0, %dma_start3A_153, %dma_start3A_154] : memref<2x10000x128xf32, #tpu.memory_space<hbm>> -> memref<1x10000x128xf32, #tpu.memory_space<hbm>>
      %dma_start3A_156 = tpu.memref_squeeze %dma_start3A_155 : memref<1x10000x128xf32, #tpu.memory_space<hbm>> -> memref<10000x128xf32, #tpu.memory_space<hbm>>
      %dma_start3A_157 = arith.constant 0 : i32
      %dma_start3A_158 = tpu.memref_slice %dma_start3A_156[%mul3A_147, %dma_start3A_157] : memref<10000x128xf32, #tpu.memory_space<hbm>> -> memref<624x128xf32, #tpu.memory_space<hbm>>
      %dma_start3A_159 = arith.constant 0 : i32
      %dma_start3A_160 = tpu.memref_slice %arg6[%mul3A_145, %dma_start3A_159] : memref<10000x128xf32, #tpu.memory_space<vmem_shared>> -> memref<624x128xf32, #tpu.memory_space<vmem_shared>>
      tpu.enqueue_dma source(%dma_start3A_160 : memref<624x128xf32, #tpu.memory_space<vmem_shared>>) target(%dma_start3A_158 : memref<624x128xf32, #tpu.memory_space<hbm>>) target_semaphore(%run_scoped3A : memref<!tpu.dma_semaphore, #tpu.memory_space<semaphore_mem>>)
      %dma_wait3A_161 = arith.constant 0 : i32
      %dma_wait3A_162 = arith.constant 0 : i32
      %dma_wait3A_163 = tpu.memref_slice %arg5[%arg0, %dma_wait3A_161, %dma_wait3A_162] : memref<2x10000x128xf32, #tpu.memory_space<hbm>> -> memref<1x10000x128xf32, #tpu.memory_space<hbm>>
      %dma_wait3A_164 = tpu.memref_squeeze %dma_wait3A_163 : memref<1x10000x128xf32, #tpu.memory_space<hbm>> -> memref<10000x128xf32, #tpu.memory_space<hbm>>
      %dma_wait3A_165 = arith.constant 0 : i32
      %dma_wait3A_166 = tpu.memref_slice %dma_wait3A_164[%mul3A_147, %dma_wait3A_165] : memref<10000x128xf32, #tpu.memory_space<hbm>> -> memref<624x128xf32, #tpu.memory_space<hbm>>
      %dma_wait3A_167 = arith.constant 0 : i32
      %dma_wait3A_168 = tpu.memref_slice %arg6[%mul3A_145, %dma_wait3A_167] : memref<10000x128xf32, #tpu.memory_space<vmem_shared>> -> memref<624x128xf32, #tpu.memory_space<vmem_shared>>
      tpu.wait_dma2 semaphore(%run_scoped3A : memref<!tpu.dma_semaphore, #tpu.memory_space<semaphore_mem>>) src(%dma_wait3A_168 : memref<624x128xf32, #tpu.memory_space<vmem_shared>>) dst(%dma_wait3A_166 : memref<624x128xf32, #tpu.memory_space<hbm>>)
      tpu.yield
    }) : () -> ()
    %eq3A_148 = arith.constant 15 : i32
    %eq3A_149 = arith.cmpi eq, %arg1, %eq3A_148 : i32
    %convert_element_type3A_150 = arith.extui %eq3A_149 : i1 to i32
    %cond3A_151 = arith.constant 0 : i32
    %cond3A_152 = arith.cmpi ne, %convert_element_type3A_150, %cond3A_151 : i32
    scf.if %cond3A_152 {
      "tpu.region"() ({
        %run_scoped3A = tpu.sem_alloc : memref<!tpu.dma_semaphore, #tpu.memory_space<semaphore_mem>>
        %dma_start3A_153 = arith.constant 0 : i32
        %dma_start3A_154 = arith.constant 0 : i32
        %dma_start3A_155 = tpu.memref_slice %arg5[%arg0, %dma_start3A_153, %dma_start3A_154] : memref<2x10000x128xf32, #tpu.memory_space<hbm>> -> memref<1x10000x128xf32, #tpu.memory_space<hbm>>
        %dma_start3A_156 = tpu.memref_squeeze %dma_start3A_155 : memref<1x10000x128xf32, #tpu.memory_space<hbm>> -> memref<10000x128xf32, #tpu.memory_space<hbm>>
        %dma_start3A_157 = arith.constant 9984 : i32
        %dma_start3A_158 = arith.constant 0 : i32
        %dma_start3A_159 = tpu.memref_slice %dma_start3A_156[%dma_start3A_157, %dma_start3A_158] : memref<10000x128xf32, #tpu.memory_space<hbm>> -> memref<16x128xf32, #tpu.memory_space<hbm>>
        %dma_start3A_160 = arith.constant 9984 : i32
        %dma_start3A_161 = arith.constant 0 : i32
        %dma_start3A_162 = tpu.memref_slice %arg6[%dma_start3A_160, %dma_start3A_161] : memref<10000x128xf32, #tpu.memory_space<vmem_shared>> -> memref<16x128xf32, #tpu.memory_space<vmem_shared>>
        tpu.enqueue_dma source(%dma_start3A_162 : memref<16x128xf32, #tpu.memory_space<vmem_shared>>) target(%dma_start3A_159 : memref<16x128xf32, #tpu.memory_space<hbm>>) target_semaphore(%run_scoped3A : memref<!tpu.dma_semaphore, #tpu.memory_space<semaphore_mem>>)
        %dma_wait3A_163 = arith.constant 0 : i32
        %dma_wait3A_164 = arith.constant 0 : i32
        %dma_wait3A_165 = tpu.memref_slice %arg5[%arg0, %dma_wait3A_163, %dma_wait3A_164] : memref<2x10000x128xf32, #tpu.memory_space<hbm>> -> memref<1x10000x128xf32, #tpu.memory_space<hbm>>
        %dma_wait3A_166 = tpu.memref_squeeze %dma_wait3A_165 : memref<1x10000x128xf32, #tpu.memory_space<hbm>> -> memref<10000x128xf32, #tpu.memory_space<hbm>>
        %dma_wait3A_167 = arith.constant 9984 : i32
        %dma_wait3A_168 = arith.constant 0 : i32
        %dma_wait3A_169 = tpu.memref_slice %dma_wait3A_166[%dma_wait3A_167, %dma_wait3A_168] : memref<10000x128xf32, #tpu.memory_space<hbm>> -> memref<16x128xf32, #tpu.memory_space<hbm>>
        %dma_wait3A_170 = arith.constant 9984 : i32
        %dma_wait3A_171 = arith.constant 0 : i32
        %dma_wait3A_172 = tpu.memref_slice %arg6[%dma_wait3A_170, %dma_wait3A_171] : memref<10000x128xf32, #tpu.memory_space<vmem_shared>> -> memref<16x128xf32, #tpu.memory_space<vmem_shared>>
        tpu.wait_dma2 semaphore(%run_scoped3A : memref<!tpu.dma_semaphore, #tpu.memory_space<semaphore_mem>>) src(%dma_wait3A_172 : memref<16x128xf32, #tpu.memory_space<vmem_shared>>) dst(%dma_wait3A_169 : memref<16x128xf32, #tpu.memory_space<hbm>>)
        tpu.yield
      }) : () -> ()
    } else {
    }
    return
  }
}

#map = affine_map<(d0, d1) -> (0, 0)>
#map1 = affine_map<(d0, d1) -> (0, 0, 0)>
module attributes {stable_mosaic.version = 14 : i64} {
  func.func @_agg_body(%arg0: i32, %arg1: i32, %arg2: memref<10000x128xf32, #tpu.memory_space<hbm>>, %arg3: memref<32x125x80xi32, #tpu.memory_space<hbm>>, %arg4: memref<32x125x80xi32, #tpu.memory_space<hbm>>, %arg5: memref<2x10000x128xf32, #tpu.memory_space<hbm>>, %arg6: memref<10000x128xf32, #tpu.memory_space<vmem_shared>>, %arg7: memref<125x80xi32, #tpu.memory_space<vmem>>, %arg8: memref<80xi32, #tpu.memory_space<vmem>>, %arg9: memref<80xi32, #tpu.memory_space<vmem>>, %arg10: memref<80xi32, #tpu.memory_space<vmem>>, %arg11: memref<80x128xf32, #tpu.memory_space<vmem>>, %arg12: memref<80x128xf32, #tpu.memory_space<vmem>>, %arg13: memref<80x128xf32, #tpu.memory_space<vmem>>, %arg14: memref<!tpu.dma_semaphore, #tpu.memory_space<semaphore_mem>>, %arg15: memref<!tpu.dma_semaphore, #tpu.memory_space<semaphore_mem>>, %arg16: memref<!tpu.dma_semaphore, #tpu.memory_space<semaphore_mem>>, %arg17: memref<!tpu.dma_semaphore, #tpu.memory_space<semaphore_mem>>, %arg18: memref<!tpu.dma_semaphore, #tpu.memory_space<semaphore_mem>>, %arg19: memref<!tpu.dma_semaphore, #tpu.memory_space<semaphore_mem>>, %arg20: memref<!tpu.dma_semaphore, #tpu.memory_space<semaphore_mem>>, %arg21: memref<!tpu.dma_semaphore, #tpu.memory_space<semaphore_mem>>, %arg22: memref<!tpu.dma_semaphore, #tpu.memory_space<semaphore_mem>>) attributes {dimension_semantics = [#tpu.dimension_semantics<core_parallel>, #tpu.dimension_semantics<subcore_parallel>], iteration_bounds = array<i64: 2, 16>, scalar_prefetch = 0 : i64, scratch_operands = 17 : i64, tpu.core_type = #tpu.core_type<sc_vector_subcore>, window_params = [{transform_indices = #map}, {transform_indices = #map1}, {transform_indices = #map1}, {transform_indices = #map1}]} {
    %mul3A = arith.constant 16 : i32
    %mul3A_0 = arith.muli %arg0, %mul3A : i32
    %add3A = arith.addi %mul3A_0, %arg1 : i32
    %dma_start3A = arith.constant 0 : i32
    %dma_start3A_1 = arith.constant 0 : i32
    %dma_start3A_2 = tpu.memref_slice %arg4[%add3A, %dma_start3A, %dma_start3A_1] : memref<32x125x80xi32, #tpu.memory_space<hbm>> -> memref<1x125x80xi32, #tpu.memory_space<hbm>>
    %dma_start3A_3 = tpu.memref_squeeze %dma_start3A_2 : memref<1x125x80xi32, #tpu.memory_space<hbm>> -> memref<125x80xi32, #tpu.memory_space<hbm>>
    %dma_start3A_4 = arith.constant 0 : i32
    %dma_start3A_5 = arith.constant 0 : i32
    %dma_start3A_6 = tpu.memref_slice %arg4[%add3A, %dma_start3A_4, %dma_start3A_5] : memref<32x125x80xi32, #tpu.memory_space<hbm>> -> memref<1x125x80xi32, #tpu.memory_space<hbm>>
    %dma_start3A_7 = tpu.memref_squeeze %dma_start3A_6 : memref<1x125x80xi32, #tpu.memory_space<hbm>> -> memref<125x80xi32, #tpu.memory_space<hbm>>
    tpu.enqueue_dma source(%dma_start3A_7 : memref<125x80xi32, #tpu.memory_space<hbm>>) target(%arg7 : memref<125x80xi32, #tpu.memory_space<vmem>>) target_semaphore(%arg14 : memref<!tpu.dma_semaphore, #tpu.memory_space<semaphore_mem>>)
    %scan3A = arith.constant 0 : i32
    %scan3A_8 = arith.constant 80 : i32
    %scan3A_9 = arith.addi %scan3A, %scan3A_8 : i32
    %scan3A_10 = arith.constant 1 : i32
    scf.for %scan3A_153 = %scan3A to %scan3A_9 step %scan3A_10  : i32 {
      %mul3A_154 = arith.constant 1 : i32
      %mul3A_155 = arith.muli %scan3A_153, %mul3A_154 : i32
      %add3A_156 = arith.constant 0 : i32
      %add3A_157 = arith.addi %add3A_156, %mul3A_155 : i32
      %broadcast_in_dim3A = arith.constant 0.000000e+00 : f32
      %broadcast_in_dim3A_158 = vector.broadcast %broadcast_in_dim3A : f32 to vector<16xf32>
      %swap3A = arith.index_cast %add3A_157 : i32 to index
      %swap3A_159 = arith.constant 0 : index
      %swap3A_160 = tpu.vector_load %arg11[%swap3A, %swap3A_159] {strides = array<i32>} : memref<80x128xf32, #tpu.memory_space<vmem>>, vector<1x16xf32>,
      %swap3A_161 = vector.shape_cast %swap3A_160 : vector<1x16xf32> to vector<16xf32>
      %swap3A_162 = vector.shape_cast %broadcast_in_dim3A_158 : vector<16xf32> to vector<1x16xf32>
      tpu.vector_store %arg11[%swap3A, %swap3A_159], %swap3A_162 {strides = array<i32>} : memref<80x128xf32, #tpu.memory_space<vmem>>, vector<1x16xf32>,
      %broadcast_in_dim3A_163 = arith.constant 0.000000e+00 : f32
      %broadcast_in_dim3A_164 = vector.broadcast %broadcast_in_dim3A_163 : f32 to vector<16xf32>
      %swap3A_165 = arith.index_cast %add3A_157 : i32 to index
      %swap3A_166 = arith.constant 16 : index
      %swap3A_167 = tpu.vector_load %arg11[%swap3A_165, %swap3A_166] {strides = array<i32>} : memref<80x128xf32, #tpu.memory_space<vmem>>, vector<1x16xf32>,
      %swap3A_168 = vector.shape_cast %swap3A_167 : vector<1x16xf32> to vector<16xf32>
      %swap3A_169 = vector.shape_cast %broadcast_in_dim3A_164 : vector<16xf32> to vector<1x16xf32>
      tpu.vector_store %arg11[%swap3A_165, %swap3A_166], %swap3A_169 {strides = array<i32>} : memref<80x128xf32, #tpu.memory_space<vmem>>, vector<1x16xf32>,
      %broadcast_in_dim3A_170 = arith.constant 0.000000e+00 : f32
      %broadcast_in_dim3A_171 = vector.broadcast %broadcast_in_dim3A_170 : f32 to vector<16xf32>
      %swap3A_172 = arith.index_cast %add3A_157 : i32 to index
      %swap3A_173 = arith.constant 32 : index
      %swap3A_174 = tpu.vector_load %arg11[%swap3A_172, %swap3A_173] {strides = array<i32>} : memref<80x128xf32, #tpu.memory_space<vmem>>, vector<1x16xf32>,
      %swap3A_175 = vector.shape_cast %swap3A_174 : vector<1x16xf32> to vector<16xf32>
      %swap3A_176 = vector.shape_cast %broadcast_in_dim3A_171 : vector<16xf32> to vector<1x16xf32>
      tpu.vector_store %arg11[%swap3A_172, %swap3A_173], %swap3A_176 {strides = array<i32>} : memref<80x128xf32, #tpu.memory_space<vmem>>, vector<1x16xf32>,
      %broadcast_in_dim3A_177 = arith.constant 0.000000e+00 : f32
      %broadcast_in_dim3A_178 = vector.broadcast %broadcast_in_dim3A_177 : f32 to vector<16xf32>
      %swap3A_179 = arith.index_cast %add3A_157 : i32 to index
      %swap3A_180 = arith.constant 48 : index
      %swap3A_181 = tpu.vector_load %arg11[%swap3A_179, %swap3A_180] {strides = array<i32>} : memref<80x128xf32, #tpu.memory_space<vmem>>, vector<1x16xf32>,
      %swap3A_182 = vector.shape_cast %swap3A_181 : vector<1x16xf32> to vector<16xf32>
      %swap3A_183 = vector.shape_cast %broadcast_in_dim3A_178 : vector<16xf32> to vector<1x16xf32>
      tpu.vector_store %arg11[%swap3A_179, %swap3A_180], %swap3A_183 {strides = array<i32>} : memref<80x128xf32, #tpu.memory_space<vmem>>, vector<1x16xf32>,
      %broadcast_in_dim3A_184 = arith.constant 0.000000e+00 : f32
      %broadcast_in_dim3A_185 = vector.broadcast %broadcast_in_dim3A_184 : f32 to vector<16xf32>
      %swap3A_186 = arith.index_cast %add3A_157 : i32 to index
      %swap3A_187 = arith.constant 64 : index
      %swap3A_188 = tpu.vector_load %arg11[%swap3A_186, %swap3A_187] {strides = array<i32>} : memref<80x128xf32, #tpu.memory_space<vmem>>, vector<1x16xf32>,
      %swap3A_189 = vector.shape_cast %swap3A_188 : vector<1x16xf32> to vector<16xf32>
      %swap3A_190 = vector.shape_cast %broadcast_in_dim3A_185 : vector<16xf32> to vector<1x16xf32>
      tpu.vector_store %arg11[%swap3A_186, %swap3A_187], %swap3A_190 {strides = array<i32>} : memref<80x128xf32, #tpu.memory_space<vmem>>, vector<1x16xf32>,
      %broadcast_in_dim3A_191 = arith.constant 0.000000e+00 : f32
      %broadcast_in_dim3A_192 = vector.broadcast %broadcast_in_dim3A_191 : f32 to vector<16xf32>
      %swap3A_193 = arith.index_cast %add3A_157 : i32 to index
      %swap3A_194 = arith.constant 80 : index
      %swap3A_195 = tpu.vector_load %arg11[%swap3A_193, %swap3A_194] {strides = array<i32>} : memref<80x128xf32, #tpu.memory_space<vmem>>, vector<1x16xf32>,
      %swap3A_196 = vector.shape_cast %swap3A_195 : vector<1x16xf32> to vector<16xf32>
      %swap3A_197 = vector.shape_cast %broadcast_in_dim3A_192 : vector<16xf32> to vector<1x16xf32>
      tpu.vector_store %arg11[%swap3A_193, %swap3A_194], %swap3A_197 {strides = array<i32>} : memref<80x128xf32, #tpu.memory_space<vmem>>, vector<1x16xf32>,
      %broadcast_in_dim3A_198 = arith.constant 0.000000e+00 : f32
      %broadcast_in_dim3A_199 = vector.broadcast %broadcast_in_dim3A_198 : f32 to vector<16xf32>
      %swap3A_200 = arith.index_cast %add3A_157 : i32 to index
      %swap3A_201 = arith.constant 96 : index
      %swap3A_202 = tpu.vector_load %arg11[%swap3A_200, %swap3A_201] {strides = array<i32>} : memref<80x128xf32, #tpu.memory_space<vmem>>, vector<1x16xf32>,
      %swap3A_203 = vector.shape_cast %swap3A_202 : vector<1x16xf32> to vector<16xf32>
      %swap3A_204 = vector.shape_cast %broadcast_in_dim3A_199 : vector<16xf32> to vector<1x16xf32>
      tpu.vector_store %arg11[%swap3A_200, %swap3A_201], %swap3A_204 {strides = array<i32>} : memref<80x128xf32, #tpu.memory_space<vmem>>, vector<1x16xf32>,
      %broadcast_in_dim3A_205 = arith.constant 0.000000e+00 : f32
      %broadcast_in_dim3A_206 = vector.broadcast %broadcast_in_dim3A_205 : f32 to vector<16xf32>
      %swap3A_207 = arith.index_cast %add3A_157 : i32 to index
      %swap3A_208 = arith.constant 112 : index
      %swap3A_209 = tpu.vector_load %arg11[%swap3A_207, %swap3A_208] {strides = array<i32>} : memref<80x128xf32, #tpu.memory_space<vmem>>, vector<1x16xf32>,
      %swap3A_210 = vector.shape_cast %swap3A_209 : vector<1x16xf32> to vector<16xf32>
      %swap3A_211 = vector.shape_cast %broadcast_in_dim3A_206 : vector<16xf32> to vector<1x16xf32>
      tpu.vector_store %arg11[%swap3A_207, %swap3A_208], %swap3A_211 {strides = array<i32>} : memref<80x128xf32, #tpu.memory_space<vmem>>, vector<1x16xf32>,
    }
    %scan3A_11 = arith.constant 80 : i32
    %scan3A_12 = arith.constant 0 : i32
    %scan3A_13 = arith.constant 7 : i32
    %scan3A_14 = arith.addi %scan3A_12, %scan3A_13 : i32
    %scan3A_15 = arith.constant 1 : i32
    scf.for %scan3A_153 = %scan3A_12 to %scan3A_14 step %scan3A_15  : i32 {
      %mul3A_154 = arith.constant 1 : i32
      %mul3A_155 = arith.muli %scan3A_153, %mul3A_154 : i32
      %add3A_156 = arith.constant 0 : i32
      %add3A_157 = arith.addi %add3A_156, %mul3A_155 : i32
      %mul3A_158 = arith.constant 624 : i32
      %mul3A_159 = arith.muli %arg1, %mul3A_158 : i32
      %mul3A_160 = arith.constant 80 : i32
      %mul3A_161 = arith.muli %add3A_157, %mul3A_160 : i32
      %add3A_162 = arith.addi %mul3A_159, %mul3A_161 : i32
      "tpu.region"() ({
        %run_scoped3A = tpu.sem_alloc : memref<!tpu.dma_semaphore, #tpu.memory_space<semaphore_mem>>
        %dma_start3A_163 = arith.constant 0 : i32
        %dma_start3A_164 = tpu.memref_slice %arg6[%add3A_162, %dma_start3A_163] : memref<10000x128xf32, #tpu.memory_space<vmem_shared>> -> memref<80x128xf32, #tpu.memory_space<vmem_shared>>
        %dma_start3A_165 = arith.constant 0 : i32
        %dma_start3A_166 = tpu.memref_slice %arg6[%add3A_162, %dma_start3A_165] : memref<10000x128xf32, #tpu.memory_space<vmem_shared>> -> memref<80x128xf32, #tpu.memory_space<vmem_shared>>
        tpu.enqueue_dma source(%arg11 : memref<80x128xf32, #tpu.memory_space<vmem>>) target(%dma_start3A_166 : memref<80x128xf32, #tpu.memory_space<vmem_shared>>) target_semaphore(%run_scoped3A : memref<!tpu.dma_semaphore, #tpu.memory_space<semaphore_mem>>)
        %dma_wait3A_167 = arith.constant 0 : i32
        %dma_wait3A_168 = tpu.memref_slice %arg6[%add3A_162, %dma_wait3A_167] : memref<10000x128xf32, #tpu.memory_space<vmem_shared>> -> memref<80x128xf32, #tpu.memory_space<vmem_shared>>
        %dma_wait3A_169 = arith.constant 0 : i32
        %dma_wait3A_170 = tpu.memref_slice %arg6[%add3A_162, %dma_wait3A_169] : memref<10000x128xf32, #tpu.memory_space<vmem_shared>> -> memref<80x128xf32, #tpu.memory_space<vmem_shared>>
        tpu.wait_dma2 semaphore(%run_scoped3A : memref<!tpu.dma_semaphore, #tpu.memory_space<semaphore_mem>>) src(%arg11 : memref<80x128xf32, #tpu.memory_space<vmem>>) dst(%dma_wait3A_170 : memref<80x128xf32, #tpu.memory_space<vmem_shared>>)
        tpu.yield
      }) : () -> ()
    }
    %scan3A_16 = arith.constant 7 : i32
    %mul3A_17 = arith.constant 624 : i32
    %mul3A_18 = arith.muli %arg1, %mul3A_17 : i32
    %add3A_19 = arith.constant 624 : i32
    %add3A_20 = arith.addi %mul3A_18, %add3A_19 : i32
    %sub3A = arith.constant 64 : i32
    %sub3A_21 = arith.subi %add3A_20, %sub3A : i32
    "tpu.region"() ({
      %run_scoped3A = tpu.sem_alloc : memref<!tpu.dma_semaphore, #tpu.memory_space<semaphore_mem>>
      %dma_start3A_153 = arith.constant 0 : i32
      %dma_start3A_154 = arith.constant 0 : i32
      %dma_start3A_155 = tpu.memref_slice %arg11[%dma_start3A_153, %dma_start3A_154] : memref<80x128xf32, #tpu.memory_space<vmem>> -> memref<64x128xf32, #tpu.memory_space<vmem>>
      %dma_start3A_156 = arith.constant 0 : i32
      %dma_start3A_157 = tpu.memref_slice %arg6[%sub3A_21, %dma_start3A_156] : memref<10000x128xf32, #tpu.memory_space<vmem_shared>> -> memref<64x128xf32, #tpu.memory_space<vmem_shared>>
      %dma_start3A_158 = arith.constant 0 : i32
      %dma_start3A_159 = tpu.memref_slice %arg6[%sub3A_21, %dma_start3A_158] : memref<10000x128xf32, #tpu.memory_space<vmem_shared>> -> memref<64x128xf32, #tpu.memory_space<vmem_shared>>
      %dma_start3A_160 = arith.constant 0 : i32
      %dma_start3A_161 = arith.constant 0 : i32
      %dma_start3A_162 = tpu.memref_slice %arg11[%dma_start3A_160, %dma_start3A_161] : memref<80x128xf32, #tpu.memory_space<vmem>> -> memref<64x128xf32, #tpu.memory_space<vmem>>
      tpu.enqueue_dma source(%dma_start3A_162 : memref<64x128xf32, #tpu.memory_space<vmem>>) target(%dma_start3A_159 : memref<64x128xf32, #tpu.memory_space<vmem_shared>>) target_semaphore(%run_scoped3A : memref<!tpu.dma_semaphore, #tpu.memory_space<semaphore_mem>>)
      %dma_wait3A_163 = arith.constant 0 : i32
      %dma_wait3A_164 = arith.constant 0 : i32
      %dma_wait3A_165 = tpu.memref_slice %arg11[%dma_wait3A_163, %dma_wait3A_164] : memref<80x128xf32, #tpu.memory_space<vmem>> -> memref<64x128xf32, #tpu.memory_space<vmem>>
      %dma_wait3A_166 = arith.constant 0 : i32
      %dma_wait3A_167 = tpu.memref_slice %arg6[%sub3A_21, %dma_wait3A_166] : memref<10000x128xf32, #tpu.memory_space<vmem_shared>> -> memref<64x128xf32, #tpu.memory_space<vmem_shared>>
      %dma_wait3A_168 = arith.constant 0 : i32
      %dma_wait3A_169 = tpu.memref_slice %arg6[%sub3A_21, %dma_wait3A_168] : memref<10000x128xf32, #tpu.memory_space<vmem_shared>> -> memref<64x128xf32, #tpu.memory_space<vmem_shared>>
      %dma_wait3A_170 = arith.constant 0 : i32
      %dma_wait3A_171 = arith.constant 0 : i32
      %dma_wait3A_172 = tpu.memref_slice %arg11[%dma_wait3A_170, %dma_wait3A_171] : memref<80x128xf32, #tpu.memory_space<vmem>> -> memref<64x128xf32, #tpu.memory_space<vmem>>
      tpu.wait_dma2 semaphore(%run_scoped3A : memref<!tpu.dma_semaphore, #tpu.memory_space<semaphore_mem>>) src(%dma_wait3A_172 : memref<64x128xf32, #tpu.memory_space<vmem>>) dst(%dma_wait3A_169 : memref<64x128xf32, #tpu.memory_space<vmem_shared>>)
      tpu.yield
    }) : () -> ()
    %eq3A = arith.constant 15 : i32
    %eq3A_22 = arith.cmpi eq, %arg1, %eq3A : i32
    %convert_element_type3A = arith.extui %eq3A_22 : i1 to i32
    %cond3A = arith.constant 0 : i32
    %cond3A_23 = arith.cmpi ne, %convert_element_type3A, %cond3A : i32
    scf.if %cond3A_23 {
      "tpu.region"() ({
        %run_scoped3A = tpu.sem_alloc : memref<!tpu.dma_semaphore, #tpu.memory_space<semaphore_mem>>
        %dma_start3A_153 = arith.constant 0 : i32
        %dma_start3A_154 = arith.constant 0 : i32
        %dma_start3A_155 = tpu.memref_slice %arg11[%dma_start3A_153, %dma_start3A_154] : memref<80x128xf32, #tpu.memory_space<vmem>> -> memref<16x128xf32, #tpu.memory_space<vmem>>
        %dma_start3A_156 = arith.constant 9984 : i32
        %dma_start3A_157 = arith.constant 0 : i32
        %dma_start3A_158 = tpu.memref_slice %arg6[%dma_start3A_156, %dma_start3A_157] : memref<10000x128xf32, #tpu.memory_space<vmem_shared>> -> memref<16x128xf32, #tpu.memory_space<vmem_shared>>
        %dma_start3A_159 = arith.constant 9984 : i32
        %dma_start3A_160 = arith.constant 0 : i32
        %dma_start3A_161 = tpu.memref_slice %arg6[%dma_start3A_159, %dma_start3A_160] : memref<10000x128xf32, #tpu.memory_space<vmem_shared>> -> memref<16x128xf32, #tpu.memory_space<vmem_shared>>
        %dma_start3A_162 = arith.constant 0 : i32
        %dma_start3A_163 = arith.constant 0 : i32
        %dma_start3A_164 = tpu.memref_slice %arg11[%dma_start3A_162, %dma_start3A_163] : memref<80x128xf32, #tpu.memory_space<vmem>> -> memref<16x128xf32, #tpu.memory_space<vmem>>
        tpu.enqueue_dma source(%dma_start3A_164 : memref<16x128xf32, #tpu.memory_space<vmem>>) target(%dma_start3A_161 : memref<16x128xf32, #tpu.memory_space<vmem_shared>>) target_semaphore(%run_scoped3A : memref<!tpu.dma_semaphore, #tpu.memory_space<semaphore_mem>>)
        %dma_wait3A_165 = arith.constant 0 : i32
        %dma_wait3A_166 = arith.constant 0 : i32
        %dma_wait3A_167 = tpu.memref_slice %arg11[%dma_wait3A_165, %dma_wait3A_166] : memref<80x128xf32, #tpu.memory_space<vmem>> -> memref<16x128xf32, #tpu.memory_space<vmem>>
        %dma_wait3A_168 = arith.constant 9984 : i32
        %dma_wait3A_169 = arith.constant 0 : i32
        %dma_wait3A_170 = tpu.memref_slice %arg6[%dma_wait3A_168, %dma_wait3A_169] : memref<10000x128xf32, #tpu.memory_space<vmem_shared>> -> memref<16x128xf32, #tpu.memory_space<vmem_shared>>
        %dma_wait3A_171 = arith.constant 9984 : i32
        %dma_wait3A_172 = arith.constant 0 : i32
        %dma_wait3A_173 = tpu.memref_slice %arg6[%dma_wait3A_171, %dma_wait3A_172] : memref<10000x128xf32, #tpu.memory_space<vmem_shared>> -> memref<16x128xf32, #tpu.memory_space<vmem_shared>>
        %dma_wait3A_174 = arith.constant 0 : i32
        %dma_wait3A_175 = arith.constant 0 : i32
        %dma_wait3A_176 = tpu.memref_slice %arg11[%dma_wait3A_174, %dma_wait3A_175] : memref<80x128xf32, #tpu.memory_space<vmem>> -> memref<16x128xf32, #tpu.memory_space<vmem>>
        tpu.wait_dma2 semaphore(%run_scoped3A : memref<!tpu.dma_semaphore, #tpu.memory_space<semaphore_mem>>) src(%dma_wait3A_176 : memref<16x128xf32, #tpu.memory_space<vmem>>) dst(%dma_wait3A_173 : memref<16x128xf32, #tpu.memory_space<vmem_shared>>)
        tpu.yield
      }) : () -> ()
    } else {
    }
    %dma_wait3A = arith.constant 0 : i32
    %dma_wait3A_24 = arith.constant 0 : i32
    %dma_wait3A_25 = tpu.memref_slice %arg4[%add3A, %dma_wait3A, %dma_wait3A_24] : memref<32x125x80xi32, #tpu.memory_space<hbm>> -> memref<1x125x80xi32, #tpu.memory_space<hbm>>
    %dma_wait3A_26 = tpu.memref_squeeze %dma_wait3A_25 : memref<1x125x80xi32, #tpu.memory_space<hbm>> -> memref<125x80xi32, #tpu.memory_space<hbm>>
    %dma_wait3A_27 = arith.constant 0 : i32
    %dma_wait3A_28 = arith.constant 0 : i32
    %dma_wait3A_29 = tpu.memref_slice %arg4[%add3A, %dma_wait3A_27, %dma_wait3A_28] : memref<32x125x80xi32, #tpu.memory_space<hbm>> -> memref<1x125x80xi32, #tpu.memory_space<hbm>>
    %dma_wait3A_30 = tpu.memref_squeeze %dma_wait3A_29 : memref<1x125x80xi32, #tpu.memory_space<hbm>> -> memref<125x80xi32, #tpu.memory_space<hbm>>
    tpu.wait_dma2 semaphore(%arg14 : memref<!tpu.dma_semaphore, #tpu.memory_space<semaphore_mem>>) src(%dma_wait3A_30 : memref<125x80xi32, #tpu.memory_space<hbm>>) dst(%arg7 : memref<125x80xi32, #tpu.memory_space<vmem>>)
    %barrier3A = arith.constant 0 : index
    tpu.barrier barrier_id(%barrier3A)
    %dma_start3A_31 = arith.constant 0 : i32
    %dma_start3A_32 = arith.constant 0 : i32
    %dma_start3A_33 = arith.constant 0 : i32
    %dma_start3A_34 = tpu.memref_slice %arg3[%add3A, %dma_start3A_32, %dma_start3A_33] : memref<32x125x80xi32, #tpu.memory_space<hbm>> -> memref<1x125x80xi32, #tpu.memory_space<hbm>>
    %dma_start3A_35 = tpu.memref_squeeze %dma_start3A_34 : memref<1x125x80xi32, #tpu.memory_space<hbm>> -> memref<125x80xi32, #tpu.memory_space<hbm>>
    %dma_start3A_36 = arith.constant 0 : i32
    %dma_start3A_37 = tpu.memref_slice %dma_start3A_35[%dma_start3A_31, %dma_start3A_36] : memref<125x80xi32, #tpu.memory_space<hbm>> -> memref<1x80xi32, #tpu.memory_space<hbm>>
    %dma_start3A_38 = tpu.memref_squeeze %dma_start3A_37 : memref<1x80xi32, #tpu.memory_space<hbm>> -> memref<80xi32, #tpu.memory_space<hbm>>
    %dma_start3A_39 = arith.constant 0 : i32
    %dma_start3A_40 = arith.constant 0 : i32
    %dma_start3A_41 = tpu.memref_slice %arg3[%add3A, %dma_start3A_39, %dma_start3A_40] : memref<32x125x80xi32, #tpu.memory_space<hbm>> -> memref<1x125x80xi32, #tpu.memory_space<hbm>>
    %dma_start3A_42 = tpu.memref_squeeze %dma_start3A_41 : memref<1x125x80xi32, #tpu.memory_space<hbm>> -> memref<125x80xi32, #tpu.memory_space<hbm>>
    %dma_start3A_43 = arith.constant 0 : i32
    %dma_start3A_44 = tpu.memref_slice %dma_start3A_42[%dma_start3A_31, %dma_start3A_43] : memref<125x80xi32, #tpu.memory_space<hbm>> -> memref<1x80xi32, #tpu.memory_space<hbm>>
    %dma_start3A_45 = tpu.memref_squeeze %dma_start3A_44 : memref<1x80xi32, #tpu.memory_space<hbm>> -> memref<80xi32, #tpu.memory_space<hbm>>
    tpu.enqueue_dma source(%dma_start3A_45 : memref<80xi32, #tpu.memory_space<hbm>>) target(%arg8 : memref<80xi32, #tpu.memory_space<vmem>>) target_semaphore(%arg20 : memref<!tpu.dma_semaphore, #tpu.memory_space<semaphore_mem>>)
    %dma_start3A_46 = arith.constant 1 : i32
    %dma_start3A_47 = arith.constant 0 : i32
    %dma_start3A_48 = arith.constant 0 : i32
    %dma_start3A_49 = tpu.memref_slice %arg3[%add3A, %dma_start3A_47, %dma_start3A_48] : memref<32x125x80xi32, #tpu.memory_space<hbm>> -> memref<1x125x80xi32, #tpu.memory_space<hbm>>
    %dma_start3A_50 = tpu.memref_squeeze %dma_start3A_49 : memref<1x125x80xi32, #tpu.memory_space<hbm>> -> memref<125x80xi32, #tpu.memory_space<hbm>>
    %dma_start3A_51 = arith.constant 0 : i32
    %dma_start3A_52 = tpu.memref_slice %dma_start3A_50[%dma_start3A_46, %dma_start3A_51] : memref<125x80xi32, #tpu.memory_space<hbm>> -> memref<1x80xi32, #tpu.memory_space<hbm>>
    %dma_start3A_53 = tpu.memref_squeeze %dma_start3A_52 : memref<1x80xi32, #tpu.memory_space<hbm>> -> memref<80xi32, #tpu.memory_space<hbm>>
    %dma_start3A_54 = arith.constant 0 : i32
    %dma_start3A_55 = arith.constant 0 : i32
    %dma_start3A_56 = tpu.memref_slice %arg3[%add3A, %dma_start3A_54, %dma_start3A_55] : memref<32x125x80xi32, #tpu.memory_space<hbm>> -> memref<1x125x80xi32, #tpu.memory_space<hbm>>
    %dma_start3A_57 = tpu.memref_squeeze %dma_start3A_56 : memref<1x125x80xi32, #tpu.memory_space<hbm>> -> memref<125x80xi32, #tpu.memory_space<hbm>>
    %dma_start3A_58 = arith.constant 0 : i32
    %dma_start3A_59 = tpu.memref_slice %dma_start3A_57[%dma_start3A_46, %dma_start3A_58] : memref<125x80xi32, #tpu.memory_space<hbm>> -> memref<1x80xi32, #tpu.memory_space<hbm>>
    %dma_start3A_60 = tpu.memref_squeeze %dma_start3A_59 : memref<1x80xi32, #tpu.memory_space<hbm>> -> memref<80xi32, #tpu.memory_space<hbm>>
    tpu.enqueue_dma source(%dma_start3A_60 : memref<80xi32, #tpu.memory_space<hbm>>) target(%arg9 : memref<80xi32, #tpu.memory_space<vmem>>) target_semaphore(%arg21 : memref<!tpu.dma_semaphore, #tpu.memory_space<semaphore_mem>>)
    %dma_wait3A_61 = arith.constant 0 : i32
    %dma_wait3A_62 = arith.constant 0 : i32
    %dma_wait3A_63 = arith.constant 0 : i32
    %dma_wait3A_64 = tpu.memref_slice %arg3[%add3A, %dma_wait3A_62, %dma_wait3A_63] : memref<32x125x80xi32, #tpu.memory_space<hbm>> -> memref<1x125x80xi32, #tpu.memory_space<hbm>>
    %dma_wait3A_65 = tpu.memref_squeeze %dma_wait3A_64 : memref<1x125x80xi32, #tpu.memory_space<hbm>> -> memref<125x80xi32, #tpu.memory_space<hbm>>
    %dma_wait3A_66 = arith.constant 0 : i32
    %dma_wait3A_67 = tpu.memref_slice %dma_wait3A_65[%dma_wait3A_61, %dma_wait3A_66] : memref<125x80xi32, #tpu.memory_space<hbm>> -> memref<1x80xi32, #tpu.memory_space<hbm>>
    %dma_wait3A_68 = tpu.memref_squeeze %dma_wait3A_67 : memref<1x80xi32, #tpu.memory_space<hbm>> -> memref<80xi32, #tpu.memory_space<hbm>>
    %dma_wait3A_69 = arith.constant 0 : i32
    %dma_wait3A_70 = arith.constant 0 : i32
    %dma_wait3A_71 = tpu.memref_slice %arg3[%add3A, %dma_wait3A_69, %dma_wait3A_70] : memref<32x125x80xi32, #tpu.memory_space<hbm>> -> memref<1x125x80xi32, #tpu.memory_space<hbm>>
    %dma_wait3A_72 = tpu.memref_squeeze %dma_wait3A_71 : memref<1x125x80xi32, #tpu.memory_space<hbm>> -> memref<125x80xi32, #tpu.memory_space<hbm>>
    %dma_wait3A_73 = arith.constant 0 : i32
    %dma_wait3A_74 = tpu.memref_slice %dma_wait3A_72[%dma_wait3A_61, %dma_wait3A_73] : memref<125x80xi32, #tpu.memory_space<hbm>> -> memref<1x80xi32, #tpu.memory_space<hbm>>
    %dma_wait3A_75 = tpu.memref_squeeze %dma_wait3A_74 : memref<1x80xi32, #tpu.memory_space<hbm>> -> memref<80xi32, #tpu.memory_space<hbm>>
    tpu.wait_dma2 semaphore(%arg20 : memref<!tpu.dma_semaphore, #tpu.memory_space<semaphore_mem>>) src(%dma_wait3A_75 : memref<80xi32, #tpu.memory_space<hbm>>) dst(%arg8 : memref<80xi32, #tpu.memory_space<vmem>>)
    %dma_start3A_76 = arith.constant 0 : i32
    %dma_start3A_77 = arith.constant 0 : i32
    %dma_start3A_78 = tpu.memref_slice %arg2[%dma_start3A_76, %dma_start3A_77] : memref<10000x128xf32, #tpu.memory_space<hbm>> -> memref<10000x128xf32, #tpu.memory_space<hbm>>
    tpu.enqueue_indirect_dma source(%dma_start3A_78 : memref<10000x128xf32, #tpu.memory_space<hbm>>) target(%arg11 : memref<80x128xf32, #tpu.memory_space<vmem>>) offsets(%arg8 : memref<80xi32, #tpu.memory_space<vmem>>) semaphore(%arg14 : memref<!tpu.dma_semaphore, #tpu.memory_space<semaphore_mem>>)
    %dma_wait3A_79 = arith.constant 1 : i32
    %dma_wait3A_80 = arith.constant 0 : i32
    %dma_wait3A_81 = arith.constant 0 : i32
    %dma_wait3A_82 = tpu.memref_slice %arg3[%add3A, %dma_wait3A_80, %dma_wait3A_81] : memref<32x125x80xi32, #tpu.memory_space<hbm>> -> memref<1x125x80xi32, #tpu.memory_space<hbm>>
    %dma_wait3A_83 = tpu.memref_squeeze %dma_wait3A_82 : memref<1x125x80xi32, #tpu.memory_space<hbm>> -> memref<125x80xi32, #tpu.memory_space<hbm>>
    %dma_wait3A_84 = arith.constant 0 : i32
    %dma_wait3A_85 = tpu.memref_slice %dma_wait3A_83[%dma_wait3A_79, %dma_wait3A_84] : memref<125x80xi32, #tpu.memory_space<hbm>> -> memref<1x80xi32, #tpu.memory_space<hbm>>
    %dma_wait3A_86 = tpu.memref_squeeze %dma_wait3A_85 : memref<1x80xi32, #tpu.memory_space<hbm>> -> memref<80xi32, #tpu.memory_space<hbm>>
    %dma_wait3A_87 = arith.constant 0 : i32
    %dma_wait3A_88 = arith.constant 0 : i32
    %dma_wait3A_89 = tpu.memref_slice %arg3[%add3A, %dma_wait3A_87, %dma_wait3A_88] : memref<32x125x80xi32, #tpu.memory_space<hbm>> -> memref<1x125x80xi32, #tpu.memory_space<hbm>>
    %dma_wait3A_90 = tpu.memref_squeeze %dma_wait3A_89 : memref<1x125x80xi32, #tpu.memory_space<hbm>> -> memref<125x80xi32, #tpu.memory_space<hbm>>
    %dma_wait3A_91 = arith.constant 0 : i32
    %dma_wait3A_92 = tpu.memref_slice %dma_wait3A_90[%dma_wait3A_79, %dma_wait3A_91] : memref<125x80xi32, #tpu.memory_space<hbm>> -> memref<1x80xi32, #tpu.memory_space<hbm>>
    %dma_wait3A_93 = tpu.memref_squeeze %dma_wait3A_92 : memref<1x80xi32, #tpu.memory_space<hbm>> -> memref<80xi32, #tpu.memory_space<hbm>>
    tpu.wait_dma2 semaphore(%arg21 : memref<!tpu.dma_semaphore, #tpu.memory_space<semaphore_mem>>) src(%dma_wait3A_93 : memref<80xi32, #tpu.memory_space<hbm>>) dst(%arg9 : memref<80xi32, #tpu.memory_space<vmem>>)
    %dma_start3A_94 = arith.constant 0 : i32
    %dma_start3A_95 = arith.constant 0 : i32
    %dma_start3A_96 = tpu.memref_slice %arg2[%dma_start3A_94, %dma_start3A_95] : memref<10000x128xf32, #tpu.memory_space<hbm>> -> memref<10000x128xf32, #tpu.memory_space<hbm>>
    tpu.enqueue_indirect_dma source(%dma_start3A_96 : memref<10000x128xf32, #tpu.memory_space<hbm>>) target(%arg12 : memref<80x128xf32, #tpu.memory_space<vmem>>) offsets(%arg9 : memref<80xi32, #tpu.memory_space<vmem>>) semaphore(%arg15 : memref<!tpu.dma_semaphore, #tpu.memory_space<semaphore_mem>>)
    %scan3A_97 = arith.constant 0 : i32
    %scan3A_98 = arith.constant 41 : i32
    %scan3A_99 = arith.addi %scan3A_97, %scan3A_98 : i32
    %scan3A_100 = arith.constant 1 : i32
    scf.for %scan3A_153 = %scan3A_97 to %scan3A_99 step %scan3A_100  : i32 {
      %mul3A_154 = arith.constant 1 : i32
      %mul3A_155 = arith.muli %scan3A_153, %mul3A_154 : i32
      %add3A_156 = arith.constant 0 : i32
      %add3A_157 = arith.addi %add3A_156, %mul3A_155 : i32
      %mul3A_158 = arith.constant 3 : i32
      %mul3A_159 = arith.muli %mul3A_158, %add3A_157 : i32
      %add3A_160 = arith.constant 0 : i32
      %add3A_161 = arith.addi %mul3A_159, %add3A_160 : i32
      %add3A_162 = arith.constant 2 : i32
      %add3A_163 = arith.addi %add3A_161, %add3A_162 : i32
      %dma_start3A_164 = arith.constant 0 : i32
      %dma_start3A_165 = arith.constant 0 : i32
      %dma_start3A_166 = tpu.memref_slice %arg3[%add3A, %dma_start3A_164, %dma_start3A_165] : memref<32x125x80xi32, #tpu.memory_space<hbm>> -> memref<1x125x80xi32, #tpu.memory_space<hbm>>
      %dma_start3A_167 = tpu.memref_squeeze %dma_start3A_166 : memref<1x125x80xi32, #tpu.memory_space<hbm>> -> memref<125x80xi32, #tpu.memory_space<hbm>>
      %dma_start3A_168 = arith.constant 0 : i32
      %dma_start3A_169 = tpu.memref_slice %dma_start3A_167[%add3A_163, %dma_start3A_168] : memref<125x80xi32, #tpu.memory_space<hbm>> -> memref<1x80xi32, #tpu.memory_space<hbm>>
      %dma_start3A_170 = tpu.memref_squeeze %dma_start3A_169 : memref<1x80xi32, #tpu.memory_space<hbm>> -> memref<80xi32, #tpu.memory_space<hbm>>
      %dma_start3A_171 = arith.constant 0 : i32
      %dma_start3A_172 = arith.constant 0 : i32
      %dma_start3A_173 = tpu.memref_slice %arg3[%add3A, %dma_start3A_171, %dma_start3A_172] : memref<32x125x80xi32, #tpu.memory_space<hbm>> -> memref<1x125x80xi32, #tpu.memory_space<hbm>>
      %dma_start3A_174 = tpu.memref_squeeze %dma_start3A_173 : memref<1x125x80xi32, #tpu.memory_space<hbm>> -> memref<125x80xi32, #tpu.memory_space<hbm>>
      %dma_start3A_175 = arith.constant 0 : i32
      %dma_start3A_176 = tpu.memref_slice %dma_start3A_174[%add3A_163, %dma_start3A_175] : memref<125x80xi32, #tpu.memory_space<hbm>> -> memref<1x80xi32, #tpu.memory_space<hbm>>
      %dma_start3A_177 = tpu.memref_squeeze %dma_start3A_176 : memref<1x80xi32, #tpu.memory_space<hbm>> -> memref<80xi32, #tpu.memory_space<hbm>>
      tpu.enqueue_dma source(%dma_start3A_177 : memref<80xi32, #tpu.memory_space<hbm>>) target(%arg10 : memref<80xi32, #tpu.memory_space<vmem>>) target_semaphore(%arg22 : memref<!tpu.dma_semaphore, #tpu.memory_space<semaphore_mem>>)
      %dma_wait3A_178 = arith.constant 0 : i32
      %dma_wait3A_179 = arith.constant 0 : i32
      %dma_wait3A_180 = tpu.memref_slice %arg2[%dma_wait3A_178, %dma_wait3A_179] : memref<10000x128xf32, #tpu.memory_space<hbm>> -> memref<10000x128xf32, #tpu.memory_space<hbm>>
      tpu.wait_indirect_dma semaphore(%arg14 : memref<!tpu.dma_semaphore, #tpu.memory_space<semaphore_mem>>) src(%dma_wait3A_180 : memref<10000x128xf32, #tpu.memory_space<hbm>>) dst(%arg11 : memref<80x128xf32, #tpu.memory_space<vmem>>)
      %dma_start3A_181 = arith.constant 0 : i32
      %dma_start3A_182 = tpu.memref_slice %arg7[%add3A_161, %dma_start3A_181] : memref<125x80xi32, #tpu.memory_space<vmem>> -> memref<1x80xi32, #tpu.memory_space<vmem>>
      %dma_start3A_183 = tpu.memref_squeeze %dma_start3A_182 : memref<1x80xi32, #tpu.memory_space<vmem>> -> memref<80xi32, #tpu.memory_space<vmem>>
      %dma_start3A_184 = arith.constant 0 : i32
      %dma_start3A_185 = arith.constant 0 : i32
      %dma_start3A_186 = tpu.memref_slice %arg6[%dma_start3A_184, %dma_start3A_185] : memref<10000x128xf32, #tpu.memory_space<vmem_shared>> -> memref<10000x128xf32, #tpu.memory_space<vmem_shared>>
      tpu.enqueue_indirect_dma source(%arg11 : memref<80x128xf32, #tpu.memory_space<vmem>>) target(%dma_start3A_186 : memref<10000x128xf32, #tpu.memory_space<vmem_shared>>) offsets(%dma_start3A_183 : memref<80xi32, #tpu.memory_space<vmem>>) semaphore(%arg17 : memref<!tpu.dma_semaphore, #tpu.memory_space<semaphore_mem>>) {add = true}
      %ge3A = arith.constant 1 : i32
      %ge3A_187 = arith.cmpi sge, %add3A_161, %ge3A : i32
      %convert_element_type3A_188 = arith.extui %ge3A_187 : i1 to i32
      %cond3A_189 = arith.constant 0 : i32
      %cond3A_190 = arith.cmpi ne, %convert_element_type3A_188, %cond3A_189 : i32
      scf.if %cond3A_190 {
        %sub3A_312 = arith.constant 1 : i32
        %sub3A_313 = arith.subi %add3A_161, %sub3A_312 : i32
        %dma_wait3A_314 = arith.constant 0 : i32
        %dma_wait3A_315 = tpu.memref_slice %arg7[%sub3A_313, %dma_wait3A_314] : memref<125x80xi32, #tpu.memory_space<vmem>> -> memref<1x80xi32, #tpu.memory_space<vmem>>
        %dma_wait3A_316 = tpu.memref_squeeze %dma_wait3A_315 : memref<1x80xi32, #tpu.memory_space<vmem>> -> memref<80xi32, #tpu.memory_space<vmem>>
        %dma_wait3A_317 = arith.constant 0 : i32
        %dma_wait3A_318 = arith.constant 0 : i32
        %dma_wait3A_319 = tpu.memref_slice %arg6[%dma_wait3A_317, %dma_wait3A_318] : memref<10000x128xf32, #tpu.memory_space<vmem_shared>> -> memref<10000x128xf32, #tpu.memory_space<vmem_shared>>
        tpu.wait_indirect_dma semaphore(%arg19 : memref<!tpu.dma_semaphore, #tpu.memory_space<semaphore_mem>>) src(%arg13 : memref<80x128xf32, #tpu.memory_space<vmem>>) dst(%dma_wait3A_319 : memref<10000x128xf32, #tpu.memory_space<vmem_shared>>)
      } else {
      }
      %add3A_191 = arith.constant 2 : i32
      %add3A_192 = arith.addi %add3A_161, %add3A_191 : i32
      %dma_wait3A_193 = arith.constant 0 : i32
      %dma_wait3A_194 = arith.constant 0 : i32
      %dma_wait3A_195 = tpu.memref_slice %arg3[%add3A, %dma_wait3A_193, %dma_wait3A_194] : memref<32x125x80xi32, #tpu.memory_space<hbm>> -> memref<1x125x80xi32, #tpu.memory_space<hbm>>
      %dma_wait3A_196 = tpu.memref_squeeze %dma_wait3A_195 : memref<1x125x80xi32, #tpu.memory_space<hbm>> -> memref<125x80xi32, #tpu.memory_space<hbm>>
      %dma_wait3A_197 = arith.constant 0 : i32
      %dma_wait3A_198 = tpu.memref_slice %dma_wait3A_196[%add3A_192, %dma_wait3A_197] : memref<125x80xi32, #tpu.memory_space<hbm>> -> memref<1x80xi32, #tpu.memory_space<hbm>>
      %dma_wait3A_199 = tpu.memref_squeeze %dma_wait3A_198 : memref<1x80xi32, #tpu.memory_space<hbm>> -> memref<80xi32, #tpu.memory_space<hbm>>
      %dma_wait3A_200 = arith.constant 0 : i32
      %dma_wait3A_201 = arith.constant 0 : i32
      %dma_wait3A_202 = tpu.memref_slice %arg3[%add3A, %dma_wait3A_200, %dma_wait3A_201] : memref<32x125x80xi32, #tpu.memory_space<hbm>> -> memref<1x125x80xi32, #tpu.memory_space<hbm>>
      %dma_wait3A_203 = tpu.memref_squeeze %dma_wait3A_202 : memref<1x125x80xi32, #tpu.memory_space<hbm>> -> memref<125x80xi32, #tpu.memory_space<hbm>>
      %dma_wait3A_204 = arith.constant 0 : i32
      %dma_wait3A_205 = tpu.memref_slice %dma_wait3A_203[%add3A_192, %dma_wait3A_204] : memref<125x80xi32, #tpu.memory_space<hbm>> -> memref<1x80xi32, #tpu.memory_space<hbm>>
      %dma_wait3A_206 = tpu.memref_squeeze %dma_wait3A_205 : memref<1x80xi32, #tpu.memory_space<hbm>> -> memref<80xi32, #tpu.memory_space<hbm>>
      tpu.wait_dma2 semaphore(%arg22 : memref<!tpu.dma_semaphore, #tpu.memory_space<semaphore_mem>>) src(%dma_wait3A_206 : memref<80xi32, #tpu.memory_space<hbm>>) dst(%arg10 : memref<80xi32, #tpu.memory_space<vmem>>)
      %dma_start3A_207 = arith.constant 0 : i32
      %dma_start3A_208 = arith.constant 0 : i32
      %dma_start3A_209 = tpu.memref_slice %arg2[%dma_start3A_207, %dma_start3A_208] : memref<10000x128xf32, #tpu.memory_space<hbm>> -> memref<10000x128xf32, #tpu.memory_space<hbm>>
      tpu.enqueue_indirect_dma source(%dma_start3A_209 : memref<10000x128xf32, #tpu.memory_space<hbm>>) target(%arg13 : memref<80x128xf32, #tpu.memory_space<vmem>>) offsets(%arg10 : memref<80xi32, #tpu.memory_space<vmem>>) semaphore(%arg16 : memref<!tpu.dma_semaphore, #tpu.memory_space<semaphore_mem>>)
      %add3A_210 = arith.constant 1 : i32
      %add3A_211 = arith.addi %mul3A_159, %add3A_210 : i32
      %add3A_212 = arith.constant 2 : i32
      %add3A_213 = arith.addi %add3A_211, %add3A_212 : i32
      %dma_start3A_214 = arith.constant 0 : i32
      %dma_start3A_215 = arith.constant 0 : i32
      %dma_start3A_216 = tpu.memref_slice %arg3[%add3A, %dma_start3A_214, %dma_start3A_215] : memref<32x125x80xi32, #tpu.memory_space<hbm>> -> memref<1x125x80xi32, #tpu.memory_space<hbm>>
      %dma_start3A_217 = tpu.memref_squeeze %dma_start3A_216 : memref<1x125x80xi32, #tpu.memory_space<hbm>> -> memref<125x80xi32, #tpu.memory_space<hbm>>
      %dma_start3A_218 = arith.constant 0 : i32
      %dma_start3A_219 = tpu.memref_slice %dma_start3A_217[%add3A_213, %dma_start3A_218] : memref<125x80xi32, #tpu.memory_space<hbm>> -> memref<1x80xi32, #tpu.memory_space<hbm>>
      %dma_start3A_220 = tpu.memref_squeeze %dma_start3A_219 : memref<1x80xi32, #tpu.memory_space<hbm>> -> memref<80xi32, #tpu.memory_space<hbm>>
      %dma_start3A_221 = arith.constant 0 : i32
      %dma_start3A_222 = arith.constant 0 : i32
      %dma_start3A_223 = tpu.memref_slice %arg3[%add3A, %dma_start3A_221, %dma_start3A_222] : memref<32x125x80xi32, #tpu.memory_space<hbm>> -> memref<1x125x80xi32, #tpu.memory_space<hbm>>
      %dma_start3A_224 = tpu.memref_squeeze %dma_start3A_223 : memref<1x125x80xi32, #tpu.memory_space<hbm>> -> memref<125x80xi32, #tpu.memory_space<hbm>>
      %dma_start3A_225 = arith.constant 0 : i32
      %dma_start3A_226 = tpu.memref_slice %dma_start3A_224[%add3A_213, %dma_start3A_225] : memref<125x80xi32, #tpu.memory_space<hbm>> -> memref<1x80xi32, #tpu.memory_space<hbm>>
      %dma_start3A_227 = tpu.memref_squeeze %dma_start3A_226 : memref<1x80xi32, #tpu.memory_space<hbm>> -> memref<80xi32, #tpu.memory_space<hbm>>
      tpu.enqueue_dma source(%dma_start3A_227 : memref<80xi32, #tpu.memory_space<hbm>>) target(%arg8 : memref<80xi32, #tpu.memory_space<vmem>>) target_semaphore(%arg20 : memref<!tpu.dma_semaphore, #tpu.memory_space<semaphore_mem>>)
      %dma_wait3A_228 = arith.constant 0 : i32
      %dma_wait3A_229 = arith.constant 0 : i32
      %dma_wait3A_230 = tpu.memref_slice %arg2[%dma_wait3A_228, %dma_wait3A_229] : memref<10000x128xf32, #tpu.memory_space<hbm>> -> memref<10000x128xf32, #tpu.memory_space<hbm>>
      tpu.wait_indirect_dma semaphore(%arg15 : memref<!tpu.dma_semaphore, #tpu.memory_space<semaphore_mem>>) src(%dma_wait3A_230 : memref<10000x128xf32, #tpu.memory_space<hbm>>) dst(%arg12 : memref<80x128xf32, #tpu.memory_space<vmem>>)
      %dma_start3A_231 = arith.constant 0 : i32
      %dma_start3A_232 = tpu.memref_slice %arg7[%add3A_211, %dma_start3A_231] : memref<125x80xi32, #tpu.memory_space<vmem>> -> memref<1x80xi32, #tpu.memory_space<vmem>>
      %dma_start3A_233 = tpu.memref_squeeze %dma_start3A_232 : memref<1x80xi32, #tpu.memory_space<vmem>> -> memref<80xi32, #tpu.memory_space<vmem>>
      %dma_start3A_234 = arith.constant 0 : i32
      %dma_start3A_235 = arith.constant 0 : i32
      %dma_start3A_236 = tpu.memref_slice %arg6[%dma_start3A_234, %dma_start3A_235] : memref<10000x128xf32, #tpu.memory_space<vmem_shared>> -> memref<10000x128xf32, #tpu.memory_space<vmem_shared>>
      tpu.enqueue_indirect_dma source(%arg12 : memref<80x128xf32, #tpu.memory_space<vmem>>) target(%dma_start3A_236 : memref<10000x128xf32, #tpu.memory_space<vmem_shared>>) offsets(%dma_start3A_233 : memref<80xi32, #tpu.memory_space<vmem>>) semaphore(%arg18 : memref<!tpu.dma_semaphore, #tpu.memory_space<semaphore_mem>>) {add = true}
      %ge3A_237 = arith.constant 1 : i32
      %ge3A_238 = arith.cmpi sge, %add3A_211, %ge3A_237 : i32
      %convert_element_type3A_239 = arith.extui %ge3A_238 : i1 to i32
      %cond3A_240 = arith.constant 0 : i32
      %cond3A_241 = arith.cmpi ne, %convert_element_type3A_239, %cond3A_240 : i32
      scf.if %cond3A_241 {
        %sub3A_312 = arith.constant 1 : i32
        %sub3A_313 = arith.subi %add3A_211, %sub3A_312 : i32
        %dma_wait3A_314 = arith.constant 0 : i32
        %dma_wait3A_315 = tpu.memref_slice %arg7[%sub3A_313, %dma_wait3A_314] : memref<125x80xi32, #tpu.memory_space<vmem>> -> memref<1x80xi32, #tpu.memory_space<vmem>>
        %dma_wait3A_316 = tpu.memref_squeeze %dma_wait3A_315 : memref<1x80xi32, #tpu.memory_space<vmem>> -> memref<80xi32, #tpu.memory_space<vmem>>
        %dma_wait3A_317 = arith.constant 0 : i32
        %dma_wait3A_318 = arith.constant 0 : i32
        %dma_wait3A_319 = tpu.memref_slice %arg6[%dma_wait3A_317, %dma_wait3A_318] : memref<10000x128xf32, #tpu.memory_space<vmem_shared>> -> memref<10000x128xf32, #tpu.memory_space<vmem_shared>>
        tpu.wait_indirect_dma semaphore(%arg17 : memref<!tpu.dma_semaphore, #tpu.memory_space<semaphore_mem>>) src(%arg11 : memref<80x128xf32, #tpu.memory_space<vmem>>) dst(%dma_wait3A_319 : memref<10000x128xf32, #tpu.memory_space<vmem_shared>>)
      } else {
      }
      %add3A_242 = arith.constant 2 : i32
      %add3A_243 = arith.addi %add3A_211, %add3A_242 : i32
      %dma_wait3A_244 = arith.constant 0 : i32
      %dma_wait3A_245 = arith.constant 0 : i32
      %dma_wait3A_246 = tpu.memref_slice %arg3[%add3A, %dma_wait3A_244, %dma_wait3A_245] : memref<32x125x80xi32, #tpu.memory_space<hbm>> -> memref<1x125x80xi32, #tpu.memory_space<hbm>>
      %dma_wait3A_247 = tpu.memref_squeeze %dma_wait3A_246 : memref<1x125x80xi32, #tpu.memory_space<hbm>> -> memref<125x80xi32, #tpu.memory_space<hbm>>
      %dma_wait3A_248 = arith.constant 0 : i32
      %dma_wait3A_249 = tpu.memref_slice %dma_wait3A_247[%add3A_243, %dma_wait3A_248] : memref<125x80xi32, #tpu.memory_space<hbm>> -> memref<1x80xi32, #tpu.memory_space<hbm>>
      %dma_wait3A_250 = tpu.memref_squeeze %dma_wait3A_249 : memref<1x80xi32, #tpu.memory_space<hbm>> -> memref<80xi32, #tpu.memory_space<hbm>>
      %dma_wait3A_251 = arith.constant 0 : i32
      %dma_wait3A_252 = arith.constant 0 : i32
      %dma_wait3A_253 = tpu.memref_slice %arg3[%add3A, %dma_wait3A_251, %dma_wait3A_252] : memref<32x125x80xi32, #tpu.memory_space<hbm>> -> memref<1x125x80xi32, #tpu.memory_space<hbm>>
      %dma_wait3A_254 = tpu.memref_squeeze %dma_wait3A_253 : memref<1x125x80xi32, #tpu.memory_space<hbm>> -> memref<125x80xi32, #tpu.memory_space<hbm>>
      %dma_wait3A_255 = arith.constant 0 : i32
      %dma_wait3A_256 = tpu.memref_slice %dma_wait3A_254[%add3A_243, %dma_wait3A_255] : memref<125x80xi32, #tpu.memory_space<hbm>> -> memref<1x80xi32, #tpu.memory_space<hbm>>
      %dma_wait3A_257 = tpu.memref_squeeze %dma_wait3A_256 : memref<1x80xi32, #tpu.memory_space<hbm>> -> memref<80xi32, #tpu.memory_space<hbm>>
      tpu.wait_dma2 semaphore(%arg20 : memref<!tpu.dma_semaphore, #tpu.memory_space<semaphore_mem>>) src(%dma_wait3A_257 : memref<80xi32, #tpu.memory_space<hbm>>) dst(%arg8 : memref<80xi32, #tpu.memory_space<vmem>>)
      %dma_start3A_258 = arith.constant 0 : i32
      %dma_start3A_259 = arith.constant 0 : i32
      %dma_start3A_260 = tpu.memref_slice %arg2[%dma_start3A_258, %dma_start3A_259] : memref<10000x128xf32, #tpu.memory_space<hbm>> -> memref<10000x128xf32, #tpu.memory_space<hbm>>
      tpu.enqueue_indirect_dma source(%dma_start3A_260 : memref<10000x128xf32, #tpu.memory_space<hbm>>) target(%arg11 : memref<80x128xf32, #tpu.memory_space<vmem>>) offsets(%arg8 : memref<80xi32, #tpu.memory_space<vmem>>) semaphore(%arg14 : memref<!tpu.dma_semaphore, #tpu.memory_space<semaphore_mem>>)
      %add3A_261 = arith.constant 2 : i32
      %add3A_262 = arith.addi %mul3A_159, %add3A_261 : i32
      %add3A_263 = arith.constant 2 : i32
      %add3A_264 = arith.addi %add3A_262, %add3A_263 : i32
      %dma_start3A_265 = arith.constant 0 : i32
      %dma_start3A_266 = arith.constant 0 : i32
      %dma_start3A_267 = tpu.memref_slice %arg3[%add3A, %dma_start3A_265, %dma_start3A_266] : memref<32x125x80xi32, #tpu.memory_space<hbm>> -> memref<1x125x80xi32, #tpu.memory_space<hbm>>
      %dma_start3A_268 = tpu.memref_squeeze %dma_start3A_267 : memref<1x125x80xi32, #tpu.memory_space<hbm>> -> memref<125x80xi32, #tpu.memory_space<hbm>>
      %dma_start3A_269 = arith.constant 0 : i32
      %dma_start3A_270 = tpu.memref_slice %dma_start3A_268[%add3A_264, %dma_start3A_269] : memref<125x80xi32, #tpu.memory_space<hbm>> -> memref<1x80xi32, #tpu.memory_space<hbm>>
      %dma_start3A_271 = tpu.memref_squeeze %dma_start3A_270 : memref<1x80xi32, #tpu.memory_space<hbm>> -> memref<80xi32, #tpu.memory_space<hbm>>
      %dma_start3A_272 = arith.constant 0 : i32
      %dma_start3A_273 = arith.constant 0 : i32
      %dma_start3A_274 = tpu.memref_slice %arg3[%add3A, %dma_start3A_272, %dma_start3A_273] : memref<32x125x80xi32, #tpu.memory_space<hbm>> -> memref<1x125x80xi32, #tpu.memory_space<hbm>>
      %dma_start3A_275 = tpu.memref_squeeze %dma_start3A_274 : memref<1x125x80xi32, #tpu.memory_space<hbm>> -> memref<125x80xi32, #tpu.memory_space<hbm>>
      %dma_start3A_276 = arith.constant 0 : i32
      %dma_start3A_277 = tpu.memref_slice %dma_start3A_275[%add3A_264, %dma_start3A_276] : memref<125x80xi32, #tpu.memory_space<hbm>> -> memref<1x80xi32, #tpu.memory_space<hbm>>
      %dma_start3A_278 = tpu.memref_squeeze %dma_start3A_277 : memref<1x80xi32, #tpu.memory_space<hbm>> -> memref<80xi32, #tpu.memory_space<hbm>>
      tpu.enqueue_dma source(%dma_start3A_278 : memref<80xi32, #tpu.memory_space<hbm>>) target(%arg9 : memref<80xi32, #tpu.memory_space<vmem>>) target_semaphore(%arg21 : memref<!tpu.dma_semaphore, #tpu.memory_space<semaphore_mem>>)
      %dma_wait3A_279 = arith.constant 0 : i32
      %dma_wait3A_280 = arith.constant 0 : i32
      %dma_wait3A_281 = tpu.memref_slice %arg2[%dma_wait3A_279, %dma_wait3A_280] : memref<10000x128xf32, #tpu.memory_space<hbm>> -> memref<10000x128xf32, #tpu.memory_space<hbm>>
      tpu.wait_indirect_dma semaphore(%arg16 : memref<!tpu.dma_semaphore, #tpu.memory_space<semaphore_mem>>) src(%dma_wait3A_281 : memref<10000x128xf32, #tpu.memory_space<hbm>>) dst(%arg13 : memref<80x128xf32, #tpu.memory_space<vmem>>)
      %dma_start3A_282 = arith.constant 0 : i32
      %dma_start3A_283 = tpu.memref_slice %arg7[%add3A_262, %dma_start3A_282] : memref<125x80xi32, #tpu.memory_space<vmem>> -> memref<1x80xi32, #tpu.memory_space<vmem>>
      %dma_start3A_284 = tpu.memref_squeeze %dma_start3A_283 : memref<1x80xi32, #tpu.memory_space<vmem>> -> memref<80xi32, #tpu.memory_space<vmem>>
      %dma_start3A_285 = arith.constant 0 : i32
      %dma_start3A_286 = arith.constant 0 : i32
      %dma_start3A_287 = tpu.memref_slice %arg6[%dma_start3A_285, %dma_start3A_286] : memref<10000x128xf32, #tpu.memory_space<vmem_shared>> -> memref<10000x128xf32, #tpu.memory_space<vmem_shared>>
      tpu.enqueue_indirect_dma source(%arg13 : memref<80x128xf32, #tpu.memory_space<vmem>>) target(%dma_start3A_287 : memref<10000x128xf32, #tpu.memory_space<vmem_shared>>) offsets(%dma_start3A_284 : memref<80xi32, #tpu.memory_space<vmem>>) semaphore(%arg19 : memref<!tpu.dma_semaphore, #tpu.memory_space<semaphore_mem>>) {add = true}
      %ge3A_288 = arith.constant 1 : i32
      %ge3A_289 = arith.cmpi sge, %add3A_262, %ge3A_288 : i32
      %convert_element_type3A_290 = arith.extui %ge3A_289 : i1 to i32
      %cond3A_291 = arith.constant 0 : i32
      %cond3A_292 = arith.cmpi ne, %convert_element_type3A_290, %cond3A_291 : i32
      scf.if %cond3A_292 {
        %sub3A_312 = arith.constant 1 : i32
        %sub3A_313 = arith.subi %add3A_262, %sub3A_312 : i32
        %dma_wait3A_314 = arith.constant 0 : i32
        %dma_wait3A_315 = tpu.memref_slice %arg7[%sub3A_313, %dma_wait3A_314] : memref<125x80xi32, #tpu.memory_space<vmem>> -> memref<1x80xi32, #tpu.memory_space<vmem>>
        %dma_wait3A_316 = tpu.memref_squeeze %dma_wait3A_315 : memref<1x80xi32, #tpu.memory_space<vmem>> -> memref<80xi32, #tpu.memory_space<vmem>>
        %dma_wait3A_317 = arith.constant 0 : i32
        %dma_wait3A_318 = arith.constant 0 : i32
        %dma_wait3A_319 = tpu.memref_slice %arg6[%dma_wait3A_317, %dma_wait3A_318] : memref<10000x128xf32, #tpu.memory_space<vmem_shared>> -> memref<10000x128xf32, #tpu.memory_space<vmem_shared>>
        tpu.wait_indirect_dma semaphore(%arg18 : memref<!tpu.dma_semaphore, #tpu.memory_space<semaphore_mem>>) src(%arg12 : memref<80x128xf32, #tpu.memory_space<vmem>>) dst(%dma_wait3A_319 : memref<10000x128xf32, #tpu.memory_space<vmem_shared>>)
      } else {
      }
      %add3A_293 = arith.constant 2 : i32
      %add3A_294 = arith.addi %add3A_262, %add3A_293 : i32
      %dma_wait3A_295 = arith.constant 0 : i32
      %dma_wait3A_296 = arith.constant 0 : i32
      %dma_wait3A_297 = tpu.memref_slice %arg3[%add3A, %dma_wait3A_295, %dma_wait3A_296] : memref<32x125x80xi32, #tpu.memory_space<hbm>> -> memref<1x125x80xi32, #tpu.memory_space<hbm>>
      %dma_wait3A_298 = tpu.memref_squeeze %dma_wait3A_297 : memref<1x125x80xi32, #tpu.memory_space<hbm>> -> memref<125x80xi32, #tpu.memory_space<hbm>>
      %dma_wait3A_299 = arith.constant 0 : i32
      %dma_wait3A_300 = tpu.memref_slice %dma_wait3A_298[%add3A_294, %dma_wait3A_299] : memref<125x80xi32, #tpu.memory_space<hbm>> -> memref<1x80xi32, #tpu.memory_space<hbm>>
      %dma_wait3A_301 = tpu.memref_squeeze %dma_wait3A_300 : memref<1x80xi32, #tpu.memory_space<hbm>> -> memref<80xi32, #tpu.memory_space<hbm>>
      %dma_wait3A_302 = arith.constant 0 : i32
      %dma_wait3A_303 = arith.constant 0 : i32
      %dma_wait3A_304 = tpu.memref_slice %arg3[%add3A, %dma_wait3A_302, %dma_wait3A_303] : memref<32x125x80xi32, #tpu.memory_space<hbm>> -> memref<1x125x80xi32, #tpu.memory_space<hbm>>
      %dma_wait3A_305 = tpu.memref_squeeze %dma_wait3A_304 : memref<1x125x80xi32, #tpu.memory_space<hbm>> -> memref<125x80xi32, #tpu.memory_space<hbm>>
      %dma_wait3A_306 = arith.constant 0 : i32
      %dma_wait3A_307 = tpu.memref_slice %dma_wait3A_305[%add3A_294, %dma_wait3A_306] : memref<125x80xi32, #tpu.memory_space<hbm>> -> memref<1x80xi32, #tpu.memory_space<hbm>>
      %dma_wait3A_308 = tpu.memref_squeeze %dma_wait3A_307 : memref<1x80xi32, #tpu.memory_space<hbm>> -> memref<80xi32, #tpu.memory_space<hbm>>
      tpu.wait_dma2 semaphore(%arg21 : memref<!tpu.dma_semaphore, #tpu.memory_space<semaphore_mem>>) src(%dma_wait3A_308 : memref<80xi32, #tpu.memory_space<hbm>>) dst(%arg9 : memref<80xi32, #tpu.memory_space<vmem>>)
      %dma_start3A_309 = arith.constant 0 : i32
      %dma_start3A_310 = arith.constant 0 : i32
      %dma_start3A_311 = tpu.memref_slice %arg2[%dma_start3A_309, %dma_start3A_310] : memref<10000x128xf32, #tpu.memory_space<hbm>> -> memref<10000x128xf32, #tpu.memory_space<hbm>>
      tpu.enqueue_indirect_dma source(%dma_start3A_311 : memref<10000x128xf32, #tpu.memory_space<hbm>>) target(%arg12 : memref<80x128xf32, #tpu.memory_space<vmem>>) offsets(%arg9 : memref<80xi32, #tpu.memory_space<vmem>>) semaphore(%arg15 : memref<!tpu.dma_semaphore, #tpu.memory_space<semaphore_mem>>)
    }
    %scan3A_101 = arith.constant 41 : i32
    %dma_wait3A_102 = arith.constant 0 : i32
    %dma_wait3A_103 = arith.constant 0 : i32
    %dma_wait3A_104 = tpu.memref_slice %arg2[%dma_wait3A_102, %dma_wait3A_103] : memref<10000x128xf32, #tpu.memory_space<hbm>> -> memref<10000x128xf32, #tpu.memory_space<hbm>>
    tpu.wait_indirect_dma semaphore(%arg14 : memref<!tpu.dma_semaphore, #tpu.memory_space<semaphore_mem>>) src(%dma_wait3A_104 : memref<10000x128xf32, #tpu.memory_space<hbm>>) dst(%arg11 : memref<80x128xf32, #tpu.memory_space<vmem>>)
    %dma_start3A_105 = arith.constant 123 : i32
    %dma_start3A_106 = arith.constant 0 : i32
    %dma_start3A_107 = tpu.memref_slice %arg7[%dma_start3A_105, %dma_start3A_106] : memref<125x80xi32, #tpu.memory_space<vmem>> -> memref<1x80xi32, #tpu.memory_space<vmem>>
    %dma_start3A_108 = tpu.memref_squeeze %dma_start3A_107 : memref<1x80xi32, #tpu.memory_space<vmem>> -> memref<80xi32, #tpu.memory_space<vmem>>
    %dma_start3A_109 = arith.constant 0 : i32
    %dma_start3A_110 = arith.constant 0 : i32
    %dma_start3A_111 = tpu.memref_slice %arg6[%dma_start3A_109, %dma_start3A_110] : memref<10000x128xf32, #tpu.memory_space<vmem_shared>> -> memref<10000x128xf32, #tpu.memory_space<vmem_shared>>
    tpu.enqueue_indirect_dma source(%arg11 : memref<80x128xf32, #tpu.memory_space<vmem>>) target(%dma_start3A_111 : memref<10000x128xf32, #tpu.memory_space<vmem_shared>>) offsets(%dma_start3A_108 : memref<80xi32, #tpu.memory_space<vmem>>) semaphore(%arg17 : memref<!tpu.dma_semaphore, #tpu.memory_space<semaphore_mem>>) {add = true}
    %dma_wait3A_112 = arith.constant 0 : i32
    %dma_wait3A_113 = arith.constant 0 : i32
    %dma_wait3A_114 = tpu.memref_slice %arg2[%dma_wait3A_112, %dma_wait3A_113] : memref<10000x128xf32, #tpu.memory_space<hbm>> -> memref<10000x128xf32, #tpu.memory_space<hbm>>
    tpu.wait_indirect_dma semaphore(%arg15 : memref<!tpu.dma_semaphore, #tpu.memory_space<semaphore_mem>>) src(%dma_wait3A_114 : memref<10000x128xf32, #tpu.memory_space<hbm>>) dst(%arg12 : memref<80x128xf32, #tpu.memory_space<vmem>>)
    %dma_start3A_115 = arith.constant 124 : i32
    %dma_start3A_116 = arith.constant 0 : i32
    %dma_start3A_117 = tpu.memref_slice %arg7[%dma_start3A_115, %dma_start3A_116] : memref<125x80xi32, #tpu.memory_space<vmem>> -> memref<1x80xi32, #tpu.memory_space<vmem>>
    %dma_start3A_118 = tpu.memref_squeeze %dma_start3A_117 : memref<1x80xi32, #tpu.memory_space<vmem>> -> memref<80xi32, #tpu.memory_space<vmem>>
    %dma_start3A_119 = arith.constant 0 : i32
    %dma_start3A_120 = arith.constant 0 : i32
    %dma_start3A_121 = tpu.memref_slice %arg6[%dma_start3A_119, %dma_start3A_120] : memref<10000x128xf32, #tpu.memory_space<vmem_shared>> -> memref<10000x128xf32, #tpu.memory_space<vmem_shared>>
    tpu.enqueue_indirect_dma source(%arg12 : memref<80x128xf32, #tpu.memory_space<vmem>>) target(%dma_start3A_121 : memref<10000x128xf32, #tpu.memory_space<vmem_shared>>) offsets(%dma_start3A_118 : memref<80xi32, #tpu.memory_space<vmem>>) semaphore(%arg18 : memref<!tpu.dma_semaphore, #tpu.memory_space<semaphore_mem>>) {add = true}
    %dma_wait3A_122 = arith.constant 122 : i32
    %dma_wait3A_123 = arith.constant 0 : i32
    %dma_wait3A_124 = tpu.memref_slice %arg7[%dma_wait3A_122, %dma_wait3A_123] : memref<125x80xi32, #tpu.memory_space<vmem>> -> memref<1x80xi32, #tpu.memory_space<vmem>>
    %dma_wait3A_125 = tpu.memref_squeeze %dma_wait3A_124 : memref<1x80xi32, #tpu.memory_space<vmem>> -> memref<80xi32, #tpu.memory_space<vmem>>
    %dma_wait3A_126 = arith.constant 0 : i32
    %dma_wait3A_127 = arith.constant 0 : i32
    %dma_wait3A_128 = tpu.memref_slice %arg6[%dma_wait3A_126, %dma_wait3A_127] : memref<10000x128xf32, #tpu.memory_space<vmem_shared>> -> memref<10000x128xf32, #tpu.memory_space<vmem_shared>>
    tpu.wait_indirect_dma semaphore(%arg19 : memref<!tpu.dma_semaphore, #tpu.memory_space<semaphore_mem>>) src(%arg13 : memref<80x128xf32, #tpu.memory_space<vmem>>) dst(%dma_wait3A_128 : memref<10000x128xf32, #tpu.memory_space<vmem_shared>>)
    %dma_wait3A_129 = arith.constant 123 : i32
    %dma_wait3A_130 = arith.constant 0 : i32
    %dma_wait3A_131 = tpu.memref_slice %arg7[%dma_wait3A_129, %dma_wait3A_130] : memref<125x80xi32, #tpu.memory_space<vmem>> -> memref<1x80xi32, #tpu.memory_space<vmem>>
    %dma_wait3A_132 = tpu.memref_squeeze %dma_wait3A_131 : memref<1x80xi32, #tpu.memory_space<vmem>> -> memref<80xi32, #tpu.memory_space<vmem>>
    %dma_wait3A_133 = arith.constant 0 : i32
    %dma_wait3A_134 = arith.constant 0 : i32
    %dma_wait3A_135 = tpu.memref_slice %arg6[%dma_wait3A_133, %dma_wait3A_134] : memref<10000x128xf32, #tpu.memory_space<vmem_shared>> -> memref<10000x128xf32, #tpu.memory_space<vmem_shared>>
    tpu.wait_indirect_dma semaphore(%arg17 : memref<!tpu.dma_semaphore, #tpu.memory_space<semaphore_mem>>) src(%arg11 : memref<80x128xf32, #tpu.memory_space<vmem>>) dst(%dma_wait3A_135 : memref<10000x128xf32, #tpu.memory_space<vmem_shared>>)
    %dma_wait3A_136 = arith.constant 124 : i32
    %dma_wait3A_137 = arith.constant 0 : i32
    %dma_wait3A_138 = tpu.memref_slice %arg7[%dma_wait3A_136, %dma_wait3A_137] : memref<125x80xi32, #tpu.memory_space<vmem>> -> memref<1x80xi32, #tpu.memory_space<vmem>>
    %dma_wait3A_139 = tpu.memref_squeeze %dma_wait3A_138 : memref<1x80xi32, #tpu.memory_space<vmem>> -> memref<80xi32, #tpu.memory_space<vmem>>
    %dma_wait3A_140 = arith.constant 0 : i32
    %dma_wait3A_141 = arith.constant 0 : i32
    %dma_wait3A_142 = tpu.memref_slice %arg6[%dma_wait3A_140, %dma_wait3A_141] : memref<10000x128xf32, #tpu.memory_space<vmem_shared>> -> memref<10000x128xf32, #tpu.memory_space<vmem_shared>>
    tpu.wait_indirect_dma semaphore(%arg18 : memref<!tpu.dma_semaphore, #tpu.memory_space<semaphore_mem>>) src(%arg12 : memref<80x128xf32, #tpu.memory_space<vmem>>) dst(%dma_wait3A_142 : memref<10000x128xf32, #tpu.memory_space<vmem_shared>>)
    %barrier3A_143 = arith.constant 0 : index
    tpu.barrier barrier_id(%barrier3A_143)
    %mul3A_144 = arith.constant 624 : i32
    %mul3A_145 = arith.muli %arg1, %mul3A_144 : i32
    %mul3A_146 = arith.constant 624 : i32
    %mul3A_147 = arith.muli %arg1, %mul3A_146 : i32
    "tpu.region"() ({
      %run_scoped3A = tpu.sem_alloc : memref<!tpu.dma_semaphore, #tpu.memory_space<semaphore_mem>>
      %dma_start3A_153 = arith.constant 0 : i32
      %dma_start3A_154 = arith.constant 0 : i32
      %dma_start3A_155 = tpu.memref_slice %arg5[%arg0, %dma_start3A_153, %dma_start3A_154] : memref<2x10000x128xf32, #tpu.memory_space<hbm>> -> memref<1x10000x128xf32, #tpu.memory_space<hbm>>
      %dma_start3A_156 = tpu.memref_squeeze %dma_start3A_155 : memref<1x10000x128xf32, #tpu.memory_space<hbm>> -> memref<10000x128xf32, #tpu.memory_space<hbm>>
      %dma_start3A_157 = arith.constant 0 : i32
      %dma_start3A_158 = tpu.memref_slice %dma_start3A_156[%mul3A_147, %dma_start3A_157] : memref<10000x128xf32, #tpu.memory_space<hbm>> -> memref<624x128xf32, #tpu.memory_space<hbm>>
      %dma_start3A_159 = arith.constant 0 : i32
      %dma_start3A_160 = tpu.memref_slice %arg6[%mul3A_145, %dma_start3A_159] : memref<10000x128xf32, #tpu.memory_space<vmem_shared>> -> memref<624x128xf32, #tpu.memory_space<vmem_shared>>
      tpu.enqueue_dma source(%dma_start3A_160 : memref<624x128xf32, #tpu.memory_space<vmem_shared>>) target(%dma_start3A_158 : memref<624x128xf32, #tpu.memory_space<hbm>>) target_semaphore(%run_scoped3A : memref<!tpu.dma_semaphore, #tpu.memory_space<semaphore_mem>>)
      %dma_wait3A_161 = arith.constant 0 : i32
      %dma_wait3A_162 = arith.constant 0 : i32
      %dma_wait3A_163 = tpu.memref_slice %arg5[%arg0, %dma_wait3A_161, %dma_wait3A_162] : memref<2x10000x128xf32, #tpu.memory_space<hbm>> -> memref<1x10000x128xf32, #tpu.memory_space<hbm>>
      %dma_wait3A_164 = tpu.memref_squeeze %dma_wait3A_163 : memref<1x10000x128xf32, #tpu.memory_space<hbm>> -> memref<10000x128xf32, #tpu.memory_space<hbm>>
      %dma_wait3A_165 = arith.constant 0 : i32
      %dma_wait3A_166 = tpu.memref_slice %dma_wait3A_164[%mul3A_147, %dma_wait3A_165] : memref<10000x128xf32, #tpu.memory_space<hbm>> -> memref<624x128xf32, #tpu.memory_space<hbm>>
      %dma_wait3A_167 = arith.constant 0 : i32
      %dma_wait3A_168 = tpu.memref_slice %arg6[%mul3A_145, %dma_wait3A_167] : memref<10000x128xf32, #tpu.memory_space<vmem_shared>> -> memref<624x128xf32, #tpu.memory_space<vmem_shared>>
      tpu.wait_dma2 semaphore(%run_scoped3A : memref<!tpu.dma_semaphore, #tpu.memory_space<semaphore_mem>>) src(%dma_wait3A_168 : memref<624x128xf32, #tpu.memory_space<vmem_shared>>) dst(%dma_wait3A_166 : memref<624x128xf32, #tpu.memory_space<hbm>>)
      tpu.yield
    }) : () -> ()
    %eq3A_148 = arith.constant 15 : i32
    %eq3A_149 = arith.cmpi eq, %arg1, %eq3A_148 : i32
    %convert_element_type3A_150 = arith.extui %eq3A_149 : i1 to i32
    %cond3A_151 = arith.constant 0 : i32
    %cond3A_152 = arith.cmpi ne, %convert_element_type3A_150, %cond3A_151 : i32
    scf.if %cond3A_152 {
      "tpu.region"() ({
        %run_scoped3A = tpu.sem_alloc : memref<!tpu.dma_semaphore, #tpu.memory_space<semaphore_mem>>
        %dma_start3A_153 = arith.constant 0 : i32
        %dma_start3A_154 = arith.constant 0 : i32
        %dma_start3A_155 = tpu.memref_slice %arg5[%arg0, %dma_start3A_153, %dma_start3A_154] : memref<2x10000x128xf32, #tpu.memory_space<hbm>> -> memref<1x10000x128xf32, #tpu.memory_space<hbm>>
        %dma_start3A_156 = tpu.memref_squeeze %dma_start3A_155 : memref<1x10000x128xf32, #tpu.memory_space<hbm>> -> memref<10000x128xf32, #tpu.memory_space<hbm>>
        %dma_start3A_157 = arith.constant 9984 : i32
        %dma_start3A_158 = arith.constant 0 : i32
        %dma_start3A_159 = tpu.memref_slice %dma_start3A_156[%dma_start3A_157, %dma_start3A_158] : memref<10000x128xf32, #tpu.memory_space<hbm>> -> memref<16x128xf32, #tpu.memory_space<hbm>>
        %dma_start3A_160 = arith.constant 9984 : i32
        %dma_start3A_161 = arith.constant 0 : i32
        %dma_start3A_162 = tpu.memref_slice %arg6[%dma_start3A_160, %dma_start3A_161] : memref<10000x128xf32, #tpu.memory_space<vmem_shared>> -> memref<16x128xf32, #tpu.memory_space<vmem_shared>>
        tpu.enqueue_dma source(%dma_start3A_162 : memref<16x128xf32, #tpu.memory_space<vmem_shared>>) target(%dma_start3A_159 : memref<16x128xf32, #tpu.memory_space<hbm>>) target_semaphore(%run_scoped3A : memref<!tpu.dma_semaphore, #tpu.memory_space<semaphore_mem>>)
        %dma_wait3A_163 = arith.constant 0 : i32
        %dma_wait3A_164 = arith.constant 0 : i32
        %dma_wait3A_165 = tpu.memref_slice %arg5[%arg0, %dma_wait3A_163, %dma_wait3A_164] : memref<2x10000x128xf32, #tpu.memory_space<hbm>> -> memref<1x10000x128xf32, #tpu.memory_space<hbm>>
        %dma_wait3A_166 = tpu.memref_squeeze %dma_wait3A_165 : memref<1x10000x128xf32, #tpu.memory_space<hbm>> -> memref<10000x128xf32, #tpu.memory_space<hbm>>
        %dma_wait3A_167 = arith.constant 9984 : i32
        %dma_wait3A_168 = arith.constant 0 : i32
        %dma_wait3A_169 = tpu.memref_slice %dma_wait3A_166[%dma_wait3A_167, %dma_wait3A_168] : memref<10000x128xf32, #tpu.memory_space<hbm>> -> memref<16x128xf32, #tpu.memory_space<hbm>>
        %dma_wait3A_170 = arith.constant 9984 : i32
        %dma_wait3A_171 = arith.constant 0 : i32
        %dma_wait3A_172 = tpu.memref_slice %arg6[%dma_wait3A_170, %dma_wait3A_171] : memref<10000x128xf32, #tpu.memory_space<vmem_shared>> -> memref<16x128xf32, #tpu.memory_space<vmem_shared>>
        tpu.wait_dma2 semaphore(%run_scoped3A : memref<!tpu.dma_semaphore, #tpu.memory_space<semaphore_mem>>) src(%dma_wait3A_172 : memref<16x128xf32, #tpu.memory_space<vmem_shared>>) dst(%dma_wait3A_169 : memref<16x128xf32, #tpu.memory_space<hbm>>)
        tpu.yield
      }) : () -> ()
    } else {
    }
    return
  }
}

#map = affine_map<(d0, d1) -> (0, 0)>
#map1 = affine_map<(d0, d1) -> (0, 0, 0)>
module attributes {stable_mosaic.version = 14 : i64} {
  func.func @_agg_body(%arg0: i32, %arg1: i32, %arg2: memref<10000x128xf32, #tpu.memory_space<hbm>>, %arg3: memref<32x125x80xi32, #tpu.memory_space<hbm>>, %arg4: memref<32x125x80xi32, #tpu.memory_space<hbm>>, %arg5: memref<2x10000x128xf32, #tpu.memory_space<hbm>>, %arg6: memref<10000x128xf32, #tpu.memory_space<vmem_shared>>, %arg7: memref<125x80xi32, #tpu.memory_space<vmem>>, %arg8: memref<80xi32, #tpu.memory_space<vmem>>, %arg9: memref<80xi32, #tpu.memory_space<vmem>>, %arg10: memref<80xi32, #tpu.memory_space<vmem>>, %arg11: memref<80x128xf32, #tpu.memory_space<vmem>>, %arg12: memref<80x128xf32, #tpu.memory_space<vmem>>, %arg13: memref<80x128xf32, #tpu.memory_space<vmem>>, %arg14: memref<!tpu.dma_semaphore, #tpu.memory_space<semaphore_mem>>, %arg15: memref<!tpu.dma_semaphore, #tpu.memory_space<semaphore_mem>>, %arg16: memref<!tpu.dma_semaphore, #tpu.memory_space<semaphore_mem>>, %arg17: memref<!tpu.dma_semaphore, #tpu.memory_space<semaphore_mem>>, %arg18: memref<!tpu.dma_semaphore, #tpu.memory_space<semaphore_mem>>, %arg19: memref<!tpu.dma_semaphore, #tpu.memory_space<semaphore_mem>>, %arg20: memref<!tpu.dma_semaphore, #tpu.memory_space<semaphore_mem>>, %arg21: memref<!tpu.dma_semaphore, #tpu.memory_space<semaphore_mem>>, %arg22: memref<!tpu.dma_semaphore, #tpu.memory_space<semaphore_mem>>) attributes {dimension_semantics = [#tpu.dimension_semantics<core_parallel>, #tpu.dimension_semantics<subcore_parallel>], iteration_bounds = array<i64: 2, 16>, scalar_prefetch = 0 : i64, scratch_operands = 17 : i64, tpu.core_type = #tpu.core_type<sc_vector_subcore>, window_params = [{transform_indices = #map}, {transform_indices = #map1}, {transform_indices = #map1}, {transform_indices = #map1}]} {
    %mul3A = arith.constant 16 : i32
    %mul3A_0 = arith.muli %arg0, %mul3A : i32
    %add3A = arith.addi %mul3A_0, %arg1 : i32
    %dma_start3A = arith.constant 0 : i32
    %dma_start3A_1 = arith.constant 0 : i32
    %dma_start3A_2 = tpu.memref_slice %arg4[%add3A, %dma_start3A, %dma_start3A_1] : memref<32x125x80xi32, #tpu.memory_space<hbm>> -> memref<1x125x80xi32, #tpu.memory_space<hbm>>
    %dma_start3A_3 = tpu.memref_squeeze %dma_start3A_2 : memref<1x125x80xi32, #tpu.memory_space<hbm>> -> memref<125x80xi32, #tpu.memory_space<hbm>>
    %dma_start3A_4 = arith.constant 0 : i32
    %dma_start3A_5 = arith.constant 0 : i32
    %dma_start3A_6 = tpu.memref_slice %arg4[%add3A, %dma_start3A_4, %dma_start3A_5] : memref<32x125x80xi32, #tpu.memory_space<hbm>> -> memref<1x125x80xi32, #tpu.memory_space<hbm>>
    %dma_start3A_7 = tpu.memref_squeeze %dma_start3A_6 : memref<1x125x80xi32, #tpu.memory_space<hbm>> -> memref<125x80xi32, #tpu.memory_space<hbm>>
    tpu.enqueue_dma source(%dma_start3A_7 : memref<125x80xi32, #tpu.memory_space<hbm>>) target(%arg7 : memref<125x80xi32, #tpu.memory_space<vmem>>) target_semaphore(%arg14 : memref<!tpu.dma_semaphore, #tpu.memory_space<semaphore_mem>>)
    %scan3A = arith.constant 0 : i32
    %scan3A_8 = arith.constant 80 : i32
    %scan3A_9 = arith.addi %scan3A, %scan3A_8 : i32
    %scan3A_10 = arith.constant 1 : i32
    scf.for %scan3A_153 = %scan3A to %scan3A_9 step %scan3A_10  : i32 {
      %mul3A_154 = arith.constant 1 : i32
      %mul3A_155 = arith.muli %scan3A_153, %mul3A_154 : i32
      %add3A_156 = arith.constant 0 : i32
      %add3A_157 = arith.addi %add3A_156, %mul3A_155 : i32
      %broadcast_in_dim3A = arith.constant 0.000000e+00 : f32
      %broadcast_in_dim3A_158 = vector.broadcast %broadcast_in_dim3A : f32 to vector<16xf32>
      %swap3A = arith.index_cast %add3A_157 : i32 to index
      %swap3A_159 = arith.constant 0 : index
      %swap3A_160 = tpu.vector_load %arg11[%swap3A, %swap3A_159] {strides = array<i32>} : memref<80x128xf32, #tpu.memory_space<vmem>>, vector<1x16xf32>,
      %swap3A_161 = vector.shape_cast %swap3A_160 : vector<1x16xf32> to vector<16xf32>
      %swap3A_162 = vector.shape_cast %broadcast_in_dim3A_158 : vector<16xf32> to vector<1x16xf32>
      tpu.vector_store %arg11[%swap3A, %swap3A_159], %swap3A_162 {strides = array<i32>} : memref<80x128xf32, #tpu.memory_space<vmem>>, vector<1x16xf32>,
      %broadcast_in_dim3A_163 = arith.constant 0.000000e+00 : f32
      %broadcast_in_dim3A_164 = vector.broadcast %broadcast_in_dim3A_163 : f32 to vector<16xf32>
      %swap3A_165 = arith.index_cast %add3A_157 : i32 to index
      %swap3A_166 = arith.constant 16 : index
      %swap3A_167 = tpu.vector_load %arg11[%swap3A_165, %swap3A_166] {strides = array<i32>} : memref<80x128xf32, #tpu.memory_space<vmem>>, vector<1x16xf32>,
      %swap3A_168 = vector.shape_cast %swap3A_167 : vector<1x16xf32> to vector<16xf32>
      %swap3A_169 = vector.shape_cast %broadcast_in_dim3A_164 : vector<16xf32> to vector<1x16xf32>
      tpu.vector_store %arg11[%swap3A_165, %swap3A_166], %swap3A_169 {strides = array<i32>} : memref<80x128xf32, #tpu.memory_space<vmem>>, vector<1x16xf32>,
      %broadcast_in_dim3A_170 = arith.constant 0.000000e+00 : f32
      %broadcast_in_dim3A_171 = vector.broadcast %broadcast_in_dim3A_170 : f32 to vector<16xf32>
      %swap3A_172 = arith.index_cast %add3A_157 : i32 to index
      %swap3A_173 = arith.constant 32 : index
      %swap3A_174 = tpu.vector_load %arg11[%swap3A_172, %swap3A_173] {strides = array<i32>} : memref<80x128xf32, #tpu.memory_space<vmem>>, vector<1x16xf32>,
      %swap3A_175 = vector.shape_cast %swap3A_174 : vector<1x16xf32> to vector<16xf32>
      %swap3A_176 = vector.shape_cast %broadcast_in_dim3A_171 : vector<16xf32> to vector<1x16xf32>
      tpu.vector_store %arg11[%swap3A_172, %swap3A_173], %swap3A_176 {strides = array<i32>} : memref<80x128xf32, #tpu.memory_space<vmem>>, vector<1x16xf32>,
      %broadcast_in_dim3A_177 = arith.constant 0.000000e+00 : f32
      %broadcast_in_dim3A_178 = vector.broadcast %broadcast_in_dim3A_177 : f32 to vector<16xf32>
      %swap3A_179 = arith.index_cast %add3A_157 : i32 to index
      %swap3A_180 = arith.constant 48 : index
      %swap3A_181 = tpu.vector_load %arg11[%swap3A_179, %swap3A_180] {strides = array<i32>} : memref<80x128xf32, #tpu.memory_space<vmem>>, vector<1x16xf32>,
      %swap3A_182 = vector.shape_cast %swap3A_181 : vector<1x16xf32> to vector<16xf32>
      %swap3A_183 = vector.shape_cast %broadcast_in_dim3A_178 : vector<16xf32> to vector<1x16xf32>
      tpu.vector_store %arg11[%swap3A_179, %swap3A_180], %swap3A_183 {strides = array<i32>} : memref<80x128xf32, #tpu.memory_space<vmem>>, vector<1x16xf32>,
      %broadcast_in_dim3A_184 = arith.constant 0.000000e+00 : f32
      %broadcast_in_dim3A_185 = vector.broadcast %broadcast_in_dim3A_184 : f32 to vector<16xf32>
      %swap3A_186 = arith.index_cast %add3A_157 : i32 to index
      %swap3A_187 = arith.constant 64 : index
      %swap3A_188 = tpu.vector_load %arg11[%swap3A_186, %swap3A_187] {strides = array<i32>} : memref<80x128xf32, #tpu.memory_space<vmem>>, vector<1x16xf32>,
      %swap3A_189 = vector.shape_cast %swap3A_188 : vector<1x16xf32> to vector<16xf32>
      %swap3A_190 = vector.shape_cast %broadcast_in_dim3A_185 : vector<16xf32> to vector<1x16xf32>
      tpu.vector_store %arg11[%swap3A_186, %swap3A_187], %swap3A_190 {strides = array<i32>} : memref<80x128xf32, #tpu.memory_space<vmem>>, vector<1x16xf32>,
      %broadcast_in_dim3A_191 = arith.constant 0.000000e+00 : f32
      %broadcast_in_dim3A_192 = vector.broadcast %broadcast_in_dim3A_191 : f32 to vector<16xf32>
      %swap3A_193 = arith.index_cast %add3A_157 : i32 to index
      %swap3A_194 = arith.constant 80 : index
      %swap3A_195 = tpu.vector_load %arg11[%swap3A_193, %swap3A_194] {strides = array<i32>} : memref<80x128xf32, #tpu.memory_space<vmem>>, vector<1x16xf32>,
      %swap3A_196 = vector.shape_cast %swap3A_195 : vector<1x16xf32> to vector<16xf32>
      %swap3A_197 = vector.shape_cast %broadcast_in_dim3A_192 : vector<16xf32> to vector<1x16xf32>
      tpu.vector_store %arg11[%swap3A_193, %swap3A_194], %swap3A_197 {strides = array<i32>} : memref<80x128xf32, #tpu.memory_space<vmem>>, vector<1x16xf32>,
      %broadcast_in_dim3A_198 = arith.constant 0.000000e+00 : f32
      %broadcast_in_dim3A_199 = vector.broadcast %broadcast_in_dim3A_198 : f32 to vector<16xf32>
      %swap3A_200 = arith.index_cast %add3A_157 : i32 to index
      %swap3A_201 = arith.constant 96 : index
      %swap3A_202 = tpu.vector_load %arg11[%swap3A_200, %swap3A_201] {strides = array<i32>} : memref<80x128xf32, #tpu.memory_space<vmem>>, vector<1x16xf32>,
      %swap3A_203 = vector.shape_cast %swap3A_202 : vector<1x16xf32> to vector<16xf32>
      %swap3A_204 = vector.shape_cast %broadcast_in_dim3A_199 : vector<16xf32> to vector<1x16xf32>
      tpu.vector_store %arg11[%swap3A_200, %swap3A_201], %swap3A_204 {strides = array<i32>} : memref<80x128xf32, #tpu.memory_space<vmem>>, vector<1x16xf32>,
      %broadcast_in_dim3A_205 = arith.constant 0.000000e+00 : f32
      %broadcast_in_dim3A_206 = vector.broadcast %broadcast_in_dim3A_205 : f32 to vector<16xf32>
      %swap3A_207 = arith.index_cast %add3A_157 : i32 to index
      %swap3A_208 = arith.constant 112 : index
      %swap3A_209 = tpu.vector_load %arg11[%swap3A_207, %swap3A_208] {strides = array<i32>} : memref<80x128xf32, #tpu.memory_space<vmem>>, vector<1x16xf32>,
      %swap3A_210 = vector.shape_cast %swap3A_209 : vector<1x16xf32> to vector<16xf32>
      %swap3A_211 = vector.shape_cast %broadcast_in_dim3A_206 : vector<16xf32> to vector<1x16xf32>
      tpu.vector_store %arg11[%swap3A_207, %swap3A_208], %swap3A_211 {strides = array<i32>} : memref<80x128xf32, #tpu.memory_space<vmem>>, vector<1x16xf32>,
    }
    %scan3A_11 = arith.constant 80 : i32
    %scan3A_12 = arith.constant 0 : i32
    %scan3A_13 = arith.constant 7 : i32
    %scan3A_14 = arith.addi %scan3A_12, %scan3A_13 : i32
    %scan3A_15 = arith.constant 1 : i32
    scf.for %scan3A_153 = %scan3A_12 to %scan3A_14 step %scan3A_15  : i32 {
      %mul3A_154 = arith.constant 1 : i32
      %mul3A_155 = arith.muli %scan3A_153, %mul3A_154 : i32
      %add3A_156 = arith.constant 0 : i32
      %add3A_157 = arith.addi %add3A_156, %mul3A_155 : i32
      %mul3A_158 = arith.constant 624 : i32
      %mul3A_159 = arith.muli %arg1, %mul3A_158 : i32
      %mul3A_160 = arith.constant 80 : i32
      %mul3A_161 = arith.muli %add3A_157, %mul3A_160 : i32
      %add3A_162 = arith.addi %mul3A_159, %mul3A_161 : i32
      "tpu.region"() ({
        %run_scoped3A = tpu.sem_alloc : memref<!tpu.dma_semaphore, #tpu.memory_space<semaphore_mem>>
        %dma_start3A_163 = arith.constant 0 : i32
        %dma_start3A_164 = tpu.memref_slice %arg6[%add3A_162, %dma_start3A_163] : memref<10000x128xf32, #tpu.memory_space<vmem_shared>> -> memref<80x128xf32, #tpu.memory_space<vmem_shared>>
        %dma_start3A_165 = arith.constant 0 : i32
        %dma_start3A_166 = tpu.memref_slice %arg6[%add3A_162, %dma_start3A_165] : memref<10000x128xf32, #tpu.memory_space<vmem_shared>> -> memref<80x128xf32, #tpu.memory_space<vmem_shared>>
        tpu.enqueue_dma source(%arg11 : memref<80x128xf32, #tpu.memory_space<vmem>>) target(%dma_start3A_166 : memref<80x128xf32, #tpu.memory_space<vmem_shared>>) target_semaphore(%run_scoped3A : memref<!tpu.dma_semaphore, #tpu.memory_space<semaphore_mem>>)
        %dma_wait3A_167 = arith.constant 0 : i32
        %dma_wait3A_168 = tpu.memref_slice %arg6[%add3A_162, %dma_wait3A_167] : memref<10000x128xf32, #tpu.memory_space<vmem_shared>> -> memref<80x128xf32, #tpu.memory_space<vmem_shared>>
        %dma_wait3A_169 = arith.constant 0 : i32
        %dma_wait3A_170 = tpu.memref_slice %arg6[%add3A_162, %dma_wait3A_169] : memref<10000x128xf32, #tpu.memory_space<vmem_shared>> -> memref<80x128xf32, #tpu.memory_space<vmem_shared>>
        tpu.wait_dma2 semaphore(%run_scoped3A : memref<!tpu.dma_semaphore, #tpu.memory_space<semaphore_mem>>) src(%arg11 : memref<80x128xf32, #tpu.memory_space<vmem>>) dst(%dma_wait3A_170 : memref<80x128xf32, #tpu.memory_space<vmem_shared>>)
        tpu.yield
      }) : () -> ()
    }
    %scan3A_16 = arith.constant 7 : i32
    %mul3A_17 = arith.constant 624 : i32
    %mul3A_18 = arith.muli %arg1, %mul3A_17 : i32
    %add3A_19 = arith.constant 624 : i32
    %add3A_20 = arith.addi %mul3A_18, %add3A_19 : i32
    %sub3A = arith.constant 64 : i32
    %sub3A_21 = arith.subi %add3A_20, %sub3A : i32
    "tpu.region"() ({
      %run_scoped3A = tpu.sem_alloc : memref<!tpu.dma_semaphore, #tpu.memory_space<semaphore_mem>>
      %dma_start3A_153 = arith.constant 0 : i32
      %dma_start3A_154 = arith.constant 0 : i32
      %dma_start3A_155 = tpu.memref_slice %arg11[%dma_start3A_153, %dma_start3A_154] : memref<80x128xf32, #tpu.memory_space<vmem>> -> memref<64x128xf32, #tpu.memory_space<vmem>>
      %dma_start3A_156 = arith.constant 0 : i32
      %dma_start3A_157 = tpu.memref_slice %arg6[%sub3A_21, %dma_start3A_156] : memref<10000x128xf32, #tpu.memory_space<vmem_shared>> -> memref<64x128xf32, #tpu.memory_space<vmem_shared>>
      %dma_start3A_158 = arith.constant 0 : i32
      %dma_start3A_159 = tpu.memref_slice %arg6[%sub3A_21, %dma_start3A_158] : memref<10000x128xf32, #tpu.memory_space<vmem_shared>> -> memref<64x128xf32, #tpu.memory_space<vmem_shared>>
      %dma_start3A_160 = arith.constant 0 : i32
      %dma_start3A_161 = arith.constant 0 : i32
      %dma_start3A_162 = tpu.memref_slice %arg11[%dma_start3A_160, %dma_start3A_161] : memref<80x128xf32, #tpu.memory_space<vmem>> -> memref<64x128xf32, #tpu.memory_space<vmem>>
      tpu.enqueue_dma source(%dma_start3A_162 : memref<64x128xf32, #tpu.memory_space<vmem>>) target(%dma_start3A_159 : memref<64x128xf32, #tpu.memory_space<vmem_shared>>) target_semaphore(%run_scoped3A : memref<!tpu.dma_semaphore, #tpu.memory_space<semaphore_mem>>)
      %dma_wait3A_163 = arith.constant 0 : i32
      %dma_wait3A_164 = arith.constant 0 : i32
      %dma_wait3A_165 = tpu.memref_slice %arg11[%dma_wait3A_163, %dma_wait3A_164] : memref<80x128xf32, #tpu.memory_space<vmem>> -> memref<64x128xf32, #tpu.memory_space<vmem>>
      %dma_wait3A_166 = arith.constant 0 : i32
      %dma_wait3A_167 = tpu.memref_slice %arg6[%sub3A_21, %dma_wait3A_166] : memref<10000x128xf32, #tpu.memory_space<vmem_shared>> -> memref<64x128xf32, #tpu.memory_space<vmem_shared>>
      %dma_wait3A_168 = arith.constant 0 : i32
      %dma_wait3A_169 = tpu.memref_slice %arg6[%sub3A_21, %dma_wait3A_168] : memref<10000x128xf32, #tpu.memory_space<vmem_shared>> -> memref<64x128xf32, #tpu.memory_space<vmem_shared>>
      %dma_wait3A_170 = arith.constant 0 : i32
      %dma_wait3A_171 = arith.constant 0 : i32
      %dma_wait3A_172 = tpu.memref_slice %arg11[%dma_wait3A_170, %dma_wait3A_171] : memref<80x128xf32, #tpu.memory_space<vmem>> -> memref<64x128xf32, #tpu.memory_space<vmem>>
      tpu.wait_dma2 semaphore(%run_scoped3A : memref<!tpu.dma_semaphore, #tpu.memory_space<semaphore_mem>>) src(%dma_wait3A_172 : memref<64x128xf32, #tpu.memory_space<vmem>>) dst(%dma_wait3A_169 : memref<64x128xf32, #tpu.memory_space<vmem_shared>>)
      tpu.yield
    }) : () -> ()
    %eq3A = arith.constant 15 : i32
    %eq3A_22 = arith.cmpi eq, %arg1, %eq3A : i32
    %convert_element_type3A = arith.extui %eq3A_22 : i1 to i32
    %cond3A = arith.constant 0 : i32
    %cond3A_23 = arith.cmpi ne, %convert_element_type3A, %cond3A : i32
    scf.if %cond3A_23 {
      "tpu.region"() ({
        %run_scoped3A = tpu.sem_alloc : memref<!tpu.dma_semaphore, #tpu.memory_space<semaphore_mem>>
        %dma_start3A_153 = arith.constant 0 : i32
        %dma_start3A_154 = arith.constant 0 : i32
        %dma_start3A_155 = tpu.memref_slice %arg11[%dma_start3A_153, %dma_start3A_154] : memref<80x128xf32, #tpu.memory_space<vmem>> -> memref<16x128xf32, #tpu.memory_space<vmem>>
        %dma_start3A_156 = arith.constant 9984 : i32
        %dma_start3A_157 = arith.constant 0 : i32
        %dma_start3A_158 = tpu.memref_slice %arg6[%dma_start3A_156, %dma_start3A_157] : memref<10000x128xf32, #tpu.memory_space<vmem_shared>> -> memref<16x128xf32, #tpu.memory_space<vmem_shared>>
        %dma_start3A_159 = arith.constant 9984 : i32
        %dma_start3A_160 = arith.constant 0 : i32
        %dma_start3A_161 = tpu.memref_slice %arg6[%dma_start3A_159, %dma_start3A_160] : memref<10000x128xf32, #tpu.memory_space<vmem_shared>> -> memref<16x128xf32, #tpu.memory_space<vmem_shared>>
        %dma_start3A_162 = arith.constant 0 : i32
        %dma_start3A_163 = arith.constant 0 : i32
        %dma_start3A_164 = tpu.memref_slice %arg11[%dma_start3A_162, %dma_start3A_163] : memref<80x128xf32, #tpu.memory_space<vmem>> -> memref<16x128xf32, #tpu.memory_space<vmem>>
        tpu.enqueue_dma source(%dma_start3A_164 : memref<16x128xf32, #tpu.memory_space<vmem>>) target(%dma_start3A_161 : memref<16x128xf32, #tpu.memory_space<vmem_shared>>) target_semaphore(%run_scoped3A : memref<!tpu.dma_semaphore, #tpu.memory_space<semaphore_mem>>)
        %dma_wait3A_165 = arith.constant 0 : i32
        %dma_wait3A_166 = arith.constant 0 : i32
        %dma_wait3A_167 = tpu.memref_slice %arg11[%dma_wait3A_165, %dma_wait3A_166] : memref<80x128xf32, #tpu.memory_space<vmem>> -> memref<16x128xf32, #tpu.memory_space<vmem>>
        %dma_wait3A_168 = arith.constant 9984 : i32
        %dma_wait3A_169 = arith.constant 0 : i32
        %dma_wait3A_170 = tpu.memref_slice %arg6[%dma_wait3A_168, %dma_wait3A_169] : memref<10000x128xf32, #tpu.memory_space<vmem_shared>> -> memref<16x128xf32, #tpu.memory_space<vmem_shared>>
        %dma_wait3A_171 = arith.constant 9984 : i32
        %dma_wait3A_172 = arith.constant 0 : i32
        %dma_wait3A_173 = tpu.memref_slice %arg6[%dma_wait3A_171, %dma_wait3A_172] : memref<10000x128xf32, #tpu.memory_space<vmem_shared>> -> memref<16x128xf32, #tpu.memory_space<vmem_shared>>
        %dma_wait3A_174 = arith.constant 0 : i32
        %dma_wait3A_175 = arith.constant 0 : i32
        %dma_wait3A_176 = tpu.memref_slice %arg11[%dma_wait3A_174, %dma_wait3A_175] : memref<80x128xf32, #tpu.memory_space<vmem>> -> memref<16x128xf32, #tpu.memory_space<vmem>>
        tpu.wait_dma2 semaphore(%run_scoped3A : memref<!tpu.dma_semaphore, #tpu.memory_space<semaphore_mem>>) src(%dma_wait3A_176 : memref<16x128xf32, #tpu.memory_space<vmem>>) dst(%dma_wait3A_173 : memref<16x128xf32, #tpu.memory_space<vmem_shared>>)
        tpu.yield
      }) : () -> ()
    } else {
    }
    %dma_wait3A = arith.constant 0 : i32
    %dma_wait3A_24 = arith.constant 0 : i32
    %dma_wait3A_25 = tpu.memref_slice %arg4[%add3A, %dma_wait3A, %dma_wait3A_24] : memref<32x125x80xi32, #tpu.memory_space<hbm>> -> memref<1x125x80xi32, #tpu.memory_space<hbm>>
    %dma_wait3A_26 = tpu.memref_squeeze %dma_wait3A_25 : memref<1x125x80xi32, #tpu.memory_space<hbm>> -> memref<125x80xi32, #tpu.memory_space<hbm>>
    %dma_wait3A_27 = arith.constant 0 : i32
    %dma_wait3A_28 = arith.constant 0 : i32
    %dma_wait3A_29 = tpu.memref_slice %arg4[%add3A, %dma_wait3A_27, %dma_wait3A_28] : memref<32x125x80xi32, #tpu.memory_space<hbm>> -> memref<1x125x80xi32, #tpu.memory_space<hbm>>
    %dma_wait3A_30 = tpu.memref_squeeze %dma_wait3A_29 : memref<1x125x80xi32, #tpu.memory_space<hbm>> -> memref<125x80xi32, #tpu.memory_space<hbm>>
    tpu.wait_dma2 semaphore(%arg14 : memref<!tpu.dma_semaphore, #tpu.memory_space<semaphore_mem>>) src(%dma_wait3A_30 : memref<125x80xi32, #tpu.memory_space<hbm>>) dst(%arg7 : memref<125x80xi32, #tpu.memory_space<vmem>>)
    %barrier3A = arith.constant 0 : index
    tpu.barrier barrier_id(%barrier3A)
    %dma_start3A_31 = arith.constant 0 : i32
    %dma_start3A_32 = arith.constant 0 : i32
    %dma_start3A_33 = arith.constant 0 : i32
    %dma_start3A_34 = tpu.memref_slice %arg3[%add3A, %dma_start3A_32, %dma_start3A_33] : memref<32x125x80xi32, #tpu.memory_space<hbm>> -> memref<1x125x80xi32, #tpu.memory_space<hbm>>
    %dma_start3A_35 = tpu.memref_squeeze %dma_start3A_34 : memref<1x125x80xi32, #tpu.memory_space<hbm>> -> memref<125x80xi32, #tpu.memory_space<hbm>>
    %dma_start3A_36 = arith.constant 0 : i32
    %dma_start3A_37 = tpu.memref_slice %dma_start3A_35[%dma_start3A_31, %dma_start3A_36] : memref<125x80xi32, #tpu.memory_space<hbm>> -> memref<1x80xi32, #tpu.memory_space<hbm>>
    %dma_start3A_38 = tpu.memref_squeeze %dma_start3A_37 : memref<1x80xi32, #tpu.memory_space<hbm>> -> memref<80xi32, #tpu.memory_space<hbm>>
    %dma_start3A_39 = arith.constant 0 : i32
    %dma_start3A_40 = arith.constant 0 : i32
    %dma_start3A_41 = tpu.memref_slice %arg3[%add3A, %dma_start3A_39, %dma_start3A_40] : memref<32x125x80xi32, #tpu.memory_space<hbm>> -> memref<1x125x80xi32, #tpu.memory_space<hbm>>
    %dma_start3A_42 = tpu.memref_squeeze %dma_start3A_41 : memref<1x125x80xi32, #tpu.memory_space<hbm>> -> memref<125x80xi32, #tpu.memory_space<hbm>>
    %dma_start3A_43 = arith.constant 0 : i32
    %dma_start3A_44 = tpu.memref_slice %dma_start3A_42[%dma_start3A_31, %dma_start3A_43] : memref<125x80xi32, #tpu.memory_space<hbm>> -> memref<1x80xi32, #tpu.memory_space<hbm>>
    %dma_start3A_45 = tpu.memref_squeeze %dma_start3A_44 : memref<1x80xi32, #tpu.memory_space<hbm>> -> memref<80xi32, #tpu.memory_space<hbm>>
    tpu.enqueue_dma source(%dma_start3A_45 : memref<80xi32, #tpu.memory_space<hbm>>) target(%arg8 : memref<80xi32, #tpu.memory_space<vmem>>) target_semaphore(%arg20 : memref<!tpu.dma_semaphore, #tpu.memory_space<semaphore_mem>>)
    %dma_start3A_46 = arith.constant 1 : i32
    %dma_start3A_47 = arith.constant 0 : i32
    %dma_start3A_48 = arith.constant 0 : i32
    %dma_start3A_49 = tpu.memref_slice %arg3[%add3A, %dma_start3A_47, %dma_start3A_48] : memref<32x125x80xi32, #tpu.memory_space<hbm>> -> memref<1x125x80xi32, #tpu.memory_space<hbm>>
    %dma_start3A_50 = tpu.memref_squeeze %dma_start3A_49 : memref<1x125x80xi32, #tpu.memory_space<hbm>> -> memref<125x80xi32, #tpu.memory_space<hbm>>
    %dma_start3A_51 = arith.constant 0 : i32
    %dma_start3A_52 = tpu.memref_slice %dma_start3A_50[%dma_start3A_46, %dma_start3A_51] : memref<125x80xi32, #tpu.memory_space<hbm>> -> memref<1x80xi32, #tpu.memory_space<hbm>>
    %dma_start3A_53 = tpu.memref_squeeze %dma_start3A_52 : memref<1x80xi32, #tpu.memory_space<hbm>> -> memref<80xi32, #tpu.memory_space<hbm>>
    %dma_start3A_54 = arith.constant 0 : i32
    %dma_start3A_55 = arith.constant 0 : i32
    %dma_start3A_56 = tpu.memref_slice %arg3[%add3A, %dma_start3A_54, %dma_start3A_55] : memref<32x125x80xi32, #tpu.memory_space<hbm>> -> memref<1x125x80xi32, #tpu.memory_space<hbm>>
    %dma_start3A_57 = tpu.memref_squeeze %dma_start3A_56 : memref<1x125x80xi32, #tpu.memory_space<hbm>> -> memref<125x80xi32, #tpu.memory_space<hbm>>
    %dma_start3A_58 = arith.constant 0 : i32
    %dma_start3A_59 = tpu.memref_slice %dma_start3A_57[%dma_start3A_46, %dma_start3A_58] : memref<125x80xi32, #tpu.memory_space<hbm>> -> memref<1x80xi32, #tpu.memory_space<hbm>>
    %dma_start3A_60 = tpu.memref_squeeze %dma_start3A_59 : memref<1x80xi32, #tpu.memory_space<hbm>> -> memref<80xi32, #tpu.memory_space<hbm>>
    tpu.enqueue_dma source(%dma_start3A_60 : memref<80xi32, #tpu.memory_space<hbm>>) target(%arg9 : memref<80xi32, #tpu.memory_space<vmem>>) target_semaphore(%arg21 : memref<!tpu.dma_semaphore, #tpu.memory_space<semaphore_mem>>)
    %dma_wait3A_61 = arith.constant 0 : i32
    %dma_wait3A_62 = arith.constant 0 : i32
    %dma_wait3A_63 = arith.constant 0 : i32
    %dma_wait3A_64 = tpu.memref_slice %arg3[%add3A, %dma_wait3A_62, %dma_wait3A_63] : memref<32x125x80xi32, #tpu.memory_space<hbm>> -> memref<1x125x80xi32, #tpu.memory_space<hbm>>
    %dma_wait3A_65 = tpu.memref_squeeze %dma_wait3A_64 : memref<1x125x80xi32, #tpu.memory_space<hbm>> -> memref<125x80xi32, #tpu.memory_space<hbm>>
    %dma_wait3A_66 = arith.constant 0 : i32
    %dma_wait3A_67 = tpu.memref_slice %dma_wait3A_65[%dma_wait3A_61, %dma_wait3A_66] : memref<125x80xi32, #tpu.memory_space<hbm>> -> memref<1x80xi32, #tpu.memory_space<hbm>>
    %dma_wait3A_68 = tpu.memref_squeeze %dma_wait3A_67 : memref<1x80xi32, #tpu.memory_space<hbm>> -> memref<80xi32, #tpu.memory_space<hbm>>
    %dma_wait3A_69 = arith.constant 0 : i32
    %dma_wait3A_70 = arith.constant 0 : i32
    %dma_wait3A_71 = tpu.memref_slice %arg3[%add3A, %dma_wait3A_69, %dma_wait3A_70] : memref<32x125x80xi32, #tpu.memory_space<hbm>> -> memref<1x125x80xi32, #tpu.memory_space<hbm>>
    %dma_wait3A_72 = tpu.memref_squeeze %dma_wait3A_71 : memref<1x125x80xi32, #tpu.memory_space<hbm>> -> memref<125x80xi32, #tpu.memory_space<hbm>>
    %dma_wait3A_73 = arith.constant 0 : i32
    %dma_wait3A_74 = tpu.memref_slice %dma_wait3A_72[%dma_wait3A_61, %dma_wait3A_73] : memref<125x80xi32, #tpu.memory_space<hbm>> -> memref<1x80xi32, #tpu.memory_space<hbm>>
    %dma_wait3A_75 = tpu.memref_squeeze %dma_wait3A_74 : memref<1x80xi32, #tpu.memory_space<hbm>> -> memref<80xi32, #tpu.memory_space<hbm>>
    tpu.wait_dma2 semaphore(%arg20 : memref<!tpu.dma_semaphore, #tpu.memory_space<semaphore_mem>>) src(%dma_wait3A_75 : memref<80xi32, #tpu.memory_space<hbm>>) dst(%arg8 : memref<80xi32, #tpu.memory_space<vmem>>)
    %dma_start3A_76 = arith.constant 0 : i32
    %dma_start3A_77 = arith.constant 0 : i32
    %dma_start3A_78 = tpu.memref_slice %arg2[%dma_start3A_76, %dma_start3A_77] : memref<10000x128xf32, #tpu.memory_space<hbm>> -> memref<10000x128xf32, #tpu.memory_space<hbm>>
    tpu.enqueue_indirect_dma source(%dma_start3A_78 : memref<10000x128xf32, #tpu.memory_space<hbm>>) target(%arg11 : memref<80x128xf32, #tpu.memory_space<vmem>>) offsets(%arg8 : memref<80xi32, #tpu.memory_space<vmem>>) semaphore(%arg14 : memref<!tpu.dma_semaphore, #tpu.memory_space<semaphore_mem>>)
    %dma_wait3A_79 = arith.constant 1 : i32
    %dma_wait3A_80 = arith.constant 0 : i32
    %dma_wait3A_81 = arith.constant 0 : i32
    %dma_wait3A_82 = tpu.memref_slice %arg3[%add3A, %dma_wait3A_80, %dma_wait3A_81] : memref<32x125x80xi32, #tpu.memory_space<hbm>> -> memref<1x125x80xi32, #tpu.memory_space<hbm>>
    %dma_wait3A_83 = tpu.memref_squeeze %dma_wait3A_82 : memref<1x125x80xi32, #tpu.memory_space<hbm>> -> memref<125x80xi32, #tpu.memory_space<hbm>>
    %dma_wait3A_84 = arith.constant 0 : i32
    %dma_wait3A_85 = tpu.memref_slice %dma_wait3A_83[%dma_wait3A_79, %dma_wait3A_84] : memref<125x80xi32, #tpu.memory_space<hbm>> -> memref<1x80xi32, #tpu.memory_space<hbm>>
    %dma_wait3A_86 = tpu.memref_squeeze %dma_wait3A_85 : memref<1x80xi32, #tpu.memory_space<hbm>> -> memref<80xi32, #tpu.memory_space<hbm>>
    %dma_wait3A_87 = arith.constant 0 : i32
    %dma_wait3A_88 = arith.constant 0 : i32
    %dma_wait3A_89 = tpu.memref_slice %arg3[%add3A, %dma_wait3A_87, %dma_wait3A_88] : memref<32x125x80xi32, #tpu.memory_space<hbm>> -> memref<1x125x80xi32, #tpu.memory_space<hbm>>
    %dma_wait3A_90 = tpu.memref_squeeze %dma_wait3A_89 : memref<1x125x80xi32, #tpu.memory_space<hbm>> -> memref<125x80xi32, #tpu.memory_space<hbm>>
    %dma_wait3A_91 = arith.constant 0 : i32
    %dma_wait3A_92 = tpu.memref_slice %dma_wait3A_90[%dma_wait3A_79, %dma_wait3A_91] : memref<125x80xi32, #tpu.memory_space<hbm>> -> memref<1x80xi32, #tpu.memory_space<hbm>>
    %dma_wait3A_93 = tpu.memref_squeeze %dma_wait3A_92 : memref<1x80xi32, #tpu.memory_space<hbm>> -> memref<80xi32, #tpu.memory_space<hbm>>
    tpu.wait_dma2 semaphore(%arg21 : memref<!tpu.dma_semaphore, #tpu.memory_space<semaphore_mem>>) src(%dma_wait3A_93 : memref<80xi32, #tpu.memory_space<hbm>>) dst(%arg9 : memref<80xi32, #tpu.memory_space<vmem>>)
    %dma_start3A_94 = arith.constant 0 : i32
    %dma_start3A_95 = arith.constant 0 : i32
    %dma_start3A_96 = tpu.memref_slice %arg2[%dma_start3A_94, %dma_start3A_95] : memref<10000x128xf32, #tpu.memory_space<hbm>> -> memref<10000x128xf32, #tpu.memory_space<hbm>>
    tpu.enqueue_indirect_dma source(%dma_start3A_96 : memref<10000x128xf32, #tpu.memory_space<hbm>>) target(%arg12 : memref<80x128xf32, #tpu.memory_space<vmem>>) offsets(%arg9 : memref<80xi32, #tpu.memory_space<vmem>>) semaphore(%arg15 : memref<!tpu.dma_semaphore, #tpu.memory_space<semaphore_mem>>)
    %scan3A_97 = arith.constant 0 : i32
    %scan3A_98 = arith.constant 41 : i32
    %scan3A_99 = arith.addi %scan3A_97, %scan3A_98 : i32
    %scan3A_100 = arith.constant 1 : i32
    scf.for %scan3A_153 = %scan3A_97 to %scan3A_99 step %scan3A_100  : i32 {
      %mul3A_154 = arith.constant 1 : i32
      %mul3A_155 = arith.muli %scan3A_153, %mul3A_154 : i32
      %add3A_156 = arith.constant 0 : i32
      %add3A_157 = arith.addi %add3A_156, %mul3A_155 : i32
      %mul3A_158 = arith.constant 3 : i32
      %mul3A_159 = arith.muli %mul3A_158, %add3A_157 : i32
      %add3A_160 = arith.constant 0 : i32
      %add3A_161 = arith.addi %mul3A_159, %add3A_160 : i32
      %add3A_162 = arith.constant 2 : i32
      %add3A_163 = arith.addi %add3A_161, %add3A_162 : i32
      %dma_start3A_164 = arith.constant 0 : i32
      %dma_start3A_165 = arith.constant 0 : i32
      %dma_start3A_166 = tpu.memref_slice %arg3[%add3A, %dma_start3A_164, %dma_start3A_165] : memref<32x125x80xi32, #tpu.memory_space<hbm>> -> memref<1x125x80xi32, #tpu.memory_space<hbm>>
      %dma_start3A_167 = tpu.memref_squeeze %dma_start3A_166 : memref<1x125x80xi32, #tpu.memory_space<hbm>> -> memref<125x80xi32, #tpu.memory_space<hbm>>
      %dma_start3A_168 = arith.constant 0 : i32
      %dma_start3A_169 = tpu.memref_slice %dma_start3A_167[%add3A_163, %dma_start3A_168] : memref<125x80xi32, #tpu.memory_space<hbm>> -> memref<1x80xi32, #tpu.memory_space<hbm>>
      %dma_start3A_170 = tpu.memref_squeeze %dma_start3A_169 : memref<1x80xi32, #tpu.memory_space<hbm>> -> memref<80xi32, #tpu.memory_space<hbm>>
      %dma_start3A_171 = arith.constant 0 : i32
      %dma_start3A_172 = arith.constant 0 : i32
      %dma_start3A_173 = tpu.memref_slice %arg3[%add3A, %dma_start3A_171, %dma_start3A_172] : memref<32x125x80xi32, #tpu.memory_space<hbm>> -> memref<1x125x80xi32, #tpu.memory_space<hbm>>
      %dma_start3A_174 = tpu.memref_squeeze %dma_start3A_173 : memref<1x125x80xi32, #tpu.memory_space<hbm>> -> memref<125x80xi32, #tpu.memory_space<hbm>>
      %dma_start3A_175 = arith.constant 0 : i32
      %dma_start3A_176 = tpu.memref_slice %dma_start3A_174[%add3A_163, %dma_start3A_175] : memref<125x80xi32, #tpu.memory_space<hbm>> -> memref<1x80xi32, #tpu.memory_space<hbm>>
      %dma_start3A_177 = tpu.memref_squeeze %dma_start3A_176 : memref<1x80xi32, #tpu.memory_space<hbm>> -> memref<80xi32, #tpu.memory_space<hbm>>
      tpu.enqueue_dma source(%dma_start3A_177 : memref<80xi32, #tpu.memory_space<hbm>>) target(%arg10 : memref<80xi32, #tpu.memory_space<vmem>>) target_semaphore(%arg22 : memref<!tpu.dma_semaphore, #tpu.memory_space<semaphore_mem>>)
      %dma_wait3A_178 = arith.constant 0 : i32
      %dma_wait3A_179 = arith.constant 0 : i32
      %dma_wait3A_180 = tpu.memref_slice %arg2[%dma_wait3A_178, %dma_wait3A_179] : memref<10000x128xf32, #tpu.memory_space<hbm>> -> memref<10000x128xf32, #tpu.memory_space<hbm>>
      tpu.wait_indirect_dma semaphore(%arg14 : memref<!tpu.dma_semaphore, #tpu.memory_space<semaphore_mem>>) src(%dma_wait3A_180 : memref<10000x128xf32, #tpu.memory_space<hbm>>) dst(%arg11 : memref<80x128xf32, #tpu.memory_space<vmem>>)
      %dma_start3A_181 = arith.constant 0 : i32
      %dma_start3A_182 = tpu.memref_slice %arg7[%add3A_161, %dma_start3A_181] : memref<125x80xi32, #tpu.memory_space<vmem>> -> memref<1x80xi32, #tpu.memory_space<vmem>>
      %dma_start3A_183 = tpu.memref_squeeze %dma_start3A_182 : memref<1x80xi32, #tpu.memory_space<vmem>> -> memref<80xi32, #tpu.memory_space<vmem>>
      %dma_start3A_184 = arith.constant 0 : i32
      %dma_start3A_185 = arith.constant 0 : i32
      %dma_start3A_186 = tpu.memref_slice %arg6[%dma_start3A_184, %dma_start3A_185] : memref<10000x128xf32, #tpu.memory_space<vmem_shared>> -> memref<10000x128xf32, #tpu.memory_space<vmem_shared>>
      tpu.enqueue_indirect_dma source(%arg11 : memref<80x128xf32, #tpu.memory_space<vmem>>) target(%dma_start3A_186 : memref<10000x128xf32, #tpu.memory_space<vmem_shared>>) offsets(%dma_start3A_183 : memref<80xi32, #tpu.memory_space<vmem>>) semaphore(%arg17 : memref<!tpu.dma_semaphore, #tpu.memory_space<semaphore_mem>>) {add = true}
      %ge3A = arith.constant 1 : i32
      %ge3A_187 = arith.cmpi sge, %add3A_161, %ge3A : i32
      %convert_element_type3A_188 = arith.extui %ge3A_187 : i1 to i32
      %cond3A_189 = arith.constant 0 : i32
      %cond3A_190 = arith.cmpi ne, %convert_element_type3A_188, %cond3A_189 : i32
      scf.if %cond3A_190 {
        %sub3A_312 = arith.constant 1 : i32
        %sub3A_313 = arith.subi %add3A_161, %sub3A_312 : i32
        %dma_wait3A_314 = arith.constant 0 : i32
        %dma_wait3A_315 = tpu.memref_slice %arg7[%sub3A_313, %dma_wait3A_314] : memref<125x80xi32, #tpu.memory_space<vmem>> -> memref<1x80xi32, #tpu.memory_space<vmem>>
        %dma_wait3A_316 = tpu.memref_squeeze %dma_wait3A_315 : memref<1x80xi32, #tpu.memory_space<vmem>> -> memref<80xi32, #tpu.memory_space<vmem>>
        %dma_wait3A_317 = arith.constant 0 : i32
        %dma_wait3A_318 = arith.constant 0 : i32
        %dma_wait3A_319 = tpu.memref_slice %arg6[%dma_wait3A_317, %dma_wait3A_318] : memref<10000x128xf32, #tpu.memory_space<vmem_shared>> -> memref<10000x128xf32, #tpu.memory_space<vmem_shared>>
        tpu.wait_indirect_dma semaphore(%arg19 : memref<!tpu.dma_semaphore, #tpu.memory_space<semaphore_mem>>) src(%arg13 : memref<80x128xf32, #tpu.memory_space<vmem>>) dst(%dma_wait3A_319 : memref<10000x128xf32, #tpu.memory_space<vmem_shared>>)
      } else {
      }
      %add3A_191 = arith.constant 2 : i32
      %add3A_192 = arith.addi %add3A_161, %add3A_191 : i32
      %dma_wait3A_193 = arith.constant 0 : i32
      %dma_wait3A_194 = arith.constant 0 : i32
      %dma_wait3A_195 = tpu.memref_slice %arg3[%add3A, %dma_wait3A_193, %dma_wait3A_194] : memref<32x125x80xi32, #tpu.memory_space<hbm>> -> memref<1x125x80xi32, #tpu.memory_space<hbm>>
      %dma_wait3A_196 = tpu.memref_squeeze %dma_wait3A_195 : memref<1x125x80xi32, #tpu.memory_space<hbm>> -> memref<125x80xi32, #tpu.memory_space<hbm>>
      %dma_wait3A_197 = arith.constant 0 : i32
      %dma_wait3A_198 = tpu.memref_slice %dma_wait3A_196[%add3A_192, %dma_wait3A_197] : memref<125x80xi32, #tpu.memory_space<hbm>> -> memref<1x80xi32, #tpu.memory_space<hbm>>
      %dma_wait3A_199 = tpu.memref_squeeze %dma_wait3A_198 : memref<1x80xi32, #tpu.memory_space<hbm>> -> memref<80xi32, #tpu.memory_space<hbm>>
      %dma_wait3A_200 = arith.constant 0 : i32
      %dma_wait3A_201 = arith.constant 0 : i32
      %dma_wait3A_202 = tpu.memref_slice %arg3[%add3A, %dma_wait3A_200, %dma_wait3A_201] : memref<32x125x80xi32, #tpu.memory_space<hbm>> -> memref<1x125x80xi32, #tpu.memory_space<hbm>>
      %dma_wait3A_203 = tpu.memref_squeeze %dma_wait3A_202 : memref<1x125x80xi32, #tpu.memory_space<hbm>> -> memref<125x80xi32, #tpu.memory_space<hbm>>
      %dma_wait3A_204 = arith.constant 0 : i32
      %dma_wait3A_205 = tpu.memref_slice %dma_wait3A_203[%add3A_192, %dma_wait3A_204] : memref<125x80xi32, #tpu.memory_space<hbm>> -> memref<1x80xi32, #tpu.memory_space<hbm>>
      %dma_wait3A_206 = tpu.memref_squeeze %dma_wait3A_205 : memref<1x80xi32, #tpu.memory_space<hbm>> -> memref<80xi32, #tpu.memory_space<hbm>>
      tpu.wait_dma2 semaphore(%arg22 : memref<!tpu.dma_semaphore, #tpu.memory_space<semaphore_mem>>) src(%dma_wait3A_206 : memref<80xi32, #tpu.memory_space<hbm>>) dst(%arg10 : memref<80xi32, #tpu.memory_space<vmem>>)
      %dma_start3A_207 = arith.constant 0 : i32
      %dma_start3A_208 = arith.constant 0 : i32
      %dma_start3A_209 = tpu.memref_slice %arg2[%dma_start3A_207, %dma_start3A_208] : memref<10000x128xf32, #tpu.memory_space<hbm>> -> memref<10000x128xf32, #tpu.memory_space<hbm>>
      tpu.enqueue_indirect_dma source(%dma_start3A_209 : memref<10000x128xf32, #tpu.memory_space<hbm>>) target(%arg13 : memref<80x128xf32, #tpu.memory_space<vmem>>) offsets(%arg10 : memref<80xi32, #tpu.memory_space<vmem>>) semaphore(%arg16 : memref<!tpu.dma_semaphore, #tpu.memory_space<semaphore_mem>>)
      %add3A_210 = arith.constant 1 : i32
      %add3A_211 = arith.addi %mul3A_159, %add3A_210 : i32
      %add3A_212 = arith.constant 2 : i32
      %add3A_213 = arith.addi %add3A_211, %add3A_212 : i32
      %dma_start3A_214 = arith.constant 0 : i32
      %dma_start3A_215 = arith.constant 0 : i32
      %dma_start3A_216 = tpu.memref_slice %arg3[%add3A, %dma_start3A_214, %dma_start3A_215] : memref<32x125x80xi32, #tpu.memory_space<hbm>> -> memref<1x125x80xi32, #tpu.memory_space<hbm>>
      %dma_start3A_217 = tpu.memref_squeeze %dma_start3A_216 : memref<1x125x80xi32, #tpu.memory_space<hbm>> -> memref<125x80xi32, #tpu.memory_space<hbm>>
      %dma_start3A_218 = arith.constant 0 : i32
      %dma_start3A_219 = tpu.memref_slice %dma_start3A_217[%add3A_213, %dma_start3A_218] : memref<125x80xi32, #tpu.memory_space<hbm>> -> memref<1x80xi32, #tpu.memory_space<hbm>>
      %dma_start3A_220 = tpu.memref_squeeze %dma_start3A_219 : memref<1x80xi32, #tpu.memory_space<hbm>> -> memref<80xi32, #tpu.memory_space<hbm>>
      %dma_start3A_221 = arith.constant 0 : i32
      %dma_start3A_222 = arith.constant 0 : i32
      %dma_start3A_223 = tpu.memref_slice %arg3[%add3A, %dma_start3A_221, %dma_start3A_222] : memref<32x125x80xi32, #tpu.memory_space<hbm>> -> memref<1x125x80xi32, #tpu.memory_space<hbm>>
      %dma_start3A_224 = tpu.memref_squeeze %dma_start3A_223 : memref<1x125x80xi32, #tpu.memory_space<hbm>> -> memref<125x80xi32, #tpu.memory_space<hbm>>
      %dma_start3A_225 = arith.constant 0 : i32
      %dma_start3A_226 = tpu.memref_slice %dma_start3A_224[%add3A_213, %dma_start3A_225] : memref<125x80xi32, #tpu.memory_space<hbm>> -> memref<1x80xi32, #tpu.memory_space<hbm>>
      %dma_start3A_227 = tpu.memref_squeeze %dma_start3A_226 : memref<1x80xi32, #tpu.memory_space<hbm>> -> memref<80xi32, #tpu.memory_space<hbm>>
      tpu.enqueue_dma source(%dma_start3A_227 : memref<80xi32, #tpu.memory_space<hbm>>) target(%arg8 : memref<80xi32, #tpu.memory_space<vmem>>) target_semaphore(%arg20 : memref<!tpu.dma_semaphore, #tpu.memory_space<semaphore_mem>>)
      %dma_wait3A_228 = arith.constant 0 : i32
      %dma_wait3A_229 = arith.constant 0 : i32
      %dma_wait3A_230 = tpu.memref_slice %arg2[%dma_wait3A_228, %dma_wait3A_229] : memref<10000x128xf32, #tpu.memory_space<hbm>> -> memref<10000x128xf32, #tpu.memory_space<hbm>>
      tpu.wait_indirect_dma semaphore(%arg15 : memref<!tpu.dma_semaphore, #tpu.memory_space<semaphore_mem>>) src(%dma_wait3A_230 : memref<10000x128xf32, #tpu.memory_space<hbm>>) dst(%arg12 : memref<80x128xf32, #tpu.memory_space<vmem>>)
      %dma_start3A_231 = arith.constant 0 : i32
      %dma_start3A_232 = tpu.memref_slice %arg7[%add3A_211, %dma_start3A_231] : memref<125x80xi32, #tpu.memory_space<vmem>> -> memref<1x80xi32, #tpu.memory_space<vmem>>
      %dma_start3A_233 = tpu.memref_squeeze %dma_start3A_232 : memref<1x80xi32, #tpu.memory_space<vmem>> -> memref<80xi32, #tpu.memory_space<vmem>>
      %dma_start3A_234 = arith.constant 0 : i32
      %dma_start3A_235 = arith.constant 0 : i32
      %dma_start3A_236 = tpu.memref_slice %arg6[%dma_start3A_234, %dma_start3A_235] : memref<10000x128xf32, #tpu.memory_space<vmem_shared>> -> memref<10000x128xf32, #tpu.memory_space<vmem_shared>>
      tpu.enqueue_indirect_dma source(%arg12 : memref<80x128xf32, #tpu.memory_space<vmem>>) target(%dma_start3A_236 : memref<10000x128xf32, #tpu.memory_space<vmem_shared>>) offsets(%dma_start3A_233 : memref<80xi32, #tpu.memory_space<vmem>>) semaphore(%arg18 : memref<!tpu.dma_semaphore, #tpu.memory_space<semaphore_mem>>) {add = true}
      %ge3A_237 = arith.constant 1 : i32
      %ge3A_238 = arith.cmpi sge, %add3A_211, %ge3A_237 : i32
      %convert_element_type3A_239 = arith.extui %ge3A_238 : i1 to i32
      %cond3A_240 = arith.constant 0 : i32
      %cond3A_241 = arith.cmpi ne, %convert_element_type3A_239, %cond3A_240 : i32
      scf.if %cond3A_241 {
        %sub3A_312 = arith.constant 1 : i32
        %sub3A_313 = arith.subi %add3A_211, %sub3A_312 : i32
        %dma_wait3A_314 = arith.constant 0 : i32
        %dma_wait3A_315 = tpu.memref_slice %arg7[%sub3A_313, %dma_wait3A_314] : memref<125x80xi32, #tpu.memory_space<vmem>> -> memref<1x80xi32, #tpu.memory_space<vmem>>
        %dma_wait3A_316 = tpu.memref_squeeze %dma_wait3A_315 : memref<1x80xi32, #tpu.memory_space<vmem>> -> memref<80xi32, #tpu.memory_space<vmem>>
        %dma_wait3A_317 = arith.constant 0 : i32
        %dma_wait3A_318 = arith.constant 0 : i32
        %dma_wait3A_319 = tpu.memref_slice %arg6[%dma_wait3A_317, %dma_wait3A_318] : memref<10000x128xf32, #tpu.memory_space<vmem_shared>> -> memref<10000x128xf32, #tpu.memory_space<vmem_shared>>
        tpu.wait_indirect_dma semaphore(%arg17 : memref<!tpu.dma_semaphore, #tpu.memory_space<semaphore_mem>>) src(%arg11 : memref<80x128xf32, #tpu.memory_space<vmem>>) dst(%dma_wait3A_319 : memref<10000x128xf32, #tpu.memory_space<vmem_shared>>)
      } else {
      }
      %add3A_242 = arith.constant 2 : i32
      %add3A_243 = arith.addi %add3A_211, %add3A_242 : i32
      %dma_wait3A_244 = arith.constant 0 : i32
      %dma_wait3A_245 = arith.constant 0 : i32
      %dma_wait3A_246 = tpu.memref_slice %arg3[%add3A, %dma_wait3A_244, %dma_wait3A_245] : memref<32x125x80xi32, #tpu.memory_space<hbm>> -> memref<1x125x80xi32, #tpu.memory_space<hbm>>
      %dma_wait3A_247 = tpu.memref_squeeze %dma_wait3A_246 : memref<1x125x80xi32, #tpu.memory_space<hbm>> -> memref<125x80xi32, #tpu.memory_space<hbm>>
      %dma_wait3A_248 = arith.constant 0 : i32
      %dma_wait3A_249 = tpu.memref_slice %dma_wait3A_247[%add3A_243, %dma_wait3A_248] : memref<125x80xi32, #tpu.memory_space<hbm>> -> memref<1x80xi32, #tpu.memory_space<hbm>>
      %dma_wait3A_250 = tpu.memref_squeeze %dma_wait3A_249 : memref<1x80xi32, #tpu.memory_space<hbm>> -> memref<80xi32, #tpu.memory_space<hbm>>
      %dma_wait3A_251 = arith.constant 0 : i32
      %dma_wait3A_252 = arith.constant 0 : i32
      %dma_wait3A_253 = tpu.memref_slice %arg3[%add3A, %dma_wait3A_251, %dma_wait3A_252] : memref<32x125x80xi32, #tpu.memory_space<hbm>> -> memref<1x125x80xi32, #tpu.memory_space<hbm>>
      %dma_wait3A_254 = tpu.memref_squeeze %dma_wait3A_253 : memref<1x125x80xi32, #tpu.memory_space<hbm>> -> memref<125x80xi32, #tpu.memory_space<hbm>>
      %dma_wait3A_255 = arith.constant 0 : i32
      %dma_wait3A_256 = tpu.memref_slice %dma_wait3A_254[%add3A_243, %dma_wait3A_255] : memref<125x80xi32, #tpu.memory_space<hbm>> -> memref<1x80xi32, #tpu.memory_space<hbm>>
      %dma_wait3A_257 = tpu.memref_squeeze %dma_wait3A_256 : memref<1x80xi32, #tpu.memory_space<hbm>> -> memref<80xi32, #tpu.memory_space<hbm>>
      tpu.wait_dma2 semaphore(%arg20 : memref<!tpu.dma_semaphore, #tpu.memory_space<semaphore_mem>>) src(%dma_wait3A_257 : memref<80xi32, #tpu.memory_space<hbm>>) dst(%arg8 : memref<80xi32, #tpu.memory_space<vmem>>)
      %dma_start3A_258 = arith.constant 0 : i32
      %dma_start3A_259 = arith.constant 0 : i32
      %dma_start3A_260 = tpu.memref_slice %arg2[%dma_start3A_258, %dma_start3A_259] : memref<10000x128xf32, #tpu.memory_space<hbm>> -> memref<10000x128xf32, #tpu.memory_space<hbm>>
      tpu.enqueue_indirect_dma source(%dma_start3A_260 : memref<10000x128xf32, #tpu.memory_space<hbm>>) target(%arg11 : memref<80x128xf32, #tpu.memory_space<vmem>>) offsets(%arg8 : memref<80xi32, #tpu.memory_space<vmem>>) semaphore(%arg14 : memref<!tpu.dma_semaphore, #tpu.memory_space<semaphore_mem>>)
      %add3A_261 = arith.constant 2 : i32
      %add3A_262 = arith.addi %mul3A_159, %add3A_261 : i32
      %add3A_263 = arith.constant 2 : i32
      %add3A_264 = arith.addi %add3A_262, %add3A_263 : i32
      %dma_start3A_265 = arith.constant 0 : i32
      %dma_start3A_266 = arith.constant 0 : i32
      %dma_start3A_267 = tpu.memref_slice %arg3[%add3A, %dma_start3A_265, %dma_start3A_266] : memref<32x125x80xi32, #tpu.memory_space<hbm>> -> memref<1x125x80xi32, #tpu.memory_space<hbm>>
      %dma_start3A_268 = tpu.memref_squeeze %dma_start3A_267 : memref<1x125x80xi32, #tpu.memory_space<hbm>> -> memref<125x80xi32, #tpu.memory_space<hbm>>
      %dma_start3A_269 = arith.constant 0 : i32
      %dma_start3A_270 = tpu.memref_slice %dma_start3A_268[%add3A_264, %dma_start3A_269] : memref<125x80xi32, #tpu.memory_space<hbm>> -> memref<1x80xi32, #tpu.memory_space<hbm>>
      %dma_start3A_271 = tpu.memref_squeeze %dma_start3A_270 : memref<1x80xi32, #tpu.memory_space<hbm>> -> memref<80xi32, #tpu.memory_space<hbm>>
      %dma_start3A_272 = arith.constant 0 : i32
      %dma_start3A_273 = arith.constant 0 : i32
      %dma_start3A_274 = tpu.memref_slice %arg3[%add3A, %dma_start3A_272, %dma_start3A_273] : memref<32x125x80xi32, #tpu.memory_space<hbm>> -> memref<1x125x80xi32, #tpu.memory_space<hbm>>
      %dma_start3A_275 = tpu.memref_squeeze %dma_start3A_274 : memref<1x125x80xi32, #tpu.memory_space<hbm>> -> memref<125x80xi32, #tpu.memory_space<hbm>>
      %dma_start3A_276 = arith.constant 0 : i32
      %dma_start3A_277 = tpu.memref_slice %dma_start3A_275[%add3A_264, %dma_start3A_276] : memref<125x80xi32, #tpu.memory_space<hbm>> -> memref<1x80xi32, #tpu.memory_space<hbm>>
      %dma_start3A_278 = tpu.memref_squeeze %dma_start3A_277 : memref<1x80xi32, #tpu.memory_space<hbm>> -> memref<80xi32, #tpu.memory_space<hbm>>
      tpu.enqueue_dma source(%dma_start3A_278 : memref<80xi32, #tpu.memory_space<hbm>>) target(%arg9 : memref<80xi32, #tpu.memory_space<vmem>>) target_semaphore(%arg21 : memref<!tpu.dma_semaphore, #tpu.memory_space<semaphore_mem>>)
      %dma_wait3A_279 = arith.constant 0 : i32
      %dma_wait3A_280 = arith.constant 0 : i32
      %dma_wait3A_281 = tpu.memref_slice %arg2[%dma_wait3A_279, %dma_wait3A_280] : memref<10000x128xf32, #tpu.memory_space<hbm>> -> memref<10000x128xf32, #tpu.memory_space<hbm>>
      tpu.wait_indirect_dma semaphore(%arg16 : memref<!tpu.dma_semaphore, #tpu.memory_space<semaphore_mem>>) src(%dma_wait3A_281 : memref<10000x128xf32, #tpu.memory_space<hbm>>) dst(%arg13 : memref<80x128xf32, #tpu.memory_space<vmem>>)
      %dma_start3A_282 = arith.constant 0 : i32
      %dma_start3A_283 = tpu.memref_slice %arg7[%add3A_262, %dma_start3A_282] : memref<125x80xi32, #tpu.memory_space<vmem>> -> memref<1x80xi32, #tpu.memory_space<vmem>>
      %dma_start3A_284 = tpu.memref_squeeze %dma_start3A_283 : memref<1x80xi32, #tpu.memory_space<vmem>> -> memref<80xi32, #tpu.memory_space<vmem>>
      %dma_start3A_285 = arith.constant 0 : i32
      %dma_start3A_286 = arith.constant 0 : i32
      %dma_start3A_287 = tpu.memref_slice %arg6[%dma_start3A_285, %dma_start3A_286] : memref<10000x128xf32, #tpu.memory_space<vmem_shared>> -> memref<10000x128xf32, #tpu.memory_space<vmem_shared>>
      tpu.enqueue_indirect_dma source(%arg13 : memref<80x128xf32, #tpu.memory_space<vmem>>) target(%dma_start3A_287 : memref<10000x128xf32, #tpu.memory_space<vmem_shared>>) offsets(%dma_start3A_284 : memref<80xi32, #tpu.memory_space<vmem>>) semaphore(%arg19 : memref<!tpu.dma_semaphore, #tpu.memory_space<semaphore_mem>>) {add = true}
      %ge3A_288 = arith.constant 1 : i32
      %ge3A_289 = arith.cmpi sge, %add3A_262, %ge3A_288 : i32
      %convert_element_type3A_290 = arith.extui %ge3A_289 : i1 to i32
      %cond3A_291 = arith.constant 0 : i32
      %cond3A_292 = arith.cmpi ne, %convert_element_type3A_290, %cond3A_291 : i32
      scf.if %cond3A_292 {
        %sub3A_312 = arith.constant 1 : i32
        %sub3A_313 = arith.subi %add3A_262, %sub3A_312 : i32
        %dma_wait3A_314 = arith.constant 0 : i32
        %dma_wait3A_315 = tpu.memref_slice %arg7[%sub3A_313, %dma_wait3A_314] : memref<125x80xi32, #tpu.memory_space<vmem>> -> memref<1x80xi32, #tpu.memory_space<vmem>>
        %dma_wait3A_316 = tpu.memref_squeeze %dma_wait3A_315 : memref<1x80xi32, #tpu.memory_space<vmem>> -> memref<80xi32, #tpu.memory_space<vmem>>
        %dma_wait3A_317 = arith.constant 0 : i32
        %dma_wait3A_318 = arith.constant 0 : i32
        %dma_wait3A_319 = tpu.memref_slice %arg6[%dma_wait3A_317, %dma_wait3A_318] : memref<10000x128xf32, #tpu.memory_space<vmem_shared>> -> memref<10000x128xf32, #tpu.memory_space<vmem_shared>>
        tpu.wait_indirect_dma semaphore(%arg18 : memref<!tpu.dma_semaphore, #tpu.memory_space<semaphore_mem>>) src(%arg12 : memref<80x128xf32, #tpu.memory_space<vmem>>) dst(%dma_wait3A_319 : memref<10000x128xf32, #tpu.memory_space<vmem_shared>>)
      } else {
      }
      %add3A_293 = arith.constant 2 : i32
      %add3A_294 = arith.addi %add3A_262, %add3A_293 : i32
      %dma_wait3A_295 = arith.constant 0 : i32
      %dma_wait3A_296 = arith.constant 0 : i32
      %dma_wait3A_297 = tpu.memref_slice %arg3[%add3A, %dma_wait3A_295, %dma_wait3A_296] : memref<32x125x80xi32, #tpu.memory_space<hbm>> -> memref<1x125x80xi32, #tpu.memory_space<hbm>>
      %dma_wait3A_298 = tpu.memref_squeeze %dma_wait3A_297 : memref<1x125x80xi32, #tpu.memory_space<hbm>> -> memref<125x80xi32, #tpu.memory_space<hbm>>
      %dma_wait3A_299 = arith.constant 0 : i32
      %dma_wait3A_300 = tpu.memref_slice %dma_wait3A_298[%add3A_294, %dma_wait3A_299] : memref<125x80xi32, #tpu.memory_space<hbm>> -> memref<1x80xi32, #tpu.memory_space<hbm>>
      %dma_wait3A_301 = tpu.memref_squeeze %dma_wait3A_300 : memref<1x80xi32, #tpu.memory_space<hbm>> -> memref<80xi32, #tpu.memory_space<hbm>>
      %dma_wait3A_302 = arith.constant 0 : i32
      %dma_wait3A_303 = arith.constant 0 : i32
      %dma_wait3A_304 = tpu.memref_slice %arg3[%add3A, %dma_wait3A_302, %dma_wait3A_303] : memref<32x125x80xi32, #tpu.memory_space<hbm>> -> memref<1x125x80xi32, #tpu.memory_space<hbm>>
      %dma_wait3A_305 = tpu.memref_squeeze %dma_wait3A_304 : memref<1x125x80xi32, #tpu.memory_space<hbm>> -> memref<125x80xi32, #tpu.memory_space<hbm>>
      %dma_wait3A_306 = arith.constant 0 : i32
      %dma_wait3A_307 = tpu.memref_slice %dma_wait3A_305[%add3A_294, %dma_wait3A_306] : memref<125x80xi32, #tpu.memory_space<hbm>> -> memref<1x80xi32, #tpu.memory_space<hbm>>
      %dma_wait3A_308 = tpu.memref_squeeze %dma_wait3A_307 : memref<1x80xi32, #tpu.memory_space<hbm>> -> memref<80xi32, #tpu.memory_space<hbm>>
      tpu.wait_dma2 semaphore(%arg21 : memref<!tpu.dma_semaphore, #tpu.memory_space<semaphore_mem>>) src(%dma_wait3A_308 : memref<80xi32, #tpu.memory_space<hbm>>) dst(%arg9 : memref<80xi32, #tpu.memory_space<vmem>>)
      %dma_start3A_309 = arith.constant 0 : i32
      %dma_start3A_310 = arith.constant 0 : i32
      %dma_start3A_311 = tpu.memref_slice %arg2[%dma_start3A_309, %dma_start3A_310] : memref<10000x128xf32, #tpu.memory_space<hbm>> -> memref<10000x128xf32, #tpu.memory_space<hbm>>
      tpu.enqueue_indirect_dma source(%dma_start3A_311 : memref<10000x128xf32, #tpu.memory_space<hbm>>) target(%arg12 : memref<80x128xf32, #tpu.memory_space<vmem>>) offsets(%arg9 : memref<80xi32, #tpu.memory_space<vmem>>) semaphore(%arg15 : memref<!tpu.dma_semaphore, #tpu.memory_space<semaphore_mem>>)
    }
    %scan3A_101 = arith.constant 41 : i32
    %dma_wait3A_102 = arith.constant 0 : i32
    %dma_wait3A_103 = arith.constant 0 : i32
    %dma_wait3A_104 = tpu.memref_slice %arg2[%dma_wait3A_102, %dma_wait3A_103] : memref<10000x128xf32, #tpu.memory_space<hbm>> -> memref<10000x128xf32, #tpu.memory_space<hbm>>
    tpu.wait_indirect_dma semaphore(%arg14 : memref<!tpu.dma_semaphore, #tpu.memory_space<semaphore_mem>>) src(%dma_wait3A_104 : memref<10000x128xf32, #tpu.memory_space<hbm>>) dst(%arg11 : memref<80x128xf32, #tpu.memory_space<vmem>>)
    %dma_start3A_105 = arith.constant 123 : i32
    %dma_start3A_106 = arith.constant 0 : i32
    %dma_start3A_107 = tpu.memref_slice %arg7[%dma_start3A_105, %dma_start3A_106] : memref<125x80xi32, #tpu.memory_space<vmem>> -> memref<1x80xi32, #tpu.memory_space<vmem>>
    %dma_start3A_108 = tpu.memref_squeeze %dma_start3A_107 : memref<1x80xi32, #tpu.memory_space<vmem>> -> memref<80xi32, #tpu.memory_space<vmem>>
    %dma_start3A_109 = arith.constant 0 : i32
    %dma_start3A_110 = arith.constant 0 : i32
    %dma_start3A_111 = tpu.memref_slice %arg6[%dma_start3A_109, %dma_start3A_110] : memref<10000x128xf32, #tpu.memory_space<vmem_shared>> -> memref<10000x128xf32, #tpu.memory_space<vmem_shared>>
    tpu.enqueue_indirect_dma source(%arg11 : memref<80x128xf32, #tpu.memory_space<vmem>>) target(%dma_start3A_111 : memref<10000x128xf32, #tpu.memory_space<vmem_shared>>) offsets(%dma_start3A_108 : memref<80xi32, #tpu.memory_space<vmem>>) semaphore(%arg17 : memref<!tpu.dma_semaphore, #tpu.memory_space<semaphore_mem>>) {add = true}
    %dma_wait3A_112 = arith.constant 0 : i32
    %dma_wait3A_113 = arith.constant 0 : i32
    %dma_wait3A_114 = tpu.memref_slice %arg2[%dma_wait3A_112, %dma_wait3A_113] : memref<10000x128xf32, #tpu.memory_space<hbm>> -> memref<10000x128xf32, #tpu.memory_space<hbm>>
    tpu.wait_indirect_dma semaphore(%arg15 : memref<!tpu.dma_semaphore, #tpu.memory_space<semaphore_mem>>) src(%dma_wait3A_114 : memref<10000x128xf32, #tpu.memory_space<hbm>>) dst(%arg12 : memref<80x128xf32, #tpu.memory_space<vmem>>)
    %dma_start3A_115 = arith.constant 124 : i32
    %dma_start3A_116 = arith.constant 0 : i32
    %dma_start3A_117 = tpu.memref_slice %arg7[%dma_start3A_115, %dma_start3A_116] : memref<125x80xi32, #tpu.memory_space<vmem>> -> memref<1x80xi32, #tpu.memory_space<vmem>>
    %dma_start3A_118 = tpu.memref_squeeze %dma_start3A_117 : memref<1x80xi32, #tpu.memory_space<vmem>> -> memref<80xi32, #tpu.memory_space<vmem>>
    %dma_start3A_119 = arith.constant 0 : i32
    %dma_start3A_120 = arith.constant 0 : i32
    %dma_start3A_121 = tpu.memref_slice %arg6[%dma_start3A_119, %dma_start3A_120] : memref<10000x128xf32, #tpu.memory_space<vmem_shared>> -> memref<10000x128xf32, #tpu.memory_space<vmem_shared>>
    tpu.enqueue_indirect_dma source(%arg12 : memref<80x128xf32, #tpu.memory_space<vmem>>) target(%dma_start3A_121 : memref<10000x128xf32, #tpu.memory_space<vmem_shared>>) offsets(%dma_start3A_118 : memref<80xi32, #tpu.memory_space<vmem>>) semaphore(%arg18 : memref<!tpu.dma_semaphore, #tpu.memory_space<semaphore_mem>>) {add = true}
    %dma_wait3A_122 = arith.constant 122 : i32
    %dma_wait3A_123 = arith.constant 0 : i32
    %dma_wait3A_124 = tpu.memref_slice %arg7[%dma_wait3A_122, %dma_wait3A_123] : memref<125x80xi32, #tpu.memory_space<vmem>> -> memref<1x80xi32, #tpu.memory_space<vmem>>
    %dma_wait3A_125 = tpu.memref_squeeze %dma_wait3A_124 : memref<1x80xi32, #tpu.memory_space<vmem>> -> memref<80xi32, #tpu.memory_space<vmem>>
    %dma_wait3A_126 = arith.constant 0 : i32
    %dma_wait3A_127 = arith.constant 0 : i32
    %dma_wait3A_128 = tpu.memref_slice %arg6[%dma_wait3A_126, %dma_wait3A_127] : memref<10000x128xf32, #tpu.memory_space<vmem_shared>> -> memref<10000x128xf32, #tpu.memory_space<vmem_shared>>
    tpu.wait_indirect_dma semaphore(%arg19 : memref<!tpu.dma_semaphore, #tpu.memory_space<semaphore_mem>>) src(%arg13 : memref<80x128xf32, #tpu.memory_space<vmem>>) dst(%dma_wait3A_128 : memref<10000x128xf32, #tpu.memory_space<vmem_shared>>)
    %dma_wait3A_129 = arith.constant 123 : i32
    %dma_wait3A_130 = arith.constant 0 : i32
    %dma_wait3A_131 = tpu.memref_slice %arg7[%dma_wait3A_129, %dma_wait3A_130] : memref<125x80xi32, #tpu.memory_space<vmem>> -> memref<1x80xi32, #tpu.memory_space<vmem>>
    %dma_wait3A_132 = tpu.memref_squeeze %dma_wait3A_131 : memref<1x80xi32, #tpu.memory_space<vmem>> -> memref<80xi32, #tpu.memory_space<vmem>>
    %dma_wait3A_133 = arith.constant 0 : i32
    %dma_wait3A_134 = arith.constant 0 : i32
    %dma_wait3A_135 = tpu.memref_slice %arg6[%dma_wait3A_133, %dma_wait3A_134] : memref<10000x128xf32, #tpu.memory_space<vmem_shared>> -> memref<10000x128xf32, #tpu.memory_space<vmem_shared>>
    tpu.wait_indirect_dma semaphore(%arg17 : memref<!tpu.dma_semaphore, #tpu.memory_space<semaphore_mem>>) src(%arg11 : memref<80x128xf32, #tpu.memory_space<vmem>>) dst(%dma_wait3A_135 : memref<10000x128xf32, #tpu.memory_space<vmem_shared>>)
    %dma_wait3A_136 = arith.constant 124 : i32
    %dma_wait3A_137 = arith.constant 0 : i32
    %dma_wait3A_138 = tpu.memref_slice %arg7[%dma_wait3A_136, %dma_wait3A_137] : memref<125x80xi32, #tpu.memory_space<vmem>> -> memref<1x80xi32, #tpu.memory_space<vmem>>
    %dma_wait3A_139 = tpu.memref_squeeze %dma_wait3A_138 : memref<1x80xi32, #tpu.memory_space<vmem>> -> memref<80xi32, #tpu.memory_space<vmem>>
    %dma_wait3A_140 = arith.constant 0 : i32
    %dma_wait3A_141 = arith.constant 0 : i32
    %dma_wait3A_142 = tpu.memref_slice %arg6[%dma_wait3A_140, %dma_wait3A_141] : memref<10000x128xf32, #tpu.memory_space<vmem_shared>> -> memref<10000x128xf32, #tpu.memory_space<vmem_shared>>
    tpu.wait_indirect_dma semaphore(%arg18 : memref<!tpu.dma_semaphore, #tpu.memory_space<semaphore_mem>>) src(%arg12 : memref<80x128xf32, #tpu.memory_space<vmem>>) dst(%dma_wait3A_142 : memref<10000x128xf32, #tpu.memory_space<vmem_shared>>)
    %barrier3A_143 = arith.constant 0 : index
    tpu.barrier barrier_id(%barrier3A_143)
    %mul3A_144 = arith.constant 624 : i32
    %mul3A_145 = arith.muli %arg1, %mul3A_144 : i32
    %mul3A_146 = arith.constant 624 : i32
    %mul3A_147 = arith.muli %arg1, %mul3A_146 : i32
    "tpu.region"() ({
      %run_scoped3A = tpu.sem_alloc : memref<!tpu.dma_semaphore, #tpu.memory_space<semaphore_mem>>
      %dma_start3A_153 = arith.constant 0 : i32
      %dma_start3A_154 = arith.constant 0 : i32
      %dma_start3A_155 = tpu.memref_slice %arg5[%arg0, %dma_start3A_153, %dma_start3A_154] : memref<2x10000x128xf32, #tpu.memory_space<hbm>> -> memref<1x10000x128xf32, #tpu.memory_space<hbm>>
      %dma_start3A_156 = tpu.memref_squeeze %dma_start3A_155 : memref<1x10000x128xf32, #tpu.memory_space<hbm>> -> memref<10000x128xf32, #tpu.memory_space<hbm>>
      %dma_start3A_157 = arith.constant 0 : i32
      %dma_start3A_158 = tpu.memref_slice %dma_start3A_156[%mul3A_147, %dma_start3A_157] : memref<10000x128xf32, #tpu.memory_space<hbm>> -> memref<624x128xf32, #tpu.memory_space<hbm>>
      %dma_start3A_159 = arith.constant 0 : i32
      %dma_start3A_160 = tpu.memref_slice %arg6[%mul3A_145, %dma_start3A_159] : memref<10000x128xf32, #tpu.memory_space<vmem_shared>> -> memref<624x128xf32, #tpu.memory_space<vmem_shared>>
      tpu.enqueue_dma source(%dma_start3A_160 : memref<624x128xf32, #tpu.memory_space<vmem_shared>>) target(%dma_start3A_158 : memref<624x128xf32, #tpu.memory_space<hbm>>) target_semaphore(%run_scoped3A : memref<!tpu.dma_semaphore, #tpu.memory_space<semaphore_mem>>)
      %dma_wait3A_161 = arith.constant 0 : i32
      %dma_wait3A_162 = arith.constant 0 : i32
      %dma_wait3A_163 = tpu.memref_slice %arg5[%arg0, %dma_wait3A_161, %dma_wait3A_162] : memref<2x10000x128xf32, #tpu.memory_space<hbm>> -> memref<1x10000x128xf32, #tpu.memory_space<hbm>>
      %dma_wait3A_164 = tpu.memref_squeeze %dma_wait3A_163 : memref<1x10000x128xf32, #tpu.memory_space<hbm>> -> memref<10000x128xf32, #tpu.memory_space<hbm>>
      %dma_wait3A_165 = arith.constant 0 : i32
      %dma_wait3A_166 = tpu.memref_slice %dma_wait3A_164[%mul3A_147, %dma_wait3A_165] : memref<10000x128xf32, #tpu.memory_space<hbm>> -> memref<624x128xf32, #tpu.memory_space<hbm>>
      %dma_wait3A_167 = arith.constant 0 : i32
      %dma_wait3A_168 = tpu.memref_slice %arg6[%mul3A_145, %dma_wait3A_167] : memref<10000x128xf32, #tpu.memory_space<vmem_shared>> -> memref<624x128xf32, #tpu.memory_space<vmem_shared>>
      tpu.wait_dma2 semaphore(%run_scoped3A : memref<!tpu.dma_semaphore, #tpu.memory_space<semaphore_mem>>) src(%dma_wait3A_168 : memref<624x128xf32, #tpu.memory_space<vmem_shared>>) dst(%dma_wait3A_166 : memref<624x128xf32, #tpu.memory_space<hbm>>)
      tpu.yield
    }) : () -> ()
    %eq3A_148 = arith.constant 15 : i32
    %eq3A_149 = arith.cmpi eq, %arg1, %eq3A_148 : i32
    %convert_element_type3A_150 = arith.extui %eq3A_149 : i1 to i32
    %cond3A_151 = arith.constant 0 : i32
    %cond3A_152 = arith.cmpi ne, %convert_element_type3A_150, %cond3A_151 : i32
    scf.if %cond3A_152 {
      "tpu.region"() ({
        %run_scoped3A = tpu.sem_alloc : memref<!tpu.dma_semaphore, #tpu.memory_space<semaphore_mem>>
        %dma_start3A_153 = arith.constant 0 : i32
        %dma_start3A_154 = arith.constant 0 : i32
        %dma_start3A_155 = tpu.memref_slice %arg5[%arg0, %dma_start3A_153, %dma_start3A_154] : memref<2x10000x128xf32, #tpu.memory_space<hbm>> -> memref<1x10000x128xf32, #tpu.memory_space<hbm>>
        %dma_start3A_156 = tpu.memref_squeeze %dma_start3A_155 : memref<1x10000x128xf32, #tpu.memory_space<hbm>> -> memref<10000x128xf32, #tpu.memory_space<hbm>>
        %dma_start3A_157 = arith.constant 9984 : i32
        %dma_start3A_158 = arith.constant 0 : i32
        %dma_start3A_159 = tpu.memref_slice %dma_start3A_156[%dma_start3A_157, %dma_start3A_158] : memref<10000x128xf32, #tpu.memory_space<hbm>> -> memref<16x128xf32, #tpu.memory_space<hbm>>
        %dma_start3A_160 = arith.constant 9984 : i32
        %dma_start3A_161 = arith.constant 0 : i32
        %dma_start3A_162 = tpu.memref_slice %arg6[%dma_start3A_160, %dma_start3A_161] : memref<10000x128xf32, #tpu.memory_space<vmem_shared>> -> memref<16x128xf32, #tpu.memory_space<vmem_shared>>
        tpu.enqueue_dma source(%dma_start3A_162 : memref<16x128xf32, #tpu.memory_space<vmem_shared>>) target(%dma_start3A_159 : memref<16x128xf32, #tpu.memory_space<hbm>>) target_semaphore(%run_scoped3A : memref<!tpu.dma_semaphore, #tpu.memory_space<semaphore_mem>>)
        %dma_wait3A_163 = arith.constant 0 : i32
        %dma_wait3A_164 = arith.constant 0 : i32
        %dma_wait3A_165 = tpu.memref_slice %arg5[%arg0, %dma_wait3A_163, %dma_wait3A_164] : memref<2x10000x128xf32, #tpu.memory_space<hbm>> -> memref<1x10000x128xf32, #tpu.memory_space<hbm>>
        %dma_wait3A_166 = tpu.memref_squeeze %dma_wait3A_165 : memref<1x10000x128xf32, #tpu.memory_space<hbm>> -> memref<10000x128xf32, #tpu.memory_space<hbm>>
        %dma_wait3A_167 = arith.constant 9984 : i32
        %dma_wait3A_168 = arith.constant 0 : i32
        %dma_wait3A_169 = tpu.memref_slice %dma_wait3A_166[%dma_wait3A_167, %dma_wait3A_168] : memref<10000x128xf32, #tpu.memory_space<hbm>> -> memref<16x128xf32, #tpu.memory_space<hbm>>
        %dma_wait3A_170 = arith.constant 9984 : i32
        %dma_wait3A_171 = arith.constant 0 : i32
        %dma_wait3A_172 = tpu.memref_slice %arg6[%dma_wait3A_170, %dma_wait3A_171] : memref<10000x128xf32, #tpu.memory_space<vmem_shared>> -> memref<16x128xf32, #tpu.memory_space<vmem_shared>>
        tpu.wait_dma2 semaphore(%run_scoped3A : memref<!tpu.dma_semaphore, #tpu.memory_space<semaphore_mem>>) src(%dma_wait3A_172 : memref<16x128xf32, #tpu.memory_space<vmem_shared>>) dst(%dma_wait3A_169 : memref<16x128xf32, #tpu.memory_space<hbm>>)
        tpu.yield
      }) : () -> ()
    } else {
    }
    return
  }
}

#map = affine_map<(d0, d1) -> (0, 0)>
#map1 = affine_map<(d0, d1) -> (0, 0, 0)>
module attributes {stable_mosaic.version = 14 : i64} {
  func.func @_agg_body(%arg0: i32, %arg1: i32, %arg2: memref<10000x128xf32, #tpu.memory_space<hbm>>, %arg3: memref<32x125x80xi32, #tpu.memory_space<hbm>>, %arg4: memref<32x125x80xi32, #tpu.memory_space<hbm>>, %arg5: memref<2x10000x128xf32, #tpu.memory_space<hbm>>, %arg6: memref<10000x128xf32, #tpu.memory_space<vmem_shared>>, %arg7: memref<125x80xi32, #tpu.memory_space<vmem>>, %arg8: memref<80xi32, #tpu.memory_space<vmem>>, %arg9: memref<80xi32, #tpu.memory_space<vmem>>, %arg10: memref<80xi32, #tpu.memory_space<vmem>>, %arg11: memref<80x128xf32, #tpu.memory_space<vmem>>, %arg12: memref<80x128xf32, #tpu.memory_space<vmem>>, %arg13: memref<80x128xf32, #tpu.memory_space<vmem>>, %arg14: memref<!tpu.dma_semaphore, #tpu.memory_space<semaphore_mem>>, %arg15: memref<!tpu.dma_semaphore, #tpu.memory_space<semaphore_mem>>, %arg16: memref<!tpu.dma_semaphore, #tpu.memory_space<semaphore_mem>>, %arg17: memref<!tpu.dma_semaphore, #tpu.memory_space<semaphore_mem>>, %arg18: memref<!tpu.dma_semaphore, #tpu.memory_space<semaphore_mem>>, %arg19: memref<!tpu.dma_semaphore, #tpu.memory_space<semaphore_mem>>, %arg20: memref<!tpu.dma_semaphore, #tpu.memory_space<semaphore_mem>>, %arg21: memref<!tpu.dma_semaphore, #tpu.memory_space<semaphore_mem>>, %arg22: memref<!tpu.dma_semaphore, #tpu.memory_space<semaphore_mem>>) attributes {dimension_semantics = [#tpu.dimension_semantics<core_parallel>, #tpu.dimension_semantics<subcore_parallel>], iteration_bounds = array<i64: 2, 16>, scalar_prefetch = 0 : i64, scratch_operands = 17 : i64, tpu.core_type = #tpu.core_type<sc_vector_subcore>, window_params = [{transform_indices = #map}, {transform_indices = #map1}, {transform_indices = #map1}, {transform_indices = #map1}]} {
    %mul3A = arith.constant 16 : i32
    %mul3A_0 = arith.muli %arg0, %mul3A : i32
    %add3A = arith.addi %mul3A_0, %arg1 : i32
    %dma_start3A = arith.constant 0 : i32
    %dma_start3A_1 = arith.constant 0 : i32
    %dma_start3A_2 = tpu.memref_slice %arg4[%add3A, %dma_start3A, %dma_start3A_1] : memref<32x125x80xi32, #tpu.memory_space<hbm>> -> memref<1x125x80xi32, #tpu.memory_space<hbm>>
    %dma_start3A_3 = tpu.memref_squeeze %dma_start3A_2 : memref<1x125x80xi32, #tpu.memory_space<hbm>> -> memref<125x80xi32, #tpu.memory_space<hbm>>
    %dma_start3A_4 = arith.constant 0 : i32
    %dma_start3A_5 = arith.constant 0 : i32
    %dma_start3A_6 = tpu.memref_slice %arg4[%add3A, %dma_start3A_4, %dma_start3A_5] : memref<32x125x80xi32, #tpu.memory_space<hbm>> -> memref<1x125x80xi32, #tpu.memory_space<hbm>>
    %dma_start3A_7 = tpu.memref_squeeze %dma_start3A_6 : memref<1x125x80xi32, #tpu.memory_space<hbm>> -> memref<125x80xi32, #tpu.memory_space<hbm>>
    tpu.enqueue_dma source(%dma_start3A_7 : memref<125x80xi32, #tpu.memory_space<hbm>>) target(%arg7 : memref<125x80xi32, #tpu.memory_space<vmem>>) target_semaphore(%arg14 : memref<!tpu.dma_semaphore, #tpu.memory_space<semaphore_mem>>)
    %scan3A = arith.constant 0 : i32
    %scan3A_8 = arith.constant 80 : i32
    %scan3A_9 = arith.addi %scan3A, %scan3A_8 : i32
    %scan3A_10 = arith.constant 1 : i32
    scf.for %scan3A_153 = %scan3A to %scan3A_9 step %scan3A_10  : i32 {
      %mul3A_154 = arith.constant 1 : i32
      %mul3A_155 = arith.muli %scan3A_153, %mul3A_154 : i32
      %add3A_156 = arith.constant 0 : i32
      %add3A_157 = arith.addi %add3A_156, %mul3A_155 : i32
      %broadcast_in_dim3A = arith.constant 0.000000e+00 : f32
      %broadcast_in_dim3A_158 = vector.broadcast %broadcast_in_dim3A : f32 to vector<16xf32>
      %swap3A = arith.index_cast %add3A_157 : i32 to index
      %swap3A_159 = arith.constant 0 : index
      %swap3A_160 = tpu.vector_load %arg11[%swap3A, %swap3A_159] {strides = array<i32>} : memref<80x128xf32, #tpu.memory_space<vmem>>, vector<1x16xf32>,
      %swap3A_161 = vector.shape_cast %swap3A_160 : vector<1x16xf32> to vector<16xf32>
      %swap3A_162 = vector.shape_cast %broadcast_in_dim3A_158 : vector<16xf32> to vector<1x16xf32>
      tpu.vector_store %arg11[%swap3A, %swap3A_159], %swap3A_162 {strides = array<i32>} : memref<80x128xf32, #tpu.memory_space<vmem>>, vector<1x16xf32>,
      %broadcast_in_dim3A_163 = arith.constant 0.000000e+00 : f32
      %broadcast_in_dim3A_164 = vector.broadcast %broadcast_in_dim3A_163 : f32 to vector<16xf32>
      %swap3A_165 = arith.index_cast %add3A_157 : i32 to index
      %swap3A_166 = arith.constant 16 : index
      %swap3A_167 = tpu.vector_load %arg11[%swap3A_165, %swap3A_166] {strides = array<i32>} : memref<80x128xf32, #tpu.memory_space<vmem>>, vector<1x16xf32>,
      %swap3A_168 = vector.shape_cast %swap3A_167 : vector<1x16xf32> to vector<16xf32>
      %swap3A_169 = vector.shape_cast %broadcast_in_dim3A_164 : vector<16xf32> to vector<1x16xf32>
      tpu.vector_store %arg11[%swap3A_165, %swap3A_166], %swap3A_169 {strides = array<i32>} : memref<80x128xf32, #tpu.memory_space<vmem>>, vector<1x16xf32>,
      %broadcast_in_dim3A_170 = arith.constant 0.000000e+00 : f32
      %broadcast_in_dim3A_171 = vector.broadcast %broadcast_in_dim3A_170 : f32 to vector<16xf32>
      %swap3A_172 = arith.index_cast %add3A_157 : i32 to index
      %swap3A_173 = arith.constant 32 : index
      %swap3A_174 = tpu.vector_load %arg11[%swap3A_172, %swap3A_173] {strides = array<i32>} : memref<80x128xf32, #tpu.memory_space<vmem>>, vector<1x16xf32>,
      %swap3A_175 = vector.shape_cast %swap3A_174 : vector<1x16xf32> to vector<16xf32>
      %swap3A_176 = vector.shape_cast %broadcast_in_dim3A_171 : vector<16xf32> to vector<1x16xf32>
      tpu.vector_store %arg11[%swap3A_172, %swap3A_173], %swap3A_176 {strides = array<i32>} : memref<80x128xf32, #tpu.memory_space<vmem>>, vector<1x16xf32>,
      %broadcast_in_dim3A_177 = arith.constant 0.000000e+00 : f32
      %broadcast_in_dim3A_178 = vector.broadcast %broadcast_in_dim3A_177 : f32 to vector<16xf32>
      %swap3A_179 = arith.index_cast %add3A_157 : i32 to index
      %swap3A_180 = arith.constant 48 : index
      %swap3A_181 = tpu.vector_load %arg11[%swap3A_179, %swap3A_180] {strides = array<i32>} : memref<80x128xf32, #tpu.memory_space<vmem>>, vector<1x16xf32>,
      %swap3A_182 = vector.shape_cast %swap3A_181 : vector<1x16xf32> to vector<16xf32>
      %swap3A_183 = vector.shape_cast %broadcast_in_dim3A_178 : vector<16xf32> to vector<1x16xf32>
      tpu.vector_store %arg11[%swap3A_179, %swap3A_180], %swap3A_183 {strides = array<i32>} : memref<80x128xf32, #tpu.memory_space<vmem>>, vector<1x16xf32>,
      %broadcast_in_dim3A_184 = arith.constant 0.000000e+00 : f32
      %broadcast_in_dim3A_185 = vector.broadcast %broadcast_in_dim3A_184 : f32 to vector<16xf32>
      %swap3A_186 = arith.index_cast %add3A_157 : i32 to index
      %swap3A_187 = arith.constant 64 : index
      %swap3A_188 = tpu.vector_load %arg11[%swap3A_186, %swap3A_187] {strides = array<i32>} : memref<80x128xf32, #tpu.memory_space<vmem>>, vector<1x16xf32>,
      %swap3A_189 = vector.shape_cast %swap3A_188 : vector<1x16xf32> to vector<16xf32>
      %swap3A_190 = vector.shape_cast %broadcast_in_dim3A_185 : vector<16xf32> to vector<1x16xf32>
      tpu.vector_store %arg11[%swap3A_186, %swap3A_187], %swap3A_190 {strides = array<i32>} : memref<80x128xf32, #tpu.memory_space<vmem>>, vector<1x16xf32>,
      %broadcast_in_dim3A_191 = arith.constant 0.000000e+00 : f32
      %broadcast_in_dim3A_192 = vector.broadcast %broadcast_in_dim3A_191 : f32 to vector<16xf32>
      %swap3A_193 = arith.index_cast %add3A_157 : i32 to index
      %swap3A_194 = arith.constant 80 : index
      %swap3A_195 = tpu.vector_load %arg11[%swap3A_193, %swap3A_194] {strides = array<i32>} : memref<80x128xf32, #tpu.memory_space<vmem>>, vector<1x16xf32>,
      %swap3A_196 = vector.shape_cast %swap3A_195 : vector<1x16xf32> to vector<16xf32>
      %swap3A_197 = vector.shape_cast %broadcast_in_dim3A_192 : vector<16xf32> to vector<1x16xf32>
      tpu.vector_store %arg11[%swap3A_193, %swap3A_194], %swap3A_197 {strides = array<i32>} : memref<80x128xf32, #tpu.memory_space<vmem>>, vector<1x16xf32>,
      %broadcast_in_dim3A_198 = arith.constant 0.000000e+00 : f32
      %broadcast_in_dim3A_199 = vector.broadcast %broadcast_in_dim3A_198 : f32 to vector<16xf32>
      %swap3A_200 = arith.index_cast %add3A_157 : i32 to index
      %swap3A_201 = arith.constant 96 : index
      %swap3A_202 = tpu.vector_load %arg11[%swap3A_200, %swap3A_201] {strides = array<i32>} : memref<80x128xf32, #tpu.memory_space<vmem>>, vector<1x16xf32>,
      %swap3A_203 = vector.shape_cast %swap3A_202 : vector<1x16xf32> to vector<16xf32>
      %swap3A_204 = vector.shape_cast %broadcast_in_dim3A_199 : vector<16xf32> to vector<1x16xf32>
      tpu.vector_store %arg11[%swap3A_200, %swap3A_201], %swap3A_204 {strides = array<i32>} : memref<80x128xf32, #tpu.memory_space<vmem>>, vector<1x16xf32>,
      %broadcast_in_dim3A_205 = arith.constant 0.000000e+00 : f32
      %broadcast_in_dim3A_206 = vector.broadcast %broadcast_in_dim3A_205 : f32 to vector<16xf32>
      %swap3A_207 = arith.index_cast %add3A_157 : i32 to index
      %swap3A_208 = arith.constant 112 : index
      %swap3A_209 = tpu.vector_load %arg11[%swap3A_207, %swap3A_208] {strides = array<i32>} : memref<80x128xf32, #tpu.memory_space<vmem>>, vector<1x16xf32>,
      %swap3A_210 = vector.shape_cast %swap3A_209 : vector<1x16xf32> to vector<16xf32>
      %swap3A_211 = vector.shape_cast %broadcast_in_dim3A_206 : vector<16xf32> to vector<1x16xf32>
      tpu.vector_store %arg11[%swap3A_207, %swap3A_208], %swap3A_211 {strides = array<i32>} : memref<80x128xf32, #tpu.memory_space<vmem>>, vector<1x16xf32>,
    }
    %scan3A_11 = arith.constant 80 : i32
    %scan3A_12 = arith.constant 0 : i32
    %scan3A_13 = arith.constant 7 : i32
    %scan3A_14 = arith.addi %scan3A_12, %scan3A_13 : i32
    %scan3A_15 = arith.constant 1 : i32
    scf.for %scan3A_153 = %scan3A_12 to %scan3A_14 step %scan3A_15  : i32 {
      %mul3A_154 = arith.constant 1 : i32
      %mul3A_155 = arith.muli %scan3A_153, %mul3A_154 : i32
      %add3A_156 = arith.constant 0 : i32
      %add3A_157 = arith.addi %add3A_156, %mul3A_155 : i32
      %mul3A_158 = arith.constant 624 : i32
      %mul3A_159 = arith.muli %arg1, %mul3A_158 : i32
      %mul3A_160 = arith.constant 80 : i32
      %mul3A_161 = arith.muli %add3A_157, %mul3A_160 : i32
      %add3A_162 = arith.addi %mul3A_159, %mul3A_161 : i32
      "tpu.region"() ({
        %run_scoped3A = tpu.sem_alloc : memref<!tpu.dma_semaphore, #tpu.memory_space<semaphore_mem>>
        %dma_start3A_163 = arith.constant 0 : i32
        %dma_start3A_164 = tpu.memref_slice %arg6[%add3A_162, %dma_start3A_163] : memref<10000x128xf32, #tpu.memory_space<vmem_shared>> -> memref<80x128xf32, #tpu.memory_space<vmem_shared>>
        %dma_start3A_165 = arith.constant 0 : i32
        %dma_start3A_166 = tpu.memref_slice %arg6[%add3A_162, %dma_start3A_165] : memref<10000x128xf32, #tpu.memory_space<vmem_shared>> -> memref<80x128xf32, #tpu.memory_space<vmem_shared>>
        tpu.enqueue_dma source(%arg11 : memref<80x128xf32, #tpu.memory_space<vmem>>) target(%dma_start3A_166 : memref<80x128xf32, #tpu.memory_space<vmem_shared>>) target_semaphore(%run_scoped3A : memref<!tpu.dma_semaphore, #tpu.memory_space<semaphore_mem>>)
        %dma_wait3A_167 = arith.constant 0 : i32
        %dma_wait3A_168 = tpu.memref_slice %arg6[%add3A_162, %dma_wait3A_167] : memref<10000x128xf32, #tpu.memory_space<vmem_shared>> -> memref<80x128xf32, #tpu.memory_space<vmem_shared>>
        %dma_wait3A_169 = arith.constant 0 : i32
        %dma_wait3A_170 = tpu.memref_slice %arg6[%add3A_162, %dma_wait3A_169] : memref<10000x128xf32, #tpu.memory_space<vmem_shared>> -> memref<80x128xf32, #tpu.memory_space<vmem_shared>>
        tpu.wait_dma2 semaphore(%run_scoped3A : memref<!tpu.dma_semaphore, #tpu.memory_space<semaphore_mem>>) src(%arg11 : memref<80x128xf32, #tpu.memory_space<vmem>>) dst(%dma_wait3A_170 : memref<80x128xf32, #tpu.memory_space<vmem_shared>>)
        tpu.yield
      }) : () -> ()
    }
    %scan3A_16 = arith.constant 7 : i32
    %mul3A_17 = arith.constant 624 : i32
    %mul3A_18 = arith.muli %arg1, %mul3A_17 : i32
    %add3A_19 = arith.constant 624 : i32
    %add3A_20 = arith.addi %mul3A_18, %add3A_19 : i32
    %sub3A = arith.constant 64 : i32
    %sub3A_21 = arith.subi %add3A_20, %sub3A : i32
    "tpu.region"() ({
      %run_scoped3A = tpu.sem_alloc : memref<!tpu.dma_semaphore, #tpu.memory_space<semaphore_mem>>
      %dma_start3A_153 = arith.constant 0 : i32
      %dma_start3A_154 = arith.constant 0 : i32
      %dma_start3A_155 = tpu.memref_slice %arg11[%dma_start3A_153, %dma_start3A_154] : memref<80x128xf32, #tpu.memory_space<vmem>> -> memref<64x128xf32, #tpu.memory_space<vmem>>
      %dma_start3A_156 = arith.constant 0 : i32
      %dma_start3A_157 = tpu.memref_slice %arg6[%sub3A_21, %dma_start3A_156] : memref<10000x128xf32, #tpu.memory_space<vmem_shared>> -> memref<64x128xf32, #tpu.memory_space<vmem_shared>>
      %dma_start3A_158 = arith.constant 0 : i32
      %dma_start3A_159 = tpu.memref_slice %arg6[%sub3A_21, %dma_start3A_158] : memref<10000x128xf32, #tpu.memory_space<vmem_shared>> -> memref<64x128xf32, #tpu.memory_space<vmem_shared>>
      %dma_start3A_160 = arith.constant 0 : i32
      %dma_start3A_161 = arith.constant 0 : i32
      %dma_start3A_162 = tpu.memref_slice %arg11[%dma_start3A_160, %dma_start3A_161] : memref<80x128xf32, #tpu.memory_space<vmem>> -> memref<64x128xf32, #tpu.memory_space<vmem>>
      tpu.enqueue_dma source(%dma_start3A_162 : memref<64x128xf32, #tpu.memory_space<vmem>>) target(%dma_start3A_159 : memref<64x128xf32, #tpu.memory_space<vmem_shared>>) target_semaphore(%run_scoped3A : memref<!tpu.dma_semaphore, #tpu.memory_space<semaphore_mem>>)
      %dma_wait3A_163 = arith.constant 0 : i32
      %dma_wait3A_164 = arith.constant 0 : i32
      %dma_wait3A_165 = tpu.memref_slice %arg11[%dma_wait3A_163, %dma_wait3A_164] : memref<80x128xf32, #tpu.memory_space<vmem>> -> memref<64x128xf32, #tpu.memory_space<vmem>>
      %dma_wait3A_166 = arith.constant 0 : i32
      %dma_wait3A_167 = tpu.memref_slice %arg6[%sub3A_21, %dma_wait3A_166] : memref<10000x128xf32, #tpu.memory_space<vmem_shared>> -> memref<64x128xf32, #tpu.memory_space<vmem_shared>>
      %dma_wait3A_168 = arith.constant 0 : i32
      %dma_wait3A_169 = tpu.memref_slice %arg6[%sub3A_21, %dma_wait3A_168] : memref<10000x128xf32, #tpu.memory_space<vmem_shared>> -> memref<64x128xf32, #tpu.memory_space<vmem_shared>>
      %dma_wait3A_170 = arith.constant 0 : i32
      %dma_wait3A_171 = arith.constant 0 : i32
      %dma_wait3A_172 = tpu.memref_slice %arg11[%dma_wait3A_170, %dma_wait3A_171] : memref<80x128xf32, #tpu.memory_space<vmem>> -> memref<64x128xf32, #tpu.memory_space<vmem>>
      tpu.wait_dma2 semaphore(%run_scoped3A : memref<!tpu.dma_semaphore, #tpu.memory_space<semaphore_mem>>) src(%dma_wait3A_172 : memref<64x128xf32, #tpu.memory_space<vmem>>) dst(%dma_wait3A_169 : memref<64x128xf32, #tpu.memory_space<vmem_shared>>)
      tpu.yield
    }) : () -> ()
    %eq3A = arith.constant 15 : i32
    %eq3A_22 = arith.cmpi eq, %arg1, %eq3A : i32
    %convert_element_type3A = arith.extui %eq3A_22 : i1 to i32
    %cond3A = arith.constant 0 : i32
    %cond3A_23 = arith.cmpi ne, %convert_element_type3A, %cond3A : i32
    scf.if %cond3A_23 {
      "tpu.region"() ({
        %run_scoped3A = tpu.sem_alloc : memref<!tpu.dma_semaphore, #tpu.memory_space<semaphore_mem>>
        %dma_start3A_153 = arith.constant 0 : i32
        %dma_start3A_154 = arith.constant 0 : i32
        %dma_start3A_155 = tpu.memref_slice %arg11[%dma_start3A_153, %dma_start3A_154] : memref<80x128xf32, #tpu.memory_space<vmem>> -> memref<16x128xf32, #tpu.memory_space<vmem>>
        %dma_start3A_156 = arith.constant 9984 : i32
        %dma_start3A_157 = arith.constant 0 : i32
        %dma_start3A_158 = tpu.memref_slice %arg6[%dma_start3A_156, %dma_start3A_157] : memref<10000x128xf32, #tpu.memory_space<vmem_shared>> -> memref<16x128xf32, #tpu.memory_space<vmem_shared>>
        %dma_start3A_159 = arith.constant 9984 : i32
        %dma_start3A_160 = arith.constant 0 : i32
        %dma_start3A_161 = tpu.memref_slice %arg6[%dma_start3A_159, %dma_start3A_160] : memref<10000x128xf32, #tpu.memory_space<vmem_shared>> -> memref<16x128xf32, #tpu.memory_space<vmem_shared>>
        %dma_start3A_162 = arith.constant 0 : i32
        %dma_start3A_163 = arith.constant 0 : i32
        %dma_start3A_164 = tpu.memref_slice %arg11[%dma_start3A_162, %dma_start3A_163] : memref<80x128xf32, #tpu.memory_space<vmem>> -> memref<16x128xf32, #tpu.memory_space<vmem>>
        tpu.enqueue_dma source(%dma_start3A_164 : memref<16x128xf32, #tpu.memory_space<vmem>>) target(%dma_start3A_161 : memref<16x128xf32, #tpu.memory_space<vmem_shared>>) target_semaphore(%run_scoped3A : memref<!tpu.dma_semaphore, #tpu.memory_space<semaphore_mem>>)
        %dma_wait3A_165 = arith.constant 0 : i32
        %dma_wait3A_166 = arith.constant 0 : i32
        %dma_wait3A_167 = tpu.memref_slice %arg11[%dma_wait3A_165, %dma_wait3A_166] : memref<80x128xf32, #tpu.memory_space<vmem>> -> memref<16x128xf32, #tpu.memory_space<vmem>>
        %dma_wait3A_168 = arith.constant 9984 : i32
        %dma_wait3A_169 = arith.constant 0 : i32
        %dma_wait3A_170 = tpu.memref_slice %arg6[%dma_wait3A_168, %dma_wait3A_169] : memref<10000x128xf32, #tpu.memory_space<vmem_shared>> -> memref<16x128xf32, #tpu.memory_space<vmem_shared>>
        %dma_wait3A_171 = arith.constant 9984 : i32
        %dma_wait3A_172 = arith.constant 0 : i32
        %dma_wait3A_173 = tpu.memref_slice %arg6[%dma_wait3A_171, %dma_wait3A_172] : memref<10000x128xf32, #tpu.memory_space<vmem_shared>> -> memref<16x128xf32, #tpu.memory_space<vmem_shared>>
        %dma_wait3A_174 = arith.constant 0 : i32
        %dma_wait3A_175 = arith.constant 0 : i32
        %dma_wait3A_176 = tpu.memref_slice %arg11[%dma_wait3A_174, %dma_wait3A_175] : memref<80x128xf32, #tpu.memory_space<vmem>> -> memref<16x128xf32, #tpu.memory_space<vmem>>
        tpu.wait_dma2 semaphore(%run_scoped3A : memref<!tpu.dma_semaphore, #tpu.memory_space<semaphore_mem>>) src(%dma_wait3A_176 : memref<16x128xf32, #tpu.memory_space<vmem>>) dst(%dma_wait3A_173 : memref<16x128xf32, #tpu.memory_space<vmem_shared>>)
        tpu.yield
      }) : () -> ()
    } else {
    }
    %dma_wait3A = arith.constant 0 : i32
    %dma_wait3A_24 = arith.constant 0 : i32
    %dma_wait3A_25 = tpu.memref_slice %arg4[%add3A, %dma_wait3A, %dma_wait3A_24] : memref<32x125x80xi32, #tpu.memory_space<hbm>> -> memref<1x125x80xi32, #tpu.memory_space<hbm>>
    %dma_wait3A_26 = tpu.memref_squeeze %dma_wait3A_25 : memref<1x125x80xi32, #tpu.memory_space<hbm>> -> memref<125x80xi32, #tpu.memory_space<hbm>>
    %dma_wait3A_27 = arith.constant 0 : i32
    %dma_wait3A_28 = arith.constant 0 : i32
    %dma_wait3A_29 = tpu.memref_slice %arg4[%add3A, %dma_wait3A_27, %dma_wait3A_28] : memref<32x125x80xi32, #tpu.memory_space<hbm>> -> memref<1x125x80xi32, #tpu.memory_space<hbm>>
    %dma_wait3A_30 = tpu.memref_squeeze %dma_wait3A_29 : memref<1x125x80xi32, #tpu.memory_space<hbm>> -> memref<125x80xi32, #tpu.memory_space<hbm>>
    tpu.wait_dma2 semaphore(%arg14 : memref<!tpu.dma_semaphore, #tpu.memory_space<semaphore_mem>>) src(%dma_wait3A_30 : memref<125x80xi32, #tpu.memory_space<hbm>>) dst(%arg7 : memref<125x80xi32, #tpu.memory_space<vmem>>)
    %barrier3A = arith.constant 0 : index
    tpu.barrier barrier_id(%barrier3A)
    %dma_start3A_31 = arith.constant 0 : i32
    %dma_start3A_32 = arith.constant 0 : i32
    %dma_start3A_33 = arith.constant 0 : i32
    %dma_start3A_34 = tpu.memref_slice %arg3[%add3A, %dma_start3A_32, %dma_start3A_33] : memref<32x125x80xi32, #tpu.memory_space<hbm>> -> memref<1x125x80xi32, #tpu.memory_space<hbm>>
    %dma_start3A_35 = tpu.memref_squeeze %dma_start3A_34 : memref<1x125x80xi32, #tpu.memory_space<hbm>> -> memref<125x80xi32, #tpu.memory_space<hbm>>
    %dma_start3A_36 = arith.constant 0 : i32
    %dma_start3A_37 = tpu.memref_slice %dma_start3A_35[%dma_start3A_31, %dma_start3A_36] : memref<125x80xi32, #tpu.memory_space<hbm>> -> memref<1x80xi32, #tpu.memory_space<hbm>>
    %dma_start3A_38 = tpu.memref_squeeze %dma_start3A_37 : memref<1x80xi32, #tpu.memory_space<hbm>> -> memref<80xi32, #tpu.memory_space<hbm>>
    %dma_start3A_39 = arith.constant 0 : i32
    %dma_start3A_40 = arith.constant 0 : i32
    %dma_start3A_41 = tpu.memref_slice %arg3[%add3A, %dma_start3A_39, %dma_start3A_40] : memref<32x125x80xi32, #tpu.memory_space<hbm>> -> memref<1x125x80xi32, #tpu.memory_space<hbm>>
    %dma_start3A_42 = tpu.memref_squeeze %dma_start3A_41 : memref<1x125x80xi32, #tpu.memory_space<hbm>> -> memref<125x80xi32, #tpu.memory_space<hbm>>
    %dma_start3A_43 = arith.constant 0 : i32
    %dma_start3A_44 = tpu.memref_slice %dma_start3A_42[%dma_start3A_31, %dma_start3A_43] : memref<125x80xi32, #tpu.memory_space<hbm>> -> memref<1x80xi32, #tpu.memory_space<hbm>>
    %dma_start3A_45 = tpu.memref_squeeze %dma_start3A_44 : memref<1x80xi32, #tpu.memory_space<hbm>> -> memref<80xi32, #tpu.memory_space<hbm>>
    tpu.enqueue_dma source(%dma_start3A_45 : memref<80xi32, #tpu.memory_space<hbm>>) target(%arg8 : memref<80xi32, #tpu.memory_space<vmem>>) target_semaphore(%arg20 : memref<!tpu.dma_semaphore, #tpu.memory_space<semaphore_mem>>)
    %dma_start3A_46 = arith.constant 1 : i32
    %dma_start3A_47 = arith.constant 0 : i32
    %dma_start3A_48 = arith.constant 0 : i32
    %dma_start3A_49 = tpu.memref_slice %arg3[%add3A, %dma_start3A_47, %dma_start3A_48] : memref<32x125x80xi32, #tpu.memory_space<hbm>> -> memref<1x125x80xi32, #tpu.memory_space<hbm>>
    %dma_start3A_50 = tpu.memref_squeeze %dma_start3A_49 : memref<1x125x80xi32, #tpu.memory_space<hbm>> -> memref<125x80xi32, #tpu.memory_space<hbm>>
    %dma_start3A_51 = arith.constant 0 : i32
    %dma_start3A_52 = tpu.memref_slice %dma_start3A_50[%dma_start3A_46, %dma_start3A_51] : memref<125x80xi32, #tpu.memory_space<hbm>> -> memref<1x80xi32, #tpu.memory_space<hbm>>
    %dma_start3A_53 = tpu.memref_squeeze %dma_start3A_52 : memref<1x80xi32, #tpu.memory_space<hbm>> -> memref<80xi32, #tpu.memory_space<hbm>>
    %dma_start3A_54 = arith.constant 0 : i32
    %dma_start3A_55 = arith.constant 0 : i32
    %dma_start3A_56 = tpu.memref_slice %arg3[%add3A, %dma_start3A_54, %dma_start3A_55] : memref<32x125x80xi32, #tpu.memory_space<hbm>> -> memref<1x125x80xi32, #tpu.memory_space<hbm>>
    %dma_start3A_57 = tpu.memref_squeeze %dma_start3A_56 : memref<1x125x80xi32, #tpu.memory_space<hbm>> -> memref<125x80xi32, #tpu.memory_space<hbm>>
    %dma_start3A_58 = arith.constant 0 : i32
    %dma_start3A_59 = tpu.memref_slice %dma_start3A_57[%dma_start3A_46, %dma_start3A_58] : memref<125x80xi32, #tpu.memory_space<hbm>> -> memref<1x80xi32, #tpu.memory_space<hbm>>
    %dma_start3A_60 = tpu.memref_squeeze %dma_start3A_59 : memref<1x80xi32, #tpu.memory_space<hbm>> -> memref<80xi32, #tpu.memory_space<hbm>>
    tpu.enqueue_dma source(%dma_start3A_60 : memref<80xi32, #tpu.memory_space<hbm>>) target(%arg9 : memref<80xi32, #tpu.memory_space<vmem>>) target_semaphore(%arg21 : memref<!tpu.dma_semaphore, #tpu.memory_space<semaphore_mem>>)
    %dma_wait3A_61 = arith.constant 0 : i32
    %dma_wait3A_62 = arith.constant 0 : i32
    %dma_wait3A_63 = arith.constant 0 : i32
    %dma_wait3A_64 = tpu.memref_slice %arg3[%add3A, %dma_wait3A_62, %dma_wait3A_63] : memref<32x125x80xi32, #tpu.memory_space<hbm>> -> memref<1x125x80xi32, #tpu.memory_space<hbm>>
    %dma_wait3A_65 = tpu.memref_squeeze %dma_wait3A_64 : memref<1x125x80xi32, #tpu.memory_space<hbm>> -> memref<125x80xi32, #tpu.memory_space<hbm>>
    %dma_wait3A_66 = arith.constant 0 : i32
    %dma_wait3A_67 = tpu.memref_slice %dma_wait3A_65[%dma_wait3A_61, %dma_wait3A_66] : memref<125x80xi32, #tpu.memory_space<hbm>> -> memref<1x80xi32, #tpu.memory_space<hbm>>
    %dma_wait3A_68 = tpu.memref_squeeze %dma_wait3A_67 : memref<1x80xi32, #tpu.memory_space<hbm>> -> memref<80xi32, #tpu.memory_space<hbm>>
    %dma_wait3A_69 = arith.constant 0 : i32
    %dma_wait3A_70 = arith.constant 0 : i32
    %dma_wait3A_71 = tpu.memref_slice %arg3[%add3A, %dma_wait3A_69, %dma_wait3A_70] : memref<32x125x80xi32, #tpu.memory_space<hbm>> -> memref<1x125x80xi32, #tpu.memory_space<hbm>>
    %dma_wait3A_72 = tpu.memref_squeeze %dma_wait3A_71 : memref<1x125x80xi32, #tpu.memory_space<hbm>> -> memref<125x80xi32, #tpu.memory_space<hbm>>
    %dma_wait3A_73 = arith.constant 0 : i32
    %dma_wait3A_74 = tpu.memref_slice %dma_wait3A_72[%dma_wait3A_61, %dma_wait3A_73] : memref<125x80xi32, #tpu.memory_space<hbm>> -> memref<1x80xi32, #tpu.memory_space<hbm>>
    %dma_wait3A_75 = tpu.memref_squeeze %dma_wait3A_74 : memref<1x80xi32, #tpu.memory_space<hbm>> -> memref<80xi32, #tpu.memory_space<hbm>>
    tpu.wait_dma2 semaphore(%arg20 : memref<!tpu.dma_semaphore, #tpu.memory_space<semaphore_mem>>) src(%dma_wait3A_75 : memref<80xi32, #tpu.memory_space<hbm>>) dst(%arg8 : memref<80xi32, #tpu.memory_space<vmem>>)
    %dma_start3A_76 = arith.constant 0 : i32
    %dma_start3A_77 = arith.constant 0 : i32
    %dma_start3A_78 = tpu.memref_slice %arg2[%dma_start3A_76, %dma_start3A_77] : memref<10000x128xf32, #tpu.memory_space<hbm>> -> memref<10000x128xf32, #tpu.memory_space<hbm>>
    tpu.enqueue_indirect_dma source(%dma_start3A_78 : memref<10000x128xf32, #tpu.memory_space<hbm>>) target(%arg11 : memref<80x128xf32, #tpu.memory_space<vmem>>) offsets(%arg8 : memref<80xi32, #tpu.memory_space<vmem>>) semaphore(%arg14 : memref<!tpu.dma_semaphore, #tpu.memory_space<semaphore_mem>>)
    %dma_wait3A_79 = arith.constant 1 : i32
    %dma_wait3A_80 = arith.constant 0 : i32
    %dma_wait3A_81 = arith.constant 0 : i32
    %dma_wait3A_82 = tpu.memref_slice %arg3[%add3A, %dma_wait3A_80, %dma_wait3A_81] : memref<32x125x80xi32, #tpu.memory_space<hbm>> -> memref<1x125x80xi32, #tpu.memory_space<hbm>>
    %dma_wait3A_83 = tpu.memref_squeeze %dma_wait3A_82 : memref<1x125x80xi32, #tpu.memory_space<hbm>> -> memref<125x80xi32, #tpu.memory_space<hbm>>
    %dma_wait3A_84 = arith.constant 0 : i32
    %dma_wait3A_85 = tpu.memref_slice %dma_wait3A_83[%dma_wait3A_79, %dma_wait3A_84] : memref<125x80xi32, #tpu.memory_space<hbm>> -> memref<1x80xi32, #tpu.memory_space<hbm>>
    %dma_wait3A_86 = tpu.memref_squeeze %dma_wait3A_85 : memref<1x80xi32, #tpu.memory_space<hbm>> -> memref<80xi32, #tpu.memory_space<hbm>>
    %dma_wait3A_87 = arith.constant 0 : i32
    %dma_wait3A_88 = arith.constant 0 : i32
    %dma_wait3A_89 = tpu.memref_slice %arg3[%add3A, %dma_wait3A_87, %dma_wait3A_88] : memref<32x125x80xi32, #tpu.memory_space<hbm>> -> memref<1x125x80xi32, #tpu.memory_space<hbm>>
    %dma_wait3A_90 = tpu.memref_squeeze %dma_wait3A_89 : memref<1x125x80xi32, #tpu.memory_space<hbm>> -> memref<125x80xi32, #tpu.memory_space<hbm>>
    %dma_wait3A_91 = arith.constant 0 : i32
    %dma_wait3A_92 = tpu.memref_slice %dma_wait3A_90[%dma_wait3A_79, %dma_wait3A_91] : memref<125x80xi32, #tpu.memory_space<hbm>> -> memref<1x80xi32, #tpu.memory_space<hbm>>
    %dma_wait3A_93 = tpu.memref_squeeze %dma_wait3A_92 : memref<1x80xi32, #tpu.memory_space<hbm>> -> memref<80xi32, #tpu.memory_space<hbm>>
    tpu.wait_dma2 semaphore(%arg21 : memref<!tpu.dma_semaphore, #tpu.memory_space<semaphore_mem>>) src(%dma_wait3A_93 : memref<80xi32, #tpu.memory_space<hbm>>) dst(%arg9 : memref<80xi32, #tpu.memory_space<vmem>>)
    %dma_start3A_94 = arith.constant 0 : i32
    %dma_start3A_95 = arith.constant 0 : i32
    %dma_start3A_96 = tpu.memref_slice %arg2[%dma_start3A_94, %dma_start3A_95] : memref<10000x128xf32, #tpu.memory_space<hbm>> -> memref<10000x128xf32, #tpu.memory_space<hbm>>
    tpu.enqueue_indirect_dma source(%dma_start3A_96 : memref<10000x128xf32, #tpu.memory_space<hbm>>) target(%arg12 : memref<80x128xf32, #tpu.memory_space<vmem>>) offsets(%arg9 : memref<80xi32, #tpu.memory_space<vmem>>) semaphore(%arg15 : memref<!tpu.dma_semaphore, #tpu.memory_space<semaphore_mem>>)
    %scan3A_97 = arith.constant 0 : i32
    %scan3A_98 = arith.constant 41 : i32
    %scan3A_99 = arith.addi %scan3A_97, %scan3A_98 : i32
    %scan3A_100 = arith.constant 1 : i32
    scf.for %scan3A_153 = %scan3A_97 to %scan3A_99 step %scan3A_100  : i32 {
      %mul3A_154 = arith.constant 1 : i32
      %mul3A_155 = arith.muli %scan3A_153, %mul3A_154 : i32
      %add3A_156 = arith.constant 0 : i32
      %add3A_157 = arith.addi %add3A_156, %mul3A_155 : i32
      %mul3A_158 = arith.constant 3 : i32
      %mul3A_159 = arith.muli %mul3A_158, %add3A_157 : i32
      %add3A_160 = arith.constant 0 : i32
      %add3A_161 = arith.addi %mul3A_159, %add3A_160 : i32
      %add3A_162 = arith.constant 2 : i32
      %add3A_163 = arith.addi %add3A_161, %add3A_162 : i32
      %dma_start3A_164 = arith.constant 0 : i32
      %dma_start3A_165 = arith.constant 0 : i32
      %dma_start3A_166 = tpu.memref_slice %arg3[%add3A, %dma_start3A_164, %dma_start3A_165] : memref<32x125x80xi32, #tpu.memory_space<hbm>> -> memref<1x125x80xi32, #tpu.memory_space<hbm>>
      %dma_start3A_167 = tpu.memref_squeeze %dma_start3A_166 : memref<1x125x80xi32, #tpu.memory_space<hbm>> -> memref<125x80xi32, #tpu.memory_space<hbm>>
      %dma_start3A_168 = arith.constant 0 : i32
      %dma_start3A_169 = tpu.memref_slice %dma_start3A_167[%add3A_163, %dma_start3A_168] : memref<125x80xi32, #tpu.memory_space<hbm>> -> memref<1x80xi32, #tpu.memory_space<hbm>>
      %dma_start3A_170 = tpu.memref_squeeze %dma_start3A_169 : memref<1x80xi32, #tpu.memory_space<hbm>> -> memref<80xi32, #tpu.memory_space<hbm>>
      %dma_start3A_171 = arith.constant 0 : i32
      %dma_start3A_172 = arith.constant 0 : i32
      %dma_start3A_173 = tpu.memref_slice %arg3[%add3A, %dma_start3A_171, %dma_start3A_172] : memref<32x125x80xi32, #tpu.memory_space<hbm>> -> memref<1x125x80xi32, #tpu.memory_space<hbm>>
      %dma_start3A_174 = tpu.memref_squeeze %dma_start3A_173 : memref<1x125x80xi32, #tpu.memory_space<hbm>> -> memref<125x80xi32, #tpu.memory_space<hbm>>
      %dma_start3A_175 = arith.constant 0 : i32
      %dma_start3A_176 = tpu.memref_slice %dma_start3A_174[%add3A_163, %dma_start3A_175] : memref<125x80xi32, #tpu.memory_space<hbm>> -> memref<1x80xi32, #tpu.memory_space<hbm>>
      %dma_start3A_177 = tpu.memref_squeeze %dma_start3A_176 : memref<1x80xi32, #tpu.memory_space<hbm>> -> memref<80xi32, #tpu.memory_space<hbm>>
      tpu.enqueue_dma source(%dma_start3A_177 : memref<80xi32, #tpu.memory_space<hbm>>) target(%arg10 : memref<80xi32, #tpu.memory_space<vmem>>) target_semaphore(%arg22 : memref<!tpu.dma_semaphore, #tpu.memory_space<semaphore_mem>>)
      %dma_wait3A_178 = arith.constant 0 : i32
      %dma_wait3A_179 = arith.constant 0 : i32
      %dma_wait3A_180 = tpu.memref_slice %arg2[%dma_wait3A_178, %dma_wait3A_179] : memref<10000x128xf32, #tpu.memory_space<hbm>> -> memref<10000x128xf32, #tpu.memory_space<hbm>>
      tpu.wait_indirect_dma semaphore(%arg14 : memref<!tpu.dma_semaphore, #tpu.memory_space<semaphore_mem>>) src(%dma_wait3A_180 : memref<10000x128xf32, #tpu.memory_space<hbm>>) dst(%arg11 : memref<80x128xf32, #tpu.memory_space<vmem>>)
      %dma_start3A_181 = arith.constant 0 : i32
      %dma_start3A_182 = tpu.memref_slice %arg7[%add3A_161, %dma_start3A_181] : memref<125x80xi32, #tpu.memory_space<vmem>> -> memref<1x80xi32, #tpu.memory_space<vmem>>
      %dma_start3A_183 = tpu.memref_squeeze %dma_start3A_182 : memref<1x80xi32, #tpu.memory_space<vmem>> -> memref<80xi32, #tpu.memory_space<vmem>>
      %dma_start3A_184 = arith.constant 0 : i32
      %dma_start3A_185 = arith.constant 0 : i32
      %dma_start3A_186 = tpu.memref_slice %arg6[%dma_start3A_184, %dma_start3A_185] : memref<10000x128xf32, #tpu.memory_space<vmem_shared>> -> memref<10000x128xf32, #tpu.memory_space<vmem_shared>>
      tpu.enqueue_indirect_dma source(%arg11 : memref<80x128xf32, #tpu.memory_space<vmem>>) target(%dma_start3A_186 : memref<10000x128xf32, #tpu.memory_space<vmem_shared>>) offsets(%dma_start3A_183 : memref<80xi32, #tpu.memory_space<vmem>>) semaphore(%arg17 : memref<!tpu.dma_semaphore, #tpu.memory_space<semaphore_mem>>) {add = true}
      %ge3A = arith.constant 1 : i32
      %ge3A_187 = arith.cmpi sge, %add3A_161, %ge3A : i32
      %convert_element_type3A_188 = arith.extui %ge3A_187 : i1 to i32
      %cond3A_189 = arith.constant 0 : i32
      %cond3A_190 = arith.cmpi ne, %convert_element_type3A_188, %cond3A_189 : i32
      scf.if %cond3A_190 {
        %sub3A_312 = arith.constant 1 : i32
        %sub3A_313 = arith.subi %add3A_161, %sub3A_312 : i32
        %dma_wait3A_314 = arith.constant 0 : i32
        %dma_wait3A_315 = tpu.memref_slice %arg7[%sub3A_313, %dma_wait3A_314] : memref<125x80xi32, #tpu.memory_space<vmem>> -> memref<1x80xi32, #tpu.memory_space<vmem>>
        %dma_wait3A_316 = tpu.memref_squeeze %dma_wait3A_315 : memref<1x80xi32, #tpu.memory_space<vmem>> -> memref<80xi32, #tpu.memory_space<vmem>>
        %dma_wait3A_317 = arith.constant 0 : i32
        %dma_wait3A_318 = arith.constant 0 : i32
        %dma_wait3A_319 = tpu.memref_slice %arg6[%dma_wait3A_317, %dma_wait3A_318] : memref<10000x128xf32, #tpu.memory_space<vmem_shared>> -> memref<10000x128xf32, #tpu.memory_space<vmem_shared>>
        tpu.wait_indirect_dma semaphore(%arg19 : memref<!tpu.dma_semaphore, #tpu.memory_space<semaphore_mem>>) src(%arg13 : memref<80x128xf32, #tpu.memory_space<vmem>>) dst(%dma_wait3A_319 : memref<10000x128xf32, #tpu.memory_space<vmem_shared>>)
      } else {
      }
      %add3A_191 = arith.constant 2 : i32
      %add3A_192 = arith.addi %add3A_161, %add3A_191 : i32
      %dma_wait3A_193 = arith.constant 0 : i32
      %dma_wait3A_194 = arith.constant 0 : i32
      %dma_wait3A_195 = tpu.memref_slice %arg3[%add3A, %dma_wait3A_193, %dma_wait3A_194] : memref<32x125x80xi32, #tpu.memory_space<hbm>> -> memref<1x125x80xi32, #tpu.memory_space<hbm>>
      %dma_wait3A_196 = tpu.memref_squeeze %dma_wait3A_195 : memref<1x125x80xi32, #tpu.memory_space<hbm>> -> memref<125x80xi32, #tpu.memory_space<hbm>>
      %dma_wait3A_197 = arith.constant 0 : i32
      %dma_wait3A_198 = tpu.memref_slice %dma_wait3A_196[%add3A_192, %dma_wait3A_197] : memref<125x80xi32, #tpu.memory_space<hbm>> -> memref<1x80xi32, #tpu.memory_space<hbm>>
      %dma_wait3A_199 = tpu.memref_squeeze %dma_wait3A_198 : memref<1x80xi32, #tpu.memory_space<hbm>> -> memref<80xi32, #tpu.memory_space<hbm>>
      %dma_wait3A_200 = arith.constant 0 : i32
      %dma_wait3A_201 = arith.constant 0 : i32
      %dma_wait3A_202 = tpu.memref_slice %arg3[%add3A, %dma_wait3A_200, %dma_wait3A_201] : memref<32x125x80xi32, #tpu.memory_space<hbm>> -> memref<1x125x80xi32, #tpu.memory_space<hbm>>
      %dma_wait3A_203 = tpu.memref_squeeze %dma_wait3A_202 : memref<1x125x80xi32, #tpu.memory_space<hbm>> -> memref<125x80xi32, #tpu.memory_space<hbm>>
      %dma_wait3A_204 = arith.constant 0 : i32
      %dma_wait3A_205 = tpu.memref_slice %dma_wait3A_203[%add3A_192, %dma_wait3A_204] : memref<125x80xi32, #tpu.memory_space<hbm>> -> memref<1x80xi32, #tpu.memory_space<hbm>>
      %dma_wait3A_206 = tpu.memref_squeeze %dma_wait3A_205 : memref<1x80xi32, #tpu.memory_space<hbm>> -> memref<80xi32, #tpu.memory_space<hbm>>
      tpu.wait_dma2 semaphore(%arg22 : memref<!tpu.dma_semaphore, #tpu.memory_space<semaphore_mem>>) src(%dma_wait3A_206 : memref<80xi32, #tpu.memory_space<hbm>>) dst(%arg10 : memref<80xi32, #tpu.memory_space<vmem>>)
      %dma_start3A_207 = arith.constant 0 : i32
      %dma_start3A_208 = arith.constant 0 : i32
      %dma_start3A_209 = tpu.memref_slice %arg2[%dma_start3A_207, %dma_start3A_208] : memref<10000x128xf32, #tpu.memory_space<hbm>> -> memref<10000x128xf32, #tpu.memory_space<hbm>>
      tpu.enqueue_indirect_dma source(%dma_start3A_209 : memref<10000x128xf32, #tpu.memory_space<hbm>>) target(%arg13 : memref<80x128xf32, #tpu.memory_space<vmem>>) offsets(%arg10 : memref<80xi32, #tpu.memory_space<vmem>>) semaphore(%arg16 : memref<!tpu.dma_semaphore, #tpu.memory_space<semaphore_mem>>)
      %add3A_210 = arith.constant 1 : i32
      %add3A_211 = arith.addi %mul3A_159, %add3A_210 : i32
      %add3A_212 = arith.constant 2 : i32
      %add3A_213 = arith.addi %add3A_211, %add3A_212 : i32
      %dma_start3A_214 = arith.constant 0 : i32
      %dma_start3A_215 = arith.constant 0 : i32
      %dma_start3A_216 = tpu.memref_slice %arg3[%add3A, %dma_start3A_214, %dma_start3A_215] : memref<32x125x80xi32, #tpu.memory_space<hbm>> -> memref<1x125x80xi32, #tpu.memory_space<hbm>>
      %dma_start3A_217 = tpu.memref_squeeze %dma_start3A_216 : memref<1x125x80xi32, #tpu.memory_space<hbm>> -> memref<125x80xi32, #tpu.memory_space<hbm>>
      %dma_start3A_218 = arith.constant 0 : i32
      %dma_start3A_219 = tpu.memref_slice %dma_start3A_217[%add3A_213, %dma_start3A_218] : memref<125x80xi32, #tpu.memory_space<hbm>> -> memref<1x80xi32, #tpu.memory_space<hbm>>
      %dma_start3A_220 = tpu.memref_squeeze %dma_start3A_219 : memref<1x80xi32, #tpu.memory_space<hbm>> -> memref<80xi32, #tpu.memory_space<hbm>>
      %dma_start3A_221 = arith.constant 0 : i32
      %dma_start3A_222 = arith.constant 0 : i32
      %dma_start3A_223 = tpu.memref_slice %arg3[%add3A, %dma_start3A_221, %dma_start3A_222] : memref<32x125x80xi32, #tpu.memory_space<hbm>> -> memref<1x125x80xi32, #tpu.memory_space<hbm>>
      %dma_start3A_224 = tpu.memref_squeeze %dma_start3A_223 : memref<1x125x80xi32, #tpu.memory_space<hbm>> -> memref<125x80xi32, #tpu.memory_space<hbm>>
      %dma_start3A_225 = arith.constant 0 : i32
      %dma_start3A_226 = tpu.memref_slice %dma_start3A_224[%add3A_213, %dma_start3A_225] : memref<125x80xi32, #tpu.memory_space<hbm>> -> memref<1x80xi32, #tpu.memory_space<hbm>>
      %dma_start3A_227 = tpu.memref_squeeze %dma_start3A_226 : memref<1x80xi32, #tpu.memory_space<hbm>> -> memref<80xi32, #tpu.memory_space<hbm>>
      tpu.enqueue_dma source(%dma_start3A_227 : memref<80xi32, #tpu.memory_space<hbm>>) target(%arg8 : memref<80xi32, #tpu.memory_space<vmem>>) target_semaphore(%arg20 : memref<!tpu.dma_semaphore, #tpu.memory_space<semaphore_mem>>)
      %dma_wait3A_228 = arith.constant 0 : i32
      %dma_wait3A_229 = arith.constant 0 : i32
      %dma_wait3A_230 = tpu.memref_slice %arg2[%dma_wait3A_228, %dma_wait3A_229] : memref<10000x128xf32, #tpu.memory_space<hbm>> -> memref<10000x128xf32, #tpu.memory_space<hbm>>
      tpu.wait_indirect_dma semaphore(%arg15 : memref<!tpu.dma_semaphore, #tpu.memory_space<semaphore_mem>>) src(%dma_wait3A_230 : memref<10000x128xf32, #tpu.memory_space<hbm>>) dst(%arg12 : memref<80x128xf32, #tpu.memory_space<vmem>>)
      %dma_start3A_231 = arith.constant 0 : i32
      %dma_start3A_232 = tpu.memref_slice %arg7[%add3A_211, %dma_start3A_231] : memref<125x80xi32, #tpu.memory_space<vmem>> -> memref<1x80xi32, #tpu.memory_space<vmem>>
      %dma_start3A_233 = tpu.memref_squeeze %dma_start3A_232 : memref<1x80xi32, #tpu.memory_space<vmem>> -> memref<80xi32, #tpu.memory_space<vmem>>
      %dma_start3A_234 = arith.constant 0 : i32
      %dma_start3A_235 = arith.constant 0 : i32
      %dma_start3A_236 = tpu.memref_slice %arg6[%dma_start3A_234, %dma_start3A_235] : memref<10000x128xf32, #tpu.memory_space<vmem_shared>> -> memref<10000x128xf32, #tpu.memory_space<vmem_shared>>
      tpu.enqueue_indirect_dma source(%arg12 : memref<80x128xf32, #tpu.memory_space<vmem>>) target(%dma_start3A_236 : memref<10000x128xf32, #tpu.memory_space<vmem_shared>>) offsets(%dma_start3A_233 : memref<80xi32, #tpu.memory_space<vmem>>) semaphore(%arg18 : memref<!tpu.dma_semaphore, #tpu.memory_space<semaphore_mem>>) {add = true}
      %ge3A_237 = arith.constant 1 : i32
      %ge3A_238 = arith.cmpi sge, %add3A_211, %ge3A_237 : i32
      %convert_element_type3A_239 = arith.extui %ge3A_238 : i1 to i32
      %cond3A_240 = arith.constant 0 : i32
      %cond3A_241 = arith.cmpi ne, %convert_element_type3A_239, %cond3A_240 : i32
      scf.if %cond3A_241 {
        %sub3A_312 = arith.constant 1 : i32
        %sub3A_313 = arith.subi %add3A_211, %sub3A_312 : i32
        %dma_wait3A_314 = arith.constant 0 : i32
        %dma_wait3A_315 = tpu.memref_slice %arg7[%sub3A_313, %dma_wait3A_314] : memref<125x80xi32, #tpu.memory_space<vmem>> -> memref<1x80xi32, #tpu.memory_space<vmem>>
        %dma_wait3A_316 = tpu.memref_squeeze %dma_wait3A_315 : memref<1x80xi32, #tpu.memory_space<vmem>> -> memref<80xi32, #tpu.memory_space<vmem>>
        %dma_wait3A_317 = arith.constant 0 : i32
        %dma_wait3A_318 = arith.constant 0 : i32
        %dma_wait3A_319 = tpu.memref_slice %arg6[%dma_wait3A_317, %dma_wait3A_318] : memref<10000x128xf32, #tpu.memory_space<vmem_shared>> -> memref<10000x128xf32, #tpu.memory_space<vmem_shared>>
        tpu.wait_indirect_dma semaphore(%arg17 : memref<!tpu.dma_semaphore, #tpu.memory_space<semaphore_mem>>) src(%arg11 : memref<80x128xf32, #tpu.memory_space<vmem>>) dst(%dma_wait3A_319 : memref<10000x128xf32, #tpu.memory_space<vmem_shared>>)
      } else {
      }
      %add3A_242 = arith.constant 2 : i32
      %add3A_243 = arith.addi %add3A_211, %add3A_242 : i32
      %dma_wait3A_244 = arith.constant 0 : i32
      %dma_wait3A_245 = arith.constant 0 : i32
      %dma_wait3A_246 = tpu.memref_slice %arg3[%add3A, %dma_wait3A_244, %dma_wait3A_245] : memref<32x125x80xi32, #tpu.memory_space<hbm>> -> memref<1x125x80xi32, #tpu.memory_space<hbm>>
      %dma_wait3A_247 = tpu.memref_squeeze %dma_wait3A_246 : memref<1x125x80xi32, #tpu.memory_space<hbm>> -> memref<125x80xi32, #tpu.memory_space<hbm>>
      %dma_wait3A_248 = arith.constant 0 : i32
      %dma_wait3A_249 = tpu.memref_slice %dma_wait3A_247[%add3A_243, %dma_wait3A_248] : memref<125x80xi32, #tpu.memory_space<hbm>> -> memref<1x80xi32, #tpu.memory_space<hbm>>
      %dma_wait3A_250 = tpu.memref_squeeze %dma_wait3A_249 : memref<1x80xi32, #tpu.memory_space<hbm>> -> memref<80xi32, #tpu.memory_space<hbm>>
      %dma_wait3A_251 = arith.constant 0 : i32
      %dma_wait3A_252 = arith.constant 0 : i32
      %dma_wait3A_253 = tpu.memref_slice %arg3[%add3A, %dma_wait3A_251, %dma_wait3A_252] : memref<32x125x80xi32, #tpu.memory_space<hbm>> -> memref<1x125x80xi32, #tpu.memory_space<hbm>>
      %dma_wait3A_254 = tpu.memref_squeeze %dma_wait3A_253 : memref<1x125x80xi32, #tpu.memory_space<hbm>> -> memref<125x80xi32, #tpu.memory_space<hbm>>
      %dma_wait3A_255 = arith.constant 0 : i32
      %dma_wait3A_256 = tpu.memref_slice %dma_wait3A_254[%add3A_243, %dma_wait3A_255] : memref<125x80xi32, #tpu.memory_space<hbm>> -> memref<1x80xi32, #tpu.memory_space<hbm>>
      %dma_wait3A_257 = tpu.memref_squeeze %dma_wait3A_256 : memref<1x80xi32, #tpu.memory_space<hbm>> -> memref<80xi32, #tpu.memory_space<hbm>>
      tpu.wait_dma2 semaphore(%arg20 : memref<!tpu.dma_semaphore, #tpu.memory_space<semaphore_mem>>) src(%dma_wait3A_257 : memref<80xi32, #tpu.memory_space<hbm>>) dst(%arg8 : memref<80xi32, #tpu.memory_space<vmem>>)
      %dma_start3A_258 = arith.constant 0 : i32
      %dma_start3A_259 = arith.constant 0 : i32
      %dma_start3A_260 = tpu.memref_slice %arg2[%dma_start3A_258, %dma_start3A_259] : memref<10000x128xf32, #tpu.memory_space<hbm>> -> memref<10000x128xf32, #tpu.memory_space<hbm>>
      tpu.enqueue_indirect_dma source(%dma_start3A_260 : memref<10000x128xf32, #tpu.memory_space<hbm>>) target(%arg11 : memref<80x128xf32, #tpu.memory_space<vmem>>) offsets(%arg8 : memref<80xi32, #tpu.memory_space<vmem>>) semaphore(%arg14 : memref<!tpu.dma_semaphore, #tpu.memory_space<semaphore_mem>>)
      %add3A_261 = arith.constant 2 : i32
      %add3A_262 = arith.addi %mul3A_159, %add3A_261 : i32
      %add3A_263 = arith.constant 2 : i32
      %add3A_264 = arith.addi %add3A_262, %add3A_263 : i32
      %dma_start3A_265 = arith.constant 0 : i32
      %dma_start3A_266 = arith.constant 0 : i32
      %dma_start3A_267 = tpu.memref_slice %arg3[%add3A, %dma_start3A_265, %dma_start3A_266] : memref<32x125x80xi32, #tpu.memory_space<hbm>> -> memref<1x125x80xi32, #tpu.memory_space<hbm>>
      %dma_start3A_268 = tpu.memref_squeeze %dma_start3A_267 : memref<1x125x80xi32, #tpu.memory_space<hbm>> -> memref<125x80xi32, #tpu.memory_space<hbm>>
      %dma_start3A_269 = arith.constant 0 : i32
      %dma_start3A_270 = tpu.memref_slice %dma_start3A_268[%add3A_264, %dma_start3A_269] : memref<125x80xi32, #tpu.memory_space<hbm>> -> memref<1x80xi32, #tpu.memory_space<hbm>>
      %dma_start3A_271 = tpu.memref_squeeze %dma_start3A_270 : memref<1x80xi32, #tpu.memory_space<hbm>> -> memref<80xi32, #tpu.memory_space<hbm>>
      %dma_start3A_272 = arith.constant 0 : i32
      %dma_start3A_273 = arith.constant 0 : i32
      %dma_start3A_274 = tpu.memref_slice %arg3[%add3A, %dma_start3A_272, %dma_start3A_273] : memref<32x125x80xi32, #tpu.memory_space<hbm>> -> memref<1x125x80xi32, #tpu.memory_space<hbm>>
      %dma_start3A_275 = tpu.memref_squeeze %dma_start3A_274 : memref<1x125x80xi32, #tpu.memory_space<hbm>> -> memref<125x80xi32, #tpu.memory_space<hbm>>
      %dma_start3A_276 = arith.constant 0 : i32
      %dma_start3A_277 = tpu.memref_slice %dma_start3A_275[%add3A_264, %dma_start3A_276] : memref<125x80xi32, #tpu.memory_space<hbm>> -> memref<1x80xi32, #tpu.memory_space<hbm>>
      %dma_start3A_278 = tpu.memref_squeeze %dma_start3A_277 : memref<1x80xi32, #tpu.memory_space<hbm>> -> memref<80xi32, #tpu.memory_space<hbm>>
      tpu.enqueue_dma source(%dma_start3A_278 : memref<80xi32, #tpu.memory_space<hbm>>) target(%arg9 : memref<80xi32, #tpu.memory_space<vmem>>) target_semaphore(%arg21 : memref<!tpu.dma_semaphore, #tpu.memory_space<semaphore_mem>>)
      %dma_wait3A_279 = arith.constant 0 : i32
      %dma_wait3A_280 = arith.constant 0 : i32
      %dma_wait3A_281 = tpu.memref_slice %arg2[%dma_wait3A_279, %dma_wait3A_280] : memref<10000x128xf32, #tpu.memory_space<hbm>> -> memref<10000x128xf32, #tpu.memory_space<hbm>>
      tpu.wait_indirect_dma semaphore(%arg16 : memref<!tpu.dma_semaphore, #tpu.memory_space<semaphore_mem>>) src(%dma_wait3A_281 : memref<10000x128xf32, #tpu.memory_space<hbm>>) dst(%arg13 : memref<80x128xf32, #tpu.memory_space<vmem>>)
      %dma_start3A_282 = arith.constant 0 : i32
      %dma_start3A_283 = tpu.memref_slice %arg7[%add3A_262, %dma_start3A_282] : memref<125x80xi32, #tpu.memory_space<vmem>> -> memref<1x80xi32, #tpu.memory_space<vmem>>
      %dma_start3A_284 = tpu.memref_squeeze %dma_start3A_283 : memref<1x80xi32, #tpu.memory_space<vmem>> -> memref<80xi32, #tpu.memory_space<vmem>>
      %dma_start3A_285 = arith.constant 0 : i32
      %dma_start3A_286 = arith.constant 0 : i32
      %dma_start3A_287 = tpu.memref_slice %arg6[%dma_start3A_285, %dma_start3A_286] : memref<10000x128xf32, #tpu.memory_space<vmem_shared>> -> memref<10000x128xf32, #tpu.memory_space<vmem_shared>>
      tpu.enqueue_indirect_dma source(%arg13 : memref<80x128xf32, #tpu.memory_space<vmem>>) target(%dma_start3A_287 : memref<10000x128xf32, #tpu.memory_space<vmem_shared>>) offsets(%dma_start3A_284 : memref<80xi32, #tpu.memory_space<vmem>>) semaphore(%arg19 : memref<!tpu.dma_semaphore, #tpu.memory_space<semaphore_mem>>) {add = true}
      %ge3A_288 = arith.constant 1 : i32
      %ge3A_289 = arith.cmpi sge, %add3A_262, %ge3A_288 : i32
      %convert_element_type3A_290 = arith.extui %ge3A_289 : i1 to i32
      %cond3A_291 = arith.constant 0 : i32
      %cond3A_292 = arith.cmpi ne, %convert_element_type3A_290, %cond3A_291 : i32
      scf.if %cond3A_292 {
        %sub3A_312 = arith.constant 1 : i32
        %sub3A_313 = arith.subi %add3A_262, %sub3A_312 : i32
        %dma_wait3A_314 = arith.constant 0 : i32
        %dma_wait3A_315 = tpu.memref_slice %arg7[%sub3A_313, %dma_wait3A_314] : memref<125x80xi32, #tpu.memory_space<vmem>> -> memref<1x80xi32, #tpu.memory_space<vmem>>
        %dma_wait3A_316 = tpu.memref_squeeze %dma_wait3A_315 : memref<1x80xi32, #tpu.memory_space<vmem>> -> memref<80xi32, #tpu.memory_space<vmem>>
        %dma_wait3A_317 = arith.constant 0 : i32
        %dma_wait3A_318 = arith.constant 0 : i32
        %dma_wait3A_319 = tpu.memref_slice %arg6[%dma_wait3A_317, %dma_wait3A_318] : memref<10000x128xf32, #tpu.memory_space<vmem_shared>> -> memref<10000x128xf32, #tpu.memory_space<vmem_shared>>
        tpu.wait_indirect_dma semaphore(%arg18 : memref<!tpu.dma_semaphore, #tpu.memory_space<semaphore_mem>>) src(%arg12 : memref<80x128xf32, #tpu.memory_space<vmem>>) dst(%dma_wait3A_319 : memref<10000x128xf32, #tpu.memory_space<vmem_shared>>)
      } else {
      }
      %add3A_293 = arith.constant 2 : i32
      %add3A_294 = arith.addi %add3A_262, %add3A_293 : i32
      %dma_wait3A_295 = arith.constant 0 : i32
      %dma_wait3A_296 = arith.constant 0 : i32
      %dma_wait3A_297 = tpu.memref_slice %arg3[%add3A, %dma_wait3A_295, %dma_wait3A_296] : memref<32x125x80xi32, #tpu.memory_space<hbm>> -> memref<1x125x80xi32, #tpu.memory_space<hbm>>
      %dma_wait3A_298 = tpu.memref_squeeze %dma_wait3A_297 : memref<1x125x80xi32, #tpu.memory_space<hbm>> -> memref<125x80xi32, #tpu.memory_space<hbm>>
      %dma_wait3A_299 = arith.constant 0 : i32
      %dma_wait3A_300 = tpu.memref_slice %dma_wait3A_298[%add3A_294, %dma_wait3A_299] : memref<125x80xi32, #tpu.memory_space<hbm>> -> memref<1x80xi32, #tpu.memory_space<hbm>>
      %dma_wait3A_301 = tpu.memref_squeeze %dma_wait3A_300 : memref<1x80xi32, #tpu.memory_space<hbm>> -> memref<80xi32, #tpu.memory_space<hbm>>
      %dma_wait3A_302 = arith.constant 0 : i32
      %dma_wait3A_303 = arith.constant 0 : i32
      %dma_wait3A_304 = tpu.memref_slice %arg3[%add3A, %dma_wait3A_302, %dma_wait3A_303] : memref<32x125x80xi32, #tpu.memory_space<hbm>> -> memref<1x125x80xi32, #tpu.memory_space<hbm>>
      %dma_wait3A_305 = tpu.memref_squeeze %dma_wait3A_304 : memref<1x125x80xi32, #tpu.memory_space<hbm>> -> memref<125x80xi32, #tpu.memory_space<hbm>>
      %dma_wait3A_306 = arith.constant 0 : i32
      %dma_wait3A_307 = tpu.memref_slice %dma_wait3A_305[%add3A_294, %dma_wait3A_306] : memref<125x80xi32, #tpu.memory_space<hbm>> -> memref<1x80xi32, #tpu.memory_space<hbm>>
      %dma_wait3A_308 = tpu.memref_squeeze %dma_wait3A_307 : memref<1x80xi32, #tpu.memory_space<hbm>> -> memref<80xi32, #tpu.memory_space<hbm>>
      tpu.wait_dma2 semaphore(%arg21 : memref<!tpu.dma_semaphore, #tpu.memory_space<semaphore_mem>>) src(%dma_wait3A_308 : memref<80xi32, #tpu.memory_space<hbm>>) dst(%arg9 : memref<80xi32, #tpu.memory_space<vmem>>)
      %dma_start3A_309 = arith.constant 0 : i32
      %dma_start3A_310 = arith.constant 0 : i32
      %dma_start3A_311 = tpu.memref_slice %arg2[%dma_start3A_309, %dma_start3A_310] : memref<10000x128xf32, #tpu.memory_space<hbm>> -> memref<10000x128xf32, #tpu.memory_space<hbm>>
      tpu.enqueue_indirect_dma source(%dma_start3A_311 : memref<10000x128xf32, #tpu.memory_space<hbm>>) target(%arg12 : memref<80x128xf32, #tpu.memory_space<vmem>>) offsets(%arg9 : memref<80xi32, #tpu.memory_space<vmem>>) semaphore(%arg15 : memref<!tpu.dma_semaphore, #tpu.memory_space<semaphore_mem>>)
    }
    %scan3A_101 = arith.constant 41 : i32
    %dma_wait3A_102 = arith.constant 0 : i32
    %dma_wait3A_103 = arith.constant 0 : i32
    %dma_wait3A_104 = tpu.memref_slice %arg2[%dma_wait3A_102, %dma_wait3A_103] : memref<10000x128xf32, #tpu.memory_space<hbm>> -> memref<10000x128xf32, #tpu.memory_space<hbm>>
    tpu.wait_indirect_dma semaphore(%arg14 : memref<!tpu.dma_semaphore, #tpu.memory_space<semaphore_mem>>) src(%dma_wait3A_104 : memref<10000x128xf32, #tpu.memory_space<hbm>>) dst(%arg11 : memref<80x128xf32, #tpu.memory_space<vmem>>)
    %dma_start3A_105 = arith.constant 123 : i32
    %dma_start3A_106 = arith.constant 0 : i32
    %dma_start3A_107 = tpu.memref_slice %arg7[%dma_start3A_105, %dma_start3A_106] : memref<125x80xi32, #tpu.memory_space<vmem>> -> memref<1x80xi32, #tpu.memory_space<vmem>>
    %dma_start3A_108 = tpu.memref_squeeze %dma_start3A_107 : memref<1x80xi32, #tpu.memory_space<vmem>> -> memref<80xi32, #tpu.memory_space<vmem>>
    %dma_start3A_109 = arith.constant 0 : i32
    %dma_start3A_110 = arith.constant 0 : i32
    %dma_start3A_111 = tpu.memref_slice %arg6[%dma_start3A_109, %dma_start3A_110] : memref<10000x128xf32, #tpu.memory_space<vmem_shared>> -> memref<10000x128xf32, #tpu.memory_space<vmem_shared>>
    tpu.enqueue_indirect_dma source(%arg11 : memref<80x128xf32, #tpu.memory_space<vmem>>) target(%dma_start3A_111 : memref<10000x128xf32, #tpu.memory_space<vmem_shared>>) offsets(%dma_start3A_108 : memref<80xi32, #tpu.memory_space<vmem>>) semaphore(%arg17 : memref<!tpu.dma_semaphore, #tpu.memory_space<semaphore_mem>>) {add = true}
    %dma_wait3A_112 = arith.constant 0 : i32
    %dma_wait3A_113 = arith.constant 0 : i32
    %dma_wait3A_114 = tpu.memref_slice %arg2[%dma_wait3A_112, %dma_wait3A_113] : memref<10000x128xf32, #tpu.memory_space<hbm>> -> memref<10000x128xf32, #tpu.memory_space<hbm>>
    tpu.wait_indirect_dma semaphore(%arg15 : memref<!tpu.dma_semaphore, #tpu.memory_space<semaphore_mem>>) src(%dma_wait3A_114 : memref<10000x128xf32, #tpu.memory_space<hbm>>) dst(%arg12 : memref<80x128xf32, #tpu.memory_space<vmem>>)
    %dma_start3A_115 = arith.constant 124 : i32
    %dma_start3A_116 = arith.constant 0 : i32
    %dma_start3A_117 = tpu.memref_slice %arg7[%dma_start3A_115, %dma_start3A_116] : memref<125x80xi32, #tpu.memory_space<vmem>> -> memref<1x80xi32, #tpu.memory_space<vmem>>
    %dma_start3A_118 = tpu.memref_squeeze %dma_start3A_117 : memref<1x80xi32, #tpu.memory_space<vmem>> -> memref<80xi32, #tpu.memory_space<vmem>>
    %dma_start3A_119 = arith.constant 0 : i32
    %dma_start3A_120 = arith.constant 0 : i32
    %dma_start3A_121 = tpu.memref_slice %arg6[%dma_start3A_119, %dma_start3A_120] : memref<10000x128xf32, #tpu.memory_space<vmem_shared>> -> memref<10000x128xf32, #tpu.memory_space<vmem_shared>>
    tpu.enqueue_indirect_dma source(%arg12 : memref<80x128xf32, #tpu.memory_space<vmem>>) target(%dma_start3A_121 : memref<10000x128xf32, #tpu.memory_space<vmem_shared>>) offsets(%dma_start3A_118 : memref<80xi32, #tpu.memory_space<vmem>>) semaphore(%arg18 : memref<!tpu.dma_semaphore, #tpu.memory_space<semaphore_mem>>) {add = true}
    %dma_wait3A_122 = arith.constant 122 : i32
    %dma_wait3A_123 = arith.constant 0 : i32
    %dma_wait3A_124 = tpu.memref_slice %arg7[%dma_wait3A_122, %dma_wait3A_123] : memref<125x80xi32, #tpu.memory_space<vmem>> -> memref<1x80xi32, #tpu.memory_space<vmem>>
    %dma_wait3A_125 = tpu.memref_squeeze %dma_wait3A_124 : memref<1x80xi32, #tpu.memory_space<vmem>> -> memref<80xi32, #tpu.memory_space<vmem>>
    %dma_wait3A_126 = arith.constant 0 : i32
    %dma_wait3A_127 = arith.constant 0 : i32
    %dma_wait3A_128 = tpu.memref_slice %arg6[%dma_wait3A_126, %dma_wait3A_127] : memref<10000x128xf32, #tpu.memory_space<vmem_shared>> -> memref<10000x128xf32, #tpu.memory_space<vmem_shared>>
    tpu.wait_indirect_dma semaphore(%arg19 : memref<!tpu.dma_semaphore, #tpu.memory_space<semaphore_mem>>) src(%arg13 : memref<80x128xf32, #tpu.memory_space<vmem>>) dst(%dma_wait3A_128 : memref<10000x128xf32, #tpu.memory_space<vmem_shared>>)
    %dma_wait3A_129 = arith.constant 123 : i32
    %dma_wait3A_130 = arith.constant 0 : i32
    %dma_wait3A_131 = tpu.memref_slice %arg7[%dma_wait3A_129, %dma_wait3A_130] : memref<125x80xi32, #tpu.memory_space<vmem>> -> memref<1x80xi32, #tpu.memory_space<vmem>>
    %dma_wait3A_132 = tpu.memref_squeeze %dma_wait3A_131 : memref<1x80xi32, #tpu.memory_space<vmem>> -> memref<80xi32, #tpu.memory_space<vmem>>
    %dma_wait3A_133 = arith.constant 0 : i32
    %dma_wait3A_134 = arith.constant 0 : i32
    %dma_wait3A_135 = tpu.memref_slice %arg6[%dma_wait3A_133, %dma_wait3A_134] : memref<10000x128xf32, #tpu.memory_space<vmem_shared>> -> memref<10000x128xf32, #tpu.memory_space<vmem_shared>>
    tpu.wait_indirect_dma semaphore(%arg17 : memref<!tpu.dma_semaphore, #tpu.memory_space<semaphore_mem>>) src(%arg11 : memref<80x128xf32, #tpu.memory_space<vmem>>) dst(%dma_wait3A_135 : memref<10000x128xf32, #tpu.memory_space<vmem_shared>>)
    %dma_wait3A_136 = arith.constant 124 : i32
    %dma_wait3A_137 = arith.constant 0 : i32
    %dma_wait3A_138 = tpu.memref_slice %arg7[%dma_wait3A_136, %dma_wait3A_137] : memref<125x80xi32, #tpu.memory_space<vmem>> -> memref<1x80xi32, #tpu.memory_space<vmem>>
    %dma_wait3A_139 = tpu.memref_squeeze %dma_wait3A_138 : memref<1x80xi32, #tpu.memory_space<vmem>> -> memref<80xi32, #tpu.memory_space<vmem>>
    %dma_wait3A_140 = arith.constant 0 : i32
    %dma_wait3A_141 = arith.constant 0 : i32
    %dma_wait3A_142 = tpu.memref_slice %arg6[%dma_wait3A_140, %dma_wait3A_141] : memref<10000x128xf32, #tpu.memory_space<vmem_shared>> -> memref<10000x128xf32, #tpu.memory_space<vmem_shared>>
    tpu.wait_indirect_dma semaphore(%arg18 : memref<!tpu.dma_semaphore, #tpu.memory_space<semaphore_mem>>) src(%arg12 : memref<80x128xf32, #tpu.memory_space<vmem>>) dst(%dma_wait3A_142 : memref<10000x128xf32, #tpu.memory_space<vmem_shared>>)
    %barrier3A_143 = arith.constant 0 : index
    tpu.barrier barrier_id(%barrier3A_143)
    %mul3A_144 = arith.constant 624 : i32
    %mul3A_145 = arith.muli %arg1, %mul3A_144 : i32
    %mul3A_146 = arith.constant 624 : i32
    %mul3A_147 = arith.muli %arg1, %mul3A_146 : i32
    "tpu.region"() ({
      %run_scoped3A = tpu.sem_alloc : memref<!tpu.dma_semaphore, #tpu.memory_space<semaphore_mem>>
      %dma_start3A_153 = arith.constant 0 : i32
      %dma_start3A_154 = arith.constant 0 : i32
      %dma_start3A_155 = tpu.memref_slice %arg5[%arg0, %dma_start3A_153, %dma_start3A_154] : memref<2x10000x128xf32, #tpu.memory_space<hbm>> -> memref<1x10000x128xf32, #tpu.memory_space<hbm>>
      %dma_start3A_156 = tpu.memref_squeeze %dma_start3A_155 : memref<1x10000x128xf32, #tpu.memory_space<hbm>> -> memref<10000x128xf32, #tpu.memory_space<hbm>>
      %dma_start3A_157 = arith.constant 0 : i32
      %dma_start3A_158 = tpu.memref_slice %dma_start3A_156[%mul3A_147, %dma_start3A_157] : memref<10000x128xf32, #tpu.memory_space<hbm>> -> memref<624x128xf32, #tpu.memory_space<hbm>>
      %dma_start3A_159 = arith.constant 0 : i32
      %dma_start3A_160 = tpu.memref_slice %arg6[%mul3A_145, %dma_start3A_159] : memref<10000x128xf32, #tpu.memory_space<vmem_shared>> -> memref<624x128xf32, #tpu.memory_space<vmem_shared>>
      tpu.enqueue_dma source(%dma_start3A_160 : memref<624x128xf32, #tpu.memory_space<vmem_shared>>) target(%dma_start3A_158 : memref<624x128xf32, #tpu.memory_space<hbm>>) target_semaphore(%run_scoped3A : memref<!tpu.dma_semaphore, #tpu.memory_space<semaphore_mem>>)
      %dma_wait3A_161 = arith.constant 0 : i32
      %dma_wait3A_162 = arith.constant 0 : i32
      %dma_wait3A_163 = tpu.memref_slice %arg5[%arg0, %dma_wait3A_161, %dma_wait3A_162] : memref<2x10000x128xf32, #tpu.memory_space<hbm>> -> memref<1x10000x128xf32, #tpu.memory_space<hbm>>
      %dma_wait3A_164 = tpu.memref_squeeze %dma_wait3A_163 : memref<1x10000x128xf32, #tpu.memory_space<hbm>> -> memref<10000x128xf32, #tpu.memory_space<hbm>>
      %dma_wait3A_165 = arith.constant 0 : i32
      %dma_wait3A_166 = tpu.memref_slice %dma_wait3A_164[%mul3A_147, %dma_wait3A_165] : memref<10000x128xf32, #tpu.memory_space<hbm>> -> memref<624x128xf32, #tpu.memory_space<hbm>>
      %dma_wait3A_167 = arith.constant 0 : i32
      %dma_wait3A_168 = tpu.memref_slice %arg6[%mul3A_145, %dma_wait3A_167] : memref<10000x128xf32, #tpu.memory_space<vmem_shared>> -> memref<624x128xf32, #tpu.memory_space<vmem_shared>>
      tpu.wait_dma2 semaphore(%run_scoped3A : memref<!tpu.dma_semaphore, #tpu.memory_space<semaphore_mem>>) src(%dma_wait3A_168 : memref<624x128xf32, #tpu.memory_space<vmem_shared>>) dst(%dma_wait3A_166 : memref<624x128xf32, #tpu.memory_space<hbm>>)
      tpu.yield
    }) : () -> ()
    %eq3A_148 = arith.constant 15 : i32
    %eq3A_149 = arith.cmpi eq, %arg1, %eq3A_148 : i32
    %convert_element_type3A_150 = arith.extui %eq3A_149 : i1 to i32
    %cond3A_151 = arith.constant 0 : i32
    %cond3A_152 = arith.cmpi ne, %convert_element_type3A_150, %cond3A_151 : i32
    scf.if %cond3A_152 {
      "tpu.region"() ({
        %run_scoped3A = tpu.sem_alloc : memref<!tpu.dma_semaphore, #tpu.memory_space<semaphore_mem>>
        %dma_start3A_153 = arith.constant 0 : i32
        %dma_start3A_154 = arith.constant 0 : i32
        %dma_start3A_155 = tpu.memref_slice %arg5[%arg0, %dma_start3A_153, %dma_start3A_154] : memref<2x10000x128xf32, #tpu.memory_space<hbm>> -> memref<1x10000x128xf32, #tpu.memory_space<hbm>>
        %dma_start3A_156 = tpu.memref_squeeze %dma_start3A_155 : memref<1x10000x128xf32, #tpu.memory_space<hbm>> -> memref<10000x128xf32, #tpu.memory_space<hbm>>
        %dma_start3A_157 = arith.constant 9984 : i32
        %dma_start3A_158 = arith.constant 0 : i32
        %dma_start3A_159 = tpu.memref_slice %dma_start3A_156[%dma_start3A_157, %dma_start3A_158] : memref<10000x128xf32, #tpu.memory_space<hbm>> -> memref<16x128xf32, #tpu.memory_space<hbm>>
        %dma_start3A_160 = arith.constant 9984 : i32
        %dma_start3A_161 = arith.constant 0 : i32
        %dma_start3A_162 = tpu.memref_slice %arg6[%dma_start3A_160, %dma_start3A_161] : memref<10000x128xf32, #tpu.memory_space<vmem_shared>> -> memref<16x128xf32, #tpu.memory_space<vmem_shared>>
        tpu.enqueue_dma source(%dma_start3A_162 : memref<16x128xf32, #tpu.memory_space<vmem_shared>>) target(%dma_start3A_159 : memref<16x128xf32, #tpu.memory_space<hbm>>) target_semaphore(%run_scoped3A : memref<!tpu.dma_semaphore, #tpu.memory_space<semaphore_mem>>)
        %dma_wait3A_163 = arith.constant 0 : i32
        %dma_wait3A_164 = arith.constant 0 : i32
        %dma_wait3A_165 = tpu.memref_slice %arg5[%arg0, %dma_wait3A_163, %dma_wait3A_164] : memref<2x10000x128xf32, #tpu.memory_space<hbm>> -> memref<1x10000x128xf32, #tpu.memory_space<hbm>>
        %dma_wait3A_166 = tpu.memref_squeeze %dma_wait3A_165 : memref<1x10000x128xf32, #tpu.memory_space<hbm>> -> memref<10000x128xf32, #tpu.memory_space<hbm>>
        %dma_wait3A_167 = arith.constant 9984 : i32
        %dma_wait3A_168 = arith.constant 0 : i32
        %dma_wait3A_169 = tpu.memref_slice %dma_wait3A_166[%dma_wait3A_167, %dma_wait3A_168] : memref<10000x128xf32, #tpu.memory_space<hbm>> -> memref<16x128xf32, #tpu.memory_space<hbm>>
        %dma_wait3A_170 = arith.constant 9984 : i32
        %dma_wait3A_171 = arith.constant 0 : i32
        %dma_wait3A_172 = tpu.memref_slice %arg6[%dma_wait3A_170, %dma_wait3A_171] : memref<10000x128xf32, #tpu.memory_space<vmem_shared>> -> memref<16x128xf32, #tpu.memory_space<vmem_shared>>
        tpu.wait_dma2 semaphore(%run_scoped3A : memref<!tpu.dma_semaphore, #tpu.memory_space<semaphore_mem>>) src(%dma_wait3A_172 : memref<16x128xf32, #tpu.memory_space<vmem_shared>>) dst(%dma_wait3A_169 : memref<16x128xf32, #tpu.memory_space<hbm>>)
        tpu.yield
      }) : () -> ()
    } else {
    }
    return
  }
}

module attributes {stable_mosaic.version = 14 : i64} {
  func.func @_mlp_body(%arg0: i32, %arg1: memref<2000x128xf32, #tpu.memory_space<vmem>>, %arg2: memref<2000x128xf32, #tpu.memory_space<vmem>>, %arg3: memref<2000x128xf32, #tpu.memory_space<vmem>>, %arg4: memref<128x128xbf16, #tpu.memory_space<vmem>>, %arg5: memref<128x128xbf16, #tpu.memory_space<vmem>>, %arg6: memref<1x128xf32, #tpu.memory_space<vmem>>, %arg7: memref<128x128xbf16, #tpu.memory_space<vmem>>, %arg8: memref<128x128xbf16, #tpu.memory_space<vmem>>, %arg9: memref<1x128xf32, #tpu.memory_space<vmem>>, %arg10: memref<2000x128xf32, #tpu.memory_space<vmem>>) attributes {dimension_semantics = [#tpu.dimension_semantics<arbitrary>], iteration_bounds = array<i64: 5>, scalar_prefetch = 0 : i64, scratch_operands = 0 : i64, tpu.core_type = #tpu.core_type<tc>, window_params = [{transform_indices = @transform_0, window_bounds = array<i64: 2000, 128>}, {transform_indices = @transform_1, window_bounds = array<i64: 2000, 128>}, {transform_indices = @transform_2, window_bounds = array<i64: 2000, 128>}, {pipeline_mode = #tpu.pipeline_mode<synchronous>, transform_indices = @transform_3, window_bounds = array<i64: 128, 128>}, {pipeline_mode = #tpu.pipeline_mode<synchronous>, transform_indices = @transform_4, window_bounds = array<i64: 128, 128>}, {pipeline_mode = #tpu.pipeline_mode<synchronous>, transform_indices = @transform_5, window_bounds = array<i64: 1, 128>}, {pipeline_mode = #tpu.pipeline_mode<synchronous>, transform_indices = @transform_6, window_bounds = array<i64: 128, 128>}, {pipeline_mode = #tpu.pipeline_mode<synchronous>, transform_indices = @transform_7, window_bounds = array<i64: 128, 128>}, {pipeline_mode = #tpu.pipeline_mode<synchronous>, transform_indices = @transform_8, window_bounds = array<i64: 1, 128>}, {transform_indices = @transform_9, window_bounds = array<i64: 2000, 128>}]} {
    %get3A = arith.constant 0 : index
    %get3A_0 = arith.constant 0 : index
    %get3A_1 = vector.load %arg1[%get3A, %get3A_0] : memref<2000x128xf32, #tpu.memory_space<vmem>>, vector<2000x128xf32>
    %get3A_2 = arith.constant 0 : index
    %get3A_3 = arith.constant 0 : index
    %get3A_4 = vector.load %arg2[%get3A_2, %get3A_3] : memref<2000x128xf32, #tpu.memory_space<vmem>>, vector<2000x128xf32>
    %add3A = arith.addf %get3A_1, %get3A_4 : vector<2000x128xf32>
    %get3A_5 = arith.constant 0 : index
    %get3A_6 = arith.constant 0 : index
    %get3A_7 = vector.load %arg3[%get3A_5, %get3A_6] : memref<2000x128xf32, #tpu.memory_space<vmem>>, vector<2000x128xf32>
    %add3A_8 = arith.addf %add3A, %get3A_7 : vector<2000x128xf32>
    %get3A_9 = arith.constant 0 : index
    %get3A_10 = arith.constant 0 : index
    %get3A_11 = vector.load %arg4[%get3A_9, %get3A_10] : memref<128x128xbf16, #tpu.memory_space<vmem>>, vector<128x128xbf16>
    %get3A_12 = arith.constant 0 : index
    %get3A_13 = arith.constant 0 : index
    %get3A_14 = vector.load %arg5[%get3A_12, %get3A_13] : memref<128x128xbf16, #tpu.memory_space<vmem>>, vector<128x128xbf16>
    %convert_element_type3A = arith.truncf %add3A_8 : vector<2000x128xf32> to vector<2000x128xbf16>
    %convert_element_type3A_15 = arith.extf %convert_element_type3A : vector<2000x128xbf16> to vector<2000x128xf32>
    %sub3A = arith.subf %add3A_8, %convert_element_type3A_15 : vector<2000x128xf32>
    %convert_element_type3A_16 = arith.truncf %sub3A : vector<2000x128xf32> to vector<2000x128xbf16>
    %dot_general3A = arith.constant dense<0.000000e+00> : vector<2000x128xf32>
    %dot_general3A_17 = tpu.matmul %convert_element_type3A, %get3A_11, %dot_general3A {dimension_numbers = #tpu.dot_dimension_numbers<[1], [0], [0], [1], [0, 0, 1, 1], [], []>, transpose_lhs_hint = false} : vector<2000x128xbf16>, vector<128x128xbf16>, vector<2000x128xf32> -> vector<2000x128xf32>
    %dot_general3A_18 = arith.constant dense<0.000000e+00> : vector<2000x128xf32>
    %dot_general3A_19 = tpu.matmul %convert_element_type3A, %get3A_14, %dot_general3A_18 {dimension_numbers = #tpu.dot_dimension_numbers<[1], [0], [0], [1], [0, 0, 1, 1], [], []>, transpose_lhs_hint = false} : vector<2000x128xbf16>, vector<128x128xbf16>, vector<2000x128xf32> -> vector<2000x128xf32>
    %dot_general3A_20 = arith.constant dense<0.000000e+00> : vector<2000x128xf32>
    %dot_general3A_21 = tpu.matmul %convert_element_type3A_16, %get3A_11, %dot_general3A_20 {dimension_numbers = #tpu.dot_dimension_numbers<[1], [0], [0], [1], [0, 0, 1, 1], [], []>, transpose_lhs_hint = false} : vector<2000x128xbf16>, vector<128x128xbf16>, vector<2000x128xf32> -> vector<2000x128xf32>
    %add3A_22 = arith.addf %dot_general3A_19, %dot_general3A_21 : vector<2000x128xf32>
    %add3A_23 = arith.addf %dot_general3A_17, %add3A_22 : vector<2000x128xf32>
    %get3A_24 = arith.constant 0 : index
    %get3A_25 = arith.constant 0 : index
    %get3A_26 = vector.load %arg6[%get3A_24, %get3A_25] : memref<1x128xf32, #tpu.memory_space<vmem>>, vector<1x128xf32>
    %add3A_27 = vector.broadcast %get3A_26 : vector<1x128xf32> to vector<2000x128xf32>
    %add3A_28 = arith.addf %add3A_23, %add3A_27 : vector<2000x128xf32>
    %max3A = arith.constant 0.000000e+00 : f32
    %max3A_29 = vector.broadcast %max3A : f32 to vector<2000x128xf32>
    %max3A_30 = arith.maximumf %add3A_28, %max3A_29 : vector<2000x128xf32>
    %get3A_31 = arith.constant 0 : index
    %get3A_32 = arith.constant 0 : index
    %get3A_33 = vector.load %arg7[%get3A_31, %get3A_32] : memref<128x128xbf16, #tpu.memory_space<vmem>>, vector<128x128xbf16>
    %get3A_34 = arith.constant 0 : index
    %get3A_35 = arith.constant 0 : index
    %get3A_36 = vector.load %arg8[%get3A_34, %get3A_35] : memref<128x128xbf16, #tpu.memory_space<vmem>>, vector<128x128xbf16>
    %convert_element_type3A_37 = arith.truncf %max3A_30 : vector<2000x128xf32> to vector<2000x128xbf16>
    %convert_element_type3A_38 = arith.extf %convert_element_type3A_37 : vector<2000x128xbf16> to vector<2000x128xf32>
    %sub3A_39 = arith.subf %max3A_30, %convert_element_type3A_38 : vector<2000x128xf32>
    %convert_element_type3A_40 = arith.truncf %sub3A_39 : vector<2000x128xf32> to vector<2000x128xbf16>
    %dot_general3A_41 = arith.constant dense<0.000000e+00> : vector<2000x128xf32>
    %dot_general3A_42 = tpu.matmul %convert_element_type3A_37, %get3A_33, %dot_general3A_41 {dimension_numbers = #tpu.dot_dimension_numbers<[1], [0], [0], [1], [0, 0, 1, 1], [], []>, transpose_lhs_hint = false} : vector<2000x128xbf16>, vector<128x128xbf16>, vector<2000x128xf32> -> vector<2000x128xf32>
    %dot_general3A_43 = arith.constant dense<0.000000e+00> : vector<2000x128xf32>
    %dot_general3A_44 = tpu.matmul %convert_element_type3A_37, %get3A_36, %dot_general3A_43 {dimension_numbers = #tpu.dot_dimension_numbers<[1], [0], [0], [1], [0, 0, 1, 1], [], []>, transpose_lhs_hint = false} : vector<2000x128xbf16>, vector<128x128xbf16>, vector<2000x128xf32> -> vector<2000x128xf32>
    %dot_general3A_45 = arith.constant dense<0.000000e+00> : vector<2000x128xf32>
    %dot_general3A_46 = tpu.matmul %convert_element_type3A_40, %get3A_33, %dot_general3A_45 {dimension_numbers = #tpu.dot_dimension_numbers<[1], [0], [0], [1], [0, 0, 1, 1], [], []>, transpose_lhs_hint = false} : vector<2000x128xbf16>, vector<128x128xbf16>, vector<2000x128xf32> -> vector<2000x128xf32>
    %add3A_47 = arith.addf %dot_general3A_44, %dot_general3A_46 : vector<2000x128xf32>
    %add3A_48 = arith.addf %dot_general3A_42, %add3A_47 : vector<2000x128xf32>
    %get3A_49 = arith.constant 0 : index
    %get3A_50 = arith.constant 0 : index
    %get3A_51 = vector.load %arg9[%get3A_49, %get3A_50] : memref<1x128xf32, #tpu.memory_space<vmem>>, vector<1x128xf32>
    %add3A_52 = vector.broadcast %get3A_51 : vector<1x128xf32> to vector<2000x128xf32>
    %add3A_53 = arith.addf %add3A_48, %add3A_52 : vector<2000x128xf32>
    %max3A_54 = arith.constant 0.000000e+00 : f32
    %max3A_55 = vector.broadcast %max3A_54 : f32 to vector<2000x128xf32>
    %max3A_56 = arith.maximumf %add3A_53, %max3A_55 : vector<2000x128xf32>
    %swap3A = arith.constant 0 : index
    %swap3A_57 = arith.constant 0 : index
    %swap3A_58 = vector.load %arg10[%swap3A, %swap3A_57] : memref<2000x128xf32, #tpu.memory_space<vmem>>, vector<2000x128xf32>
    tpu.vector_store %arg10[%swap3A, %swap3A_57], %max3A_56 {strides = array<i32>} : memref<2000x128xf32, #tpu.memory_space<vmem>>, vector<2000x128xf32>,
    return
  }
  func.func @transform_0(%arg0: i32) -> (i32, i32) {
    %c0_i32 = arith.constant 0 : i32
    %c0_i32_0 = arith.constant 0 : i32
    return %arg0, %c0_i32 : i32, i32
  }
  func.func @transform_1(%arg0: i32) -> (i32, i32) {
    %c0_i32 = arith.constant 0 : i32
    %c0_i32_0 = arith.constant 0 : i32
    return %arg0, %c0_i32 : i32, i32
  }
  func.func @transform_2(%arg0: i32) -> (i32, i32) {
    %c0_i32 = arith.constant 0 : i32
    %c0_i32_0 = arith.constant 0 : i32
    return %arg0, %c0_i32 : i32, i32
  }
  func.func @transform_3(%arg0: i32) -> (i32, i32) {
    %c0_i32 = arith.constant 0 : i32
    %c0_i32_0 = arith.constant 0 : i32
    %c0_i32_1 = arith.constant 0 : i32
    return %c0_i32, %c0_i32_0 : i32, i32
  }
  func.func @transform_4(%arg0: i32) -> (i32, i32) {
    %c0_i32 = arith.constant 0 : i32
    %c0_i32_0 = arith.constant 0 : i32
    %c0_i32_1 = arith.constant 0 : i32
    return %c0_i32, %c0_i32_0 : i32, i32
  }
  func.func @transform_5(%arg0: i32) -> (i32, i32) {
    %c0_i32 = arith.constant 0 : i32
    %c0_i32_0 = arith.constant 0 : i32
    %c0_i32_1 = arith.constant 0 : i32
    return %c0_i32, %c0_i32_0 : i32, i32
  }
  func.func @transform_6(%arg0: i32) -> (i32, i32) {
    %c0_i32 = arith.constant 0 : i32
    %c0_i32_0 = arith.constant 0 : i32
    %c0_i32_1 = arith.constant 0 : i32
    return %c0_i32, %c0_i32_0 : i32, i32
  }
  func.func @transform_7(%arg0: i32) -> (i32, i32) {
    %c0_i32 = arith.constant 0 : i32
    %c0_i32_0 = arith.constant 0 : i32
    %c0_i32_1 = arith.constant 0 : i32
    return %c0_i32, %c0_i32_0 : i32, i32
  }
  func.func @transform_8(%arg0: i32) -> (i32, i32) {
    %c0_i32 = arith.constant 0 : i32
    %c0_i32_0 = arith.constant 0 : i32
    %c0_i32_1 = arith.constant 0 : i32
    return %c0_i32, %c0_i32_0 : i32, i32
  }
  func.func @transform_9(%arg0: i32) -> (i32, i32) {
    %c0_i32 = arith.constant 0 : i32
    %c0_i32_0 = arith.constant 0 : i32
    return %arg0, %c0_i32 : i32, i32
  }
}

module attributes {stable_mosaic.version = 14 : i64} {
  func.func @_head_body(%arg0: i32, %arg1: memref<2000x128xf32, #tpu.memory_space<vmem>>, %arg2: memref<2000x128xf32, #tpu.memory_space<vmem>>, %arg3: memref<2000x128xf32, #tpu.memory_space<vmem>>, %arg4: memref<1x1x2000xi32, #tpu.memory_space<vmem>>, %arg5: memref<128x128xbf16, #tpu.memory_space<vmem>>, %arg6: memref<128x128xbf16, #tpu.memory_space<vmem>>, %arg7: memref<1x128xf32, #tpu.memory_space<vmem>>, %arg8: memref<128x128xbf16, #tpu.memory_space<vmem>>, %arg9: memref<128x128xbf16, #tpu.memory_space<vmem>>, %arg10: memref<1x128xf32, #tpu.memory_space<vmem>>, %arg11: memref<128x128xf32, #tpu.memory_space<vmem>>, %arg12: memref<1x128xf32, #tpu.memory_space<vmem>>, %arg13: memref<128x10xf32, #tpu.memory_space<vmem>>, %arg14: memref<1x10xf32, #tpu.memory_space<vmem>>, %arg15: memref<16x10xf32, #tpu.memory_space<vmem>>, %arg16: memref<16x128xf32, #tpu.memory_space<vmem>>) attributes {dimension_semantics = [#tpu.dimension_semantics<arbitrary>], iteration_bounds = array<i64: 5>, scalar_prefetch = 0 : i64, scratch_operands = 1 : i64, tpu.core_type = #tpu.core_type<tc>, window_params = [{transform_indices = @transform_0, window_bounds = array<i64: 2000, 128>}, {transform_indices = @transform_1, window_bounds = array<i64: 2000, 128>}, {transform_indices = @transform_2, window_bounds = array<i64: 2000, 128>}, {transform_indices = @transform_3, window_bounds = array<i64: 1, 1, 2000>}, {pipeline_mode = #tpu.pipeline_mode<synchronous>, transform_indices = @transform_4, window_bounds = array<i64: 128, 128>}, {pipeline_mode = #tpu.pipeline_mode<synchronous>, transform_indices = @transform_5, window_bounds = array<i64: 128, 128>}, {pipeline_mode = #tpu.pipeline_mode<synchronous>, transform_indices = @transform_6, window_bounds = array<i64: 1, 128>}, {pipeline_mode = #tpu.pipeline_mode<synchronous>, transform_indices = @transform_7, window_bounds = array<i64: 128, 128>}, {pipeline_mode = #tpu.pipeline_mode<synchronous>, transform_indices = @transform_8, window_bounds = array<i64: 128, 128>}, {pipeline_mode = #tpu.pipeline_mode<synchronous>, transform_indices = @transform_9, window_bounds = array<i64: 1, 128>}, {pipeline_mode = #tpu.pipeline_mode<synchronous>, transform_indices = @transform_10, window_bounds = array<i64: 128, 128>}, {pipeline_mode = #tpu.pipeline_mode<synchronous>, transform_indices = @transform_11, window_bounds = array<i64: 1, 128>}, {pipeline_mode = #tpu.pipeline_mode<synchronous>, transform_indices = @transform_12, window_bounds = array<i64: 128, 10>}, {pipeline_mode = #tpu.pipeline_mode<synchronous>, transform_indices = @transform_13, window_bounds = array<i64: 1, 10>}, {pipeline_mode = #tpu.pipeline_mode<synchronous>, transform_indices = @transform_14, window_bounds = array<i64: 16, 10>}]} {
    %get3A = arith.constant 0 : index
    %get3A_0 = arith.constant 0 : index
    %get3A_1 = vector.load %arg1[%get3A, %get3A_0] : memref<2000x128xf32, #tpu.memory_space<vmem>>, vector<2000x128xf32>
    %get3A_2 = arith.constant 0 : index
    %get3A_3 = arith.constant 0 : index
    %get3A_4 = vector.load %arg2[%get3A_2, %get3A_3] : memref<2000x128xf32, #tpu.memory_space<vmem>>, vector<2000x128xf32>
    %add3A = arith.addf %get3A_1, %get3A_4 : vector<2000x128xf32>
    %get3A_5 = arith.constant 0 : index
    %get3A_6 = arith.constant 0 : index
    %get3A_7 = vector.load %arg3[%get3A_5, %get3A_6] : memref<2000x128xf32, #tpu.memory_space<vmem>>, vector<2000x128xf32>
    %add3A_8 = arith.addf %add3A, %get3A_7 : vector<2000x128xf32>
    %get3A_9 = arith.constant 0 : index
    %get3A_10 = arith.constant 0 : index
    %get3A_11 = vector.load %arg5[%get3A_9, %get3A_10] : memref<128x128xbf16, #tpu.memory_space<vmem>>, vector<128x128xbf16>
    %get3A_12 = arith.constant 0 : index
    %get3A_13 = arith.constant 0 : index
    %get3A_14 = vector.load %arg6[%get3A_12, %get3A_13] : memref<128x128xbf16, #tpu.memory_space<vmem>>, vector<128x128xbf16>
    %convert_element_type3A = arith.truncf %add3A_8 : vector<2000x128xf32> to vector<2000x128xbf16>
    %convert_element_type3A_15 = arith.extf %convert_element_type3A : vector<2000x128xbf16> to vector<2000x128xf32>
    %sub3A = arith.subf %add3A_8, %convert_element_type3A_15 : vector<2000x128xf32>
    %convert_element_type3A_16 = arith.truncf %sub3A : vector<2000x128xf32> to vector<2000x128xbf16>
    %dot_general3A = arith.constant dense<0.000000e+00> : vector<2000x128xf32>
    %dot_general3A_17 = tpu.matmul %convert_element_type3A, %get3A_11, %dot_general3A {dimension_numbers = #tpu.dot_dimension_numbers<[1], [0], [0], [1], [0, 0, 1, 1], [], []>, transpose_lhs_hint = false} : vector<2000x128xbf16>, vector<128x128xbf16>, vector<2000x128xf32> -> vector<2000x128xf32>
    %dot_general3A_18 = arith.constant dense<0.000000e+00> : vector<2000x128xf32>
    %dot_general3A_19 = tpu.matmul %convert_element_type3A, %get3A_14, %dot_general3A_18 {dimension_numbers = #tpu.dot_dimension_numbers<[1], [0], [0], [1], [0, 0, 1, 1], [], []>, transpose_lhs_hint = false} : vector<2000x128xbf16>, vector<128x128xbf16>, vector<2000x128xf32> -> vector<2000x128xf32>
    %dot_general3A_20 = arith.constant dense<0.000000e+00> : vector<2000x128xf32>
    %dot_general3A_21 = tpu.matmul %convert_element_type3A_16, %get3A_11, %dot_general3A_20 {dimension_numbers = #tpu.dot_dimension_numbers<[1], [0], [0], [1], [0, 0, 1, 1], [], []>, transpose_lhs_hint = false} : vector<2000x128xbf16>, vector<128x128xbf16>, vector<2000x128xf32> -> vector<2000x128xf32>
    %add3A_22 = arith.addf %dot_general3A_19, %dot_general3A_21 : vector<2000x128xf32>
    %add3A_23 = arith.addf %dot_general3A_17, %add3A_22 : vector<2000x128xf32>
    %get3A_24 = arith.constant 0 : index
    %get3A_25 = arith.constant 0 : index
    %get3A_26 = vector.load %arg7[%get3A_24, %get3A_25] : memref<1x128xf32, #tpu.memory_space<vmem>>, vector<1x128xf32>
    %add3A_27 = vector.broadcast %get3A_26 : vector<1x128xf32> to vector<2000x128xf32>
    %add3A_28 = arith.addf %add3A_23, %add3A_27 : vector<2000x128xf32>
    %max3A = arith.constant 0.000000e+00 : f32
    %max3A_29 = vector.broadcast %max3A : f32 to vector<2000x128xf32>
    %max3A_30 = arith.maximumf %add3A_28, %max3A_29 : vector<2000x128xf32>
    %get3A_31 = arith.constant 0 : index
    %get3A_32 = arith.constant 0 : index
    %get3A_33 = vector.load %arg8[%get3A_31, %get3A_32] : memref<128x128xbf16, #tpu.memory_space<vmem>>, vector<128x128xbf16>
    %get3A_34 = arith.constant 0 : index
    %get3A_35 = arith.constant 0 : index
    %get3A_36 = vector.load %arg9[%get3A_34, %get3A_35] : memref<128x128xbf16, #tpu.memory_space<vmem>>, vector<128x128xbf16>
    %convert_element_type3A_37 = arith.truncf %max3A_30 : vector<2000x128xf32> to vector<2000x128xbf16>
    %convert_element_type3A_38 = arith.extf %convert_element_type3A_37 : vector<2000x128xbf16> to vector<2000x128xf32>
    %sub3A_39 = arith.subf %max3A_30, %convert_element_type3A_38 : vector<2000x128xf32>
    %convert_element_type3A_40 = arith.truncf %sub3A_39 : vector<2000x128xf32> to vector<2000x128xbf16>
    %dot_general3A_41 = arith.constant dense<0.000000e+00> : vector<2000x128xf32>
    %dot_general3A_42 = tpu.matmul %convert_element_type3A_37, %get3A_33, %dot_general3A_41 {dimension_numbers = #tpu.dot_dimension_numbers<[1], [0], [0], [1], [0, 0, 1, 1], [], []>, transpose_lhs_hint = false} : vector<2000x128xbf16>, vector<128x128xbf16>, vector<2000x128xf32> -> vector<2000x128xf32>
    %dot_general3A_43 = arith.constant dense<0.000000e+00> : vector<2000x128xf32>
    %dot_general3A_44 = tpu.matmul %convert_element_type3A_37, %get3A_36, %dot_general3A_43 {dimension_numbers = #tpu.dot_dimension_numbers<[1], [0], [0], [1], [0, 0, 1, 1], [], []>, transpose_lhs_hint = false} : vector<2000x128xbf16>, vector<128x128xbf16>, vector<2000x128xf32> -> vector<2000x128xf32>
    %dot_general3A_45 = arith.constant dense<0.000000e+00> : vector<2000x128xf32>
    %dot_general3A_46 = tpu.matmul %convert_element_type3A_40, %get3A_33, %dot_general3A_45 {dimension_numbers = #tpu.dot_dimension_numbers<[1], [0], [0], [1], [0, 0, 1, 1], [], []>, transpose_lhs_hint = false} : vector<2000x128xbf16>, vector<128x128xbf16>, vector<2000x128xf32> -> vector<2000x128xf32>
    %add3A_47 = arith.addf %dot_general3A_44, %dot_general3A_46 : vector<2000x128xf32>
    %add3A_48 = arith.addf %dot_general3A_42, %add3A_47 : vector<2000x128xf32>
    %get3A_49 = arith.constant 0 : index
    %get3A_50 = arith.constant 0 : index
    %get3A_51 = vector.load %arg10[%get3A_49, %get3A_50] : memref<1x128xf32, #tpu.memory_space<vmem>>, vector<1x128xf32>
    %add3A_52 = vector.broadcast %get3A_51 : vector<1x128xf32> to vector<2000x128xf32>
    %add3A_53 = arith.addf %add3A_48, %add3A_52 : vector<2000x128xf32>
    %max3A_54 = arith.constant 0.000000e+00 : f32
    %max3A_55 = vector.broadcast %max3A_54 : f32 to vector<2000x128xf32>
    %max3A_56 = arith.maximumf %add3A_53, %max3A_55 : vector<2000x128xf32>
    %get3A_57 = arith.constant 0 : index
    %get3A_58 = arith.constant 0 : index
    %get3A_59 = arith.constant 0 : index
    %get3A_60 = vector.load %arg4[%get3A_57, %get3A_58, %get3A_59] : memref<1x1x2000xi32, #tpu.memory_space<vmem>>, vector<1x1x2000xi32>
    %get3A_61 = vector.shape_cast %get3A_60 : vector<1x1x2000xi32> to vector<2000xi32>
    %broadcast_in_dim3A = vector.shape_cast %get3A_61 : vector<2000xi32> to vector<2000x1xi32>
    %iota3A = tpu.iota {dimensions = array<i32: 1>} : vector<1x16xi32>
    %eq3A = vector.broadcast %broadcast_in_dim3A : vector<2000x1xi32> to vector<2000x16xi32>
    %eq3A_62 = vector.broadcast %iota3A : vector<1x16xi32> to vector<2000x16xi32>
    %eq3A_63 = arith.cmpi eq, %eq3A, %eq3A_62 : vector<2000x16xi32>
    %convert_element_type3A_64 = arith.extui %eq3A_63 : vector<2000x16xi1> to vector<2000x16xi32>
    %convert_element_type3A_65 = arith.sitofp %convert_element_type3A_64 : vector<2000x16xi32> to vector<2000x16xf32>
    %dot_general3A_66 = arith.constant dense<0.000000e+00> : vector<16x128xf32>
    %dot_general3A_67 = tpu.matmul %convert_element_type3A_65, %max3A_56, %dot_general3A_66 {dimension_numbers = #tpu.dot_dimension_numbers<[0], [0], [1], [1], [0, 1, 1, 1], [], []>, precision = #tpu.contract_precision<fp32>, transpose_lhs_hint = false} : vector<2000x16xf32>, vector<2000x128xf32>, vector<16x128xf32> -> vector<16x128xf32>
    %eq3A_68 = arith.constant 0 : i32
    %eq3A_69 = arith.cmpi eq, %arg0, %eq3A_68 : i32
    %convert_element_type3A_70 = arith.extui %eq3A_69 : i1 to i32
    %cond3A = arith.constant 0 : i32
    %cond3A_71 = arith.cmpi ne, %convert_element_type3A_70, %cond3A : i32
    scf.if %cond3A_71 {
      %swap3A = arith.constant 0 : index
      %swap3A_81 = arith.constant 0 : index
      %swap3A_82 = vector.load %arg16[%swap3A, %swap3A_81] : memref<16x128xf32, #tpu.memory_space<vmem>>, vector<16x128xf32>
      tpu.vector_store %arg16[%swap3A, %swap3A_81], %dot_general3A_67 {strides = array<i32>} : memref<16x128xf32, #tpu.memory_space<vmem>>, vector<16x128xf32>,
    } else {
    }
    %gt3A = arith.constant 0 : i32
    %gt3A_72 = arith.cmpi sgt, %arg0, %gt3A : i32
    %convert_element_type3A_73 = arith.extui %gt3A_72 : i1 to i32
    %cond3A_74 = arith.constant 0 : i32
    %cond3A_75 = arith.cmpi ne, %convert_element_type3A_73, %cond3A_74 : i32
    scf.if %cond3A_75 {
      %get3A_81 = arith.constant 0 : index
      %get3A_82 = arith.constant 0 : index
      %get3A_83 = vector.load %arg16[%get3A_81, %get3A_82] : memref<16x128xf32, #tpu.memory_space<vmem>>, vector<16x128xf32>
      %add3A_84 = arith.addf %get3A_83, %dot_general3A_67 : vector<16x128xf32>
      %swap3A = arith.constant 0 : index
      %swap3A_85 = arith.constant 0 : index
      %swap3A_86 = vector.load %arg16[%swap3A, %swap3A_85] : memref<16x128xf32, #tpu.memory_space<vmem>>, vector<16x128xf32>
      tpu.vector_store %arg16[%swap3A, %swap3A_85], %add3A_84 {strides = array<i32>} : memref<16x128xf32, #tpu.memory_space<vmem>>, vector<16x128xf32>,
    } else {
    }
    %eq3A_76 = arith.constant 4 : i32
    %eq3A_77 = arith.cmpi eq, %arg0, %eq3A_76 : i32
    %convert_element_type3A_78 = arith.extui %eq3A_77 : i1 to i32
    %cond3A_79 = arith.constant 0 : i32
    %cond3A_80 = arith.cmpi ne, %convert_element_type3A_78, %cond3A_79 : i32
    scf.if %cond3A_80 {
      %get3A_81 = arith.constant 0 : index
      %get3A_82 = arith.constant 0 : index
      %get3A_83 = vector.load %arg16[%get3A_81, %get3A_82] : memref<16x128xf32, #tpu.memory_space<vmem>>, vector<16x128xf32>
      %get3A_84 = arith.constant 0 : index
      %get3A_85 = arith.constant 0 : index
      %get3A_86 = vector.load %arg11[%get3A_84, %get3A_85] : memref<128x128xf32, #tpu.memory_space<vmem>>, vector<128x128xf32>
      %dot_general3A_87 = arith.constant dense<0.000000e+00> : vector<16x128xf32>
      %dot_general3A_88 = tpu.matmul %get3A_83, %get3A_86, %dot_general3A_87 {dimension_numbers = #tpu.dot_dimension_numbers<[1], [0], [0], [1], [0, 0, 1, 1], [], []>, precision = #tpu.contract_precision<fp32>, transpose_lhs_hint = false} : vector<16x128xf32>, vector<128x128xf32>, vector<16x128xf32> -> vector<16x128xf32>
      %get3A_89 = arith.constant 0 : index
      %get3A_90 = arith.constant 0 : index
      %get3A_91 = vector.load %arg12[%get3A_89, %get3A_90] : memref<1x128xf32, #tpu.memory_space<vmem>>, vector<1x128xf32>
      %add3A_92 = vector.broadcast %get3A_91 : vector<1x128xf32> to vector<16x128xf32>
      %add3A_93 = arith.addf %dot_general3A_88, %add3A_92 : vector<16x128xf32>
      %max3A_94 = arith.constant 0.000000e+00 : f32
      %max3A_95 = vector.broadcast %max3A_94 : f32 to vector<16x128xf32>
      %max3A_96 = arith.maximumf %add3A_93, %max3A_95 : vector<16x128xf32>
      %get3A_97 = arith.constant 0 : index
      %get3A_98 = arith.constant 0 : index
      %get3A_99 = vector.load %arg13[%get3A_97, %get3A_98] : memref<128x10xf32, #tpu.memory_space<vmem>>, vector<128x10xf32>
      %dot_general3A_100 = arith.constant dense<0.000000e+00> : vector<16x10xf32>
      %dot_general3A_101 = tpu.matmul %max3A_96, %get3A_99, %dot_general3A_100 {dimension_numbers = #tpu.dot_dimension_numbers<[1], [0], [0], [1], [0, 0, 1, 1], [], []>, precision = #tpu.contract_precision<fp32>, transpose_lhs_hint = false} : vector<16x128xf32>, vector<128x10xf32>, vector<16x10xf32> -> vector<16x10xf32>
      %get3A_102 = arith.constant 0 : index
      %get3A_103 = arith.constant 0 : index
      %get3A_104 = vector.load %arg14[%get3A_102, %get3A_103] : memref<1x10xf32, #tpu.memory_space<vmem>>, vector<1x10xf32>
      %add3A_105 = vector.broadcast %get3A_104 : vector<1x10xf32> to vector<16x10xf32>
      %add3A_106 = arith.addf %dot_general3A_101, %add3A_105 : vector<16x10xf32>
      %reduce_max3A = arith.constant dense<0xFF800000> : vector<16xf32>
      %reduce_max3A_107 = vector.multi_reduction <maximumf>, %add3A_106, %reduce_max3A [1] : vector<16x10xf32> to vector<16xf32>
      %broadcast_in_dim3A_108 = vector.shape_cast %reduce_max3A_107 : vector<16xf32> to vector<16x1xf32>
      %sub3A_109 = vector.broadcast %broadcast_in_dim3A_108 : vector<16x1xf32> to vector<16x10xf32>
      %sub3A_110 = arith.subf %add3A_106, %sub3A_109 : vector<16x10xf32>
      %exp3A = math.exp %sub3A_110 : vector<16x10xf32>
      %reduce_sum3A = arith.constant dense<0.000000e+00> : vector<16xf32>
      %reduce_sum3A_111 = vector.multi_reduction <add>, %exp3A, %reduce_sum3A [1] : vector<16x10xf32> to vector<16xf32>
      %broadcast_in_dim3A_112 = vector.shape_cast %reduce_sum3A_111 : vector<16xf32> to vector<16x1xf32>
      %log3A = math.log %broadcast_in_dim3A_112 : vector<16x1xf32>
      %sub3A_113 = vector.broadcast %log3A : vector<16x1xf32> to vector<16x10xf32>
      %sub3A_114 = arith.subf %sub3A_110, %sub3A_113 : vector<16x10xf32>
      %swap3A = arith.constant 0 : index
      %swap3A_115 = arith.constant 0 : index
      %swap3A_116 = vector.load %arg15[%swap3A, %swap3A_115] : memref<16x10xf32, #tpu.memory_space<vmem>>, vector<16x10xf32>
      tpu.vector_store %arg15[%swap3A, %swap3A_115], %sub3A_114 {strides = array<i32>} : memref<16x10xf32, #tpu.memory_space<vmem>>, vector<16x10xf32>,
    } else {
    }
    return
  }
  func.func @transform_0(%arg0: i32) -> (i32, i32) {
    %c0_i32 = arith.constant 0 : i32
    %c0_i32_0 = arith.constant 0 : i32
    return %arg0, %c0_i32 : i32, i32
  }
  func.func @transform_1(%arg0: i32) -> (i32, i32) {
    %c0_i32 = arith.constant 0 : i32
    %c0_i32_0 = arith.constant 0 : i32
    return %arg0, %c0_i32 : i32, i32
  }
  func.func @transform_2(%arg0: i32) -> (i32, i32) {
    %c0_i32 = arith.constant 0 : i32
    %c0_i32_0 = arith.constant 0 : i32
    return %arg0, %c0_i32 : i32, i32
  }
  func.func @transform_3(%arg0: i32) -> (i32, i32, i32) {
    %c0_i32 = arith.constant 0 : i32
    %c0_i32_0 = arith.constant 0 : i32
    %c0_i32_1 = arith.constant 0 : i32
    return %arg0, %c0_i32, %c0_i32_0 : i32, i32, i32
  }
  func.func @transform_4(%arg0: i32) -> (i32, i32) {
    %c0_i32 = arith.constant 0 : i32
    %c0_i32_0 = arith.constant 0 : i32
    %c0_i32_1 = arith.constant 0 : i32
    return %c0_i32, %c0_i32_0 : i32, i32
  }
  func.func @transform_5(%arg0: i32) -> (i32, i32) {
    %c0_i32 = arith.constant 0 : i32
    %c0_i32_0 = arith.constant 0 : i32
    %c0_i32_1 = arith.constant 0 : i32
    return %c0_i32, %c0_i32_0 : i32, i32
  }
  func.func @transform_6(%arg0: i32) -> (i32, i32) {
    %c0_i32 = arith.constant 0 : i32
    %c0_i32_0 = arith.constant 0 : i32
    %c0_i32_1 = arith.constant 0 : i32
    return %c0_i32, %c0_i32_0 : i32, i32
  }
  func.func @transform_7(%arg0: i32) -> (i32, i32) {
    %c0_i32 = arith.constant 0 : i32
    %c0_i32_0 = arith.constant 0 : i32
    %c0_i32_1 = arith.constant 0 : i32
    return %c0_i32, %c0_i32_0 : i32, i32
  }
  func.func @transform_8(%arg0: i32) -> (i32, i32) {
    %c0_i32 = arith.constant 0 : i32
    %c0_i32_0 = arith.constant 0 : i32
    %c0_i32_1 = arith.constant 0 : i32
    return %c0_i32, %c0_i32_0 : i32, i32
  }
  func.func @transform_9(%arg0: i32) -> (i32, i32) {
    %c0_i32 = arith.constant 0 : i32
    %c0_i32_0 = arith.constant 0 : i32
    %c0_i32_1 = arith.constant 0 : i32
    return %c0_i32, %c0_i32_0 : i32, i32
  }
  func.func @transform_10(%arg0: i32) -> (i32, i32) {
    %c0_i32 = arith.constant 0 : i32
    %c0_i32_0 = arith.constant 0 : i32
    %c0_i32_1 = arith.constant 0 : i32
    return %c0_i32, %c0_i32_0 : i32, i32
  }
  func.func @transform_11(%arg0: i32) -> (i32, i32) {
    %c0_i32 = arith.constant 0 : i32
    %c0_i32_0 = arith.constant 0 : i32
    %c0_i32_1 = arith.constant 0 : i32
    return %c0_i32, %c0_i32_0 : i32, i32
  }
  func.func @transform_12(%arg0: i32) -> (i32, i32) {
    %c0_i32 = arith.constant 0 : i32
    %c0_i32_0 = arith.constant 0 : i32
    %c0_i32_1 = arith.constant 0 : i32
    return %c0_i32, %c0_i32_0 : i32, i32
  }
  func.func @transform_13(%arg0: i32) -> (i32, i32) {
    %c0_i32 = arith.constant 0 : i32
    %c0_i32_0 = arith.constant 0 : i32
    %c0_i32_1 = arith.constant 0 : i32
    return %c0_i32, %c0_i32_0 : i32, i32
  }
  func.func @transform_14(%arg0: i32) -> (i32, i32) {
    %c0_i32 = arith.constant 0 : i32
    %c0_i32_0 = arith.constant 0 : i32
    %c0_i32_1 = arith.constant 0 : i32
    return %c0_i32, %c0_i32_0 : i32, i32
  }
}

</mosaic_0001>

<sc_bundles>
// kernel: kernel.12.cloned.1.call-start
scs
__scs_entry_jumppad:
0x0: {  	(pc) =	sbr.rel $0x88, $3  }
0x1: {  	(tag) =	ssettag $0x0;
	lr =	simm.s32 $0x1  }
0x2: {  	[smem:$0x3F7C] =	sst lr;
	_ =	strace $0xD0000000  }
0x3: {  	_ = 	snop  }
0x4: {  	_ = 	snop  }
0x5: {  	_ = 	snop  }
0x6: {  	_ = 	snop  }
0x7: {  	_ = 	snop  }
__scs_overlays_trampoline_lowered:
0x8: {  	[smem:$0x3F8B] =	sst s0  }
0x9: {  	[smem:$0x3F8C] =	sst s1  }
0xa: {  	[smem:$0x3F8D] =	sst s2  }
0xb: {  	[smem:$0x3F8E] =	sst s3  }
0xc: {  	[smem:$0x3F8F] =	sst s4  }
0xd: {  	[smem:$0x3F90] =	sst s5  }
0xe: {  	[smem:$0x3F91] =	sst s6  }
0xf: {  	[smem:$0x3F92] =	sst s7  }
0x10: {  	[smem:$0x3F93] =	sst s8  }
0x11: {  	[smem:$0x3F94] =	sst s9;
	s0 =	simm.s32 @!p0 $0x0  }
0x12: {  	s1 =	sld [smem:$0x3F7A];
	s0 =	simm.s32 @p0 $0x1  }
0x13: {  	[smem:$0x3F95] =	sst s0;
	s0 =	simm.s32 @!p1 $0x0  }
0x14: {  	s2 =	sld [smem:$0x3F79];
	s0 =	simm.s32 @p1 $0x1  }
0x15: {  	[smem:$0x3F96] =	sst s0;
	s0 =	simm.s32 @!p2 $0x0  }
0x16: {  	s3 =	sld [smem:$0x3FDB];
	s0 =	simm.s32 @p2 $0x1  }
0x17: {  	s4 =	simm.s32 $0x1BF5;
	[smem:$0x3F98] =	sst s0  }
0x18: {  	s0 =	sld [smem:$0x3F7B];
	_ =	swait.ge [sflag:s4], $0x0  }
0x19: {  	s7 =	sld [smem:$0x3F7C]  }
0x1a: {  	s8 =	sadd.s32 $0xFFFFE003, lr  }
0x1b: {  	s9 =	sadd.s32 $0xFFFFFEF7, lr;
	s5 =	simm.s32 $0xFFFFFFFF;
	p2 =	slt.u32 s8, $0xFFFFF086  }
0x1c: {  	p1 =	slt.u32 s9, $0xF7A;
	s5 =	simm.s32 @!p2 $0x0  }
0x1d: {  	s5 =	simm.s32 @p1 $0x1;
	p0 =	seq.s32 s7, s2  }
0x1e: {  	s7 =	smul.u32 @!p0 $0xF7A, s2;
	p2 =	seq.s32 @!p0 s5, $0x0  }
0x1f: {  	s9 =	smul.u32 $0xF7A, s1;
	s8 =	simm.s32 @!p0 $0x1BF5;
	p2 =	por !p2, p0  }
0x20: {  	[sflag:s8] =	ssyncset.s32 @!p0 $0xFFFFF086;
	s6 =	sadd.s32 @!p0 s3, s7;
	s7 =	simm.s32 @!p0 $0x108  }
0x21: {  	s3 =	sadd.s32 s3, s9;
	s6 =	sadd.s32 @!p0 $0x88, s6;
	s7 =	simm.s32 @p2 $0x1082  }
0x22: {  	[simem:s7], [sflag:s8] =	dma.local @!p0 [hbm:s6], $0xF7A  }
0x23: {  	s9 =	sor.u32 $0xD0000000, s2;
	s6 =	simm.s32 $0x108;
	_ =	swait.ge @!p0 [sflag:s8], $0x0  }
0x24: {  	s3 =	sadd.s32 $0x88, s3;
	s6 =	simm.s32 @!p1 $0x1082;
	[sflag:s4] =	ssyncset.s32 $0xFFFFF086  }
0x25: {  	[simem:s6], [sflag:s4] =	dma.local [hbm:s3], $0xF7A  }
0x26: {  	[smem:$0x3F7C] =	sst s1;
	(tag) =	ssettag s2;
	_ =	strace s9  }
0x27: {  	s1 =	sld [smem:$0x3F8C]  }
0x28: {  	s2 =	sld [smem:$0x3F8D]  }
0x29: {  	s4 =	sld [smem:$0x3F8F]  }
0x2a: {  	p0 =	seq.s32 s5, $0x0;
	s5 =	sld [smem:$0x3F90]  }
0x2b: {  	s6 =	sld [smem:$0x3F91]  }
0x2c: {  	s7 =	sld [smem:$0x3F92]  }
0x2d: {  	s3 =	simm.s32 $0x108;
	s8 =	sld [smem:$0x3F93]  }
0x2e: {  	s3 =	simm.s32 @!p0 $0x1082;
	s9 =	sld [smem:$0x3F94]  }
0x2f: {  	lr =	sadd.s32 s0, s3;
	s0 =	sld [smem:$0x3F8B]  }
0x30: {  	s3 =	sld [smem:$0x3F8E]  }
0x31: {  	[smem:$0x3F97] =	sst s10  }
0x32: {  	s10 =	sld [smem:$0x3F95];
	_ =	sdelay $0x3  }
0x33: {  	p0 =	seq.s32 s10, $0x1;
	s10 =	sld [smem:$0x3F97];
	_ =	sdelay $0x3  }
0x34: {  	[smem:$0x3F97] =	sst s10  }
0x35: {  	s10 =	sld [smem:$0x3F96];
	_ =	sdelay $0x3  }
0x36: {  	p1 =	seq.s32 s10, $0x1;
	s10 =	sld [smem:$0x3F97];
	_ =	sdelay $0x3  }
0x37: {  	[smem:$0x3F97] =	sst s10  }
0x38: {  	s10 =	sld [smem:$0x3F98]  }
0x39: {  	_ = 	snop;
	(pc) =	sbr.ind lr, $3  }
0x3a: {  	_ = 	snop  }
0x3b: {  	_ = 	snop  }
0x3c: {  	p2 =	seq.s32 s10, $0x1;
	s10 =	sld [smem:$0x3F97]  }
0x3d: {  	_ =	shalt  }
0x3e: {  	_ =	shalt  }
0x3f: {  	_ =	shalt  }
0x40: {  	_ =	shalt  }
0x41: {  	_ =	shalt  }
0x42: {  	_ =	shalt  }
0x43: {  	_ =	shalt  }
0x44: {  	_ =	shalt  }
0x45: {  	_ =	shalt  }
0x46: {  	_ =	shalt  }
0x47: {  	_ =	shalt  }
0x48: {  	_ =	shalt  }
0x49: {  	_ =	shalt  }
0x4a: {  	_ =	shalt  }
0x4b: {  	_ =	shalt  }
0x4c: {  	_ =	shalt  }
0x4d: {  	_ =	shalt  }
0x4e: {  	_ =	shalt  }
0x4f: {  	_ =	shalt  }
0x50: {  	_ =	shalt  }
0x51: {  	_ =	shalt  }
0x52: {  	_ =	shalt  }
0x53: {  	_ =	shalt  }
0x54: {  	_ =	shalt  }
0x55: {  	_ =	shalt  }
0x56: {  	_ =	shalt  }
0x57: {  	_ =	shalt  }
0x58: {  	_ =	shalt  }
0x59: {  	_ =	shalt  }
0x5a: {  	_ =	shalt  }
0x5b: {  	_ =	shalt  }
0x5c: {  	_ =	shalt  }
0x5d: {  	_ =	shalt  }
0x5e: {  	_ =	shalt  }
0x5f: {  	_ =	shalt  }
0x60: {  	_ =	shalt  }
0x61: {  	_ =	shalt  }
0x62: {  	_ =	shalt  }
0x63: {  	_ =	shalt  }
0x64: {  	_ =	shalt  }
0x65: {  	_ =	shalt  }
0x66: {  	_ =	shalt  }
0x67: {  	_ =	shalt  }
0x68: {  	_ =	shalt  }
0x69: {  	_ =	shalt  }
0x6a: {  	_ =	shalt  }
0x6b: {  	_ =	shalt  }
0x6c: {  	_ =	shalt  }
0x6d: {  	_ =	shalt  }
0x6e: {  	_ =	shalt  }
0x6f: {  	_ =	shalt  }
0x70: {  	_ =	shalt  }
0x71: {  	_ =	shalt  }
0x72: {  	_ =	shalt  }
0x73: {  	_ =	shalt  }
0x74: {  	_ =	shalt  }
0x75: {  	_ =	shalt  }
0x76: {  	_ =	shalt  }
0x77: {  	_ =	shalt  }
0x78: {  	_ =	shalt  }
0x79: {  	_ =	shalt  }
0x7a: {  	_ =	shalt  }
0x7b: {  	_ =	shalt  }
0x7c: {  	_ =	shalt  }
0x7d: {  	_ =	shalt  }
0x7e: {  	_ =	shalt  }
0x7f: {  	_ =	shalt  }
0x80: {  	_ =	shalt  }
0x81: {  	_ =	shalt  }
0x82: {  	_ =	shalt  }
0x83: {  	_ =	shalt  }
0x84: {  	_ =	shalt  }
0x85: {  	_ =	shalt  }
0x86: {  	_ =	shalt  }
0x87: {  	_ =	shalt  }
.Lfunc_end0:
.L_simem_size_0:
called_computation_lowered:
.L_overlay_start_0:
0x88: {  	s2 =	sld [smem:$0x3FD9]  }
0x89: {  	s3 =	sld [smem:$0x3FFE];
	_ =	sdelay $0x1  }
0x8a: {  	s1 =	srdreg.scid  }
0x8b: {  	s0 =	sand.u32 $0x1, s1  }
0x8c: {  	s17 =	sshll.u32 s0, $0xA;
	s2 =	sadd.s32 s3, s2  }
0x8d: {  	s2 =	sadd.s32 s2, s17  }
0x8e: {  	[smem:$0x3FA3] =	sst s2  }
0x8f: {  	_ = 	snop  }
0x90: {  	s2 =	sld [smem:$0x3FC9];
	(tm) =	ssettm $0x1  }
0x91: {  	s18 =	sld [smem:$0x3FFB];
	_ =	sdelay $0x3  }
0x92: {  	_ =	strace s18  }
0x93: {  	s3 =	sld [smem:$0x3FFC];
	_ =	sdelay $0x3  }
0x94: {  	_ =	strace s3  }
0x95: {  	s3 =	sld [smem:$0x3FFD];
	_ =	sdelay $0x3  }
0x96: {  	_ =	strace s3  }
0x97: {  	_ =	strace $0x8FFFFFFF  }
0x98: {  	s19 =	sld [smem:$0x3FDB];
	_ =	sdelay $0x1  }
0x99: {  	s4 =	simm.s32 $_scs_section_size  }
0x9a: {  	s5 =	simm.s32 $_size__tile_overlayer_lowered;
	s6 =	simm.s32 $_tile_overlayer_lowered  }
0x9b: {  	s22 =	simm.s32 $0x1BFF;
	s21 =	sshll.u32 s6, $0x1;
	s3 =	sadd.s32 s4, s19  }
0x9c: {  	s7 =	simm.s32 $0x0;
	s20 =	sshll.u32 s5, $0x1;
	s5 =	sadd.s32 s21, s3  }
0x9d: {  	[timem:s7], [sflag:s22] =	dma.local [hbm:s5], s20  }
0x9e: {  	_ =	swait.ge [sflag:s22], s20  }
0x9f: {  	s4 =	ssub.s32 $0x0, s20;
	[sflag:s22] =	ssyncset.done $0x0  }
0xa0: {  	[sflag:s22] =	ssyncadd.s32 s4;
	_ =	sdelay $0x1  }
0xa1: {  	s23 =	simm.s32 $0x1B8B  }
0xa2: {  	_ =	swait.ge [sflag:s23], $0x1  }
0xa3: {  	[sflag:s23] =	ssyncset.done $0x0  }
0xa4: {  	s25 =	simm.s32 $0x1B8E;
	s24 =	sld [smem:$0x3FFE];
	[sflag:s23] =	ssyncadd.s32 $0xFFFFFFFF  }
0xa5: {  	s26 =	simm.s32 $execute0_lowered;
	[smem:$0x3FD2] =	sst s25  }
0xa6: {  	s5 =	sshll.u32 s26, $0x1;
	_ =	strace $0x80000046;
	[dreg:$0x1] =	wrdreg $0xFFFFFFFF  }
0xa7: {  	s28 =	simm.s32 $_size_execute0_lowered;
	s3 =	sadd.s32 s3, s5;
	[dreg:$0x0] =	wrdreg $0x0  }
0xa8: {  	s5 =	sshll.u32 s28, $0x1;
	[dreg:$0x2] =	wrdreg s3  }
0xa9: {  	[dreg:$0x3] =	wrdreg s5  }
0xaa: {  	[dreg:$0x4] =	wrdreg $0xC0  }
0xab: {  	_ =	task [dreg:s7], $0x5FFFF  }
0xac: {  	[dreg:$0x1] =	wrdreg $0xFFFFFFFF  }
0xad: {  	[dreg:$0x0] =	wrdreg $0x60  }
0xae: {  	[dreg:$0x2] =	wrdreg s2  }
0xaf: {  	[dreg:$0x3] =	wrdreg s24  }
0xb0: {  	[dreg:$0x4] =	wrdreg $0x0  }
0xb1: {  	[dreg:$0x5] =	wrdreg $0x9  }
0xb2: {  	_ =	task.clear_ibuf [dreg:s7], $0x6FFFF;
	_ =	strace $0x90000046  }
0xb3: {  	s29 =	simm.s32 $0x9;
	_ =	strace $0x80000048  }
0xb4: {  	_ =	swait.ge [sflag:s29], $0x1  }
0xb5: {  	[sflag:s29] =	ssyncadd.s32 $0xFFFFFFFF  }
0xb6: {  	_ =	strace $0x90000048  }
0xb7: {  	_ =	sfence  }
0xb8: {  	s30 =	sld [smem:$0x0];
	_ =	sdelay $0x2  }
0xb9: {  	s31 =	sshll.u32 s1, $0xD;
	s1 =	sshrl.u32 s1, $0x2  }
0xba: {  	s3 =	sand.u32 $0x4000, s31;
	s1 =	sadd.s32 s1, s30  }
0xbb: {  	s0 =	sor.u32 s3, s0;
	s1 =	sshll.u32 s1, $0x11  }
0xbc: {  	s0 =	sor.u32 s1, s0  }
0xbd: {  	s0 =	sadd.s32 $0x8F2B, s0  }
0xbe: {  	[sflag:s0] =	ssyncadd.remote.s32 $0x1  }
0xbf: {  	_ =	sfence.sel $0xFFFF  }
0xc0: {  	[dreg:$0x0] =	wrdreg $0xFFFFFFFF;
	(pc) =	sbr.abs _section_cstart, $3  }
0xc1: {  	[dreg:$0x1] =	wrdreg $0xFFFFFFFF  }
0xc2: {  	_ =	task.clear_ibuf [dreg:s7], $0x2FFFF;
	_ =	strace $0x9FFFFFFF  }
0xc3: {  	(tm) =	ssettm $0x7FFFFFFF  }
tec
execute0_lowered:
.L_overlay_start_1:
0x0: {  	(tag) =	ssettag $0x1  }
0x1: {  	s1 =	rddreg [dreg:$0x0]  }
0x2: {  	s0 =	rddreg [dreg:$0x1]  }
0x3: {  	s2 =	rddreg [dreg:$0x2]  }
0x4: {  	s4 =	simm.s32 $0x0;
	s3 =	srdreg.scid;
	s11 =	stileid.u32  }
0x5: {  	s19 =	simm.s32 $0x17A00;
	s20 =	simm.s32 $0xA;
	s21 =	simm.s32 $0x1  }
0x6: {  	s28 =	simm.s32 $0x8;
	s29 =	simm.s32 $0x1A200;
	s30 =	simm.s32 $0x17980  }
0x7: {  	s31 =	simm.s32 $0x9;
	s12 =	simm.s32 $0x6;
	[smem:$0x7FF] =	sst s4  }
0x8: {  	s3 =	sand.u32 $0x1, s3;
	s6 =	sshll.u32 s11, $0xB;
	s7 =	smul.u32 $0x4E000, s11  }
0x9: {  	s8 =	sadd.s32 $0x138000, s2;
	s18 =	smul.u32 $0x2700, s11;
	p0 =	sne.s32 s11, $0xF  }
0xa: {  	s11 =	simm.s32 $0x5;
	s5 =	sshll.u32 s3, $0xF;
	_ =	strace $0x80000047  }
0xb: {  	s13 =	smul.u32 $0x27100, s3;
	s3 =	ssub.s32 $0x2, s3;
	s5 =	sor.u32 s6, s5  }
0xc: {  	s14 =	sshrl.u32 s7, $0x2;
	s15 =	sshrl.u32 s3, $0x1;
	s9 =	sadd.s32 s5, s0  }
0xd: {  	s6 =	simm.s32 $0x4;
	s5 =	sadd.s32 s14, s2;
	s16 =	sadd.s32 $0x1A000, s9  }
0xe: {  	s3 =	ssub.s32 s3, s15;
	s17 =	sadd.s32 $0x11800, s5;
	[dreg:$0x4] =	wrdreg s16  }
0xf: {  	s7 =	simm.s32 $0x3;
	s3 =	smax.u32 s3, $0x1;
	[dreg:$0x5] =	wrdreg s17  }
0x10: {  	s0 =	sadd.s32 s13, s0;
	s22 =	sadd.s32 $0x2800, s5;
	[dreg:$0x6] =	wrdreg s3  }
0x11: {  	s15 =	simm.s32 $0x13880;
	s23 =	sadd.s32 $0x5000, s5;
	[dreg:$0x7] =	wrdreg s22  }
0x12: {  	s9 =	sadd.s32 $0xA000, s9;
	s24 =	sadd.s32 $0x7800, s5;
	[dreg:$0x8] =	wrdreg s23  }
0x13: {  	s10 =	sadd.s32 $0x2A000, s0;
	s25 =	sadd.s32 $0xA000, s5;
	[dreg:$0x9] =	wrdreg s24  }
0x14: {  	s26 =	sadd.s32 $0xC800, s5;
	s0 =	simm.s32 $0x1CA00;
	[dreg:$0xa] =	wrdreg s25  }
0x15: {  	[dreg:$0xb] =	wrdreg s26;
	s17 =	sadd.s32 $0xF000, s5;
	s22 =	simm.s32 $0x17880  }
0x16: {  	s23 =	simm.s32 $0x17900;
	s24 =	simm.s32 $0x7;
	s25 =	sadd.s32 s18, s10  }
0x17: {  	v0 =	vimm.f32 $0.0e+00;
	s26 =	simm.s32 $0x50;
	s3 =	simm.s32 $0x2;
	s18 =	simm.s32 $0x0  }
.LBB2_1:
0x18: {  	s13 =	rddreg [dreg:$0x4]  }
0x19: {  	[tilespmem:s15], [sflag:$0x1] =	stream.linear.gather [hbm4b:s13+s4], $0x3E80, $0x38;
	[tilespmem:$0x1F200] =	vst v63  }
0x1a: {  	s14 =	simm.s32 $0x200;
	s13 =	simm.s32 $0x0  }
.LBB2_2:
0x1b: {  	p1 =	sne.s32 s14, $0x9E00;
	[tilespmem:s13+$0x17A70] =	vst v0  }
0x1c: {  	[tilespmem:s13+$0x17A00] =	vst v0  }
0x1d: {  	[tilespmem:s13+$0x17A10] =	vst v0  }
.Ltmp0:
0x1e: {  	[tilespmem:s13+$0x17A20] =	vst v0;
	(pc) =	sbr.rel @p1 .LBB2_2-.Ltmp0, $4  }
0x1f: {  	[tilespmem:s13+$0x17A30] =	vst v0  }
0x20: {  	[tilespmem:s13+$0x17A40] =	vst v0  }
0x21: {  	[tilespmem:s13+$0x17A50] =	vst v0  }
0x22: {  	[tilespmem:s13+$0x17A60] =	vst v0;
	s13 =	sshra.s32 s14, $0x2;
	s14 =	sadd.s32 $0x200, s14  }
0x23: {  	[tilespmem:s13+$0x17A70] =	vst v0  }
0x24: {  	[tilespmem:s13+$0x17A00] =	vst v0  }
0x25: {  	[tilespmem:s13+$0x17A10] =	vst v0  }
0x26: {  	[tilespmem:s13+$0x17A20] =	vst v0  }
0x27: {  	[tilespmem:s13+$0x17A30] =	vst v0  }
0x28: {  	[tilespmem:s13+$0x17A40] =	vst v0  }
0x29: {  	[tilespmem:s13+$0x17A50] =	vst v0  }
0x2a: {  	[tilespmem:s13+$0x17A60] =	vst v0  }
0x2b: {  	[spmem:s5] =	stream.linear.scatter [tilespmem:s19], [sflag:$0xA], $0x2800, $0x38;
	[tilespmem:$0x1F200] =	vst v63  }
0x2c: {  	_ =	swait.ge [sflag:s20], $0x2800  }
0x2d: {  	[sflag:s20] =	ssyncset.done $0x0  }
0x2e: {  	s16 =	rddreg [dreg:$0x7];
	[sflag:s20] =	ssyncadd.s32 $0xFFFFD800  }
0x2f: {  	[spmem:s16] =	stream.linear.scatter [tilespmem:s19], [sflag:$0xA], $0x2800, $0x38;
	[tilespmem:$0x1F200] =	vst v63  }
0x30: {  	_ =	swait.ge [sflag:s20], $0x2800  }
0x31: {  	[sflag:s20] =	ssyncset.done $0x0  }
0x32: {  	s14 =	rddreg [dreg:$0x8];
	[sflag:s20] =	ssyncadd.s32 $0xFFFFD800  }
0x33: {  	[spmem:s14] =	stream.linear.scatter [tilespmem:s19], [sflag:$0xA], $0x2800, $0x38;
	[tilespmem:$0x1F200] =	vst v63  }
0x34: {  	_ =	swait.ge [sflag:s20], $0x2800  }
0x35: {  	[sflag:s20] =	ssyncset.done $0x0  }
0x36: {  	s16 =	rddreg [dreg:$0x9];
	[sflag:s20] =	ssyncadd.s32 $0xFFFFD800  }
0x37: {  	[spmem:s16] =	stream.linear.scatter [tilespmem:s19], [sflag:$0xA], $0x2800, $0x38;
	[tilespmem:$0x1F200] =	vst v63  }
0x38: {  	_ =	swait.ge [sflag:s20], $0x2800  }
0x39: {  	[sflag:s20] =	ssyncset.done $0x0  }
0x3a: {  	s14 =	rddreg [dreg:$0xa];
	[sflag:s20] =	ssyncadd.s32 $0xFFFFD800  }
0x3b: {  	[spmem:s14] =	stream.linear.scatter [tilespmem:s19], [sflag:$0xA], $0x2800, $0x38;
	[tilespmem:$0x1F200] =	vst v63  }
0x3c: {  	_ =	swait.ge [sflag:s20], $0x2800  }
0x3d: {  	[sflag:s20] =	ssyncset.done $0x0  }
0x3e: {  	s16 =	rddreg [dreg:$0xb];
	[sflag:s20] =	ssyncadd.s32 $0xFFFFD800  }
0x3f: {  	[spmem:s16] =	stream.linear.scatter [tilespmem:s19], [sflag:$0xA], $0x2800, $0x38;
	[tilespmem:$0x1F200] =	vst v63  }
0x40: {  	_ =	swait.ge [sflag:s20], $0x2800  }
0x41: {  	[sflag:s20] =	ssyncset.done $0x0  }
0x42: {  	[sflag:s20] =	ssyncadd.s32 $0xFFFFD800  }
0x43: {  	[spmem:s17] =	stream.linear.scatter [tilespmem:s19], [sflag:$0xA], $0x2800, $0x38;
	[tilespmem:$0x1F200] =	vst v63  }
0x44: {  	_ =	swait.ge [sflag:s20], $0x2800  }
0x45: {  	[sflag:s20] =	ssyncset.done $0x0  }
0x46: {  	s14 =	rddreg [dreg:$0x5];
	[sflag:s20] =	ssyncadd.s32 $0xFFFFD800  }
0x47: {  	[spmem:s14] =	stream.linear.scatter [tilespmem:s19], [sflag:$0xA], $0x2000, $0x38;
	[tilespmem:$0x1F200] =	vst v63  }
0x48: {  	_ =	swait.ge [sflag:s20], $0x2000  }
0x49: {  	[sflag:s20] =	ssyncset.done $0x0  }
0x4a: {  	s13 =	simm.s32 @!p0 $0x17A00;
	[sflag:s20] =	ssyncadd.s32 $0xFFFFE000  }
0x4b: {  	[spmem:s8] =	stream.linear.scatter @!p0 [tilespmem:s13], [sflag:$0xA], $0x800, $0x38;
	[tilespmem:$0x1F200] =	vst v63  }
0x4c: {  	s13 =	simm.s32 @!p0 $0xA  }
0x4d: {  	_ =	swait.ge @!p0 [sflag:s13], $0x800  }
0x4e: {  	[sflag:s13] =	ssyncset.done @!p0 $0x0  }
0x4f: {  	[sflag:s13] =	ssyncadd.s32 @!p0 $0xFFFFF800  }
0x50: {  	_ =	swait.ge [sflag:s21], $0x3E80  }
0x51: {  	[sflag:s21] =	ssyncset.done $0x0  }
0x52: {  	[sflag:s21] =	ssyncadd.s32 $0xFFFFC180  }
0x53: {  	s13 =	simm.s32 $0x0;
	[bflag:$0x0] =	sbarrier.arrive $0xFFFF  }
0x54: {  	[tilespmem:s22], [sflag:$0x7] =	stream.linear.gather [hbm4b:s9+s13], $0x80, $0x38;
	[tilespmem:$0x1F200] =	vst v63  }
0x55: {  	s14 =	sadd.s32 $0x10, s9  }
0x56: {  	[tilespmem:s23], [sflag:$0x8] =	stream.linear.gather [hbm4b:s14+s13], $0x80, $0x38;
	[tilespmem:$0x1F200] =	vst v63  }
0x57: {  	_ =	swait.ge [sflag:s24], $0x80  }
0x58: {  	[sflag:s24] =	ssyncset.done $0x0  }
0x59: {  	[sflag:s24] =	ssyncadd.s32 $0xFFFFFF80  }
0x5a: {  	[tilespmem:s19], [sflag:$0x1] =	stream.indirect.gather [hbm4b:s1+s26], $0x80, s22, s26, $0xb8;
	[tilespmem:$0x1F200] =	vst v63  }
0x5b: {  	_ =	swait.ge [sflag:s28], $0x80  }
0x5c: {  	[sflag:s28] =	ssyncset.done $0x0  }
0x5d: {  	[sflag:s28] =	ssyncadd.s32 $0xFFFFFF80  }
0x5e: {  	[tilespmem:s29], [sflag:$0x2] =	stream.indirect.gather [hbm4b:s1+s26], $0x80, s23, s26, $0xb8;
	[tilespmem:$0x1F200] =	vst v63  }
0x5f: {  	s16 =	sadd.s32 $0x20, s9  }
0x60: {  	[tilespmem:s30], [sflag:$0x9] =	stream.linear.gather [hbm4b:s16+s13], $0x80, $0x38;
	[tilespmem:$0x1F200] =	vst v63  }
0x61: {  	_ =	swait.ge [sflag:s21], $0x2800  }
0x62: {  	[sflag:s21] =	ssyncset.done $0x0  }
0x63: {  	[sflag:s21] =	ssyncadd.s32 $0xFFFFD800  }
0x64: {  	[spmem:s2] =	stream.indirect.scatter.add.f32 [tilespmem:s19], [sflag:$0x4], $0x80, s15, s26, $0xb8;
	[tilespmem:$0x1F200] =	vst v63  }
0x65: {  	_ =	swait.ge [sflag:s31], $0x80  }
0x66: {  	[sflag:s31] =	ssyncset.done $0x0  }
0x67: {  	[sflag:s31] =	ssyncadd.s32 $0xFFFFFF80  }
0x68: {  	[tilespmem:s0], [sflag:$0x3] =	stream.indirect.gather [hbm4b:s1+s26], $0x80, s30, s26, $0xb8;
	[tilespmem:$0x1F200] =	vst v63  }
0x69: {  	s16 =	sadd.s32 $0x30, s9  }
0x6a: {  	[tilespmem:s22], [sflag:$0x7] =	stream.linear.gather [hbm4b:s16+s13], $0x80, $0x38;
	[tilespmem:$0x1F200] =	vst v63  }
0x6b: {  	_ =	swait.ge [sflag:s3], $0x2800  }
0x6c: {  	[sflag:s3] =	ssyncset.done $0x0  }
0x6d: {  	s15 =	simm.s32 $0x13900;
	[sflag:s3] =	ssyncadd.s32 $0xFFFFD800  }
0x6e: {  	[spmem:s2] =	stream.indirect.scatter.add.f32 [tilespmem:s29], [sflag:$0x5], $0x80, s15, s26, $0xb8;
	[tilespmem:$0x1F200] =	vst v63  }
0x6f: {  	_ =	swait.ge [sflag:s6], $0x2800  }
0x70: {  	[sflag:s6] =	ssyncset.done $0x0  }
0x71: {  	[sflag:s6] =	ssyncadd.s32 $0xFFFFD800  }
0x72: {  	_ =	swait.ge [sflag:s24], $0x80  }
0x73: {  	[sflag:s24] =	ssyncset.done $0x0  }
0x74: {  	[sflag:s24] =	ssyncadd.s32 $0xFFFFFF80  }
0x75: {  	[tilespmem:s19], [sflag:$0x1] =	stream.indirect.gather [hbm4b:s1+s26], $0x80, s22, s26, $0xb8;
	[tilespmem:$0x1F200] =	vst v63  }
0x76: {  	s16 =	sadd.s32 $0x40, s9  }
0x77: {  	[tilespmem:s23], [sflag:$0x8] =	stream.linear.gather [hbm4b:s16+s13], $0x80, $0x38;
	[tilespmem:$0x1F200] =	vst v63  }
0x78: {  	_ =	swait.ge [sflag:s7], $0x2800  }
0x79: {  	[sflag:s7] =	ssyncset.done $0x0  }
0x7a: {  	s15 =	simm.s32 $0x13980;
	[sflag:s7] =	ssyncadd.s32 $0xFFFFD800  }
0x7b: {  	[spmem:s2] =	stream.indirect.scatter.add.f32 [tilespmem:s0], [sflag:$0x6], $0x80, s15, s26, $0xb8;
	[tilespmem:$0x1F200] =	vst v63  }
0x7c: {  	_ =	swait.ge [sflag:s11], $0x2800  }
0x7d: {  	[sflag:s11] =	ssyncset.done $0x0  }
0x7e: {  	[sflag:s11] =	ssyncadd.s32 $0xFFFFD800  }
0x7f: {  	_ =	swait.ge [sflag:s28], $0x80  }
0x80: {  	[sflag:s28] =	ssyncset.done $0x0  }
0x81: {  	[sflag:s28] =	ssyncadd.s32 $0xFFFFFF80  }
0x82: {  	[tilespmem:s29], [sflag:$0x2] =	stream.indirect.gather [hbm4b:s1+s26], $0x80, s23, s26, $0xb8;
	[tilespmem:$0x1F200] =	vst v63  }
0x83: {  	s14 =	sadd.s32 $0x50, s9  }
0x84: {  	[tilespmem:s30], [sflag:$0x9] =	stream.linear.gather [hbm4b:s14+s4], $0x80, $0x38;
	[tilespmem:$0x1F200] =	vst v63  }
0x85: {  	_ =	swait.ge [sflag:s21], $0x2800  }
0x86: {  	[sflag:s21] =	ssyncset.done $0x0  }
0x87: {  	s16 =	simm.s32 $0x13A00;
	[sflag:s21] =	ssyncadd.s32 $0xFFFFD800  }
0x88: {  	[spmem:s2] =	stream.indirect.scatter.add.f32 [tilespmem:s19], [sflag:$0x4], $0x80, s16, s26, $0xb8;
	[tilespmem:$0x1F200] =	vst v63  }
0x89: {  	_ =	swait.ge [sflag:s12], $0x2800  }
0x8a: {  	[sflag:s12] =	ssyncset.done $0x0  }
0x8b: {  	[sflag:s12] =	ssyncadd.s32 $0xFFFFD800  }
0x8c: {  	_ =	swait.ge [sflag:s31], $0x80  }
0x8d: {  	[sflag:s31] =	ssyncset.done $0x0  }
0x8e: {  	[sflag:s31] =	ssyncadd.s32 $0xFFFFFF80  }
0x8f: {  	[tilespmem:s0], [sflag:$0x3] =	stream.indirect.gather [hbm4b:s1+s26], $0x80, s30, s26, $0xb8;
	[tilespmem:$0x1F200] =	vst v63  }
0x90: {  	s15 =	sadd.s32 $0x10, s14  }
0x91: {  	[tilespmem:s22], [sflag:$0x7] =	stream.linear.gather [hbm4b:s15+s4], $0x80, $0x38;
	[tilespmem:$0x1F200] =	vst v63  }
0x92: {  	_ =	swait.ge [sflag:s3], $0x2800  }
0x93: {  	[sflag:s3] =	ssyncset.done $0x0  }
0x94: {  	s16 =	simm.s32 $0x13A80;
	[sflag:s3] =	ssyncadd.s32 $0xFFFFD800  }
0x95: {  	[spmem:s2] =	stream.indirect.scatter.add.f32 [tilespmem:s29], [sflag:$0x5], $0x80, s16, s26, $0xb8;
	[tilespmem:$0x1F200] =	vst v63  }
0x96: {  	_ =	swait.ge [sflag:s6], $0x2800  }
0x97: {  	[sflag:s6] =	ssyncset.done $0x0  }
0x98: {  	[sflag:s6] =	ssyncadd.s32 $0xFFFFD800  }
0x99: {  	_ =	swait.ge [sflag:s24], $0x80  }
0x9a: {  	[sflag:s24] =	ssyncset.done $0x0  }
0x9b: {  	[sflag:s24] =	ssyncadd.s32 $0xFFFFFF80  }
0x9c: {  	[tilespmem:s19], [sflag:$0x1] =	stream.indirect.gather [hbm4b:s1+s26], $0x80, s22, s26, $0xb8;
	[tilespmem:$0x1F200] =	vst v63  }
0x9d: {  	s15 =	sadd.s32 $0x20, s14  }
0x9e: {  	[tilespmem:s23], [sflag:$0x8] =	stream.linear.gather [hbm4b:s15+s4], $0x80, $0x38;
	[tilespmem:$0x1F200] =	vst v63  }
0x9f: {  	_ =	swait.ge [sflag:s7], $0x2800  }
0xa0: {  	[sflag:s7] =	ssyncset.done $0x0  }
0xa1: {  	s16 =	simm.s32 $0x13B00;
	[sflag:s7] =	ssyncadd.s32 $0xFFFFD800  }
0xa2: {  	[spmem:s2] =	stream.indirect.scatter.add.f32 [tilespmem:s0], [sflag:$0x6], $0x80, s16, s26, $0xb8;
	[tilespmem:$0x1F200] =	vst v63  }
0xa3: {  	_ =	swait.ge [sflag:s11], $0x2800  }
0xa4: {  	[sflag:s11] =	ssyncset.done $0x0  }
0xa5: {  	[sflag:s11] =	ssyncadd.s32 $0xFFFFD800  }
0xa6: {  	_ =	swait.ge [sflag:s28], $0x80  }
0xa7: {  	[sflag:s28] =	ssyncset.done $0x0  }
0xa8: {  	s13 =	simm.s32 $0x600;
	s14 =	sadd.s32 $0x30, s14;
	[sflag:s28] =	ssyncadd.s32 $0xFFFFFF80  }
.LBB2_4:
0xa9: {  	[tilespmem:s29], [sflag:$0x2] =	stream.indirect.gather [hbm4b:s1+s26], $0x80, s23, s26, $0xb8;
	[tilespmem:$0x1F200] =	vst v63  }
0xaa: {  	p1 =	sne.s32 s13, $0xEA00;
	s15 =	smov.u32 s13;
	s13 =	sadd.s32 $0x600, s13  }
0xab: {  	[tilespmem:s30], [sflag:$0x9] =	stream.linear.gather [hbm4b:s14+s4], $0x80, $0x38;
	[tilespmem:$0x1F200] =	vst v63  }
0xac: {  	_ =	swait.ge [sflag:s21], $0x2800  }
0xad: {  	s15 =	sshra.s32 s15, $0x2;
	[sflag:s21] =	ssyncset.done $0x0  }
0xae: {  	s16 =	sadd.s32 $0x13A00, s15;
	[sflag:s21] =	ssyncadd.s32 $0xFFFFD800  }
0xaf: {  	[spmem:s2] =	stream.indirect.scatter.add.f32 [tilespmem:s19], [sflag:$0x4], $0x80, s16, s26, $0xb8;
	[tilespmem:$0x1F200] =	vst v63  }
0xb0: {  	_ =	swait.ge [sflag:s12], $0x2800  }
0xb1: {  	[sflag:s12] =	ssyncset.done $0x0  }
0xb2: {  	[sflag:s12] =	ssyncadd.s32 $0xFFFFD800  }
0xb3: {  	_ =	swait.ge [sflag:s31], $0x80  }
0xb4: {  	[sflag:s31] =	ssyncset.done $0x0  }
0xb5: {  	[sflag:s31] =	ssyncadd.s32 $0xFFFFFF80  }
0xb6: {  	[tilespmem:s0], [sflag:$0x3] =	stream.indirect.gather [hbm4b:s1+s26], $0x80, s30, s26, $0xb8;
	[tilespmem:$0x1F200] =	vst v63  }
0xb7: {  	s16 =	sadd.s32 $0x10, s14  }
0xb8: {  	[tilespmem:s22], [sflag:$0x7] =	stream.linear.gather [hbm4b:s16+s4], $0x80, $0x38;
	[tilespmem:$0x1F200] =	vst v63  }
0xb9: {  	_ =	swait.ge [sflag:s3], $0x2800  }
0xba: {  	[sflag:s3] =	ssyncset.done $0x0  }
0xbb: {  	s16 =	sadd.s32 $0x13A80, s15;
	[sflag:s3] =	ssyncadd.s32 $0xFFFFD800  }
0xbc: {  	[spmem:s2] =	stream.indirect.scatter.add.f32 [tilespmem:s29], [sflag:$0x5], $0x80, s16, s26, $0xb8;
	[tilespmem:$0x1F200] =	vst v63  }
0xbd: {  	_ =	swait.ge [sflag:s6], $0x2800  }
0xbe: {  	[sflag:s6] =	ssyncset.done $0x0  }
0xbf: {  	[sflag:s6] =	ssyncadd.s32 $0xFFFFD800  }
0xc0: {  	_ =	swait.ge [sflag:s24], $0x80  }
0xc1: {  	[sflag:s24] =	ssyncset.done $0x0  }
0xc2: {  	[sflag:s24] =	ssyncadd.s32 $0xFFFFFF80  }
0xc3: {  	[tilespmem:s19], [sflag:$0x1] =	stream.indirect.gather [hbm4b:s1+s26], $0x80, s22, s26, $0xb8;
	[tilespmem:$0x1F200] =	vst v63  }
0xc4: {  	s16 =	sadd.s32 $0x20, s14  }
0xc5: {  	[tilespmem:s23], [sflag:$0x8] =	stream.linear.gather [hbm4b:s16+s4], $0x80, $0x38;
	[tilespmem:$0x1F200] =	vst v63  }
0xc6: {  	_ =	swait.ge [sflag:s7], $0x2800  }
0xc7: {  	[sflag:s7] =	ssyncset.done $0x0  }
0xc8: {  	s15 =	sadd.s32 $0x13B00, s15;
	[sflag:s7] =	ssyncadd.s32 $0xFFFFD800  }
0xc9: {  	[spmem:s2] =	stream.indirect.scatter.add.f32 [tilespmem:s0], [sflag:$0x6], $0x80, s15, s26, $0xb8;
	[tilespmem:$0x1F200] =	vst v63  }
0xca: {  	_ =	swait.ge [sflag:s11], $0x2800  }
.Ltmp1:
0xcb: {  	[sflag:s11] =	ssyncset.done $0x0;
	(pc) =	sbr.rel @p1 .LBB2_4-.Ltmp1, $4  }
0xcc: {  	[sflag:s11] =	ssyncadd.s32 $0xFFFFD800  }
0xcd: {  	_ =	swait.ge [sflag:s28], $0x80  }
0xce: {  	[sflag:s28] =	ssyncset.done $0x0  }
0xcf: {  	s14 =	sadd.s32 $0x30, s14;
	[sflag:s28] =	ssyncadd.s32 $0xFFFFFF80  }
0xd0: {  	[tilespmem:s29], [sflag:$0x2] =	stream.indirect.gather [hbm4b:s1+s26], $0x80, s23, s26, $0xb8;
	[tilespmem:$0x1F200] =	vst v63  }
0xd1: {  	_ =	swait.ge [sflag:s21], $0x2800  }
0xd2: {  	[sflag:s21] =	ssyncset.done $0x0  }
0xd3: {  	s13 =	simm.s32 $0x17600;
	[sflag:s21] =	ssyncadd.s32 $0xFFFFD800  }
0xd4: {  	[spmem:s2] =	stream.indirect.scatter.add.f32 [tilespmem:s19], [sflag:$0x4], $0x80, s13, s26, $0xb8;
	[tilespmem:$0x1F200] =	vst v63  }
0xd5: {  	_ =	swait.ge [sflag:s3], $0x2800  }
0xd6: {  	[sflag:s3] =	ssyncset.done $0x0  }
0xd7: {  	s14 =	simm.s32 $0x17680;
	[sflag:s3] =	ssyncadd.s32 $0xFFFFD800  }
0xd8: {  	[spmem:s2] =	stream.indirect.scatter.add.f32 [tilespmem:s29], [sflag:$0x5], $0x80, s14, s26, $0xb8;
	[tilespmem:$0x1F200] =	vst v63  }
0xd9: {  	_ =	swait.ge [sflag:s12], $0x2800  }
0xda: {  	[sflag:s12] =	ssyncset.done $0x0  }
0xdb: {  	[sflag:s12] =	ssyncadd.s32 $0xFFFFD800  }
0xdc: {  	_ =	swait.ge [sflag:s6], $0x2800  }
0xdd: {  	[sflag:s6] =	ssyncset.done $0x0  }
0xde: {  	[sflag:s6] =	ssyncadd.s32 $0xFFFFD800  }
0xdf: {  	_ =	swait.ge [sflag:s11], $0x2800  }
0xe0: {  	s15 =	stileid.u32;
	[sflag:s11] =	ssyncset.done $0x0  }
0xe1: {  	s13 =	sshll.u32 s15, $0x6;
	[sflag:s11] =	ssyncadd.s32 $0xFFFFD800  }
0xe2: {  	s13 =	sor.u32 $0x1C0A, s13;
	s14 =	sshrl.u32 s5, $0x3;
	[bflag:$0x0] =	sbarrier.arrive $0xFFFF  }
0xe3: {  	[hbm:s25], [sflag:s13] =	dma.local [spmem:s14], $0x2700  }
0xe4: {  	_ =	swait.ge [sflag:s20], $0x2700  }
0xe5: {  	[sflag:s20] =	ssyncset.done $0x0  }
0xe6: {  	s15 =	sshrl.u32 @!p0 s8, $0x3;
	s14 =	sadd.s32 @!p0 $0x27000, s10;
	[sflag:s20] =	ssyncadd.s32 $0xFFFFD900  }
0xe7: {  	[hbm:s14], [sflag:s13] =	dma.local @!p0 [spmem:s15], $0x100  }
0xe8: {  	s13 =	simm.s32 @!p0 $0xA  }
0xe9: {  	_ =	swait.ge @!p0 [sflag:s13], $0x100  }
0xea: {  	s18 =	sadd.s32 $0x1, s18;
	s16 =	rddreg [dreg:$0x6]  }
0xeb: {  	p1 =	sne.s32 s18, s16  }
.Ltmp2:
0xec: {  	_ = 	snop;
	(pc) =	sbr.rel @p1 .LBB2_1-.Ltmp2, $3  }
0xed: {  	_ =	sdelay $0x1  }
0xee: {  	[sflag:s13] =	ssyncset.done @!p0 $0x0  }
0xef: {  	s15 =	simm.s32 $0x13880;
	[sflag:s13] =	ssyncadd.s32 @!p0 $0xFFFFFF00  }
0xf0: {  	_ =	sfence.sel $0x180000  }
0xf1: {  	[bflag:$0x0] =	sbarrier.arrive $0xFFFF  }
0xf2: {  	_ =	strace $0x90000047  }
0xf3: {  	s0 =	stileid.u32;
	[bflag:$0x2] =	sbarrier.arrive $0xFFFF  }
0xf4: {  	p0 =	sne.s32 s0, $0x0;
	s0 =	rddreg [dreg:$0x3]  }
0xf5: {  	s0 =	sadd.s32 @!p0 $0x100000, s0  }
0xf6: {  	[sflag:s0] =	ssyncadd.tile.s32 @!p0 $0x1;
	_ =	shalt  }
.Lfunc_end2:
_tile_overlayer_lowered:
.L_overlay_start_2:
0xf7: {  	(tag) =	ssettag $0x2  }
0xf8: {  	s0 =	rddreg [dreg:$0x0];
	s2 =	stileid.u32  }
0xf9: {  	s1 =	rddreg [dreg:$0x1];
	p0 =	sne.s32 s2, $0x0  }
0xfa: {  	s3 =	rddreg [dreg:$0x2];
	[bflag:$0x3] =	sbarrier.arrive $0xFFFF;
	s2 =	simm.s32 @!p0 $0x1C0A  }
0xfb: {  	[timem:s3], [sflag:s2] =	dma.local @!p0 [hbm:s0], s1  }
0xfc: {  	s0 =	simm.s32 @!p0 $0xA  }
0xfd: {  	_ =	swait.ge @!p0 [sflag:s0], s1  }
0xfe: {  	s1 =	ssub.s32 @!p0 $0x0, s1;
	[sflag:s0] =	ssyncset.done @!p0 $0x0  }
0xff: {  	[sflag:s0] =	ssyncadd.s32 @!p0 s1  }
0x100: {  	[bflag:$0x3] =	sbarrier.arrive $0xFFFF  }
0x101: {  	_ =	shalt  }

// kernel: kernel.15.cloned.1.call-start
scs
__scs_entry_jumppad:
0x0: {  	(pc) =	sbr.rel $0x88, $3  }
0x1: {  	(tag) =	ssettag $0x0;
	lr =	simm.s32 $0x1  }
0x2: {  	[smem:$0x3F7C] =	sst lr;
	_ =	strace $0xD0000000  }
0x3: {  	_ = 	snop  }
0x4: {  	_ = 	snop  }
0x5: {  	_ = 	snop  }
0x6: {  	_ = 	snop  }
0x7: {  	_ = 	snop  }
__scs_overlays_trampoline_lowered:
0x8: {  	[smem:$0x3F8B] =	sst s0  }
0x9: {  	[smem:$0x3F8C] =	sst s1  }
0xa: {  	[smem:$0x3F8D] =	sst s2  }
0xb: {  	[smem:$0x3F8E] =	sst s3  }
0xc: {  	[smem:$0x3F8F] =	sst s4  }
0xd: {  	[smem:$0x3F90] =	sst s5  }
0xe: {  	[smem:$0x3F91] =	sst s6  }
0xf: {  	[smem:$0x3F92] =	sst s7  }
0x10: {  	[smem:$0x3F93] =	sst s8  }
0x11: {  	[smem:$0x3F94] =	sst s9;
	s0 =	simm.s32 @!p0 $0x0  }
0x12: {  	s1 =	sld [smem:$0x3F7A];
	s0 =	simm.s32 @p0 $0x1  }
0x13: {  	[smem:$0x3F95] =	sst s0;
	s0 =	simm.s32 @!p1 $0x0  }
0x14: {  	s2 =	sld [smem:$0x3F79];
	s0 =	simm.s32 @p1 $0x1  }
0x15: {  	[smem:$0x3F96] =	sst s0;
	s0 =	simm.s32 @!p2 $0x0  }
0x16: {  	s3 =	sld [smem:$0x3FDB];
	s0 =	simm.s32 @p2 $0x1  }
0x17: {  	s4 =	simm.s32 $0x1BF5;
	[smem:$0x3F98] =	sst s0  }
0x18: {  	s0 =	sld [smem:$0x3F7B];
	_ =	swait.ge [sflag:s4], $0x0  }
0x19: {  	s7 =	sld [smem:$0x3F7C]  }
0x1a: {  	s8 =	sadd.s32 $0xFFFFE003, lr  }
0x1b: {  	s9 =	sadd.s32 $0xFFFFFEF7, lr;
	s5 =	simm.s32 $0xFFFFFFFF;
	p2 =	slt.u32 s8, $0xFFFFF086  }
0x1c: {  	p1 =	slt.u32 s9, $0xF7A;
	s5 =	simm.s32 @!p2 $0x0  }
0x1d: {  	s5 =	simm.s32 @p1 $0x1;
	p0 =	seq.s32 s7, s2  }
0x1e: {  	s7 =	smul.u32 @!p0 $0xF7A, s2;
	p2 =	seq.s32 @!p0 s5, $0x0  }
0x1f: {  	s9 =	smul.u32 $0xF7A, s1;
	s8 =	simm.s32 @!p0 $0x1BF5;
	p2 =	por !p2, p0  }
0x20: {  	[sflag:s8] =	ssyncset.s32 @!p0 $0xFFFFF086;
	s6 =	sadd.s32 @!p0 s3, s7;
	s7 =	simm.s32 @!p0 $0x108  }
0x21: {  	s3 =	sadd.s32 s3, s9;
	s6 =	sadd.s32 @!p0 $0x88, s6;
	s7 =	simm.s32 @p2 $0x1082  }
0x22: {  	[simem:s7], [sflag:s8] =	dma.local @!p0 [hbm:s6], $0xF7A  }
0x23: {  	s9 =	sor.u32 $0xD0000000, s2;
	s6 =	simm.s32 $0x108;
	_ =	swait.ge @!p0 [sflag:s8], $0x0  }
0x24: {  	s3 =	sadd.s32 $0x88, s3;
	s6 =	simm.s32 @!p1 $0x1082;
	[sflag:s4] =	ssyncset.s32 $0xFFFFF086  }
0x25: {  	[simem:s6], [sflag:s4] =	dma.local [hbm:s3], $0xF7A  }
0x26: {  	[smem:$0x3F7C] =	sst s1;
	(tag) =	ssettag s2;
	_ =	strace s9  }
0x27: {  	s1 =	sld [smem:$0x3F8C]  }
0x28: {  	s2 =	sld [smem:$0x3F8D]  }
0x29: {  	s4 =	sld [smem:$0x3F8F]  }
0x2a: {  	p0 =	seq.s32 s5, $0x0;
	s5 =	sld [smem:$0x3F90]  }
0x2b: {  	s6 =	sld [smem:$0x3F91]  }
0x2c: {  	s7 =	sld [smem:$0x3F92]  }
0x2d: {  	s3 =	simm.s32 $0x108;
	s8 =	sld [smem:$0x3F93]  }
0x2e: {  	s3 =	simm.s32 @!p0 $0x1082;
	s9 =	sld [smem:$0x3F94]  }
0x2f: {  	lr =	sadd.s32 s0, s3;
	s0 =	sld [smem:$0x3F8B]  }
0x30: {  	s3 =	sld [smem:$0x3F8E]  }
0x31: {  	[smem:$0x3F97] =	sst s10  }
0x32: {  	s10 =	sld [smem:$0x3F95];
	_ =	sdelay $0x3  }
0x33: {  	p0 =	seq.s32 s10, $0x1;
	s10 =	sld [smem:$0x3F97];
	_ =	sdelay $0x3  }
0x34: {  	[smem:$0x3F97] =	sst s10  }
0x35: {  	s10 =	sld [smem:$0x3F96];
	_ =	sdelay $0x3  }
0x36: {  	p1 =	seq.s32 s10, $0x1;
	s10 =	sld [smem:$0x3F97];
	_ =	sdelay $0x3  }
0x37: {  	[smem:$0x3F97] =	sst s10  }
0x38: {  	s10 =	sld [smem:$0x3F98]  }
0x39: {  	_ = 	snop;
	(pc) =	sbr.ind lr, $3  }
0x3a: {  	_ = 	snop  }
0x3b: {  	_ = 	snop  }
0x3c: {  	p2 =	seq.s32 s10, $0x1;
	s10 =	sld [smem:$0x3F97]  }
0x3d: {  	_ =	shalt  }
0x3e: {  	_ =	shalt  }
0x3f: {  	_ =	shalt  }
0x40: {  	_ =	shalt  }
0x41: {  	_ =	shalt  }
0x42: {  	_ =	shalt  }
0x43: {  	_ =	shalt  }
0x44: {  	_ =	shalt  }
0x45: {  	_ =	shalt  }
0x46: {  	_ =	shalt  }
0x47: {  	_ =	shalt  }
0x48: {  	_ =	shalt  }
0x49: {  	_ =	shalt  }
0x4a: {  	_ =	shalt  }
0x4b: {  	_ =	shalt  }
0x4c: {  	_ =	shalt  }
0x4d: {  	_ =	shalt  }
0x4e: {  	_ =	shalt  }
0x4f: {  	_ =	shalt  }
0x50: {  	_ =	shalt  }
0x51: {  	_ =	shalt  }
0x52: {  	_ =	shalt  }
0x53: {  	_ =	shalt  }
0x54: {  	_ =	shalt  }
0x55: {  	_ =	shalt  }
0x56: {  	_ =	shalt  }
0x57: {  	_ =	shalt  }
0x58: {  	_ =	shalt  }
0x59: {  	_ =	shalt  }
0x5a: {  	_ =	shalt  }
0x5b: {  	_ =	shalt  }
0x5c: {  	_ =	shalt  }
0x5d: {  	_ =	shalt  }
0x5e: {  	_ =	shalt  }
0x5f: {  	_ =	shalt  }
0x60: {  	_ =	shalt  }
0x61: {  	_ =	shalt  }
0x62: {  	_ =	shalt  }
0x63: {  	_ =	shalt  }
0x64: {  	_ =	shalt  }
0x65: {  	_ =	shalt  }
0x66: {  	_ =	shalt  }
0x67: {  	_ =	shalt  }
0x68: {  	_ =	shalt  }
0x69: {  	_ =	shalt  }
0x6a: {  	_ =	shalt  }
0x6b: {  	_ =	shalt  }
0x6c: {  	_ =	shalt  }
0x6d: {  	_ =	shalt  }
0x6e: {  	_ =	shalt  }
0x6f: {  	_ =	shalt  }
0x70: {  	_ =	shalt  }
0x71: {  	_ =	shalt  }
0x72: {  	_ =	shalt  }
0x73: {  	_ =	shalt  }
0x74: {  	_ =	shalt  }
0x75: {  	_ =	shalt  }
0x76: {  	_ =	shalt  }
0x77: {  	_ =	shalt  }
0x78: {  	_ =	shalt  }
0x79: {  	_ =	shalt  }
0x7a: {  	_ =	shalt  }
0x7b: {  	_ =	shalt  }
0x7c: {  	_ =	shalt  }
0x7d: {  	_ =	shalt  }
0x7e: {  	_ =	shalt  }
0x7f: {  	_ =	shalt  }
0x80: {  	_ =	shalt  }
0x81: {  	_ =	shalt  }
0x82: {  	_ =	shalt  }
0x83: {  	_ =	shalt  }
0x84: {  	_ =	shalt  }
0x85: {  	_ =	shalt  }
0x86: {  	_ =	shalt  }
0x87: {  	_ =	shalt  }
.Lfunc_end0:
.L_simem_size_0:
called_computation.1_lowered:
.L_overlay_start_0:
0x88: {  	s2 =	sld [smem:$0x3FD9]  }
0x89: {  	s3 =	sld [smem:$0x3FFE];
	_ =	sdelay $0x1  }
0x8a: {  	s1 =	srdreg.scid  }
0x8b: {  	s0 =	sand.u32 $0x1, s1  }
0x8c: {  	s16 =	sshll.u32 s0, $0xA;
	s2 =	sadd.s32 s3, s2  }
0x8d: {  	s2 =	sadd.s32 s2, s16  }
0x8e: {  	[smem:$0x3FA3] =	sst s2  }
0x8f: {  	_ = 	snop  }
0x90: {  	(tm) =	ssettm $0x1  }
0x91: {  	s17 =	sld [smem:$0x3FFB];
	_ =	sdelay $0x3  }
0x92: {  	_ =	strace s17  }
0x93: {  	s2 =	sld [smem:$0x3FFC];
	_ =	sdelay $0x3  }
0x94: {  	_ =	strace s2  }
0x95: {  	s2 =	sld [smem:$0x3FFD];
	_ =	sdelay $0x3  }
0x96: {  	_ =	strace s2  }
0x97: {  	_ =	strace $0x8FFFFFFF  }
0x98: {  	s18 =	sld [smem:$0x3FDB];
	_ =	sdelay $0x1  }
0x99: {  	s19 =	simm.s32 $_scs_section_size  }
0x9a: {  	s4 =	simm.s32 $_size__tile_overlayer_lowered;
	s5 =	simm.s32 $_tile_overlayer_lowered  }
0x9b: {  	s22 =	simm.s32 $0x1BFF;
	s21 =	sshll.u32 s5, $0x1;
	s2 =	sadd.s32 s19, s18  }
0x9c: {  	s6 =	simm.s32 $0x0;
	s20 =	sshll.u32 s4, $0x1;
	s4 =	sadd.s32 s21, s2  }
0x9d: {  	[timem:s6], [sflag:s22] =	dma.local [hbm:s4], s20  }
0x9e: {  	_ =	swait.ge [sflag:s22], s20  }
0x9f: {  	s3 =	ssub.s32 $0x0, s20;
	[sflag:s22] =	ssyncset.done $0x0  }
0xa0: {  	[sflag:s22] =	ssyncadd.s32 s3;
	_ =	sdelay $0x1  }
0xa1: {  	s23 =	simm.s32 $0x1B8B  }
0xa2: {  	_ =	swait.ge [sflag:s23], $0x1  }
0xa3: {  	[sflag:s23] =	ssyncset.done $0x0  }
0xa4: {  	s25 =	simm.s32 $0x1B8E;
	s24 =	sld [smem:$0x3FFE];
	[sflag:s23] =	ssyncadd.s32 $0xFFFFFFFF  }
0xa5: {  	s26 =	simm.s32 $execute0_lowered;
	[smem:$0x3FD2] =	sst s25  }
0xa6: {  	s4 =	sshll.u32 s26, $0x1;
	_ =	strace $0x80000049;
	[dreg:$0x1] =	wrdreg $0xFFFFFFFF  }
0xa7: {  	s28 =	simm.s32 $_size_execute0_lowered;
	s2 =	sadd.s32 s2, s4;
	[dreg:$0x0] =	wrdreg $0x0  }
0xa8: {  	s4 =	sshll.u32 s28, $0x1;
	[dreg:$0x2] =	wrdreg s2  }
0xa9: {  	[dreg:$0x3] =	wrdreg s4  }
0xaa: {  	[dreg:$0x4] =	wrdreg $0xC0  }
0xab: {  	_ =	task [dreg:s6], $0x5FFFF  }
0xac: {  	[dreg:$0x1] =	wrdreg $0xFFFFFFFF  }
0xad: {  	[dreg:$0x0] =	wrdreg $0x60  }
0xae: {  	[dreg:$0x2] =	wrdreg s24  }
0xaf: {  	[dreg:$0x3] =	wrdreg $0x0  }
0xb0: {  	[dreg:$0x4] =	wrdreg $0x9  }
0xb1: {  	_ =	task.clear_ibuf [dreg:s6], $0x5FFFF;
	_ =	strace $0x90000049  }
0xb2: {  	s29 =	simm.s32 $0x9;
	_ =	strace $0x8000004B  }
0xb3: {  	_ =	swait.ge [sflag:s29], $0x1  }
0xb4: {  	[sflag:s29] =	ssyncadd.s32 $0xFFFFFFFF  }
0xb5: {  	_ =	strace $0x9000004B  }
0xb6: {  	_ =	sfence  }
0xb7: {  	s30 =	sld [smem:$0x0];
	_ =	sdelay $0x2  }
0xb8: {  	s31 =	sshll.u32 s1, $0xD;
	s1 =	sshrl.u32 s1, $0x2  }
0xb9: {  	s3 =	sand.u32 $0x4000, s31;
	s1 =	sadd.s32 s1, s30  }
0xba: {  	s0 =	sor.u32 s3, s0;
	s1 =	sshll.u32 s1, $0x11  }
0xbb: {  	s0 =	sor.u32 s1, s0  }
0xbc: {  	s0 =	sadd.s32 $0x8F2B, s0  }
0xbd: {  	[sflag:s0] =	ssyncadd.remote.s32 $0x1  }
0xbe: {  	_ =	sfence.sel $0xFFFF  }
0xbf: {  	[dreg:$0x0] =	wrdreg $0xFFFFFFFF;
	(pc) =	sbr.abs _section_cstart, $3  }
0xc0: {  	[dreg:$0x1] =	wrdreg $0xFFFFFFFF  }
0xc1: {  	_ =	task.clear_ibuf [dreg:s6], $0x2FFFF;
	_ =	strace $0x9FFFFFFF  }
0xc2: {  	(tm) =	ssettm $0x7FFFFFFF  }
0xc3: {  	_ =	shalt  }
tec
execute0_lowered:
.L_overlay_start_1:
0x0: {  	(tag) =	ssettag $0x1  }
0x1: {  	s0 =	rddreg [dreg:$0x0]  }
0x2: {  	s1 =	rddreg [dreg:$0x1];
	s3 =	simm.s32 $0x0  }
0x3: {  	s2 =	srdreg.scid;
	s11 =	stileid.u32;
	s19 =	simm.s32 $0x17A00  }
0x4: {  	s20 =	simm.s32 $0xA;
	s21 =	simm.s32 $0x1;
	s28 =	simm.s32 $0x8  }
0x5: {  	s29 =	simm.s32 $0x1A200;
	s30 =	simm.s32 $0x17980;
	s31 =	simm.s32 $0x9  }
0x6: {  	s12 =	simm.s32 $0x6;
	[smem:$0x7FF] =	sst s3;
	s2 =	sand.u32 $0x1, s2  }
0x7: {  	s6 =	sshll.u32 s11, $0xB;
	s7 =	smul.u32 $0x4E000, s11;
	s4 =	sadd.s32 $0x2A000, s0  }
0x8: {  	s8 =	sadd.s32 $0x138000, s1;
	s18 =	smul.u32 $0x2700, s11;
	p0 =	sne.s32 s11, $0xF  }
0x9: {  	s11 =	simm.s32 $0x5;
	_ =	strace $0x8000004A;
	s5 =	sshll.u32 s2, $0xF  }
0xa: {  	s13 =	smul.u32 $0x27100, s2;
	s2 =	ssub.s32 $0x2, s2;
	s5 =	sor.u32 s6, s5  }
0xb: {  	s14 =	sshrl.u32 s7, $0x2;
	s15 =	sshrl.u32 s2, $0x1;
	s9 =	sadd.s32 s5, s0  }
0xc: {  	s6 =	simm.s32 $0x4;
	s5 =	sadd.s32 s14, s1;
	s16 =	sadd.s32 $0x1A000, s9  }
0xd: {  	s2 =	ssub.s32 s2, s15;
	s17 =	sadd.s32 $0x11800, s5;
	[dreg:$0x3] =	wrdreg s16  }
0xe: {  	s7 =	simm.s32 $0x3;
	s2 =	smax.u32 s2, $0x1;
	[dreg:$0x4] =	wrdreg s17  }
0xf: {  	s0 =	sadd.s32 s13, s0;
	s22 =	sadd.s32 $0x2800, s5;
	[dreg:$0x5] =	wrdreg s2  }
0x10: {  	s15 =	simm.s32 $0x13880;
	s23 =	sadd.s32 $0x5000, s5;
	[dreg:$0x6] =	wrdreg s22  }
0x11: {  	s9 =	sadd.s32 $0xA000, s9;
	s24 =	sadd.s32 $0x7800, s5;
	[dreg:$0x7] =	wrdreg s23  }
0x12: {  	s10 =	sadd.s32 $0x51200, s0;
	s25 =	sadd.s32 $0xA000, s5;
	[dreg:$0x8] =	wrdreg s24  }
0x13: {  	s26 =	sadd.s32 $0xC800, s5;
	s0 =	simm.s32 $0x1CA00;
	[dreg:$0x9] =	wrdreg s25  }
0x14: {  	[dreg:$0xa] =	wrdreg s26;
	s17 =	sadd.s32 $0xF000, s5;
	s22 =	simm.s32 $0x17880  }
0x15: {  	s23 =	simm.s32 $0x17900;
	s24 =	simm.s32 $0x7;
	s25 =	sadd.s32 s18, s10  }
0x16: {  	v0 =	vimm.f32 $0.0e+00;
	s26 =	simm.s32 $0x50;
	s2 =	simm.s32 $0x2;
	s18 =	simm.s32 $0x0  }
.LBB2_1:
0x17: {  	s13 =	rddreg [dreg:$0x3]  }
0x18: {  	[tilespmem:s15], [sflag:$0x1] =	stream.linear.gather [hbm4b:s13+s3], $0x3E80, $0x38;
	[tilespmem:$0x1F200] =	vst v63  }
0x19: {  	s14 =	simm.s32 $0x200;
	s13 =	simm.s32 $0x0  }
.LBB2_2:
0x1a: {  	p1 =	sne.s32 s14, $0x9E00;
	[tilespmem:s13+$0x17A70] =	vst v0  }
0x1b: {  	[tilespmem:s13+$0x17A00] =	vst v0  }
0x1c: {  	[tilespmem:s13+$0x17A10] =	vst v0  }
.Ltmp0:
0x1d: {  	[tilespmem:s13+$0x17A20] =	vst v0;
	(pc) =	sbr.rel @p1 .LBB2_2-.Ltmp0, $4  }
0x1e: {  	[tilespmem:s13+$0x17A30] =	vst v0  }
0x1f: {  	[tilespmem:s13+$0x17A40] =	vst v0  }
0x20: {  	[tilespmem:s13+$0x17A50] =	vst v0  }
0x21: {  	[tilespmem:s13+$0x17A60] =	vst v0;
	s13 =	sshra.s32 s14, $0x2;
	s14 =	sadd.s32 $0x200, s14  }
0x22: {  	[tilespmem:s13+$0x17A70] =	vst v0  }
0x23: {  	[tilespmem:s13+$0x17A00] =	vst v0  }
0x24: {  	[tilespmem:s13+$0x17A10] =	vst v0  }
0x25: {  	[tilespmem:s13+$0x17A20] =	vst v0  }
0x26: {  	[tilespmem:s13+$0x17A30] =	vst v0  }
0x27: {  	[tilespmem:s13+$0x17A40] =	vst v0  }
0x28: {  	[tilespmem:s13+$0x17A50] =	vst v0  }
0x29: {  	[tilespmem:s13+$0x17A60] =	vst v0  }
0x2a: {  	[spmem:s5] =	stream.linear.scatter [tilespmem:s19], [sflag:$0xA], $0x2800, $0x38;
	[tilespmem:$0x1F200] =	vst v63  }
0x2b: {  	_ =	swait.ge [sflag:s20], $0x2800  }
0x2c: {  	[sflag:s20] =	ssyncset.done $0x0  }
0x2d: {  	s16 =	rddreg [dreg:$0x6];
	[sflag:s20] =	ssyncadd.s32 $0xFFFFD800  }
0x2e: {  	[spmem:s16] =	stream.linear.scatter [tilespmem:s19], [sflag:$0xA], $0x2800, $0x38;
	[tilespmem:$0x1F200] =	vst v63  }
0x2f: {  	_ =	swait.ge [sflag:s20], $0x2800  }
0x30: {  	[sflag:s20] =	ssyncset.done $0x0  }
0x31: {  	s14 =	rddreg [dreg:$0x7];
	[sflag:s20] =	ssyncadd.s32 $0xFFFFD800  }
0x32: {  	[spmem:s14] =	stream.linear.scatter [tilespmem:s19], [sflag:$0xA], $0x2800, $0x38;
	[tilespmem:$0x1F200] =	vst v63  }
0x33: {  	_ =	swait.ge [sflag:s20], $0x2800  }
0x34: {  	[sflag:s20] =	ssyncset.done $0x0  }
0x35: {  	s16 =	rddreg [dreg:$0x8];
	[sflag:s20] =	ssyncadd.s32 $0xFFFFD800  }
0x36: {  	[spmem:s16] =	stream.linear.scatter [tilespmem:s19], [sflag:$0xA], $0x2800, $0x38;
	[tilespmem:$0x1F200] =	vst v63  }
0x37: {  	_ =	swait.ge [sflag:s20], $0x2800  }
0x38: {  	[sflag:s20] =	ssyncset.done $0x0  }
0x39: {  	s14 =	rddreg [dreg:$0x9];
	[sflag:s20] =	ssyncadd.s32 $0xFFFFD800  }
0x3a: {  	[spmem:s14] =	stream.linear.scatter [tilespmem:s19], [sflag:$0xA], $0x2800, $0x38;
	[tilespmem:$0x1F200] =	vst v63  }
0x3b: {  	_ =	swait.ge [sflag:s20], $0x2800  }
0x3c: {  	[sflag:s20] =	ssyncset.done $0x0  }
0x3d: {  	s16 =	rddreg [dreg:$0xa];
	[sflag:s20] =	ssyncadd.s32 $0xFFFFD800  }
0x3e: {  	[spmem:s16] =	stream.linear.scatter [tilespmem:s19], [sflag:$0xA], $0x2800, $0x38;
	[tilespmem:$0x1F200] =	vst v63  }
0x3f: {  	_ =	swait.ge [sflag:s20], $0x2800  }
0x40: {  	[sflag:s20] =	ssyncset.done $0x0  }
0x41: {  	[sflag:s20] =	ssyncadd.s32 $0xFFFFD800  }
0x42: {  	[spmem:s17] =	stream.linear.scatter [tilespmem:s19], [sflag:$0xA], $0x2800, $0x38;
	[tilespmem:$0x1F200] =	vst v63  }
0x43: {  	_ =	swait.ge [sflag:s20], $0x2800  }
0x44: {  	[sflag:s20] =	ssyncset.done $0x0  }
0x45: {  	s14 =	rddreg [dreg:$0x4];
	[sflag:s20] =	ssyncadd.s32 $0xFFFFD800  }
0x46: {  	[spmem:s14] =	stream.linear.scatter [tilespmem:s19], [sflag:$0xA], $0x2000, $0x38;
	[tilespmem:$0x1F200] =	vst v63  }
0x47: {  	_ =	swait.ge [sflag:s20], $0x2000  }
0x48: {  	[sflag:s20] =	ssyncset.done $0x0  }
0x49: {  	s13 =	simm.s32 @!p0 $0x17A00;
	[sflag:s20] =	ssyncadd.s32 $0xFFFFE000  }
0x4a: {  	[spmem:s8] =	stream.linear.scatter @!p0 [tilespmem:s13], [sflag:$0xA], $0x800, $0x38;
	[tilespmem:$0x1F200] =	vst v63  }
0x4b: {  	s13 =	simm.s32 @!p0 $0xA  }
0x4c: {  	_ =	swait.ge @!p0 [sflag:s13], $0x800  }
0x4d: {  	[sflag:s13] =	ssyncset.done @!p0 $0x0  }
0x4e: {  	[sflag:s13] =	ssyncadd.s32 @!p0 $0xFFFFF800  }
0x4f: {  	_ =	swait.ge [sflag:s21], $0x3E80  }
0x50: {  	[sflag:s21] =	ssyncset.done $0x0  }
0x51: {  	[sflag:s21] =	ssyncadd.s32 $0xFFFFC180  }
0x52: {  	s13 =	simm.s32 $0x0;
	[bflag:$0x0] =	sbarrier.arrive $0xFFFF  }
0x53: {  	[tilespmem:s22], [sflag:$0x7] =	stream.linear.gather [hbm4b:s9+s13], $0x80, $0x38;
	[tilespmem:$0x1F200] =	vst v63  }
0x54: {  	s14 =	sadd.s32 $0x10, s9  }
0x55: {  	[tilespmem:s23], [sflag:$0x8] =	stream.linear.gather [hbm4b:s14+s13], $0x80, $0x38;
	[tilespmem:$0x1F200] =	vst v63  }
0x56: {  	_ =	swait.ge [sflag:s24], $0x80  }
0x57: {  	[sflag:s24] =	ssyncset.done $0x0  }
0x58: {  	[sflag:s24] =	ssyncadd.s32 $0xFFFFFF80  }
0x59: {  	[tilespmem:s19], [sflag:$0x1] =	stream.indirect.gather [hbm4b:s4+s26], $0x80, s22, s26, $0xb8;
	[tilespmem:$0x1F200] =	vst v63  }
0x5a: {  	_ =	swait.ge [sflag:s28], $0x80  }
0x5b: {  	[sflag:s28] =	ssyncset.done $0x0  }
0x5c: {  	[sflag:s28] =	ssyncadd.s32 $0xFFFFFF80  }
0x5d: {  	[tilespmem:s29], [sflag:$0x2] =	stream.indirect.gather [hbm4b:s4+s26], $0x80, s23, s26, $0xb8;
	[tilespmem:$0x1F200] =	vst v63  }
0x5e: {  	s16 =	sadd.s32 $0x20, s9  }
0x5f: {  	[tilespmem:s30], [sflag:$0x9] =	stream.linear.gather [hbm4b:s16+s13], $0x80, $0x38;
	[tilespmem:$0x1F200] =	vst v63  }
0x60: {  	_ =	swait.ge [sflag:s21], $0x2800  }
0x61: {  	[sflag:s21] =	ssyncset.done $0x0  }
0x62: {  	[sflag:s21] =	ssyncadd.s32 $0xFFFFD800  }
0x63: {  	[spmem:s1] =	stream.indirect.scatter.add.f32 [tilespmem:s19], [sflag:$0x4], $0x80, s15, s26, $0xb8;
	[tilespmem:$0x1F200] =	vst v63  }
0x64: {  	_ =	swait.ge [sflag:s31], $0x80  }
0x65: {  	[sflag:s31] =	ssyncset.done $0x0  }
0x66: {  	[sflag:s31] =	ssyncadd.s32 $0xFFFFFF80  }
0x67: {  	[tilespmem:s0], [sflag:$0x3] =	stream.indirect.gather [hbm4b:s4+s26], $0x80, s30, s26, $0xb8;
	[tilespmem:$0x1F200] =	vst v63  }
0x68: {  	s16 =	sadd.s32 $0x30, s9  }
0x69: {  	[tilespmem:s22], [sflag:$0x7] =	stream.linear.gather [hbm4b:s16+s13], $0x80, $0x38;
	[tilespmem:$0x1F200] =	vst v63  }
0x6a: {  	_ =	swait.ge [sflag:s2], $0x2800  }
0x6b: {  	[sflag:s2] =	ssyncset.done $0x0  }
0x6c: {  	s15 =	simm.s32 $0x13900;
	[sflag:s2] =	ssyncadd.s32 $0xFFFFD800  }
0x6d: {  	[spmem:s1] =	stream.indirect.scatter.add.f32 [tilespmem:s29], [sflag:$0x5], $0x80, s15, s26, $0xb8;
	[tilespmem:$0x1F200] =	vst v63  }
0x6e: {  	_ =	swait.ge [sflag:s6], $0x2800  }
0x6f: {  	[sflag:s6] =	ssyncset.done $0x0  }
0x70: {  	[sflag:s6] =	ssyncadd.s32 $0xFFFFD800  }
0x71: {  	_ =	swait.ge [sflag:s24], $0x80  }
0x72: {  	[sflag:s24] =	ssyncset.done $0x0  }
0x73: {  	[sflag:s24] =	ssyncadd.s32 $0xFFFFFF80  }
0x74: {  	[tilespmem:s19], [sflag:$0x1] =	stream.indirect.gather [hbm4b:s4+s26], $0x80, s22, s26, $0xb8;
	[tilespmem:$0x1F200] =	vst v63  }
0x75: {  	s16 =	sadd.s32 $0x40, s9  }
0x76: {  	[tilespmem:s23], [sflag:$0x8] =	stream.linear.gather [hbm4b:s16+s13], $0x80, $0x38;
	[tilespmem:$0x1F200] =	vst v63  }
0x77: {  	_ =	swait.ge [sflag:s7], $0x2800  }
0x78: {  	[sflag:s7] =	ssyncset.done $0x0  }
0x79: {  	s15 =	simm.s32 $0x13980;
	[sflag:s7] =	ssyncadd.s32 $0xFFFFD800  }
0x7a: {  	[spmem:s1] =	stream.indirect.scatter.add.f32 [tilespmem:s0], [sflag:$0x6], $0x80, s15, s26, $0xb8;
	[tilespmem:$0x1F200] =	vst v63  }
0x7b: {  	_ =	swait.ge [sflag:s11], $0x2800  }
0x7c: {  	[sflag:s11] =	ssyncset.done $0x0  }
0x7d: {  	[sflag:s11] =	ssyncadd.s32 $0xFFFFD800  }
0x7e: {  	_ =	swait.ge [sflag:s28], $0x80  }
0x7f: {  	[sflag:s28] =	ssyncset.done $0x0  }
0x80: {  	[sflag:s28] =	ssyncadd.s32 $0xFFFFFF80  }
0x81: {  	[tilespmem:s29], [sflag:$0x2] =	stream.indirect.gather [hbm4b:s4+s26], $0x80, s23, s26, $0xb8;
	[tilespmem:$0x1F200] =	vst v63  }
0x82: {  	s14 =	sadd.s32 $0x50, s9  }
0x83: {  	[tilespmem:s30], [sflag:$0x9] =	stream.linear.gather [hbm4b:s14+s3], $0x80, $0x38;
	[tilespmem:$0x1F200] =	vst v63  }
0x84: {  	_ =	swait.ge [sflag:s21], $0x2800  }
0x85: {  	[sflag:s21] =	ssyncset.done $0x0  }
0x86: {  	s16 =	simm.s32 $0x13A00;
	[sflag:s21] =	ssyncadd.s32 $0xFFFFD800  }
0x87: {  	[spmem:s1] =	stream.indirect.scatter.add.f32 [tilespmem:s19], [sflag:$0x4], $0x80, s16, s26, $0xb8;
	[tilespmem:$0x1F200] =	vst v63  }
0x88: {  	_ =	swait.ge [sflag:s12], $0x2800  }
0x89: {  	[sflag:s12] =	ssyncset.done $0x0  }
0x8a: {  	[sflag:s12] =	ssyncadd.s32 $0xFFFFD800  }
0x8b: {  	_ =	swait.ge [sflag:s31], $0x80  }
0x8c: {  	[sflag:s31] =	ssyncset.done $0x0  }
0x8d: {  	[sflag:s31] =	ssyncadd.s32 $0xFFFFFF80  }
0x8e: {  	[tilespmem:s0], [sflag:$0x3] =	stream.indirect.gather [hbm4b:s4+s26], $0x80, s30, s26, $0xb8;
	[tilespmem:$0x1F200] =	vst v63  }
0x8f: {  	s15 =	sadd.s32 $0x10, s14  }
0x90: {  	[tilespmem:s22], [sflag:$0x7] =	stream.linear.gather [hbm4b:s15+s3], $0x80, $0x38;
	[tilespmem:$0x1F200] =	vst v63  }
0x91: {  	_ =	swait.ge [sflag:s2], $0x2800  }
0x92: {  	[sflag:s2] =	ssyncset.done $0x0  }
0x93: {  	s16 =	simm.s32 $0x13A80;
	[sflag:s2] =	ssyncadd.s32 $0xFFFFD800  }
0x94: {  	[spmem:s1] =	stream.indirect.scatter.add.f32 [tilespmem:s29], [sflag:$0x5], $0x80, s16, s26, $0xb8;
	[tilespmem:$0x1F200] =	vst v63  }
0x95: {  	_ =	swait.ge [sflag:s6], $0x2800  }
0x96: {  	[sflag:s6] =	ssyncset.done $0x0  }
0x97: {  	[sflag:s6] =	ssyncadd.s32 $0xFFFFD800  }
0x98: {  	_ =	swait.ge [sflag:s24], $0x80  }
0x99: {  	[sflag:s24] =	ssyncset.done $0x0  }
0x9a: {  	[sflag:s24] =	ssyncadd.s32 $0xFFFFFF80  }
0x9b: {  	[tilespmem:s19], [sflag:$0x1] =	stream.indirect.gather [hbm4b:s4+s26], $0x80, s22, s26, $0xb8;
	[tilespmem:$0x1F200] =	vst v63  }
0x9c: {  	s15 =	sadd.s32 $0x20, s14  }
0x9d: {  	[tilespmem:s23], [sflag:$0x8] =	stream.linear.gather [hbm4b:s15+s3], $0x80, $0x38;
	[tilespmem:$0x1F200] =	vst v63  }
0x9e: {  	_ =	swait.ge [sflag:s7], $0x2800  }
0x9f: {  	[sflag:s7] =	ssyncset.done $0x0  }
0xa0: {  	s16 =	simm.s32 $0x13B00;
	[sflag:s7] =	ssyncadd.s32 $0xFFFFD800  }
0xa1: {  	[spmem:s1] =	stream.indirect.scatter.add.f32 [tilespmem:s0], [sflag:$0x6], $0x80, s16, s26, $0xb8;
	[tilespmem:$0x1F200] =	vst v63  }
0xa2: {  	_ =	swait.ge [sflag:s11], $0x2800  }
0xa3: {  	[sflag:s11] =	ssyncset.done $0x0  }
0xa4: {  	[sflag:s11] =	ssyncadd.s32 $0xFFFFD800  }
0xa5: {  	_ =	swait.ge [sflag:s28], $0x80  }
0xa6: {  	[sflag:s28] =	ssyncset.done $0x0  }
0xa7: {  	s13 =	simm.s32 $0x600;
	s14 =	sadd.s32 $0x30, s14;
	[sflag:s28] =	ssyncadd.s32 $0xFFFFFF80  }
.LBB2_4:
0xa8: {  	[tilespmem:s29], [sflag:$0x2] =	stream.indirect.gather [hbm4b:s4+s26], $0x80, s23, s26, $0xb8;
	[tilespmem:$0x1F200] =	vst v63  }
0xa9: {  	p1 =	sne.s32 s13, $0xEA00;
	s15 =	smov.u32 s13;
	s13 =	sadd.s32 $0x600, s13  }
0xaa: {  	[tilespmem:s30], [sflag:$0x9] =	stream.linear.gather [hbm4b:s14+s3], $0x80, $0x38;
	[tilespmem:$0x1F200] =	vst v63  }
0xab: {  	_ =	swait.ge [sflag:s21], $0x2800  }
0xac: {  	s15 =	sshra.s32 s15, $0x2;
	[sflag:s21] =	ssyncset.done $0x0  }
0xad: {  	s16 =	sadd.s32 $0x13A00, s15;
	[sflag:s21] =	ssyncadd.s32 $0xFFFFD800  }
0xae: {  	[spmem:s1] =	stream.indirect.scatter.add.f32 [tilespmem:s19], [sflag:$0x4], $0x80, s16, s26, $0xb8;
	[tilespmem:$0x1F200] =	vst v63  }
0xaf: {  	_ =	swait.ge [sflag:s12], $0x2800  }
0xb0: {  	[sflag:s12] =	ssyncset.done $0x0  }
0xb1: {  	[sflag:s12] =	ssyncadd.s32 $0xFFFFD800  }
0xb2: {  	_ =	swait.ge [sflag:s31], $0x80  }
0xb3: {  	[sflag:s31] =	ssyncset.done $0x0  }
0xb4: {  	[sflag:s31] =	ssyncadd.s32 $0xFFFFFF80  }
0xb5: {  	[tilespmem:s0], [sflag:$0x3] =	stream.indirect.gather [hbm4b:s4+s26], $0x80, s30, s26, $0xb8;
	[tilespmem:$0x1F200] =	vst v63  }
0xb6: {  	s16 =	sadd.s32 $0x10, s14  }
0xb7: {  	[tilespmem:s22], [sflag:$0x7] =	stream.linear.gather [hbm4b:s16+s3], $0x80, $0x38;
	[tilespmem:$0x1F200] =	vst v63  }
0xb8: {  	_ =	swait.ge [sflag:s2], $0x2800  }
0xb9: {  	[sflag:s2] =	ssyncset.done $0x0  }
0xba: {  	s16 =	sadd.s32 $0x13A80, s15;
	[sflag:s2] =	ssyncadd.s32 $0xFFFFD800  }
0xbb: {  	[spmem:s1] =	stream.indirect.scatter.add.f32 [tilespmem:s29], [sflag:$0x5], $0x80, s16, s26, $0xb8;
	[tilespmem:$0x1F200] =	vst v63  }
0xbc: {  	_ =	swait.ge [sflag:s6], $0x2800  }
0xbd: {  	[sflag:s6] =	ssyncset.done $0x0  }
0xbe: {  	[sflag:s6] =	ssyncadd.s32 $0xFFFFD800  }
0xbf: {  	_ =	swait.ge [sflag:s24], $0x80  }
0xc0: {  	[sflag:s24] =	ssyncset.done $0x0  }
0xc1: {  	[sflag:s24] =	ssyncadd.s32 $0xFFFFFF80  }
0xc2: {  	[tilespmem:s19], [sflag:$0x1] =	stream.indirect.gather [hbm4b:s4+s26], $0x80, s22, s26, $0xb8;
	[tilespmem:$0x1F200] =	vst v63  }
0xc3: {  	s16 =	sadd.s32 $0x20, s14  }
0xc4: {  	[tilespmem:s23], [sflag:$0x8] =	stream.linear.gather [hbm4b:s16+s3], $0x80, $0x38;
	[tilespmem:$0x1F200] =	vst v63  }
0xc5: {  	_ =	swait.ge [sflag:s7], $0x2800  }
0xc6: {  	[sflag:s7] =	ssyncset.done $0x0  }
0xc7: {  	s15 =	sadd.s32 $0x13B00, s15;
	[sflag:s7] =	ssyncadd.s32 $0xFFFFD800  }
0xc8: {  	[spmem:s1] =	stream.indirect.scatter.add.f32 [tilespmem:s0], [sflag:$0x6], $0x80, s15, s26, $0xb8;
	[tilespmem:$0x1F200] =	vst v63  }
0xc9: {  	_ =	swait.ge [sflag:s11], $0x2800  }
.Ltmp1:
0xca: {  	[sflag:s11] =	ssyncset.done $0x0;
	(pc) =	sbr.rel @p1 .LBB2_4-.Ltmp1, $4  }
0xcb: {  	[sflag:s11] =	ssyncadd.s32 $0xFFFFD800  }
0xcc: {  	_ =	swait.ge [sflag:s28], $0x80  }
0xcd: {  	[sflag:s28] =	ssyncset.done $0x0  }
0xce: {  	s14 =	sadd.s32 $0x30, s14;
	[sflag:s28] =	ssyncadd.s32 $0xFFFFFF80  }
0xcf: {  	[tilespmem:s29], [sflag:$0x2] =	stream.indirect.gather [hbm4b:s4+s26], $0x80, s23, s26, $0xb8;
	[tilespmem:$0x1F200] =	vst v63  }
0xd0: {  	_ =	swait.ge [sflag:s21], $0x2800  }
0xd1: {  	[sflag:s21] =	ssyncset.done $0x0  }
0xd2: {  	s13 =	simm.s32 $0x17600;
	[sflag:s21] =	ssyncadd.s32 $0xFFFFD800  }
0xd3: {  	[spmem:s1] =	stream.indirect.scatter.add.f32 [tilespmem:s19], [sflag:$0x4], $0x80, s13, s26, $0xb8;
	[tilespmem:$0x1F200] =	vst v63  }
0xd4: {  	_ =	swait.ge [sflag:s2], $0x2800  }
0xd5: {  	[sflag:s2] =	ssyncset.done $0x0  }
0xd6: {  	s14 =	simm.s32 $0x17680;
	[sflag:s2] =	ssyncadd.s32 $0xFFFFD800  }
0xd7: {  	[spmem:s1] =	stream.indirect.scatter.add.f32 [tilespmem:s29], [sflag:$0x5], $0x80, s14, s26, $0xb8;
	[tilespmem:$0x1F200] =	vst v63  }
0xd8: {  	_ =	swait.ge [sflag:s12], $0x2800  }
0xd9: {  	[sflag:s12] =	ssyncset.done $0x0  }
0xda: {  	[sflag:s12] =	ssyncadd.s32 $0xFFFFD800  }
0xdb: {  	_ =	swait.ge [sflag:s6], $0x2800  }
0xdc: {  	[sflag:s6] =	ssyncset.done $0x0  }
0xdd: {  	[sflag:s6] =	ssyncadd.s32 $0xFFFFD800  }
0xde: {  	_ =	swait.ge [sflag:s11], $0x2800  }
0xdf: {  	s15 =	stileid.u32;
	[sflag:s11] =	ssyncset.done $0x0  }
0xe0: {  	s13 =	sshll.u32 s15, $0x6;
	[sflag:s11] =	ssyncadd.s32 $0xFFFFD800  }
0xe1: {  	s13 =	sor.u32 $0x1C0A, s13;
	s14 =	sshrl.u32 s5, $0x3;
	[bflag:$0x0] =	sbarrier.arrive $0xFFFF  }
0xe2: {  	[hbm:s25], [sflag:s13] =	dma.local [spmem:s14], $0x2700  }
0xe3: {  	_ =	swait.ge [sflag:s20], $0x2700  }
0xe4: {  	[sflag:s20] =	ssyncset.done $0x0  }
0xe5: {  	s15 =	sshrl.u32 @!p0 s8, $0x3;
	s14 =	sadd.s32 @!p0 $0x27000, s10;
	[sflag:s20] =	ssyncadd.s32 $0xFFFFD900  }
0xe6: {  	[hbm:s14], [sflag:s13] =	dma.local @!p0 [spmem:s15], $0x100  }
0xe7: {  	s13 =	simm.s32 @!p0 $0xA  }
0xe8: {  	_ =	swait.ge @!p0 [sflag:s13], $0x100  }
0xe9: {  	s18 =	sadd.s32 $0x1, s18;
	s16 =	rddreg [dreg:$0x5]  }
0xea: {  	p1 =	sne.s32 s18, s16  }
.Ltmp2:
0xeb: {  	_ = 	snop;
	(pc) =	sbr.rel @p1 .LBB2_1-.Ltmp2, $3  }
0xec: {  	_ =	sdelay $0x1  }
0xed: {  	[sflag:s13] =	ssyncset.done @!p0 $0x0  }
0xee: {  	s15 =	simm.s32 $0x13880;
	[sflag:s13] =	ssyncadd.s32 @!p0 $0xFFFFFF00  }
0xef: {  	_ =	sfence.sel $0x180000  }
0xf0: {  	[bflag:$0x0] =	sbarrier.arrive $0xFFFF  }
0xf1: {  	_ =	strace $0x9000004A  }
0xf2: {  	s0 =	stileid.u32;
	[bflag:$0x2] =	sbarrier.arrive $0xFFFF  }
0xf3: {  	p0 =	sne.s32 s0, $0x0;
	s0 =	rddreg [dreg:$0x2]  }
0xf4: {  	s0 =	sadd.s32 @!p0 $0x100000, s0  }
0xf5: {  	[sflag:s0] =	ssyncadd.tile.s32 @!p0 $0x1;
	_ =	shalt  }
.Lfunc_end2:
_tile_overlayer_lowered:
.L_overlay_start_2:
0xf6: {  	(tag) =	ssettag $0x2  }
0xf7: {  	s0 =	rddreg [dreg:$0x0];
	s2 =	stileid.u32  }
0xf8: {  	s1 =	rddreg [dreg:$0x1];
	p0 =	sne.s32 s2, $0x0  }
0xf9: {  	s3 =	rddreg [dreg:$0x2];
	[bflag:$0x3] =	sbarrier.arrive $0xFFFF;
	s2 =	simm.s32 @!p0 $0x1C0A  }
0xfa: {  	[timem:s3], [sflag:s2] =	dma.local @!p0 [hbm:s0], s1  }
0xfb: {  	s0 =	simm.s32 @!p0 $0xA  }
0xfc: {  	_ =	swait.ge @!p0 [sflag:s0], s1  }
0xfd: {  	s1 =	ssub.s32 @!p0 $0x0, s1;
	[sflag:s0] =	ssyncset.done @!p0 $0x0  }
0xfe: {  	[sflag:s0] =	ssyncadd.s32 @!p0 s1  }
0xff: {  	[bflag:$0x3] =	sbarrier.arrive $0xFFFF  }
0x100: {  	_ =	shalt  }

// kernel: kernel.18.cloned.1.call-start
scs
__scs_entry_jumppad:
0x0: {  	(pc) =	sbr.rel $0x88, $3  }
0x1: {  	(tag) =	ssettag $0x0;
	lr =	simm.s32 $0x1  }
0x2: {  	[smem:$0x3F7C] =	sst lr;
	_ =	strace $0xD0000000  }
0x3: {  	_ = 	snop  }
0x4: {  	_ = 	snop  }
0x5: {  	_ = 	snop  }
0x6: {  	_ = 	snop  }
0x7: {  	_ = 	snop  }
__scs_overlays_trampoline_lowered:
0x8: {  	[smem:$0x3F8B] =	sst s0  }
0x9: {  	[smem:$0x3F8C] =	sst s1  }
0xa: {  	[smem:$0x3F8D] =	sst s2  }
0xb: {  	[smem:$0x3F8E] =	sst s3  }
0xc: {  	[smem:$0x3F8F] =	sst s4  }
0xd: {  	[smem:$0x3F90] =	sst s5  }
0xe: {  	[smem:$0x3F91] =	sst s6  }
0xf: {  	[smem:$0x3F92] =	sst s7  }
0x10: {  	[smem:$0x3F93] =	sst s8  }
0x11: {  	[smem:$0x3F94] =	sst s9;
	s0 =	simm.s32 @!p0 $0x0  }
0x12: {  	s1 =	sld [smem:$0x3F7A];
	s0 =	simm.s32 @p0 $0x1  }
0x13: {  	[smem:$0x3F95] =	sst s0;
	s0 =	simm.s32 @!p1 $0x0  }
0x14: {  	s2 =	sld [smem:$0x3F79];
	s0 =	simm.s32 @p1 $0x1  }
0x15: {  	[smem:$0x3F96] =	sst s0;
	s0 =	simm.s32 @!p2 $0x0  }
0x16: {  	s3 =	sld [smem:$0x3FDB];
	s0 =	simm.s32 @p2 $0x1  }
0x17: {  	s4 =	simm.s32 $0x1BF5;
	[smem:$0x3F98] =	sst s0  }
0x18: {  	s0 =	sld [smem:$0x3F7B];
	_ =	swait.ge [sflag:s4], $0x0  }
0x19: {  	s7 =	sld [smem:$0x3F7C]  }
0x1a: {  	s8 =	sadd.s32 $0xFFFFE003, lr  }
0x1b: {  	s9 =	sadd.s32 $0xFFFFFEF7, lr;
	s5 =	simm.s32 $0xFFFFFFFF;
	p2 =	slt.u32 s8, $0xFFFFF086  }
0x1c: {  	p1 =	slt.u32 s9, $0xF7A;
	s5 =	simm.s32 @!p2 $0x0  }
0x1d: {  	s5 =	simm.s32 @p1 $0x1;
	p0 =	seq.s32 s7, s2  }
0x1e: {  	s7 =	smul.u32 @!p0 $0xF7A, s2;
	p2 =	seq.s32 @!p0 s5, $0x0  }
0x1f: {  	s9 =	smul.u32 $0xF7A, s1;
	s8 =	simm.s32 @!p0 $0x1BF5;
	p2 =	por !p2, p0  }
0x20: {  	[sflag:s8] =	ssyncset.s32 @!p0 $0xFFFFF086;
	s6 =	sadd.s32 @!p0 s3, s7;
	s7 =	simm.s32 @!p0 $0x108  }
0x21: {  	s3 =	sadd.s32 s3, s9;
	s6 =	sadd.s32 @!p0 $0x88, s6;
	s7 =	simm.s32 @p2 $0x1082  }
0x22: {  	[simem:s7], [sflag:s8] =	dma.local @!p0 [hbm:s6], $0xF7A  }
0x23: {  	s9 =	sor.u32 $0xD0000000, s2;
	s6 =	simm.s32 $0x108;
	_ =	swait.ge @!p0 [sflag:s8], $0x0  }
0x24: {  	s3 =	sadd.s32 $0x88, s3;
	s6 =	simm.s32 @!p1 $0x1082;
	[sflag:s4] =	ssyncset.s32 $0xFFFFF086  }
0x25: {  	[simem:s6], [sflag:s4] =	dma.local [hbm:s3], $0xF7A  }
0x26: {  	[smem:$0x3F7C] =	sst s1;
	(tag) =	ssettag s2;
	_ =	strace s9  }
0x27: {  	s1 =	sld [smem:$0x3F8C]  }
0x28: {  	s2 =	sld [smem:$0x3F8D]  }
0x29: {  	s4 =	sld [smem:$0x3F8F]  }
0x2a: {  	p0 =	seq.s32 s5, $0x0;
	s5 =	sld [smem:$0x3F90]  }
0x2b: {  	s6 =	sld [smem:$0x3F91]  }
0x2c: {  	s7 =	sld [smem:$0x3F92]  }
0x2d: {  	s3 =	simm.s32 $0x108;
	s8 =	sld [smem:$0x3F93]  }
0x2e: {  	s3 =	simm.s32 @!p0 $0x1082;
	s9 =	sld [smem:$0x3F94]  }
0x2f: {  	lr =	sadd.s32 s0, s3;
	s0 =	sld [smem:$0x3F8B]  }
0x30: {  	s3 =	sld [smem:$0x3F8E]  }
0x31: {  	[smem:$0x3F97] =	sst s10  }
0x32: {  	s10 =	sld [smem:$0x3F95];
	_ =	sdelay $0x3  }
0x33: {  	p0 =	seq.s32 s10, $0x1;
	s10 =	sld [smem:$0x3F97];
	_ =	sdelay $0x3  }
0x34: {  	[smem:$0x3F97] =	sst s10  }
0x35: {  	s10 =	sld [smem:$0x3F96];
	_ =	sdelay $0x3  }
0x36: {  	p1 =	seq.s32 s10, $0x1;
	s10 =	sld [smem:$0x3F97];
	_ =	sdelay $0x3  }
0x37: {  	[smem:$0x3F97] =	sst s10  }
0x38: {  	s10 =	sld [smem:$0x3F98]  }
0x39: {  	_ = 	snop;
	(pc) =	sbr.ind lr, $3  }
0x3a: {  	_ = 	snop  }
0x3b: {  	_ = 	snop  }
0x3c: {  	p2 =	seq.s32 s10, $0x1;
	s10 =	sld [smem:$0x3F97]  }
0x3d: {  	_ =	shalt  }
0x3e: {  	_ =	shalt  }
0x3f: {  	_ =	shalt  }
0x40: {  	_ =	shalt  }
0x41: {  	_ =	shalt  }
0x42: {  	_ =	shalt  }
0x43: {  	_ =	shalt  }
0x44: {  	_ =	shalt  }
0x45: {  	_ =	shalt  }
0x46: {  	_ =	shalt  }
0x47: {  	_ =	shalt  }
0x48: {  	_ =	shalt  }
0x49: {  	_ =	shalt  }
0x4a: {  	_ =	shalt  }
0x4b: {  	_ =	shalt  }
0x4c: {  	_ =	shalt  }
0x4d: {  	_ =	shalt  }
0x4e: {  	_ =	shalt  }
0x4f: {  	_ =	shalt  }
0x50: {  	_ =	shalt  }
0x51: {  	_ =	shalt  }
0x52: {  	_ =	shalt  }
0x53: {  	_ =	shalt  }
0x54: {  	_ =	shalt  }
0x55: {  	_ =	shalt  }
0x56: {  	_ =	shalt  }
0x57: {  	_ =	shalt  }
0x58: {  	_ =	shalt  }
0x59: {  	_ =	shalt  }
0x5a: {  	_ =	shalt  }
0x5b: {  	_ =	shalt  }
0x5c: {  	_ =	shalt  }
0x5d: {  	_ =	shalt  }
0x5e: {  	_ =	shalt  }
0x5f: {  	_ =	shalt  }
0x60: {  	_ =	shalt  }
0x61: {  	_ =	shalt  }
0x62: {  	_ =	shalt  }
0x63: {  	_ =	shalt  }
0x64: {  	_ =	shalt  }
0x65: {  	_ =	shalt  }
0x66: {  	_ =	shalt  }
0x67: {  	_ =	shalt  }
0x68: {  	_ =	shalt  }
0x69: {  	_ =	shalt  }
0x6a: {  	_ =	shalt  }
0x6b: {  	_ =	shalt  }
0x6c: {  	_ =	shalt  }
0x6d: {  	_ =	shalt  }
0x6e: {  	_ =	shalt  }
0x6f: {  	_ =	shalt  }
0x70: {  	_ =	shalt  }
0x71: {  	_ =	shalt  }
0x72: {  	_ =	shalt  }
0x73: {  	_ =	shalt  }
0x74: {  	_ =	shalt  }
0x75: {  	_ =	shalt  }
0x76: {  	_ =	shalt  }
0x77: {  	_ =	shalt  }
0x78: {  	_ =	shalt  }
0x79: {  	_ =	shalt  }
0x7a: {  	_ =	shalt  }
0x7b: {  	_ =	shalt  }
0x7c: {  	_ =	shalt  }
0x7d: {  	_ =	shalt  }
0x7e: {  	_ =	shalt  }
0x7f: {  	_ =	shalt  }
0x80: {  	_ =	shalt  }
0x81: {  	_ =	shalt  }
0x82: {  	_ =	shalt  }
0x83: {  	_ =	shalt  }
0x84: {  	_ =	shalt  }
0x85: {  	_ =	shalt  }
0x86: {  	_ =	shalt  }
0x87: {  	_ =	shalt  }
.Lfunc_end0:
.L_simem_size_0:
called_computation.2_lowered:
.L_overlay_start_0:
0x88: {  	s2 =	sld [smem:$0x3FD9]  }
0x89: {  	s3 =	sld [smem:$0x3FFE];
	_ =	sdelay $0x1  }
0x8a: {  	s1 =	srdreg.scid  }
0x8b: {  	s0 =	sand.u32 $0x1, s1  }
0x8c: {  	s16 =	sshll.u32 s0, $0xA;
	s2 =	sadd.s32 s3, s2  }
0x8d: {  	s2 =	sadd.s32 s2, s16  }
0x8e: {  	[smem:$0x3FA3] =	sst s2  }
0x8f: {  	_ = 	snop  }
0x90: {  	(tm) =	ssettm $0x1  }
0x91: {  	s17 =	sld [smem:$0x3FFB];
	_ =	sdelay $0x3  }
0x92: {  	_ =	strace s17  }
0x93: {  	s2 =	sld [smem:$0x3FFC];
	_ =	sdelay $0x3  }
0x94: {  	_ =	strace s2  }
0x95: {  	s2 =	sld [smem:$0x3FFD];
	_ =	sdelay $0x3  }
0x96: {  	_ =	strace s2  }
0x97: {  	_ =	strace $0x8FFFFFFF  }
0x98: {  	s18 =	sld [smem:$0x3FDB];
	_ =	sdelay $0x1  }
0x99: {  	s19 =	simm.s32 $_scs_section_size  }
0x9a: {  	s4 =	simm.s32 $_size__tile_overlayer_lowered;
	s5 =	simm.s32 $_tile_overlayer_lowered  }
0x9b: {  	s22 =	simm.s32 $0x1BFF;
	s21 =	sshll.u32 s5, $0x1;
	s2 =	sadd.s32 s19, s18  }
0x9c: {  	s6 =	simm.s32 $0x0;
	s20 =	sshll.u32 s4, $0x1;
	s4 =	sadd.s32 s21, s2  }
0x9d: {  	[timem:s6], [sflag:s22] =	dma.local [hbm:s4], s20  }
0x9e: {  	_ =	swait.ge [sflag:s22], s20  }
0x9f: {  	s3 =	ssub.s32 $0x0, s20;
	[sflag:s22] =	ssyncset.done $0x0  }
0xa0: {  	[sflag:s22] =	ssyncadd.s32 s3;
	_ =	sdelay $0x1  }
0xa1: {  	s23 =	simm.s32 $0x1B8B  }
0xa2: {  	_ =	swait.ge [sflag:s23], $0x1  }
0xa3: {  	[sflag:s23] =	ssyncset.done $0x0  }
0xa4: {  	s25 =	simm.s32 $0x1B8E;
	s24 =	sld [smem:$0x3FFE];
	[sflag:s23] =	ssyncadd.s32 $0xFFFFFFFF  }
0xa5: {  	s26 =	simm.s32 $execute0_lowered;
	[smem:$0x3FD2] =	sst s25  }
0xa6: {  	s4 =	sshll.u32 s26, $0x1;
	_ =	strace $0x8000004C;
	[dreg:$0x1] =	wrdreg $0xFFFFFFFF  }
0xa7: {  	s28 =	simm.s32 $_size_execute0_lowered;
	s2 =	sadd.s32 s2, s4;
	[dreg:$0x0] =	wrdreg $0x0  }
0xa8: {  	s4 =	sshll.u32 s28, $0x1;
	[dreg:$0x2] =	wrdreg s2  }
0xa9: {  	[dreg:$0x3] =	wrdreg s4  }
0xaa: {  	[dreg:$0x4] =	wrdreg $0xC0  }
0xab: {  	_ =	task [dreg:s6], $0x5FFFF  }
0xac: {  	[dreg:$0x1] =	wrdreg $0xFFFFFFFF  }
0xad: {  	[dreg:$0x0] =	wrdreg $0x60  }
0xae: {  	[dreg:$0x2] =	wrdreg s24  }
0xaf: {  	[dreg:$0x3] =	wrdreg $0x0  }
0xb0: {  	[dreg:$0x4] =	wrdreg $0x9  }
0xb1: {  	_ =	task.clear_ibuf [dreg:s6], $0x5FFFF;
	_ =	strace $0x9000004C  }
0xb2: {  	s29 =	simm.s32 $0x9;
	_ =	strace $0x8000004E  }
0xb3: {  	_ =	swait.ge [sflag:s29], $0x1  }
0xb4: {  	[sflag:s29] =	ssyncadd.s32 $0xFFFFFFFF  }
0xb5: {  	_ =	strace $0x9000004E  }
0xb6: {  	_ =	sfence  }
0xb7: {  	s30 =	sld [smem:$0x0];
	_ =	sdelay $0x2  }
0xb8: {  	s31 =	sshll.u32 s1, $0xD;
	s1 =	sshrl.u32 s1, $0x2  }
0xb9: {  	s3 =	sand.u32 $0x4000, s31;
	s1 =	sadd.s32 s1, s30  }
0xba: {  	s0 =	sor.u32 s3, s0;
	s1 =	sshll.u32 s1, $0x11  }
0xbb: {  	s0 =	sor.u32 s1, s0  }
0xbc: {  	s0 =	sadd.s32 $0x8F2B, s0  }
0xbd: {  	[sflag:s0] =	ssyncadd.remote.s32 $0x1  }
0xbe: {  	_ =	sfence.sel $0xFFFF  }
0xbf: {  	[dreg:$0x0] =	wrdreg $0xFFFFFFFF;
	(pc) =	sbr.abs _section_cstart, $3  }
0xc0: {  	[dreg:$0x1] =	wrdreg $0xFFFFFFFF  }
0xc1: {  	_ =	task.clear_ibuf [dreg:s6], $0x2FFFF;
	_ =	strace $0x9FFFFFFF  }
0xc2: {  	(tm) =	ssettm $0x7FFFFFFF  }
0xc3: {  	_ =	shalt  }
tec
execute0_lowered:
.L_overlay_start_1:
0x0: {  	(tag) =	ssettag $0x1  }
0x1: {  	s0 =	rddreg [dreg:$0x0]  }
0x2: {  	s1 =	rddreg [dreg:$0x1];
	s3 =	simm.s32 $0x0  }
0x3: {  	s2 =	srdreg.scid;
	s11 =	stileid.u32;
	s19 =	simm.s32 $0x17A00  }
0x4: {  	s20 =	simm.s32 $0xA;
	s21 =	simm.s32 $0x1;
	s28 =	simm.s32 $0x8  }
0x5: {  	s29 =	simm.s32 $0x1A200;
	s30 =	simm.s32 $0x17980;
	s31 =	simm.s32 $0x9  }
0x6: {  	s12 =	simm.s32 $0x6;
	[smem:$0x7FF] =	sst s3;
	s2 =	sand.u32 $0x1, s2  }
0x7: {  	s6 =	sshll.u32 s11, $0xB;
	s7 =	smul.u32 $0x4E000, s11;
	s4 =	sadd.s32 $0x2A000, s0  }
0x8: {  	s8 =	sadd.s32 $0x138000, s1;
	s18 =	smul.u32 $0x2700, s11;
	p0 =	sne.s32 s11, $0xF  }
0x9: {  	s11 =	simm.s32 $0x5;
	_ =	strace $0x8000004D;
	s5 =	sshll.u32 s2, $0xF  }
0xa: {  	s13 =	smul.u32 $0x27100, s2;
	s2 =	ssub.s32 $0x2, s2;
	s5 =	sor.u32 s6, s5  }
0xb: {  	s14 =	sshrl.u32 s7, $0x2;
	s15 =	sshrl.u32 s2, $0x1;
	s9 =	sadd.s32 s5, s0  }
0xc: {  	s6 =	simm.s32 $0x4;
	s5 =	sadd.s32 s14, s1;
	s16 =	sadd.s32 $0x1A000, s9  }
0xd: {  	s2 =	ssub.s32 s2, s15;
	s17 =	sadd.s32 $0x11800, s5;
	[dreg:$0x3] =	wrdreg s16  }
0xe: {  	s7 =	simm.s32 $0x3;
	s2 =	smax.u32 s2, $0x1;
	[dreg:$0x4] =	wrdreg s17  }
0xf: {  	s0 =	sadd.s32 s13, s0;
	s22 =	sadd.s32 $0x2800, s5;
	[dreg:$0x5] =	wrdreg s2  }
0x10: {  	s15 =	simm.s32 $0x13880;
	s23 =	sadd.s32 $0x5000, s5;
	[dreg:$0x6] =	wrdreg s22  }
0x11: {  	s9 =	sadd.s32 $0xA000, s9;
	s24 =	sadd.s32 $0x7800, s5;
	[dreg:$0x7] =	wrdreg s23  }
0x12: {  	s10 =	sadd.s32 $0x51200, s0;
	s25 =	sadd.s32 $0xA000, s5;
	[dreg:$0x8] =	wrdreg s24  }
0x13: {  	s26 =	sadd.s32 $0xC800, s5;
	s0 =	simm.s32 $0x1CA00;
	[dreg:$0x9] =	wrdreg s25  }
0x14: {  	[dreg:$0xa] =	wrdreg s26;
	s17 =	sadd.s32 $0xF000, s5;
	s22 =	simm.s32 $0x17880  }
0x15: {  	s23 =	simm.s32 $0x17900;
	s24 =	simm.s32 $0x7;
	s25 =	sadd.s32 s18, s10  }
0x16: {  	v0 =	vimm.f32 $0.0e+00;
	s26 =	simm.s32 $0x50;
	s2 =	simm.s32 $0x2;
	s18 =	simm.s32 $0x0  }
.LBB2_1:
0x17: {  	s13 =	rddreg [dreg:$0x3]  }
0x18: {  	[tilespmem:s15], [sflag:$0x1] =	stream.linear.gather [hbm4b:s13+s3], $0x3E80, $0x38;
	[tilespmem:$0x1F200] =	vst v63  }
0x19: {  	s14 =	simm.s32 $0x200;
	s13 =	simm.s32 $0x0  }
.LBB2_2:
0x1a: {  	p1 =	sne.s32 s14, $0x9E00;
	[tilespmem:s13+$0x17A70] =	vst v0  }
0x1b: {  	[tilespmem:s13+$0x17A00] =	vst v0  }
0x1c: {  	[tilespmem:s13+$0x17A10] =	vst v0  }
.Ltmp0:
0x1d: {  	[tilespmem:s13+$0x17A20] =	vst v0;
	(pc) =	sbr.rel @p1 .LBB2_2-.Ltmp0, $4  }
0x1e: {  	[tilespmem:s13+$0x17A30] =	vst v0  }
0x1f: {  	[tilespmem:s13+$0x17A40] =	vst v0  }
0x20: {  	[tilespmem:s13+$0x17A50] =	vst v0  }
0x21: {  	[tilespmem:s13+$0x17A60] =	vst v0;
	s13 =	sshra.s32 s14, $0x2;
	s14 =	sadd.s32 $0x200, s14  }
0x22: {  	[tilespmem:s13+$0x17A70] =	vst v0  }
0x23: {  	[tilespmem:s13+$0x17A00] =	vst v0  }
0x24: {  	[tilespmem:s13+$0x17A10] =	vst v0  }
0x25: {  	[tilespmem:s13+$0x17A20] =	vst v0  }
0x26: {  	[tilespmem:s13+$0x17A30] =	vst v0  }
0x27: {  	[tilespmem:s13+$0x17A40] =	vst v0  }
0x28: {  	[tilespmem:s13+$0x17A50] =	vst v0  }
0x29: {  	[tilespmem:s13+$0x17A60] =	vst v0  }
0x2a: {  	[spmem:s5] =	stream.linear.scatter [tilespmem:s19], [sflag:$0xA], $0x2800, $0x38;
	[tilespmem:$0x1F200] =	vst v63  }
0x2b: {  	_ =	swait.ge [sflag:s20], $0x2800  }
0x2c: {  	[sflag:s20] =	ssyncset.done $0x0  }
0x2d: {  	s16 =	rddreg [dreg:$0x6];
	[sflag:s20] =	ssyncadd.s32 $0xFFFFD800  }
0x2e: {  	[spmem:s16] =	stream.linear.scatter [tilespmem:s19], [sflag:$0xA], $0x2800, $0x38;
	[tilespmem:$0x1F200] =	vst v63  }
0x2f: {  	_ =	swait.ge [sflag:s20], $0x2800  }
0x30: {  	[sflag:s20] =	ssyncset.done $0x0  }
0x31: {  	s14 =	rddreg [dreg:$0x7];
	[sflag:s20] =	ssyncadd.s32 $0xFFFFD800  }
0x32: {  	[spmem:s14] =	stream.linear.scatter [tilespmem:s19], [sflag:$0xA], $0x2800, $0x38;
	[tilespmem:$0x1F200] =	vst v63  }
0x33: {  	_ =	swait.ge [sflag:s20], $0x2800  }
0x34: {  	[sflag:s20] =	ssyncset.done $0x0  }
0x35: {  	s16 =	rddreg [dreg:$0x8];
	[sflag:s20] =	ssyncadd.s32 $0xFFFFD800  }
0x36: {  	[spmem:s16] =	stream.linear.scatter [tilespmem:s19], [sflag:$0xA], $0x2800, $0x38;
	[tilespmem:$0x1F200] =	vst v63  }
0x37: {  	_ =	swait.ge [sflag:s20], $0x2800  }
0x38: {  	[sflag:s20] =	ssyncset.done $0x0  }
0x39: {  	s14 =	rddreg [dreg:$0x9];
	[sflag:s20] =	ssyncadd.s32 $0xFFFFD800  }
0x3a: {  	[spmem:s14] =	stream.linear.scatter [tilespmem:s19], [sflag:$0xA], $0x2800, $0x38;
	[tilespmem:$0x1F200] =	vst v63  }
0x3b: {  	_ =	swait.ge [sflag:s20], $0x2800  }
0x3c: {  	[sflag:s20] =	ssyncset.done $0x0  }
0x3d: {  	s16 =	rddreg [dreg:$0xa];
	[sflag:s20] =	ssyncadd.s32 $0xFFFFD800  }
0x3e: {  	[spmem:s16] =	stream.linear.scatter [tilespmem:s19], [sflag:$0xA], $0x2800, $0x38;
	[tilespmem:$0x1F200] =	vst v63  }
0x3f: {  	_ =	swait.ge [sflag:s20], $0x2800  }
0x40: {  	[sflag:s20] =	ssyncset.done $0x0  }
0x41: {  	[sflag:s20] =	ssyncadd.s32 $0xFFFFD800  }
0x42: {  	[spmem:s17] =	stream.linear.scatter [tilespmem:s19], [sflag:$0xA], $0x2800, $0x38;
	[tilespmem:$0x1F200] =	vst v63  }
0x43: {  	_ =	swait.ge [sflag:s20], $0x2800  }
0x44: {  	[sflag:s20] =	ssyncset.done $0x0  }
0x45: {  	s14 =	rddreg [dreg:$0x4];
	[sflag:s20] =	ssyncadd.s32 $0xFFFFD800  }
0x46: {  	[spmem:s14] =	stream.linear.scatter [tilespmem:s19], [sflag:$0xA], $0x2000, $0x38;
	[tilespmem:$0x1F200] =	vst v63  }
0x47: {  	_ =	swait.ge [sflag:s20], $0x2000  }
0x48: {  	[sflag:s20] =	ssyncset.done $0x0  }
0x49: {  	s13 =	simm.s32 @!p0 $0x17A00;
	[sflag:s20] =	ssyncadd.s32 $0xFFFFE000  }
0x4a: {  	[spmem:s8] =	stream.linear.scatter @!p0 [tilespmem:s13], [sflag:$0xA], $0x800, $0x38;
	[tilespmem:$0x1F200] =	vst v63  }
0x4b: {  	s13 =	simm.s32 @!p0 $0xA  }
0x4c: {  	_ =	swait.ge @!p0 [sflag:s13], $0x800  }
0x4d: {  	[sflag:s13] =	ssyncset.done @!p0 $0x0  }
0x4e: {  	[sflag:s13] =	ssyncadd.s32 @!p0 $0xFFFFF800  }
0x4f: {  	_ =	swait.ge [sflag:s21], $0x3E80  }
0x50: {  	[sflag:s21] =	ssyncset.done $0x0  }
0x51: {  	[sflag:s21] =	ssyncadd.s32 $0xFFFFC180  }
0x52: {  	s13 =	simm.s32 $0x0;
	[bflag:$0x0] =	sbarrier.arrive $0xFFFF  }
0x53: {  	[tilespmem:s22], [sflag:$0x7] =	stream.linear.gather [hbm4b:s9+s13], $0x80, $0x38;
	[tilespmem:$0x1F200] =	vst v63  }
0x54: {  	s14 =	sadd.s32 $0x10, s9  }
0x55: {  	[tilespmem:s23], [sflag:$0x8] =	stream.linear.gather [hbm4b:s14+s13], $0x80, $0x38;
	[tilespmem:$0x1F200] =	vst v63  }
0x56: {  	_ =	swait.ge [sflag:s24], $0x80  }
0x57: {  	[sflag:s24] =	ssyncset.done $0x0  }
0x58: {  	[sflag:s24] =	ssyncadd.s32 $0xFFFFFF80  }
0x59: {  	[tilespmem:s19], [sflag:$0x1] =	stream.indirect.gather [hbm4b:s4+s26], $0x80, s22, s26, $0xb8;
	[tilespmem:$0x1F200] =	vst v63  }
0x5a: {  	_ =	swait.ge [sflag:s28], $0x80  }
0x5b: {  	[sflag:s28] =	ssyncset.done $0x0  }
0x5c: {  	[sflag:s28] =	ssyncadd.s32 $0xFFFFFF80  }
0x5d: {  	[tilespmem:s29], [sflag:$0x2] =	stream.indirect.gather [hbm4b:s4+s26], $0x80, s23, s26, $0xb8;
	[tilespmem:$0x1F200] =	vst v63  }
0x5e: {  	s16 =	sadd.s32 $0x20, s9  }
0x5f: {  	[tilespmem:s30], [sflag:$0x9] =	stream.linear.gather [hbm4b:s16+s13], $0x80, $0x38;
	[tilespmem:$0x1F200] =	vst v63  }
0x60: {  	_ =	swait.ge [sflag:s21], $0x2800  }
0x61: {  	[sflag:s21] =	ssyncset.done $0x0  }
0x62: {  	[sflag:s21] =	ssyncadd.s32 $0xFFFFD800  }
0x63: {  	[spmem:s1] =	stream.indirect.scatter.add.f32 [tilespmem:s19], [sflag:$0x4], $0x80, s15, s26, $0xb8;
	[tilespmem:$0x1F200] =	vst v63  }
0x64: {  	_ =	swait.ge [sflag:s31], $0x80  }
0x65: {  	[sflag:s31] =	ssyncset.done $0x0  }
0x66: {  	[sflag:s31] =	ssyncadd.s32 $0xFFFFFF80  }
0x67: {  	[tilespmem:s0], [sflag:$0x3] =	stream.indirect.gather [hbm4b:s4+s26], $0x80, s30, s26, $0xb8;
	[tilespmem:$0x1F200] =	vst v63  }
0x68: {  	s16 =	sadd.s32 $0x30, s9  }
0x69: {  	[tilespmem:s22], [sflag:$0x7] =	stream.linear.gather [hbm4b:s16+s13], $0x80, $0x38;
	[tilespmem:$0x1F200] =	vst v63  }
0x6a: {  	_ =	swait.ge [sflag:s2], $0x2800  }
0x6b: {  	[sflag:s2] =	ssyncset.done $0x0  }
0x6c: {  	s15 =	simm.s32 $0x13900;
	[sflag:s2] =	ssyncadd.s32 $0xFFFFD800  }
0x6d: {  	[spmem:s1] =	stream.indirect.scatter.add.f32 [tilespmem:s29], [sflag:$0x5], $0x80, s15, s26, $0xb8;
	[tilespmem:$0x1F200] =	vst v63  }
0x6e: {  	_ =	swait.ge [sflag:s6], $0x2800  }
0x6f: {  	[sflag:s6] =	ssyncset.done $0x0  }
0x70: {  	[sflag:s6] =	ssyncadd.s32 $0xFFFFD800  }
0x71: {  	_ =	swait.ge [sflag:s24], $0x80  }
0x72: {  	[sflag:s24] =	ssyncset.done $0x0  }
0x73: {  	[sflag:s24] =	ssyncadd.s32 $0xFFFFFF80  }
0x74: {  	[tilespmem:s19], [sflag:$0x1] =	stream.indirect.gather [hbm4b:s4+s26], $0x80, s22, s26, $0xb8;
	[tilespmem:$0x1F200] =	vst v63  }
0x75: {  	s16 =	sadd.s32 $0x40, s9  }
0x76: {  	[tilespmem:s23], [sflag:$0x8] =	stream.linear.gather [hbm4b:s16+s13], $0x80, $0x38;
	[tilespmem:$0x1F200] =	vst v63  }
0x77: {  	_ =	swait.ge [sflag:s7], $0x2800  }
0x78: {  	[sflag:s7] =	ssyncset.done $0x0  }
0x79: {  	s15 =	simm.s32 $0x13980;
	[sflag:s7] =	ssyncadd.s32 $0xFFFFD800  }
0x7a: {  	[spmem:s1] =	stream.indirect.scatter.add.f32 [tilespmem:s0], [sflag:$0x6], $0x80, s15, s26, $0xb8;
	[tilespmem:$0x1F200] =	vst v63  }
0x7b: {  	_ =	swait.ge [sflag:s11], $0x2800  }
0x7c: {  	[sflag:s11] =	ssyncset.done $0x0  }
0x7d: {  	[sflag:s11] =	ssyncadd.s32 $0xFFFFD800  }
0x7e: {  	_ =	swait.ge [sflag:s28], $0x80  }
0x7f: {  	[sflag:s28] =	ssyncset.done $0x0  }
0x80: {  	[sflag:s28] =	ssyncadd.s32 $0xFFFFFF80  }
0x81: {  	[tilespmem:s29], [sflag:$0x2] =	stream.indirect.gather [hbm4b:s4+s26], $0x80, s23, s26, $0xb8;
	[tilespmem:$0x1F200] =	vst v63  }
0x82: {  	s14 =	sadd.s32 $0x50, s9  }
0x83: {  	[tilespmem:s30], [sflag:$0x9] =	stream.linear.gather [hbm4b:s14+s3], $0x80, $0x38;
	[tilespmem:$0x1F200] =	vst v63  }
0x84: {  	_ =	swait.ge [sflag:s21], $0x2800  }
0x85: {  	[sflag:s21] =	ssyncset.done $0x0  }
0x86: {  	s16 =	simm.s32 $0x13A00;
	[sflag:s21] =	ssyncadd.s32 $0xFFFFD800  }
0x87: {  	[spmem:s1] =	stream.indirect.scatter.add.f32 [tilespmem:s19], [sflag:$0x4], $0x80, s16, s26, $0xb8;
	[tilespmem:$0x1F200] =	vst v63  }
0x88: {  	_ =	swait.ge [sflag:s12], $0x2800  }
0x89: {  	[sflag:s12] =	ssyncset.done $0x0  }
0x8a: {  	[sflag:s12] =	ssyncadd.s32 $0xFFFFD800  }
0x8b: {  	_ =	swait.ge [sflag:s31], $0x80  }
0x8c: {  	[sflag:s31] =	ssyncset.done $0x0  }
0x8d: {  	[sflag:s31] =	ssyncadd.s32 $0xFFFFFF80  }
0x8e: {  	[tilespmem:s0], [sflag:$0x3] =	stream.indirect.gather [hbm4b:s4+s26], $0x80, s30, s26, $0xb8;
	[tilespmem:$0x1F200] =	vst v63  }
0x8f: {  	s15 =	sadd.s32 $0x10, s14  }
0x90: {  	[tilespmem:s22], [sflag:$0x7] =	stream.linear.gather [hbm4b:s15+s3], $0x80, $0x38;
	[tilespmem:$0x1F200] =	vst v63  }
0x91: {  	_ =	swait.ge [sflag:s2], $0x2800  }
0x92: {  	[sflag:s2] =	ssyncset.done $0x0  }
0x93: {  	s16 =	simm.s32 $0x13A80;
	[sflag:s2] =	ssyncadd.s32 $0xFFFFD800  }
0x94: {  	[spmem:s1] =	stream.indirect.scatter.add.f32 [tilespmem:s29], [sflag:$0x5], $0x80, s16, s26, $0xb8;
	[tilespmem:$0x1F200] =	vst v63  }
0x95: {  	_ =	swait.ge [sflag:s6], $0x2800  }
0x96: {  	[sflag:s6] =	ssyncset.done $0x0  }
0x97: {  	[sflag:s6] =	ssyncadd.s32 $0xFFFFD800  }
0x98: {  	_ =	swait.ge [sflag:s24], $0x80  }
0x99: {  	[sflag:s24] =	ssyncset.done $0x0  }
0x9a: {  	[sflag:s24] =	ssyncadd.s32 $0xFFFFFF80  }
0x9b: {  	[tilespmem:s19], [sflag:$0x1] =	stream.indirect.gather [hbm4b:s4+s26], $0x80, s22, s26, $0xb8;
	[tilespmem:$0x1F200] =	vst v63  }
0x9c: {  	s15 =	sadd.s32 $0x20, s14  }
0x9d: {  	[tilespmem:s23], [sflag:$0x8] =	stream.linear.gather [hbm4b:s15+s3], $0x80, $0x38;
	[tilespmem:$0x1F200] =	vst v63  }
0x9e: {  	_ =	swait.ge [sflag:s7], $0x2800  }
0x9f: {  	[sflag:s7] =	ssyncset.done $0x0  }
0xa0: {  	s16 =	simm.s32 $0x13B00;
	[sflag:s7] =	ssyncadd.s32 $0xFFFFD800  }
0xa1: {  	[spmem:s1] =	stream.indirect.scatter.add.f32 [tilespmem:s0], [sflag:$0x6], $0x80, s16, s26, $0xb8;
	[tilespmem:$0x1F200] =	vst v63  }
0xa2: {  	_ =	swait.ge [sflag:s11], $0x2800  }
0xa3: {  	[sflag:s11] =	ssyncset.done $0x0  }
0xa4: {  	[sflag:s11] =	ssyncadd.s32 $0xFFFFD800  }
0xa5: {  	_ =	swait.ge [sflag:s28], $0x80  }
0xa6: {  	[sflag:s28] =	ssyncset.done $0x0  }
0xa7: {  	s13 =	simm.s32 $0x600;
	s14 =	sadd.s32 $0x30, s14;
	[sflag:s28] =	ssyncadd.s32 $0xFFFFFF80  }
.LBB2_4:
0xa8: {  	[tilespmem:s29], [sflag:$0x2] =	stream.indirect.gather [hbm4b:s4+s26], $0x80, s23, s26, $0xb8;
	[tilespmem:$0x1F200] =	vst v63  }
0xa9: {  	p1 =	sne.s32 s13, $0xEA00;
	s15 =	smov.u32 s13;
	s13 =	sadd.s32 $0x600, s13  }
0xaa: {  	[tilespmem:s30], [sflag:$0x9] =	stream.linear.gather [hbm4b:s14+s3], $0x80, $0x38;
	[tilespmem:$0x1F200] =	vst v63  }
0xab: {  	_ =	swait.ge [sflag:s21], $0x2800  }
0xac: {  	s15 =	sshra.s32 s15, $0x2;
	[sflag:s21] =	ssyncset.done $0x0  }
0xad: {  	s16 =	sadd.s32 $0x13A00, s15;
	[sflag:s21] =	ssyncadd.s32 $0xFFFFD800  }
0xae: {  	[spmem:s1] =	stream.indirect.scatter.add.f32 [tilespmem:s19], [sflag:$0x4], $0x80, s16, s26, $0xb8;
	[tilespmem:$0x1F200] =	vst v63  }
0xaf: {  	_ =	swait.ge [sflag:s12], $0x2800  }
0xb0: {  	[sflag:s12] =	ssyncset.done $0x0  }
0xb1: {  	[sflag:s12] =	ssyncadd.s32 $0xFFFFD800  }
0xb2: {  	_ =	swait.ge [sflag:s31], $0x80  }
0xb3: {  	[sflag:s31] =	ssyncset.done $0x0  }
0xb4: {  	[sflag:s31] =	ssyncadd.s32 $0xFFFFFF80  }
0xb5: {  	[tilespmem:s0], [sflag:$0x3] =	stream.indirect.gather [hbm4b:s4+s26], $0x80, s30, s26, $0xb8;
	[tilespmem:$0x1F200] =	vst v63  }
0xb6: {  	s16 =	sadd.s32 $0x10, s14  }
0xb7: {  	[tilespmem:s22], [sflag:$0x7] =	stream.linear.gather [hbm4b:s16+s3], $0x80, $0x38;
	[tilespmem:$0x1F200] =	vst v63  }
0xb8: {  	_ =	swait.ge [sflag:s2], $0x2800  }
0xb9: {  	[sflag:s2] =	ssyncset.done $0x0  }
0xba: {  	s16 =	sadd.s32 $0x13A80, s15;
	[sflag:s2] =	ssyncadd.s32 $0xFFFFD800  }
0xbb: {  	[spmem:s1] =	stream.indirect.scatter.add.f32 [tilespmem:s29], [sflag:$0x5], $0x80, s16, s26, $0xb8;
	[tilespmem:$0x1F200] =	vst v63  }
0xbc: {  	_ =	swait.ge [sflag:s6], $0x2800  }
0xbd: {  	[sflag:s6] =	ssyncset.done $0x0  }
0xbe: {  	[sflag:s6] =	ssyncadd.s32 $0xFFFFD800  }
0xbf: {  	_ =	swait.ge [sflag:s24], $0x80  }
0xc0: {  	[sflag:s24] =	ssyncset.done $0x0  }
0xc1: {  	[sflag:s24] =	ssyncadd.s32 $0xFFFFFF80  }
0xc2: {  	[tilespmem:s19], [sflag:$0x1] =	stream.indirect.gather [hbm4b:s4+s26], $0x80, s22, s26, $0xb8;
	[tilespmem:$0x1F200] =	vst v63  }
0xc3: {  	s16 =	sadd.s32 $0x20, s14  }
0xc4: {  	[tilespmem:s23], [sflag:$0x8] =	stream.linear.gather [hbm4b:s16+s3], $0x80, $0x38;
	[tilespmem:$0x1F200] =	vst v63  }
0xc5: {  	_ =	swait.ge [sflag:s7], $0x2800  }
0xc6: {  	[sflag:s7] =	ssyncset.done $0x0  }
0xc7: {  	s15 =	sadd.s32 $0x13B00, s15;
	[sflag:s7] =	ssyncadd.s32 $0xFFFFD800  }
0xc8: {  	[spmem:s1] =	stream.indirect.scatter.add.f32 [tilespmem:s0], [sflag:$0x6], $0x80, s15, s26, $0xb8;
	[tilespmem:$0x1F200] =	vst v63  }
0xc9: {  	_ =	swait.ge [sflag:s11], $0x2800  }
.Ltmp1:
0xca: {  	[sflag:s11] =	ssyncset.done $0x0;
	(pc) =	sbr.rel @p1 .LBB2_4-.Ltmp1, $4  }
0xcb: {  	[sflag:s11] =	ssyncadd.s32 $0xFFFFD800  }
0xcc: {  	_ =	swait.ge [sflag:s28], $0x80  }
0xcd: {  	[sflag:s28] =	ssyncset.done $0x0  }
0xce: {  	s14 =	sadd.s32 $0x30, s14;
	[sflag:s28] =	ssyncadd.s32 $0xFFFFFF80  }
0xcf: {  	[tilespmem:s29], [sflag:$0x2] =	stream.indirect.gather [hbm4b:s4+s26], $0x80, s23, s26, $0xb8;
	[tilespmem:$0x1F200] =	vst v63  }
0xd0: {  	_ =	swait.ge [sflag:s21], $0x2800  }
0xd1: {  	[sflag:s21] =	ssyncset.done $0x0  }
0xd2: {  	s13 =	simm.s32 $0x17600;
	[sflag:s21] =	ssyncadd.s32 $0xFFFFD800  }
0xd3: {  	[spmem:s1] =	stream.indirect.scatter.add.f32 [tilespmem:s19], [sflag:$0x4], $0x80, s13, s26, $0xb8;
	[tilespmem:$0x1F200] =	vst v63  }
0xd4: {  	_ =	swait.ge [sflag:s2], $0x2800  }
0xd5: {  	[sflag:s2] =	ssyncset.done $0x0  }
0xd6: {  	s14 =	simm.s32 $0x17680;
	[sflag:s2] =	ssyncadd.s32 $0xFFFFD800  }
0xd7: {  	[spmem:s1] =	stream.indirect.scatter.add.f32 [tilespmem:s29], [sflag:$0x5], $0x80, s14, s26, $0xb8;
	[tilespmem:$0x1F200] =	vst v63  }
0xd8: {  	_ =	swait.ge [sflag:s12], $0x2800  }
0xd9: {  	[sflag:s12] =	ssyncset.done $0x0  }
0xda: {  	[sflag:s12] =	ssyncadd.s32 $0xFFFFD800  }
0xdb: {  	_ =	swait.ge [sflag:s6], $0x2800  }
0xdc: {  	[sflag:s6] =	ssyncset.done $0x0  }
0xdd: {  	[sflag:s6] =	ssyncadd.s32 $0xFFFFD800  }
0xde: {  	_ =	swait.ge [sflag:s11], $0x2800  }
0xdf: {  	s15 =	stileid.u32;
	[sflag:s11] =	ssyncset.done $0x0  }
0xe0: {  	s13 =	sshll.u32 s15, $0x6;
	[sflag:s11] =	ssyncadd.s32 $0xFFFFD800  }
0xe1: {  	s13 =	sor.u32 $0x1C0A, s13;
	s14 =	sshrl.u32 s5, $0x3;
	[bflag:$0x0] =	sbarrier.arrive $0xFFFF  }
0xe2: {  	[hbm:s25], [sflag:s13] =	dma.local [spmem:s14], $0x2700  }
0xe3: {  	_ =	swait.ge [sflag:s20], $0x2700  }
0xe4: {  	[sflag:s20] =	ssyncset.done $0x0  }
0xe5: {  	s15 =	sshrl.u32 @!p0 s8, $0x3;
	s14 =	sadd.s32 @!p0 $0x27000, s10;
	[sflag:s20] =	ssyncadd.s32 $0xFFFFD900  }
0xe6: {  	[hbm:s14], [sflag:s13] =	dma.local @!p0 [spmem:s15], $0x100  }
0xe7: {  	s13 =	simm.s32 @!p0 $0xA  }
0xe8: {  	_ =	swait.ge @!p0 [sflag:s13], $0x100  }
0xe9: {  	s18 =	sadd.s32 $0x1, s18;
	s16 =	rddreg [dreg:$0x5]  }
0xea: {  	p1 =	sne.s32 s18, s16  }
.Ltmp2:
0xeb: {  	_ = 	snop;
	(pc) =	sbr.rel @p1 .LBB2_1-.Ltmp2, $3  }
0xec: {  	_ =	sdelay $0x1  }
0xed: {  	[sflag:s13] =	ssyncset.done @!p0 $0x0  }
0xee: {  	s15 =	simm.s32 $0x13880;
	[sflag:s13] =	ssyncadd.s32 @!p0 $0xFFFFFF00  }
0xef: {  	_ =	sfence.sel $0x180000  }
0xf0: {  	[bflag:$0x0] =	sbarrier.arrive $0xFFFF  }
0xf1: {  	_ =	strace $0x9000004D  }
0xf2: {  	s0 =	stileid.u32;
	[bflag:$0x2] =	sbarrier.arrive $0xFFFF  }
0xf3: {  	p0 =	sne.s32 s0, $0x0;
	s0 =	rddreg [dreg:$0x2]  }
0xf4: {  	s0 =	sadd.s32 @!p0 $0x100000, s0  }
0xf5: {  	[sflag:s0] =	ssyncadd.tile.s32 @!p0 $0x1;
	_ =	shalt  }
.Lfunc_end2:
_tile_overlayer_lowered:
.L_overlay_start_2:
0xf6: {  	(tag) =	ssettag $0x2  }
0xf7: {  	s0 =	rddreg [dreg:$0x0];
	s2 =	stileid.u32  }
0xf8: {  	s1 =	rddreg [dreg:$0x1];
	p0 =	sne.s32 s2, $0x0  }
0xf9: {  	s3 =	rddreg [dreg:$0x2];
	[bflag:$0x3] =	sbarrier.arrive $0xFFFF;
	s2 =	simm.s32 @!p0 $0x1C0A  }
0xfa: {  	[timem:s3], [sflag:s2] =	dma.local @!p0 [hbm:s0], s1  }
0xfb: {  	s0 =	simm.s32 @!p0 $0xA  }
0xfc: {  	_ =	swait.ge @!p0 [sflag:s0], s1  }
0xfd: {  	s1 =	ssub.s32 @!p0 $0x0, s1;
	[sflag:s0] =	ssyncset.done @!p0 $0x0  }
0xfe: {  	[sflag:s0] =	ssyncadd.s32 @!p0 s1  }
0xff: {  	[bflag:$0x3] =	sbarrier.arrive $0xFFFF  }
0x100: {  	_ =	shalt  }

// kernel: kernel.21.cloned.1.call-start
scs
__scs_entry_jumppad:
0x0: {  	(pc) =	sbr.rel $0x88, $3  }
0x1: {  	(tag) =	ssettag $0x0;
	lr =	simm.s32 $0x1  }
0x2: {  	[smem:$0x3F7C] =	sst lr;
	_ =	strace $0xD0000000  }
0x3: {  	_ = 	snop  }
0x4: {  	_ = 	snop  }
0x5: {  	_ = 	snop  }
0x6: {  	_ = 	snop  }
0x7: {  	_ = 	snop  }
__scs_overlays_trampoline_lowered:
0x8: {  	[smem:$0x3F8B] =	sst s0  }
0x9: {  	[smem:$0x3F8C] =	sst s1  }
0xa: {  	[smem:$0x3F8D] =	sst s2  }
0xb: {  	[smem:$0x3F8E] =	sst s3  }
0xc: {  	[smem:$0x3F8F] =	sst s4  }
0xd: {  	[smem:$0x3F90] =	sst s5  }
0xe: {  	[smem:$0x3F91] =	sst s6  }
0xf: {  	[smem:$0x3F92] =	sst s7  }
0x10: {  	[smem:$0x3F93] =	sst s8  }
0x11: {  	[smem:$0x3F94] =	sst s9;
	s0 =	simm.s32 @!p0 $0x0  }
0x12: {  	s1 =	sld [smem:$0x3F7A];
	s0 =	simm.s32 @p0 $0x1  }
0x13: {  	[smem:$0x3F95] =	sst s0;
	s0 =	simm.s32 @!p1 $0x0  }
0x14: {  	s2 =	sld [smem:$0x3F79];
	s0 =	simm.s32 @p1 $0x1  }
0x15: {  	[smem:$0x3F96] =	sst s0;
	s0 =	simm.s32 @!p2 $0x0  }
0x16: {  	s3 =	sld [smem:$0x3FDB];
	s0 =	simm.s32 @p2 $0x1  }
0x17: {  	s4 =	simm.s32 $0x1BF5;
	[smem:$0x3F98] =	sst s0  }
0x18: {  	s0 =	sld [smem:$0x3F7B];
	_ =	swait.ge [sflag:s4], $0x0  }
0x19: {  	s7 =	sld [smem:$0x3F7C]  }
0x1a: {  	s8 =	sadd.s32 $0xFFFFE003, lr  }
0x1b: {  	s9 =	sadd.s32 $0xFFFFFEF7, lr;
	s5 =	simm.s32 $0xFFFFFFFF;
	p2 =	slt.u32 s8, $0xFFFFF086  }
0x1c: {  	p1 =	slt.u32 s9, $0xF7A;
	s5 =	simm.s32 @!p2 $0x0  }
0x1d: {  	s5 =	simm.s32 @p1 $0x1;
	p0 =	seq.s32 s7, s2  }
0x1e: {  	s7 =	smul.u32 @!p0 $0xF7A, s2;
	p2 =	seq.s32 @!p0 s5, $0x0  }
0x1f: {  	s9 =	smul.u32 $0xF7A, s1;
	s8 =	simm.s32 @!p0 $0x1BF5;
	p2 =	por !p2, p0  }
0x20: {  	[sflag:s8] =	ssyncset.s32 @!p0 $0xFFFFF086;
	s6 =	sadd.s32 @!p0 s3, s7;
	s7 =	simm.s32 @!p0 $0x108  }
0x21: {  	s3 =	sadd.s32 s3, s9;
	s6 =	sadd.s32 @!p0 $0x88, s6;
	s7 =	simm.s32 @p2 $0x1082  }
0x22: {  	[simem:s7], [sflag:s8] =	dma.local @!p0 [hbm:s6], $0xF7A  }
0x23: {  	s9 =	sor.u32 $0xD0000000, s2;
	s6 =	simm.s32 $0x108;
	_ =	swait.ge @!p0 [sflag:s8], $0x0  }
0x24: {  	s3 =	sadd.s32 $0x88, s3;
	s6 =	simm.s32 @!p1 $0x1082;
	[sflag:s4] =	ssyncset.s32 $0xFFFFF086  }
0x25: {  	[simem:s6], [sflag:s4] =	dma.local [hbm:s3], $0xF7A  }
0x26: {  	[smem:$0x3F7C] =	sst s1;
	(tag) =	ssettag s2;
	_ =	strace s9  }
0x27: {  	s1 =	sld [smem:$0x3F8C]  }
0x28: {  	s2 =	sld [smem:$0x3F8D]  }
0x29: {  	s4 =	sld [smem:$0x3F8F]  }
0x2a: {  	p0 =	seq.s32 s5, $0x0;
	s5 =	sld [smem:$0x3F90]  }
0x2b: {  	s6 =	sld [smem:$0x3F91]  }
0x2c: {  	s7 =	sld [smem:$0x3F92]  }
0x2d: {  	s3 =	simm.s32 $0x108;
	s8 =	sld [smem:$0x3F93]  }
0x2e: {  	s3 =	simm.s32 @!p0 $0x1082;
	s9 =	sld [smem:$0x3F94]  }
0x2f: {  	lr =	sadd.s32 s0, s3;
	s0 =	sld [smem:$0x3F8B]  }
0x30: {  	s3 =	sld [smem:$0x3F8E]  }
0x31: {  	[smem:$0x3F97] =	sst s10  }
0x32: {  	s10 =	sld [smem:$0x3F95];
	_ =	sdelay $0x3  }
0x33: {  	p0 =	seq.s32 s10, $0x1;
	s10 =	sld [smem:$0x3F97];
	_ =	sdelay $0x3  }
0x34: {  	[smem:$0x3F97] =	sst s10  }
0x35: {  	s10 =	sld [smem:$0x3F96];
	_ =	sdelay $0x3  }
0x36: {  	p1 =	seq.s32 s10, $0x1;
	s10 =	sld [smem:$0x3F97];
	_ =	sdelay $0x3  }
0x37: {  	[smem:$0x3F97] =	sst s10  }
0x38: {  	s10 =	sld [smem:$0x3F98]  }
0x39: {  	_ = 	snop;
	(pc) =	sbr.ind lr, $3  }
0x3a: {  	_ = 	snop  }
0x3b: {  	_ = 	snop  }
0x3c: {  	p2 =	seq.s32 s10, $0x1;
	s10 =	sld [smem:$0x3F97]  }
0x3d: {  	_ =	shalt  }
0x3e: {  	_ =	shalt  }
0x3f: {  	_ =	shalt  }
0x40: {  	_ =	shalt  }
0x41: {  	_ =	shalt  }
0x42: {  	_ =	shalt  }
0x43: {  	_ =	shalt  }
0x44: {  	_ =	shalt  }
0x45: {  	_ =	shalt  }
0x46: {  	_ =	shalt  }
0x47: {  	_ =	shalt  }
0x48: {  	_ =	shalt  }
0x49: {  	_ =	shalt  }
0x4a: {  	_ =	shalt  }
0x4b: {  	_ =	shalt  }
0x4c: {  	_ =	shalt  }
0x4d: {  	_ =	shalt  }
0x4e: {  	_ =	shalt  }
0x4f: {  	_ =	shalt  }
0x50: {  	_ =	shalt  }
0x51: {  	_ =	shalt  }
0x52: {  	_ =	shalt  }
0x53: {  	_ =	shalt  }
0x54: {  	_ =	shalt  }
0x55: {  	_ =	shalt  }
0x56: {  	_ =	shalt  }
0x57: {  	_ =	shalt  }
0x58: {  	_ =	shalt  }
0x59: {  	_ =	shalt  }
0x5a: {  	_ =	shalt  }
0x5b: {  	_ =	shalt  }
0x5c: {  	_ =	shalt  }
0x5d: {  	_ =	shalt  }
0x5e: {  	_ =	shalt  }
0x5f: {  	_ =	shalt  }
0x60: {  	_ =	shalt  }
0x61: {  	_ =	shalt  }
0x62: {  	_ =	shalt  }
0x63: {  	_ =	shalt  }
0x64: {  	_ =	shalt  }
0x65: {  	_ =	shalt  }
0x66: {  	_ =	shalt  }
0x67: {  	_ =	shalt  }
0x68: {  	_ =	shalt  }
0x69: {  	_ =	shalt  }
0x6a: {  	_ =	shalt  }
0x6b: {  	_ =	shalt  }
0x6c: {  	_ =	shalt  }
0x6d: {  	_ =	shalt  }
0x6e: {  	_ =	shalt  }
0x6f: {  	_ =	shalt  }
0x70: {  	_ =	shalt  }
0x71: {  	_ =	shalt  }
0x72: {  	_ =	shalt  }
0x73: {  	_ =	shalt  }
0x74: {  	_ =	shalt  }
0x75: {  	_ =	shalt  }
0x76: {  	_ =	shalt  }
0x77: {  	_ =	shalt  }
0x78: {  	_ =	shalt  }
0x79: {  	_ =	shalt  }
0x7a: {  	_ =	shalt  }
0x7b: {  	_ =	shalt  }
0x7c: {  	_ =	shalt  }
0x7d: {  	_ =	shalt  }
0x7e: {  	_ =	shalt  }
0x7f: {  	_ =	shalt  }
0x80: {  	_ =	shalt  }
0x81: {  	_ =	shalt  }
0x82: {  	_ =	shalt  }
0x83: {  	_ =	shalt  }
0x84: {  	_ =	shalt  }
0x85: {  	_ =	shalt  }
0x86: {  	_ =	shalt  }
0x87: {  	_ =	shalt  }
.Lfunc_end0:
.L_simem_size_0:
called_computation.3_lowered:
.L_overlay_start_0:
0x88: {  	s2 =	sld [smem:$0x3FD9]  }
0x89: {  	s3 =	sld [smem:$0x3FFE];
	_ =	sdelay $0x1  }
0x8a: {  	s1 =	srdreg.scid  }
0x8b: {  	s0 =	sand.u32 $0x1, s1  }
0x8c: {  	s16 =	sshll.u32 s0, $0xA;
	s2 =	sadd.s32 s3, s2  }
0x8d: {  	s2 =	sadd.s32 s2, s16  }
0x8e: {  	[smem:$0x3FA3] =	sst s2  }
0x8f: {  	_ = 	snop  }
0x90: {  	(tm) =	ssettm $0x1  }
0x91: {  	s17 =	sld [smem:$0x3FFB];
	_ =	sdelay $0x3  }
0x92: {  	_ =	strace s17  }
0x93: {  	s2 =	sld [smem:$0x3FFC];
	_ =	sdelay $0x3  }
0x94: {  	_ =	strace s2  }
0x95: {  	s2 =	sld [smem:$0x3FFD];
	_ =	sdelay $0x3  }
0x96: {  	_ =	strace s2  }
0x97: {  	_ =	strace $0x8FFFFFFF  }
0x98: {  	s18 =	sld [smem:$0x3FDB];
	_ =	sdelay $0x1  }
0x99: {  	s19 =	simm.s32 $_scs_section_size  }
0x9a: {  	s4 =	simm.s32 $_size__tile_overlayer_lowered;
	s5 =	simm.s32 $_tile_overlayer_lowered  }
0x9b: {  	s22 =	simm.s32 $0x1BFF;
	s21 =	sshll.u32 s5, $0x1;
	s2 =	sadd.s32 s19, s18  }
0x9c: {  	s6 =	simm.s32 $0x0;
	s20 =	sshll.u32 s4, $0x1;
	s4 =	sadd.s32 s21, s2  }
0x9d: {  	[timem:s6], [sflag:s22] =	dma.local [hbm:s4], s20  }
0x9e: {  	_ =	swait.ge [sflag:s22], s20  }
0x9f: {  	s3 =	ssub.s32 $0x0, s20;
	[sflag:s22] =	ssyncset.done $0x0  }
0xa0: {  	[sflag:s22] =	ssyncadd.s32 s3;
	_ =	sdelay $0x1  }
0xa1: {  	s23 =	simm.s32 $0x1B8B  }
0xa2: {  	_ =	swait.ge [sflag:s23], $0x1  }
0xa3: {  	[sflag:s23] =	ssyncset.done $0x0  }
0xa4: {  	s25 =	simm.s32 $0x1B8E;
	s24 =	sld [smem:$0x3FFE];
	[sflag:s23] =	ssyncadd.s32 $0xFFFFFFFF  }
0xa5: {  	s26 =	simm.s32 $execute0_lowered;
	[smem:$0x3FD2] =	sst s25  }
0xa6: {  	s4 =	sshll.u32 s26, $0x1;
	_ =	strace $0x8000004F;
	[dreg:$0x1] =	wrdreg $0xFFFFFFFF  }
0xa7: {  	s28 =	simm.s32 $_size_execute0_lowered;
	s2 =	sadd.s32 s2, s4;
	[dreg:$0x0] =	wrdreg $0x0  }
0xa8: {  	s4 =	sshll.u32 s28, $0x1;
	[dreg:$0x2] =	wrdreg s2  }
0xa9: {  	[dreg:$0x3] =	wrdreg s4  }
0xaa: {  	[dreg:$0x4] =	wrdreg $0xC0  }
0xab: {  	_ =	task [dreg:s6], $0x5FFFF  }
0xac: {  	[dreg:$0x1] =	wrdreg $0xFFFFFFFF  }
0xad: {  	[dreg:$0x0] =	wrdreg $0x60  }
0xae: {  	[dreg:$0x2] =	wrdreg s24  }
0xaf: {  	[dreg:$0x3] =	wrdreg $0x0  }
0xb0: {  	[dreg:$0x4] =	wrdreg $0x9  }
0xb1: {  	_ =	task.clear_ibuf [dreg:s6], $0x5FFFF;
	_ =	strace $0x9000004F  }
0xb2: {  	s29 =	simm.s32 $0x9;
	_ =	strace $0x80000051  }
0xb3: {  	_ =	swait.ge [sflag:s29], $0x1  }
0xb4: {  	[sflag:s29] =	ssyncadd.s32 $0xFFFFFFFF  }
0xb5: {  	_ =	strace $0x90000051  }
0xb6: {  	_ =	sfence  }
0xb7: {  	s30 =	sld [smem:$0x0];
	_ =	sdelay $0x2  }
0xb8: {  	s31 =	sshll.u32 s1, $0xD;
	s1 =	sshrl.u32 s1, $0x2  }
0xb9: {  	s3 =	sand.u32 $0x4000, s31;
	s1 =	sadd.s32 s1, s30  }
0xba: {  	s0 =	sor.u32 s3, s0;
	s1 =	sshll.u32 s1, $0x11  }
0xbb: {  	s0 =	sor.u32 s1, s0  }
0xbc: {  	s0 =	sadd.s32 $0x8F2B, s0  }
0xbd: {  	[sflag:s0] =	ssyncadd.remote.s32 $0x1  }
0xbe: {  	_ =	sfence.sel $0xFFFF  }
0xbf: {  	[dreg:$0x0] =	wrdreg $0xFFFFFFFF;
	(pc) =	sbr.abs _section_cstart, $3  }
0xc0: {  	[dreg:$0x1] =	wrdreg $0xFFFFFFFF  }
0xc1: {  	_ =	task.clear_ibuf [dreg:s6], $0x2FFFF;
	_ =	strace $0x9FFFFFFF  }
0xc2: {  	(tm) =	ssettm $0x7FFFFFFF  }
0xc3: {  	_ =	shalt  }
tec
execute0_lowered:
.L_overlay_start_1:
0x0: {  	(tag) =	ssettag $0x1  }
0x1: {  	s0 =	rddreg [dreg:$0x0]  }
0x2: {  	s1 =	rddreg [dreg:$0x1];
	s3 =	simm.s32 $0x0  }
0x3: {  	s2 =	srdreg.scid;
	s11 =	stileid.u32;
	s19 =	simm.s32 $0x17A00  }
0x4: {  	s20 =	simm.s32 $0xA;
	s21 =	simm.s32 $0x1;
	s28 =	simm.s32 $0x8  }
0x5: {  	s29 =	simm.s32 $0x1A200;
	s30 =	simm.s32 $0x17980;
	s31 =	simm.s32 $0x9  }
0x6: {  	s12 =	simm.s32 $0x6;
	[smem:$0x7FF] =	sst s3;
	s2 =	sand.u32 $0x1, s2  }
0x7: {  	s6 =	sshll.u32 s11, $0xB;
	s7 =	smul.u32 $0x4E000, s11;
	s4 =	sadd.s32 $0x2A000, s0  }
0x8: {  	s8 =	sadd.s32 $0x138000, s1;
	s18 =	smul.u32 $0x2700, s11;
	p0 =	sne.s32 s11, $0xF  }
0x9: {  	s11 =	simm.s32 $0x5;
	_ =	strace $0x80000050;
	s5 =	sshll.u32 s2, $0xF  }
0xa: {  	s13 =	smul.u32 $0x27100, s2;
	s2 =	ssub.s32 $0x2, s2;
	s5 =	sor.u32 s6, s5  }
0xb: {  	s14 =	sshrl.u32 s7, $0x2;
	s15 =	sshrl.u32 s2, $0x1;
	s9 =	sadd.s32 s5, s0  }
0xc: {  	s6 =	simm.s32 $0x4;
	s5 =	sadd.s32 s14, s1;
	s16 =	sadd.s32 $0x1A000, s9  }
0xd: {  	s2 =	ssub.s32 s2, s15;
	s17 =	sadd.s32 $0x11800, s5;
	[dreg:$0x3] =	wrdreg s16  }
0xe: {  	s7 =	simm.s32 $0x3;
	s2 =	smax.u32 s2, $0x1;
	[dreg:$0x4] =	wrdreg s17  }
0xf: {  	s0 =	sadd.s32 s13, s0;
	s22 =	sadd.s32 $0x2800, s5;
	[dreg:$0x5] =	wrdreg s2  }
0x10: {  	s15 =	simm.s32 $0x13880;
	s23 =	sadd.s32 $0x5000, s5;
	[dreg:$0x6] =	wrdreg s22  }
0x11: {  	s9 =	sadd.s32 $0xA000, s9;
	s24 =	sadd.s32 $0x7800, s5;
	[dreg:$0x7] =	wrdreg s23  }
0x12: {  	s10 =	sadd.s32 $0x51200, s0;
	s25 =	sadd.s32 $0xA000, s5;
	[dreg:$0x8] =	wrdreg s24  }
0x13: {  	s26 =	sadd.s32 $0xC800, s5;
	s0 =	simm.s32 $0x1CA00;
	[dreg:$0x9] =	wrdreg s25  }
0x14: {  	[dreg:$0xa] =	wrdreg s26;
	s17 =	sadd.s32 $0xF000, s5;
	s22 =	simm.s32 $0x17880  }
0x15: {  	s23 =	simm.s32 $0x17900;
	s24 =	simm.s32 $0x7;
	s25 =	sadd.s32 s18, s10  }
0x16: {  	v0 =	vimm.f32 $0.0e+00;
	s26 =	simm.s32 $0x50;
	s2 =	simm.s32 $0x2;
	s18 =	simm.s32 $0x0  }
.LBB2_1:
0x17: {  	s13 =	rddreg [dreg:$0x3]  }
0x18: {  	[tilespmem:s15], [sflag:$0x1] =	stream.linear.gather [hbm4b:s13+s3], $0x3E80, $0x38;
	[tilespmem:$0x1F200] =	vst v63  }
0x19: {  	s14 =	simm.s32 $0x200;
	s13 =	simm.s32 $0x0  }
.LBB2_2:
0x1a: {  	p1 =	sne.s32 s14, $0x9E00;
	[tilespmem:s13+$0x17A70] =	vst v0  }
0x1b: {  	[tilespmem:s13+$0x17A00] =	vst v0  }
0x1c: {  	[tilespmem:s13+$0x17A10] =	vst v0  }
.Ltmp0:
0x1d: {  	[tilespmem:s13+$0x17A20] =	vst v0;
	(pc) =	sbr.rel @p1 .LBB2_2-.Ltmp0, $4  }
0x1e: {  	[tilespmem:s13+$0x17A30] =	vst v0  }
0x1f: {  	[tilespmem:s13+$0x17A40] =	vst v0  }
0x20: {  	[tilespmem:s13+$0x17A50] =	vst v0  }
0x21: {  	[tilespmem:s13+$0x17A60] =	vst v0;
	s13 =	sshra.s32 s14, $0x2;
	s14 =	sadd.s32 $0x200, s14  }
0x22: {  	[tilespmem:s13+$0x17A70] =	vst v0  }
0x23: {  	[tilespmem:s13+$0x17A00] =	vst v0  }
0x24: {  	[tilespmem:s13+$0x17A10] =	vst v0  }
0x25: {  	[tilespmem:s13+$0x17A20] =	vst v0  }
0x26: {  	[tilespmem:s13+$0x17A30] =	vst v0  }
0x27: {  	[tilespmem:s13+$0x17A40] =	vst v0  }
0x28: {  	[tilespmem:s13+$0x17A50] =	vst v0  }
0x29: {  	[tilespmem:s13+$0x17A60] =	vst v0  }
0x2a: {  	[spmem:s5] =	stream.linear.scatter [tilespmem:s19], [sflag:$0xA], $0x2800, $0x38;
	[tilespmem:$0x1F200] =	vst v63  }
0x2b: {  	_ =	swait.ge [sflag:s20], $0x2800  }
0x2c: {  	[sflag:s20] =	ssyncset.done $0x0  }
0x2d: {  	s16 =	rddreg [dreg:$0x6];
	[sflag:s20] =	ssyncadd.s32 $0xFFFFD800  }
0x2e: {  	[spmem:s16] =	stream.linear.scatter [tilespmem:s19], [sflag:$0xA], $0x2800, $0x38;
	[tilespmem:$0x1F200] =	vst v63  }
0x2f: {  	_ =	swait.ge [sflag:s20], $0x2800  }
0x30: {  	[sflag:s20] =	ssyncset.done $0x0  }
0x31: {  	s14 =	rddreg [dreg:$0x7];
	[sflag:s20] =	ssyncadd.s32 $0xFFFFD800  }
0x32: {  	[spmem:s14] =	stream.linear.scatter [tilespmem:s19], [sflag:$0xA], $0x2800, $0x38;
	[tilespmem:$0x1F200] =	vst v63  }
0x33: {  	_ =	swait.ge [sflag:s20], $0x2800  }
0x34: {  	[sflag:s20] =	ssyncset.done $0x0  }
0x35: {  	s16 =	rddreg [dreg:$0x8];
	[sflag:s20] =	ssyncadd.s32 $0xFFFFD800  }
0x36: {  	[spmem:s16] =	stream.linear.scatter [tilespmem:s19], [sflag:$0xA], $0x2800, $0x38;
	[tilespmem:$0x1F200] =	vst v63  }
0x37: {  	_ =	swait.ge [sflag:s20], $0x2800  }
0x38: {  	[sflag:s20] =	ssyncset.done $0x0  }
0x39: {  	s14 =	rddreg [dreg:$0x9];
	[sflag:s20] =	ssyncadd.s32 $0xFFFFD800  }
0x3a: {  	[spmem:s14] =	stream.linear.scatter [tilespmem:s19], [sflag:$0xA], $0x2800, $0x38;
	[tilespmem:$0x1F200] =	vst v63  }
0x3b: {  	_ =	swait.ge [sflag:s20], $0x2800  }
0x3c: {  	[sflag:s20] =	ssyncset.done $0x0  }
0x3d: {  	s16 =	rddreg [dreg:$0xa];
	[sflag:s20] =	ssyncadd.s32 $0xFFFFD800  }
0x3e: {  	[spmem:s16] =	stream.linear.scatter [tilespmem:s19], [sflag:$0xA], $0x2800, $0x38;
	[tilespmem:$0x1F200] =	vst v63  }
0x3f: {  	_ =	swait.ge [sflag:s20], $0x2800  }
0x40: {  	[sflag:s20] =	ssyncset.done $0x0  }
0x41: {  	[sflag:s20] =	ssyncadd.s32 $0xFFFFD800  }
0x42: {  	[spmem:s17] =	stream.linear.scatter [tilespmem:s19], [sflag:$0xA], $0x2800, $0x38;
	[tilespmem:$0x1F200] =	vst v63  }
0x43: {  	_ =	swait.ge [sflag:s20], $0x2800  }
0x44: {  	[sflag:s20] =	ssyncset.done $0x0  }
0x45: {  	s14 =	rddreg [dreg:$0x4];
	[sflag:s20] =	ssyncadd.s32 $0xFFFFD800  }
0x46: {  	[spmem:s14] =	stream.linear.scatter [tilespmem:s19], [sflag:$0xA], $0x2000, $0x38;
	[tilespmem:$0x1F200] =	vst v63  }
0x47: {  	_ =	swait.ge [sflag:s20], $0x2000  }
0x48: {  	[sflag:s20] =	ssyncset.done $0x0  }
0x49: {  	s13 =	simm.s32 @!p0 $0x17A00;
	[sflag:s20] =	ssyncadd.s32 $0xFFFFE000  }
0x4a: {  	[spmem:s8] =	stream.linear.scatter @!p0 [tilespmem:s13], [sflag:$0xA], $0x800, $0x38;
	[tilespmem:$0x1F200] =	vst v63  }
0x4b: {  	s13 =	simm.s32 @!p0 $0xA  }
0x4c: {  	_ =	swait.ge @!p0 [sflag:s13], $0x800  }
0x4d: {  	[sflag:s13] =	ssyncset.done @!p0 $0x0  }
0x4e: {  	[sflag:s13] =	ssyncadd.s32 @!p0 $0xFFFFF800  }
0x4f: {  	_ =	swait.ge [sflag:s21], $0x3E80  }
0x50: {  	[sflag:s21] =	ssyncset.done $0x0  }
0x51: {  	[sflag:s21] =	ssyncadd.s32 $0xFFFFC180  }
0x52: {  	s13 =	simm.s32 $0x0;
	[bflag:$0x0] =	sbarrier.arrive $0xFFFF  }
0x53: {  	[tilespmem:s22], [sflag:$0x7] =	stream.linear.gather [hbm4b:s9+s13], $0x80, $0x38;
	[tilespmem:$0x1F200] =	vst v63  }
0x54: {  	s14 =	sadd.s32 $0x10, s9  }
0x55: {  	[tilespmem:s23], [sflag:$0x8] =	stream.linear.gather [hbm4b:s14+s13], $0x80, $0x38;
	[tilespmem:$0x1F200] =	vst v63  }
0x56: {  	_ =	swait.ge [sflag:s24], $0x80  }
0x57: {  	[sflag:s24] =	ssyncset.done $0x0  }
0x58: {  	[sflag:s24] =	ssyncadd.s32 $0xFFFFFF80  }
0x59: {  	[tilespmem:s19], [sflag:$0x1] =	stream.indirect.gather [hbm4b:s4+s26], $0x80, s22, s26, $0xb8;
	[tilespmem:$0x1F200] =	vst v63  }
0x5a: {  	_ =	swait.ge [sflag:s28], $0x80  }
0x5b: {  	[sflag:s28] =	ssyncset.done $0x0  }
0x5c: {  	[sflag:s28] =	ssyncadd.s32 $0xFFFFFF80  }
0x5d: {  	[tilespmem:s29], [sflag:$0x2] =	stream.indirect.gather [hbm4b:s4+s26], $0x80, s23, s26, $0xb8;
	[tilespmem:$0x1F200] =	vst v63  }
0x5e: {  	s16 =	sadd.s32 $0x20, s9  }
0x5f: {  	[tilespmem:s30], [sflag:$0x9] =	stream.linear.gather [hbm4b:s16+s13], $0x80, $0x38;
	[tilespmem:$0x1F200] =	vst v63  }
0x60: {  	_ =	swait.ge [sflag:s21], $0x2800  }
0x61: {  	[sflag:s21] =	ssyncset.done $0x0  }
0x62: {  	[sflag:s21] =	ssyncadd.s32 $0xFFFFD800  }
0x63: {  	[spmem:s1] =	stream.indirect.scatter.add.f32 [tilespmem:s19], [sflag:$0x4], $0x80, s15, s26, $0xb8;
	[tilespmem:$0x1F200] =	vst v63  }
0x64: {  	_ =	swait.ge [sflag:s31], $0x80  }
0x65: {  	[sflag:s31] =	ssyncset.done $0x0  }
0x66: {  	[sflag:s31] =	ssyncadd.s32 $0xFFFFFF80  }
0x67: {  	[tilespmem:s0], [sflag:$0x3] =	stream.indirect.gather [hbm4b:s4+s26], $0x80, s30, s26, $0xb8;
	[tilespmem:$0x1F200] =	vst v63  }
0x68: {  	s16 =	sadd.s32 $0x30, s9  }
0x69: {  	[tilespmem:s22], [sflag:$0x7] =	stream.linear.gather [hbm4b:s16+s13], $0x80, $0x38;
	[tilespmem:$0x1F200] =	vst v63  }
0x6a: {  	_ =	swait.ge [sflag:s2], $0x2800  }
0x6b: {  	[sflag:s2] =	ssyncset.done $0x0  }
0x6c: {  	s15 =	simm.s32 $0x13900;
	[sflag:s2] =	ssyncadd.s32 $0xFFFFD800  }
0x6d: {  	[spmem:s1] =	stream.indirect.scatter.add.f32 [tilespmem:s29], [sflag:$0x5], $0x80, s15, s26, $0xb8;
	[tilespmem:$0x1F200] =	vst v63  }
0x6e: {  	_ =	swait.ge [sflag:s6], $0x2800  }
0x6f: {  	[sflag:s6] =	ssyncset.done $0x0  }
0x70: {  	[sflag:s6] =	ssyncadd.s32 $0xFFFFD800  }
0x71: {  	_ =	swait.ge [sflag:s24], $0x80  }
0x72: {  	[sflag:s24] =	ssyncset.done $0x0  }
0x73: {  	[sflag:s24] =	ssyncadd.s32 $0xFFFFFF80  }
0x74: {  	[tilespmem:s19], [sflag:$0x1] =	stream.indirect.gather [hbm4b:s4+s26], $0x80, s22, s26, $0xb8;
	[tilespmem:$0x1F200] =	vst v63  }
0x75: {  	s16 =	sadd.s32 $0x40, s9  }
0x76: {  	[tilespmem:s23], [sflag:$0x8] =	stream.linear.gather [hbm4b:s16+s13], $0x80, $0x38;
	[tilespmem:$0x1F200] =	vst v63  }
0x77: {  	_ =	swait.ge [sflag:s7], $0x2800  }
0x78: {  	[sflag:s7] =	ssyncset.done $0x0  }
0x79: {  	s15 =	simm.s32 $0x13980;
	[sflag:s7] =	ssyncadd.s32 $0xFFFFD800  }
0x7a: {  	[spmem:s1] =	stream.indirect.scatter.add.f32 [tilespmem:s0], [sflag:$0x6], $0x80, s15, s26, $0xb8;
	[tilespmem:$0x1F200] =	vst v63  }
0x7b: {  	_ =	swait.ge [sflag:s11], $0x2800  }
0x7c: {  	[sflag:s11] =	ssyncset.done $0x0  }
0x7d: {  	[sflag:s11] =	ssyncadd.s32 $0xFFFFD800  }
0x7e: {  	_ =	swait.ge [sflag:s28], $0x80  }
0x7f: {  	[sflag:s28] =	ssyncset.done $0x0  }
0x80: {  	[sflag:s28] =	ssyncadd.s32 $0xFFFFFF80  }
0x81: {  	[tilespmem:s29], [sflag:$0x2] =	stream.indirect.gather [hbm4b:s4+s26], $0x80, s23, s26, $0xb8;
	[tilespmem:$0x1F200] =	vst v63  }
0x82: {  	s14 =	sadd.s32 $0x50, s9  }
0x83: {  	[tilespmem:s30], [sflag:$0x9] =	stream.linear.gather [hbm4b:s14+s3], $0x80, $0x38;
	[tilespmem:$0x1F200] =	vst v63  }
0x84: {  	_ =	swait.ge [sflag:s21], $0x2800  }
0x85: {  	[sflag:s21] =	ssyncset.done $0x0  }
0x86: {  	s16 =	simm.s32 $0x13A00;
	[sflag:s21] =	ssyncadd.s32 $0xFFFFD800  }
0x87: {  	[spmem:s1] =	stream.indirect.scatter.add.f32 [tilespmem:s19], [sflag:$0x4], $0x80, s16, s26, $0xb8;
	[tilespmem:$0x1F200] =	vst v63  }
0x88: {  	_ =	swait.ge [sflag:s12], $0x2800  }
0x89: {  	[sflag:s12] =	ssyncset.done $0x0  }
0x8a: {  	[sflag:s12] =	ssyncadd.s32 $0xFFFFD800  }
0x8b: {  	_ =	swait.ge [sflag:s31], $0x80  }
0x8c: {  	[sflag:s31] =	ssyncset.done $0x0  }
0x8d: {  	[sflag:s31] =	ssyncadd.s32 $0xFFFFFF80  }
0x8e: {  	[tilespmem:s0], [sflag:$0x3] =	stream.indirect.gather [hbm4b:s4+s26], $0x80, s30, s26, $0xb8;
	[tilespmem:$0x1F200] =	vst v63  }
0x8f: {  	s15 =	sadd.s32 $0x10, s14  }
0x90: {  	[tilespmem:s22], [sflag:$0x7] =	stream.linear.gather [hbm4b:s15+s3], $0x80, $0x38;
	[tilespmem:$0x1F200] =	vst v63  }
0x91: {  	_ =	swait.ge [sflag:s2], $0x2800  }
0x92: {  	[sflag:s2] =	ssyncset.done $0x0  }
0x93: {  	s16 =	simm.s32 $0x13A80;
	[sflag:s2] =	ssyncadd.s32 $0xFFFFD800  }
0x94: {  	[spmem:s1] =	stream.indirect.scatter.add.f32 [tilespmem:s29], [sflag:$0x5], $0x80, s16, s26, $0xb8;
	[tilespmem:$0x1F200] =	vst v63  }
0x95: {  	_ =	swait.ge [sflag:s6], $0x2800  }
0x96: {  	[sflag:s6] =	ssyncset.done $0x0  }
0x97: {  	[sflag:s6] =	ssyncadd.s32 $0xFFFFD800  }
0x98: {  	_ =	swait.ge [sflag:s24], $0x80  }
0x99: {  	[sflag:s24] =	ssyncset.done $0x0  }
0x9a: {  	[sflag:s24] =	ssyncadd.s32 $0xFFFFFF80  }
0x9b: {  	[tilespmem:s19], [sflag:$0x1] =	stream.indirect.gather [hbm4b:s4+s26], $0x80, s22, s26, $0xb8;
	[tilespmem:$0x1F200] =	vst v63  }
0x9c: {  	s15 =	sadd.s32 $0x20, s14  }
0x9d: {  	[tilespmem:s23], [sflag:$0x8] =	stream.linear.gather [hbm4b:s15+s3], $0x80, $0x38;
	[tilespmem:$0x1F200] =	vst v63  }
0x9e: {  	_ =	swait.ge [sflag:s7], $0x2800  }
0x9f: {  	[sflag:s7] =	ssyncset.done $0x0  }
0xa0: {  	s16 =	simm.s32 $0x13B00;
	[sflag:s7] =	ssyncadd.s32 $0xFFFFD800  }
0xa1: {  	[spmem:s1] =	stream.indirect.scatter.add.f32 [tilespmem:s0], [sflag:$0x6], $0x80, s16, s26, $0xb8;
	[tilespmem:$0x1F200] =	vst v63  }
0xa2: {  	_ =	swait.ge [sflag:s11], $0x2800  }
0xa3: {  	[sflag:s11] =	ssyncset.done $0x0  }
0xa4: {  	[sflag:s11] =	ssyncadd.s32 $0xFFFFD800  }
0xa5: {  	_ =	swait.ge [sflag:s28], $0x80  }
0xa6: {  	[sflag:s28] =	ssyncset.done $0x0  }
0xa7: {  	s13 =	simm.s32 $0x600;
	s14 =	sadd.s32 $0x30, s14;
	[sflag:s28] =	ssyncadd.s32 $0xFFFFFF80  }
.LBB2_4:
0xa8: {  	[tilespmem:s29], [sflag:$0x2] =	stream.indirect.gather [hbm4b:s4+s26], $0x80, s23, s26, $0xb8;
	[tilespmem:$0x1F200] =	vst v63  }
0xa9: {  	p1 =	sne.s32 s13, $0xEA00;
	s15 =	smov.u32 s13;
	s13 =	sadd.s32 $0x600, s13  }
0xaa: {  	[tilespmem:s30], [sflag:$0x9] =	stream.linear.gather [hbm4b:s14+s3], $0x80, $0x38;
	[tilespmem:$0x1F200] =	vst v63  }
0xab: {  	_ =	swait.ge [sflag:s21], $0x2800  }
0xac: {  	s15 =	sshra.s32 s15, $0x2;
	[sflag:s21] =	ssyncset.done $0x0  }
0xad: {  	s16 =	sadd.s32 $0x13A00, s15;
	[sflag:s21] =	ssyncadd.s32 $0xFFFFD800  }
0xae: {  	[spmem:s1] =	stream.indirect.scatter.add.f32 [tilespmem:s19], [sflag:$0x4], $0x80, s16, s26, $0xb8;
	[tilespmem:$0x1F200] =	vst v63  }
0xaf: {  	_ =	swait.ge [sflag:s12], $0x2800  }
0xb0: {  	[sflag:s12] =	ssyncset.done $0x0  }
0xb1: {  	[sflag:s12] =	ssyncadd.s32 $0xFFFFD800  }
0xb2: {  	_ =	swait.ge [sflag:s31], $0x80  }
0xb3: {  	[sflag:s31] =	ssyncset.done $0x0  }
0xb4: {  	[sflag:s31] =	ssyncadd.s32 $0xFFFFFF80  }
0xb5: {  	[tilespmem:s0], [sflag:$0x3] =	stream.indirect.gather [hbm4b:s4+s26], $0x80, s30, s26, $0xb8;
	[tilespmem:$0x1F200] =	vst v63  }
0xb6: {  	s16 =	sadd.s32 $0x10, s14  }
0xb7: {  	[tilespmem:s22], [sflag:$0x7] =	stream.linear.gather [hbm4b:s16+s3], $0x80, $0x38;
	[tilespmem:$0x1F200] =	vst v63  }
0xb8: {  	_ =	swait.ge [sflag:s2], $0x2800  }
0xb9: {  	[sflag:s2] =	ssyncset.done $0x0  }
0xba: {  	s16 =	sadd.s32 $0x13A80, s15;
	[sflag:s2] =	ssyncadd.s32 $0xFFFFD800  }
0xbb: {  	[spmem:s1] =	stream.indirect.scatter.add.f32 [tilespmem:s29], [sflag:$0x5], $0x80, s16, s26, $0xb8;
	[tilespmem:$0x1F200] =	vst v63  }
0xbc: {  	_ =	swait.ge [sflag:s6], $0x2800  }
0xbd: {  	[sflag:s6] =	ssyncset.done $0x0  }
0xbe: {  	[sflag:s6] =	ssyncadd.s32 $0xFFFFD800  }
0xbf: {  	_ =	swait.ge [sflag:s24], $0x80  }
0xc0: {  	[sflag:s24] =	ssyncset.done $0x0  }
0xc1: {  	[sflag:s24] =	ssyncadd.s32 $0xFFFFFF80  }
0xc2: {  	[tilespmem:s19], [sflag:$0x1] =	stream.indirect.gather [hbm4b:s4+s26], $0x80, s22, s26, $0xb8;
	[tilespmem:$0x1F200] =	vst v63  }
0xc3: {  	s16 =	sadd.s32 $0x20, s14  }
0xc4: {  	[tilespmem:s23], [sflag:$0x8] =	stream.linear.gather [hbm4b:s16+s3], $0x80, $0x38;
	[tilespmem:$0x1F200] =	vst v63  }
0xc5: {  	_ =	swait.ge [sflag:s7], $0x2800  }
0xc6: {  	[sflag:s7] =	ssyncset.done $0x0  }
0xc7: {  	s15 =	sadd.s32 $0x13B00, s15;
	[sflag:s7] =	ssyncadd.s32 $0xFFFFD800  }
0xc8: {  	[spmem:s1] =	stream.indirect.scatter.add.f32 [tilespmem:s0], [sflag:$0x6], $0x80, s15, s26, $0xb8;
	[tilespmem:$0x1F200] =	vst v63  }
0xc9: {  	_ =	swait.ge [sflag:s11], $0x2800  }
.Ltmp1:
0xca: {  	[sflag:s11] =	ssyncset.done $0x0;
	(pc) =	sbr.rel @p1 .LBB2_4-.Ltmp1, $4  }
0xcb: {  	[sflag:s11] =	ssyncadd.s32 $0xFFFFD800  }
0xcc: {  	_ =	swait.ge [sflag:s28], $0x80  }
0xcd: {  	[sflag:s28] =	ssyncset.done $0x0  }
0xce: {  	s14 =	sadd.s32 $0x30, s14;
	[sflag:s28] =	ssyncadd.s32 $0xFFFFFF80  }
0xcf: {  	[tilespmem:s29], [sflag:$0x2] =	stream.indirect.gather [hbm4b:s4+s26], $0x80, s23, s26, $0xb8;
	[tilespmem:$0x1F200] =	vst v63  }
0xd0: {  	_ =	swait.ge [sflag:s21], $0x2800  }
0xd1: {  	[sflag:s21] =	ssyncset.done $0x0  }
0xd2: {  	s13 =	simm.s32 $0x17600;
	[sflag:s21] =	ssyncadd.s32 $0xFFFFD800  }
0xd3: {  	[spmem:s1] =	stream.indirect.scatter.add.f32 [tilespmem:s19], [sflag:$0x4], $0x80, s13, s26, $0xb8;
	[tilespmem:$0x1F200] =	vst v63  }
0xd4: {  	_ =	swait.ge [sflag:s2], $0x2800  }
0xd5: {  	[sflag:s2] =	ssyncset.done $0x0  }
0xd6: {  	s14 =	simm.s32 $0x17680;
	[sflag:s2] =	ssyncadd.s32 $0xFFFFD800  }
0xd7: {  	[spmem:s1] =	stream.indirect.scatter.add.f32 [tilespmem:s29], [sflag:$0x5], $0x80, s14, s26, $0xb8;
	[tilespmem:$0x1F200] =	vst v63  }
0xd8: {  	_ =	swait.ge [sflag:s12], $0x2800  }
0xd9: {  	[sflag:s12] =	ssyncset.done $0x0  }
0xda: {  	[sflag:s12] =	ssyncadd.s32 $0xFFFFD800  }
0xdb: {  	_ =	swait.ge [sflag:s6], $0x2800  }
0xdc: {  	[sflag:s6] =	ssyncset.done $0x0  }
0xdd: {  	[sflag:s6] =	ssyncadd.s32 $0xFFFFD800  }
0xde: {  	_ =	swait.ge [sflag:s11], $0x2800  }
0xdf: {  	s15 =	stileid.u32;
	[sflag:s11] =	ssyncset.done $0x0  }
0xe0: {  	s13 =	sshll.u32 s15, $0x6;
	[sflag:s11] =	ssyncadd.s32 $0xFFFFD800  }
0xe1: {  	s13 =	sor.u32 $0x1C0A, s13;
	s14 =	sshrl.u32 s5, $0x3;
	[bflag:$0x0] =	sbarrier.arrive $0xFFFF  }
0xe2: {  	[hbm:s25], [sflag:s13] =	dma.local [spmem:s14], $0x2700  }
0xe3: {  	_ =	swait.ge [sflag:s20], $0x2700  }
0xe4: {  	[sflag:s20] =	ssyncset.done $0x0  }
0xe5: {  	s15 =	sshrl.u32 @!p0 s8, $0x3;
	s14 =	sadd.s32 @!p0 $0x27000, s10;
	[sflag:s20] =	ssyncadd.s32 $0xFFFFD900  }
0xe6: {  	[hbm:s14], [sflag:s13] =	dma.local @!p0 [spmem:s15], $0x100  }
0xe7: {  	s13 =	simm.s32 @!p0 $0xA  }
0xe8: {  	_ =	swait.ge @!p0 [sflag:s13], $0x100  }
0xe9: {  	s18 =	sadd.s32 $0x1, s18;
	s16 =	rddreg [dreg:$0x5]  }
0xea: {  	p1 =	sne.s32 s18, s16  }
.Ltmp2:
0xeb: {  	_ = 	snop;
	(pc) =	sbr.rel @p1 .LBB2_1-.Ltmp2, $3  }
0xec: {  	_ =	sdelay $0x1  }
0xed: {  	[sflag:s13] =	ssyncset.done @!p0 $0x0  }
0xee: {  	s15 =	simm.s32 $0x13880;
	[sflag:s13] =	ssyncadd.s32 @!p0 $0xFFFFFF00  }
0xef: {  	_ =	sfence.sel $0x180000  }
0xf0: {  	[bflag:$0x0] =	sbarrier.arrive $0xFFFF  }
0xf1: {  	_ =	strace $0x90000050  }
0xf2: {  	s0 =	stileid.u32;
	[bflag:$0x2] =	sbarrier.arrive $0xFFFF  }
0xf3: {  	p0 =	sne.s32 s0, $0x0;
	s0 =	rddreg [dreg:$0x2]  }
0xf4: {  	s0 =	sadd.s32 @!p0 $0x100000, s0  }
0xf5: {  	[sflag:s0] =	ssyncadd.tile.s32 @!p0 $0x1;
	_ =	shalt  }
.Lfunc_end2:
_tile_overlayer_lowered:
.L_overlay_start_2:
0xf6: {  	(tag) =	ssettag $0x2  }
0xf7: {  	s0 =	rddreg [dreg:$0x0];
	s2 =	stileid.u32  }
0xf8: {  	s1 =	rddreg [dreg:$0x1];
	p0 =	sne.s32 s2, $0x0  }
0xf9: {  	s3 =	rddreg [dreg:$0x2];
	[bflag:$0x3] =	sbarrier.arrive $0xFFFF;
	s2 =	simm.s32 @!p0 $0x1C0A  }
0xfa: {  	[timem:s3], [sflag:s2] =	dma.local @!p0 [hbm:s0], s1  }
0xfb: {  	s0 =	simm.s32 @!p0 $0xA  }
0xfc: {  	_ =	swait.ge @!p0 [sflag:s0], s1  }
0xfd: {  	s1 =	ssub.s32 @!p0 $0x0, s1;
	[sflag:s0] =	ssyncset.done @!p0 $0x0  }
0xfe: {  	[sflag:s0] =	ssyncadd.s32 @!p0 s1  }
0xff: {  	[bflag:$0x3] =	sbarrier.arrive $0xFFFF  }
0x100: {  	_ =	shalt  }

// kernel: kernel.24.cloned.1.call-start
scs
__scs_entry_jumppad:
0x0: {  	(pc) =	sbr.rel $0x88, $3  }
0x1: {  	(tag) =	ssettag $0x0;
	lr =	simm.s32 $0x1  }
0x2: {  	[smem:$0x3F7C] =	sst lr;
	_ =	strace $0xD0000000  }
0x3: {  	_ = 	snop  }
0x4: {  	_ = 	snop  }
0x5: {  	_ = 	snop  }
0x6: {  	_ = 	snop  }
0x7: {  	_ = 	snop  }
__scs_overlays_trampoline_lowered:
0x8: {  	[smem:$0x3F8B] =	sst s0  }
0x9: {  	[smem:$0x3F8C] =	sst s1  }
0xa: {  	[smem:$0x3F8D] =	sst s2  }
0xb: {  	[smem:$0x3F8E] =	sst s3  }
0xc: {  	[smem:$0x3F8F] =	sst s4  }
0xd: {  	[smem:$0x3F90] =	sst s5  }
0xe: {  	[smem:$0x3F91] =	sst s6  }
0xf: {  	[smem:$0x3F92] =	sst s7  }
0x10: {  	[smem:$0x3F93] =	sst s8  }
0x11: {  	[smem:$0x3F94] =	sst s9;
	s0 =	simm.s32 @!p0 $0x0  }
0x12: {  	s1 =	sld [smem:$0x3F7A];
	s0 =	simm.s32 @p0 $0x1  }
0x13: {  	[smem:$0x3F95] =	sst s0;
	s0 =	simm.s32 @!p1 $0x0  }
0x14: {  	s2 =	sld [smem:$0x3F79];
	s0 =	simm.s32 @p1 $0x1  }
0x15: {  	[smem:$0x3F96] =	sst s0;
	s0 =	simm.s32 @!p2 $0x0  }
0x16: {  	s3 =	sld [smem:$0x3FDB];
	s0 =	simm.s32 @p2 $0x1  }
0x17: {  	s4 =	simm.s32 $0x1BF5;
	[smem:$0x3F98] =	sst s0  }
0x18: {  	s0 =	sld [smem:$0x3F7B];
	_ =	swait.ge [sflag:s4], $0x0  }
0x19: {  	s7 =	sld [smem:$0x3F7C]  }
0x1a: {  	s8 =	sadd.s32 $0xFFFFE003, lr  }
0x1b: {  	s9 =	sadd.s32 $0xFFFFFEF7, lr;
	s5 =	simm.s32 $0xFFFFFFFF;
	p2 =	slt.u32 s8, $0xFFFFF086  }
0x1c: {  	p1 =	slt.u32 s9, $0xF7A;
	s5 =	simm.s32 @!p2 $0x0  }
0x1d: {  	s5 =	simm.s32 @p1 $0x1;
	p0 =	seq.s32 s7, s2  }
0x1e: {  	s7 =	smul.u32 @!p0 $0xF7A, s2;
	p2 =	seq.s32 @!p0 s5, $0x0  }
0x1f: {  	s9 =	smul.u32 $0xF7A, s1;
	s8 =	simm.s32 @!p0 $0x1BF5;
	p2 =	por !p2, p0  }
0x20: {  	[sflag:s8] =	ssyncset.s32 @!p0 $0xFFFFF086;
	s6 =	sadd.s32 @!p0 s3, s7;
	s7 =	simm.s32 @!p0 $0x108  }
0x21: {  	s3 =	sadd.s32 s3, s9;
	s6 =	sadd.s32 @!p0 $0x88, s6;
	s7 =	simm.s32 @p2 $0x1082  }
0x22: {  	[simem:s7], [sflag:s8] =	dma.local @!p0 [hbm:s6], $0xF7A  }
0x23: {  	s9 =	sor.u32 $0xD0000000, s2;
	s6 =	simm.s32 $0x108;
	_ =	swait.ge @!p0 [sflag:s8], $0x0  }
0x24: {  	s3 =	sadd.s32 $0x88, s3;
	s6 =	simm.s32 @!p1 $0x1082;
	[sflag:s4] =	ssyncset.s32 $0xFFFFF086  }
0x25: {  	[simem:s6], [sflag:s4] =	dma.local [hbm:s3], $0xF7A  }
0x26: {  	[smem:$0x3F7C] =	sst s1;
	(tag) =	ssettag s2;
	_ =	strace s9  }
0x27: {  	s1 =	sld [smem:$0x3F8C]  }
0x28: {  	s2 =	sld [smem:$0x3F8D]  }
0x29: {  	s4 =	sld [smem:$0x3F8F]  }
0x2a: {  	p0 =	seq.s32 s5, $0x0;
	s5 =	sld [smem:$0x3F90]  }
0x2b: {  	s6 =	sld [smem:$0x3F91]  }
0x2c: {  	s7 =	sld [smem:$0x3F92]  }
0x2d: {  	s3 =	simm.s32 $0x108;
	s8 =	sld [smem:$0x3F93]  }
0x2e: {  	s3 =	simm.s32 @!p0 $0x1082;
	s9 =	sld [smem:$0x3F94]  }
0x2f: {  	lr =	sadd.s32 s0, s3;
	s0 =	sld [smem:$0x3F8B]  }
0x30: {  	s3 =	sld [smem:$0x3F8E]  }
0x31: {  	[smem:$0x3F97] =	sst s10  }
0x32: {  	s10 =	sld [smem:$0x3F95];
	_ =	sdelay $0x3  }
0x33: {  	p0 =	seq.s32 s10, $0x1;
	s10 =	sld [smem:$0x3F97];
	_ =	sdelay $0x3  }
0x34: {  	[smem:$0x3F97] =	sst s10  }
0x35: {  	s10 =	sld [smem:$0x3F96];
	_ =	sdelay $0x3  }
0x36: {  	p1 =	seq.s32 s10, $0x1;
	s10 =	sld [smem:$0x3F97];
	_ =	sdelay $0x3  }
0x37: {  	[smem:$0x3F97] =	sst s10  }
0x38: {  	s10 =	sld [smem:$0x3F98]  }
0x39: {  	_ = 	snop;
	(pc) =	sbr.ind lr, $3  }
0x3a: {  	_ = 	snop  }
0x3b: {  	_ = 	snop  }
0x3c: {  	p2 =	seq.s32 s10, $0x1;
	s10 =	sld [smem:$0x3F97]  }
0x3d: {  	_ =	shalt  }
0x3e: {  	_ =	shalt  }
0x3f: {  	_ =	shalt  }
0x40: {  	_ =	shalt  }
0x41: {  	_ =	shalt  }
0x42: {  	_ =	shalt  }
0x43: {  	_ =	shalt  }
0x44: {  	_ =	shalt  }
0x45: {  	_ =	shalt  }
0x46: {  	_ =	shalt  }
0x47: {  	_ =	shalt  }
0x48: {  	_ =	shalt  }
0x49: {  	_ =	shalt  }
0x4a: {  	_ =	shalt  }
0x4b: {  	_ =	shalt  }
0x4c: {  	_ =	shalt  }
0x4d: {  	_ =	shalt  }
0x4e: {  	_ =	shalt  }
0x4f: {  	_ =	shalt  }
0x50: {  	_ =	shalt  }
0x51: {  	_ =	shalt  }
0x52: {  	_ =	shalt  }
0x53: {  	_ =	shalt  }
0x54: {  	_ =	shalt  }
0x55: {  	_ =	shalt  }
0x56: {  	_ =	shalt  }
0x57: {  	_ =	shalt  }
0x58: {  	_ =	shalt  }
0x59: {  	_ =	shalt  }
0x5a: {  	_ =	shalt  }
0x5b: {  	_ =	shalt  }
0x5c: {  	_ =	shalt  }
0x5d: {  	_ =	shalt  }
0x5e: {  	_ =	shalt  }
0x5f: {  	_ =	shalt  }
0x60: {  	_ =	shalt  }
0x61: {  	_ =	shalt  }
0x62: {  	_ =	shalt  }
0x63: {  	_ =	shalt  }
0x64: {  	_ =	shalt  }
0x65: {  	_ =	shalt  }
0x66: {  	_ =	shalt  }
0x67: {  	_ =	shalt  }
0x68: {  	_ =	shalt  }
0x69: {  	_ =	shalt  }
0x6a: {  	_ =	shalt  }
0x6b: {  	_ =	shalt  }
0x6c: {  	_ =	shalt  }
0x6d: {  	_ =	shalt  }
0x6e: {  	_ =	shalt  }
0x6f: {  	_ =	shalt  }
0x70: {  	_ =	shalt  }
0x71: {  	_ =	shalt  }
0x72: {  	_ =	shalt  }
0x73: {  	_ =	shalt  }
0x74: {  	_ =	shalt  }
0x75: {  	_ =	shalt  }
0x76: {  	_ =	shalt  }
0x77: {  	_ =	shalt  }
0x78: {  	_ =	shalt  }
0x79: {  	_ =	shalt  }
0x7a: {  	_ =	shalt  }
0x7b: {  	_ =	shalt  }
0x7c: {  	_ =	shalt  }
0x7d: {  	_ =	shalt  }
0x7e: {  	_ =	shalt  }
0x7f: {  	_ =	shalt  }
0x80: {  	_ =	shalt  }
0x81: {  	_ =	shalt  }
0x82: {  	_ =	shalt  }
0x83: {  	_ =	shalt  }
0x84: {  	_ =	shalt  }
0x85: {  	_ =	shalt  }
0x86: {  	_ =	shalt  }
0x87: {  	_ =	shalt  }
.Lfunc_end0:
.L_simem_size_0:
called_computation.4_lowered:
.L_overlay_start_0:
0x88: {  	s2 =	sld [smem:$0x3FD9]  }
0x89: {  	s3 =	sld [smem:$0x3FFE];
	_ =	sdelay $0x1  }
0x8a: {  	s1 =	srdreg.scid  }
0x8b: {  	s0 =	sand.u32 $0x1, s1  }
0x8c: {  	s16 =	sshll.u32 s0, $0xA;
	s2 =	sadd.s32 s3, s2  }
0x8d: {  	s2 =	sadd.s32 s2, s16  }
0x8e: {  	[smem:$0x3FA3] =	sst s2  }
0x8f: {  	_ = 	snop  }
0x90: {  	(tm) =	ssettm $0x1  }
0x91: {  	s17 =	sld [smem:$0x3FFB];
	_ =	sdelay $0x3  }
0x92: {  	_ =	strace s17  }
0x93: {  	s2 =	sld [smem:$0x3FFC];
	_ =	sdelay $0x3  }
0x94: {  	_ =	strace s2  }
0x95: {  	s2 =	sld [smem:$0x3FFD];
	_ =	sdelay $0x3  }
0x96: {  	_ =	strace s2  }
0x97: {  	_ =	strace $0x8FFFFFFF  }
0x98: {  	s18 =	sld [smem:$0x3FDB];
	_ =	sdelay $0x1  }
0x99: {  	s19 =	simm.s32 $_scs_section_size  }
0x9a: {  	s4 =	simm.s32 $_size__tile_overlayer_lowered;
	s5 =	simm.s32 $_tile_overlayer_lowered  }
0x9b: {  	s22 =	simm.s32 $0x1BFF;
	s21 =	sshll.u32 s5, $0x1;
	s2 =	sadd.s32 s19, s18  }
0x9c: {  	s6 =	simm.s32 $0x0;
	s20 =	sshll.u32 s4, $0x1;
	s4 =	sadd.s32 s21, s2  }
0x9d: {  	[timem:s6], [sflag:s22] =	dma.local [hbm:s4], s20  }
0x9e: {  	_ =	swait.ge [sflag:s22], s20  }
0x9f: {  	s3 =	ssub.s32 $0x0, s20;
	[sflag:s22] =	ssyncset.done $0x0  }
0xa0: {  	[sflag:s22] =	ssyncadd.s32 s3;
	_ =	sdelay $0x1  }
0xa1: {  	s23 =	simm.s32 $0x1B8B  }
0xa2: {  	_ =	swait.ge [sflag:s23], $0x1  }
0xa3: {  	[sflag:s23] =	ssyncset.done $0x0  }
0xa4: {  	s25 =	simm.s32 $0x1B8E;
	s24 =	sld [smem:$0x3FFE];
	[sflag:s23] =	ssyncadd.s32 $0xFFFFFFFF  }
0xa5: {  	s26 =	simm.s32 $execute0_lowered;
	[smem:$0x3FD2] =	sst s25  }
0xa6: {  	s4 =	sshll.u32 s26, $0x1;
	_ =	strace $0x80000052;
	[dreg:$0x1] =	wrdreg $0xFFFFFFFF  }
0xa7: {  	s28 =	simm.s32 $_size_execute0_lowered;
	s2 =	sadd.s32 s2, s4;
	[dreg:$0x0] =	wrdreg $0x0  }
0xa8: {  	s4 =	sshll.u32 s28, $0x1;
	[dreg:$0x2] =	wrdreg s2  }
0xa9: {  	[dreg:$0x3] =	wrdreg s4  }
0xaa: {  	[dreg:$0x4] =	wrdreg $0xC0  }
0xab: {  	_ =	task [dreg:s6], $0x5FFFF  }
0xac: {  	[dreg:$0x1] =	wrdreg $0xFFFFFFFF  }
0xad: {  	[dreg:$0x0] =	wrdreg $0x60  }
0xae: {  	[dreg:$0x2] =	wrdreg s24  }
0xaf: {  	[dreg:$0x3] =	wrdreg $0x0  }
0xb0: {  	[dreg:$0x4] =	wrdreg $0x9  }
0xb1: {  	_ =	task.clear_ibuf [dreg:s6], $0x5FFFF;
	_ =	strace $0x90000052  }
0xb2: {  	s29 =	simm.s32 $0x9;
	_ =	strace $0x80000054  }
0xb3: {  	_ =	swait.ge [sflag:s29], $0x1  }
0xb4: {  	[sflag:s29] =	ssyncadd.s32 $0xFFFFFFFF  }
0xb5: {  	_ =	strace $0x90000054  }
0xb6: {  	_ =	sfence  }
0xb7: {  	s30 =	sld [smem:$0x0];
	_ =	sdelay $0x2  }
0xb8: {  	s31 =	sshll.u32 s1, $0xD;
	s1 =	sshrl.u32 s1, $0x2  }
0xb9: {  	s3 =	sand.u32 $0x4000, s31;
	s1 =	sadd.s32 s1, s30  }
0xba: {  	s0 =	sor.u32 s3, s0;
	s1 =	sshll.u32 s1, $0x11  }
0xbb: {  	s0 =	sor.u32 s1, s0  }
0xbc: {  	s0 =	sadd.s32 $0x8F2B, s0  }
0xbd: {  	[sflag:s0] =	ssyncadd.remote.s32 $0x1  }
0xbe: {  	_ =	sfence.sel $0xFFFF  }
0xbf: {  	[dreg:$0x0] =	wrdreg $0xFFFFFFFF;
	(pc) =	sbr.abs _section_cstart, $3  }
0xc0: {  	[dreg:$0x1] =	wrdreg $0xFFFFFFFF  }
0xc1: {  	_ =	task.clear_ibuf [dreg:s6], $0x2FFFF;
	_ =	strace $0x9FFFFFFF  }
0xc2: {  	(tm) =	ssettm $0x7FFFFFFF  }
0xc3: {  	_ =	shalt  }
tec
execute0_lowered:
.L_overlay_start_1:
0x0: {  	(tag) =	ssettag $0x1  }
0x1: {  	s0 =	rddreg [dreg:$0x0]  }
0x2: {  	s1 =	rddreg [dreg:$0x1];
	s3 =	simm.s32 $0x0  }
0x3: {  	s2 =	srdreg.scid;
	s11 =	stileid.u32;
	s19 =	simm.s32 $0x17A00  }
0x4: {  	s20 =	simm.s32 $0xA;
	s21 =	simm.s32 $0x1;
	s28 =	simm.s32 $0x8  }
0x5: {  	s29 =	simm.s32 $0x1A200;
	s30 =	simm.s32 $0x17980;
	s31 =	simm.s32 $0x9  }
0x6: {  	s12 =	simm.s32 $0x6;
	[smem:$0x7FF] =	sst s3;
	s2 =	sand.u32 $0x1, s2  }
0x7: {  	s6 =	sshll.u32 s11, $0xB;
	s7 =	smul.u32 $0x4E000, s11;
	s4 =	sadd.s32 $0x2A000, s0  }
0x8: {  	s8 =	sadd.s32 $0x138000, s1;
	s18 =	smul.u32 $0x2700, s11;
	p0 =	sne.s32 s11, $0xF  }
0x9: {  	s11 =	simm.s32 $0x5;
	_ =	strace $0x80000053;
	s5 =	sshll.u32 s2, $0xF  }
0xa: {  	s13 =	smul.u32 $0x27100, s2;
	s2 =	ssub.s32 $0x2, s2;
	s5 =	sor.u32 s6, s5  }
0xb: {  	s14 =	sshrl.u32 s7, $0x2;
	s15 =	sshrl.u32 s2, $0x1;
	s9 =	sadd.s32 s5, s0  }
0xc: {  	s6 =	simm.s32 $0x4;
	s5 =	sadd.s32 s14, s1;
	s16 =	sadd.s32 $0x1A000, s9  }
0xd: {  	s2 =	ssub.s32 s2, s15;
	s17 =	sadd.s32 $0x11800, s5;
	[dreg:$0x3] =	wrdreg s16  }
0xe: {  	s7 =	simm.s32 $0x3;
	s2 =	smax.u32 s2, $0x1;
	[dreg:$0x4] =	wrdreg s17  }
0xf: {  	s0 =	sadd.s32 s13, s0;
	s22 =	sadd.s32 $0x2800, s5;
	[dreg:$0x5] =	wrdreg s2  }
0x10: {  	s15 =	simm.s32 $0x13880;
	s23 =	sadd.s32 $0x5000, s5;
	[dreg:$0x6] =	wrdreg s22  }
0x11: {  	s9 =	sadd.s32 $0xA000, s9;
	s24 =	sadd.s32 $0x7800, s5;
	[dreg:$0x7] =	wrdreg s23  }
0x12: {  	s10 =	sadd.s32 $0x51200, s0;
	s25 =	sadd.s32 $0xA000, s5;
	[dreg:$0x8] =	wrdreg s24  }
0x13: {  	s26 =	sadd.s32 $0xC800, s5;
	s0 =	simm.s32 $0x1CA00;
	[dreg:$0x9] =	wrdreg s25  }
0x14: {  	[dreg:$0xa] =	wrdreg s26;
	s17 =	sadd.s32 $0xF000, s5;
	s22 =	simm.s32 $0x17880  }
0x15: {  	s23 =	simm.s32 $0x17900;
	s24 =	simm.s32 $0x7;
	s25 =	sadd.s32 s18, s10  }
0x16: {  	v0 =	vimm.f32 $0.0e+00;
	s26 =	simm.s32 $0x50;
	s2 =	simm.s32 $0x2;
	s18 =	simm.s32 $0x0  }
.LBB2_1:
0x17: {  	s13 =	rddreg [dreg:$0x3]  }
0x18: {  	[tilespmem:s15], [sflag:$0x1] =	stream.linear.gather [hbm4b:s13+s3], $0x3E80, $0x38;
	[tilespmem:$0x1F200] =	vst v63  }
0x19: {  	s14 =	simm.s32 $0x200;
	s13 =	simm.s32 $0x0  }
.LBB2_2:
0x1a: {  	p1 =	sne.s32 s14, $0x9E00;
	[tilespmem:s13+$0x17A70] =	vst v0  }
0x1b: {  	[tilespmem:s13+$0x17A00] =	vst v0  }
0x1c: {  	[tilespmem:s13+$0x17A10] =	vst v0  }
.Ltmp0:
0x1d: {  	[tilespmem:s13+$0x17A20] =	vst v0;
	(pc) =	sbr.rel @p1 .LBB2_2-.Ltmp0, $4  }
0x1e: {  	[tilespmem:s13+$0x17A30] =	vst v0  }
0x1f: {  	[tilespmem:s13+$0x17A40] =	vst v0  }
0x20: {  	[tilespmem:s13+$0x17A50] =	vst v0  }
0x21: {  	[tilespmem:s13+$0x17A60] =	vst v0;
	s13 =	sshra.s32 s14, $0x2;
	s14 =	sadd.s32 $0x200, s14  }
0x22: {  	[tilespmem:s13+$0x17A70] =	vst v0  }
0x23: {  	[tilespmem:s13+$0x17A00] =	vst v0  }
0x24: {  	[tilespmem:s13+$0x17A10] =	vst v0  }
0x25: {  	[tilespmem:s13+$0x17A20] =	vst v0  }
0x26: {  	[tilespmem:s13+$0x17A30] =	vst v0  }
0x27: {  	[tilespmem:s13+$0x17A40] =	vst v0  }
0x28: {  	[tilespmem:s13+$0x17A50] =	vst v0  }
0x29: {  	[tilespmem:s13+$0x17A60] =	vst v0  }
0x2a: {  	[spmem:s5] =	stream.linear.scatter [tilespmem:s19], [sflag:$0xA], $0x2800, $0x38;
	[tilespmem:$0x1F200] =	vst v63  }
0x2b: {  	_ =	swait.ge [sflag:s20], $0x2800  }
0x2c: {  	[sflag:s20] =	ssyncset.done $0x0  }
0x2d: {  	s16 =	rddreg [dreg:$0x6];
	[sflag:s20] =	ssyncadd.s32 $0xFFFFD800  }
0x2e: {  	[spmem:s16] =	stream.linear.scatter [tilespmem:s19], [sflag:$0xA], $0x2800, $0x38;
	[tilespmem:$0x1F200] =	vst v63  }
0x2f: {  	_ =	swait.ge [sflag:s20], $0x2800  }
0x30: {  	[sflag:s20] =	ssyncset.done $0x0  }
0x31: {  	s14 =	rddreg [dreg:$0x7];
	[sflag:s20] =	ssyncadd.s32 $0xFFFFD800  }
0x32: {  	[spmem:s14] =	stream.linear.scatter [tilespmem:s19], [sflag:$0xA], $0x2800, $0x38;
	[tilespmem:$0x1F200] =	vst v63  }
0x33: {  	_ =	swait.ge [sflag:s20], $0x2800  }
0x34: {  	[sflag:s20] =	ssyncset.done $0x0  }
0x35: {  	s16 =	rddreg [dreg:$0x8];
	[sflag:s20] =	ssyncadd.s32 $0xFFFFD800  }
0x36: {  	[spmem:s16] =	stream.linear.scatter [tilespmem:s19], [sflag:$0xA], $0x2800, $0x38;
	[tilespmem:$0x1F200] =	vst v63  }
0x37: {  	_ =	swait.ge [sflag:s20], $0x2800  }
0x38: {  	[sflag:s20] =	ssyncset.done $0x0  }
0x39: {  	s14 =	rddreg [dreg:$0x9];
	[sflag:s20] =	ssyncadd.s32 $0xFFFFD800  }
0x3a: {  	[spmem:s14] =	stream.linear.scatter [tilespmem:s19], [sflag:$0xA], $0x2800, $0x38;
	[tilespmem:$0x1F200] =	vst v63  }
0x3b: {  	_ =	swait.ge [sflag:s20], $0x2800  }
0x3c: {  	[sflag:s20] =	ssyncset.done $0x0  }
0x3d: {  	s16 =	rddreg [dreg:$0xa];
	[sflag:s20] =	ssyncadd.s32 $0xFFFFD800  }
0x3e: {  	[spmem:s16] =	stream.linear.scatter [tilespmem:s19], [sflag:$0xA], $0x2800, $0x38;
	[tilespmem:$0x1F200] =	vst v63  }
0x3f: {  	_ =	swait.ge [sflag:s20], $0x2800  }
0x40: {  	[sflag:s20] =	ssyncset.done $0x0  }
0x41: {  	[sflag:s20] =	ssyncadd.s32 $0xFFFFD800  }
0x42: {  	[spmem:s17] =	stream.linear.scatter [tilespmem:s19], [sflag:$0xA], $0x2800, $0x38;
	[tilespmem:$0x1F200] =	vst v63  }
0x43: {  	_ =	swait.ge [sflag:s20], $0x2800  }
0x44: {  	[sflag:s20] =	ssyncset.done $0x0  }
0x45: {  	s14 =	rddreg [dreg:$0x4];
	[sflag:s20] =	ssyncadd.s32 $0xFFFFD800  }
0x46: {  	[spmem:s14] =	stream.linear.scatter [tilespmem:s19], [sflag:$0xA], $0x2000, $0x38;
	[tilespmem:$0x1F200] =	vst v63  }
0x47: {  	_ =	swait.ge [sflag:s20], $0x2000  }
0x48: {  	[sflag:s20] =	ssyncset.done $0x0  }
0x49: {  	s13 =	simm.s32 @!p0 $0x17A00;
	[sflag:s20] =	ssyncadd.s32 $0xFFFFE000  }
0x4a: {  	[spmem:s8] =	stream.linear.scatter @!p0 [tilespmem:s13], [sflag:$0xA], $0x800, $0x38;
	[tilespmem:$0x1F200] =	vst v63  }
0x4b: {  	s13 =	simm.s32 @!p0 $0xA  }
0x4c: {  	_ =	swait.ge @!p0 [sflag:s13], $0x800  }
0x4d: {  	[sflag:s13] =	ssyncset.done @!p0 $0x0  }
0x4e: {  	[sflag:s13] =	ssyncadd.s32 @!p0 $0xFFFFF800  }
0x4f: {  	_ =	swait.ge [sflag:s21], $0x3E80  }
0x50: {  	[sflag:s21] =	ssyncset.done $0x0  }
0x51: {  	[sflag:s21] =	ssyncadd.s32 $0xFFFFC180  }
0x52: {  	s13 =	simm.s32 $0x0;
	[bflag:$0x0] =	sbarrier.arrive $0xFFFF  }
0x53: {  	[tilespmem:s22], [sflag:$0x7] =	stream.linear.gather [hbm4b:s9+s13], $0x80, $0x38;
	[tilespmem:$0x1F200] =	vst v63  }
0x54: {  	s14 =	sadd.s32 $0x10, s9  }
0x55: {  	[tilespmem:s23], [sflag:$0x8] =	stream.linear.gather [hbm4b:s14+s13], $0x80, $0x38;
	[tilespmem:$0x1F200] =	vst v63  }
0x56: {  	_ =	swait.ge [sflag:s24], $0x80  }
0x57: {  	[sflag:s24] =	ssyncset.done $0x0  }
0x58: {  	[sflag:s24] =	ssyncadd.s32 $0xFFFFFF80  }
0x59: {  	[tilespmem:s19], [sflag:$0x1] =	stream.indirect.gather [hbm4b:s4+s26], $0x80, s22, s26, $0xb8;
	[tilespmem:$0x1F200] =	vst v63  }
0x5a: {  	_ =	swait.ge [sflag:s28], $0x80  }
0x5b: {  	[sflag:s28] =	ssyncset.done $0x0  }
0x5c: {  	[sflag:s28] =	ssyncadd.s32 $0xFFFFFF80  }
0x5d: {  	[tilespmem:s29], [sflag:$0x2] =	stream.indirect.gather [hbm4b:s4+s26], $0x80, s23, s26, $0xb8;
	[tilespmem:$0x1F200] =	vst v63  }
0x5e: {  	s16 =	sadd.s32 $0x20, s9  }
0x5f: {  	[tilespmem:s30], [sflag:$0x9] =	stream.linear.gather [hbm4b:s16+s13], $0x80, $0x38;
	[tilespmem:$0x1F200] =	vst v63  }
0x60: {  	_ =	swait.ge [sflag:s21], $0x2800  }
0x61: {  	[sflag:s21] =	ssyncset.done $0x0  }
0x62: {  	[sflag:s21] =	ssyncadd.s32 $0xFFFFD800  }
0x63: {  	[spmem:s1] =	stream.indirect.scatter.add.f32 [tilespmem:s19], [sflag:$0x4], $0x80, s15, s26, $0xb8;
	[tilespmem:$0x1F200] =	vst v63  }
0x64: {  	_ =	swait.ge [sflag:s31], $0x80  }
0x65: {  	[sflag:s31] =	ssyncset.done $0x0  }
0x66: {  	[sflag:s31] =	ssyncadd.s32 $0xFFFFFF80  }
0x67: {  	[tilespmem:s0], [sflag:$0x3] =	stream.indirect.gather [hbm4b:s4+s26], $0x80, s30, s26, $0xb8;
	[tilespmem:$0x1F200] =	vst v63  }
0x68: {  	s16 =	sadd.s32 $0x30, s9  }
0x69: {  	[tilespmem:s22], [sflag:$0x7] =	stream.linear.gather [hbm4b:s16+s13], $0x80, $0x38;
	[tilespmem:$0x1F200] =	vst v63  }
0x6a: {  	_ =	swait.ge [sflag:s2], $0x2800  }
0x6b: {  	[sflag:s2] =	ssyncset.done $0x0  }
0x6c: {  	s15 =	simm.s32 $0x13900;
	[sflag:s2] =	ssyncadd.s32 $0xFFFFD800  }
0x6d: {  	[spmem:s1] =	stream.indirect.scatter.add.f32 [tilespmem:s29], [sflag:$0x5], $0x80, s15, s26, $0xb8;
	[tilespmem:$0x1F200] =	vst v63  }
0x6e: {  	_ =	swait.ge [sflag:s6], $0x2800  }
0x6f: {  	[sflag:s6] =	ssyncset.done $0x0  }
0x70: {  	[sflag:s6] =	ssyncadd.s32 $0xFFFFD800  }
0x71: {  	_ =	swait.ge [sflag:s24], $0x80  }
0x72: {  	[sflag:s24] =	ssyncset.done $0x0  }
0x73: {  	[sflag:s24] =	ssyncadd.s32 $0xFFFFFF80  }
0x74: {  	[tilespmem:s19], [sflag:$0x1] =	stream.indirect.gather [hbm4b:s4+s26], $0x80, s22, s26, $0xb8;
	[tilespmem:$0x1F200] =	vst v63  }
0x75: {  	s16 =	sadd.s32 $0x40, s9  }
0x76: {  	[tilespmem:s23], [sflag:$0x8] =	stream.linear.gather [hbm4b:s16+s13], $0x80, $0x38;
	[tilespmem:$0x1F200] =	vst v63  }
0x77: {  	_ =	swait.ge [sflag:s7], $0x2800  }
0x78: {  	[sflag:s7] =	ssyncset.done $0x0  }
0x79: {  	s15 =	simm.s32 $0x13980;
	[sflag:s7] =	ssyncadd.s32 $0xFFFFD800  }
0x7a: {  	[spmem:s1] =	stream.indirect.scatter.add.f32 [tilespmem:s0], [sflag:$0x6], $0x80, s15, s26, $0xb8;
	[tilespmem:$0x1F200] =	vst v63  }
0x7b: {  	_ =	swait.ge [sflag:s11], $0x2800  }
0x7c: {  	[sflag:s11] =	ssyncset.done $0x0  }
0x7d: {  	[sflag:s11] =	ssyncadd.s32 $0xFFFFD800  }
0x7e: {  	_ =	swait.ge [sflag:s28], $0x80  }
0x7f: {  	[sflag:s28] =	ssyncset.done $0x0  }
0x80: {  	[sflag:s28] =	ssyncadd.s32 $0xFFFFFF80  }
0x81: {  	[tilespmem:s29], [sflag:$0x2] =	stream.indirect.gather [hbm4b:s4+s26], $0x80, s23, s26, $0xb8;
	[tilespmem:$0x1F200] =	vst v63  }
0x82: {  	s14 =	sadd.s32 $0x50, s9  }
0x83: {  	[tilespmem:s30], [sflag:$0x9] =	stream.linear.gather [hbm4b:s14+s3], $0x80, $0x38;
	[tilespmem:$0x1F200] =	vst v63  }
0x84: {  	_ =	swait.ge [sflag:s21], $0x2800  }
0x85: {  	[sflag:s21] =	ssyncset.done $0x0  }
0x86: {  	s16 =	simm.s32 $0x13A00;
	[sflag:s21] =	ssyncadd.s32 $0xFFFFD800  }
0x87: {  	[spmem:s1] =	stream.indirect.scatter.add.f32 [tilespmem:s19], [sflag:$0x4], $0x80, s16, s26, $0xb8;
	[tilespmem:$0x1F200] =	vst v63  }
0x88: {  	_ =	swait.ge [sflag:s12], $0x2800  }
0x89: {  	[sflag:s12] =	ssyncset.done $0x0  }
0x8a: {  	[sflag:s12] =	ssyncadd.s32 $0xFFFFD800  }
0x8b: {  	_ =	swait.ge [sflag:s31], $0x80  }
0x8c: {  	[sflag:s31] =	ssyncset.done $0x0  }
0x8d: {  	[sflag:s31] =	ssyncadd.s32 $0xFFFFFF80  }
0x8e: {  	[tilespmem:s0], [sflag:$0x3] =	stream.indirect.gather [hbm4b:s4+s26], $0x80, s30, s26, $0xb8;
	[tilespmem:$0x1F200] =	vst v63  }
0x8f: {  	s15 =	sadd.s32 $0x10, s14  }
0x90: {  	[tilespmem:s22], [sflag:$0x7] =	stream.linear.gather [hbm4b:s15+s3], $0x80, $0x38;
	[tilespmem:$0x1F200] =	vst v63  }
0x91: {  	_ =	swait.ge [sflag:s2], $0x2800  }
0x92: {  	[sflag:s2] =	ssyncset.done $0x0  }
0x93: {  	s16 =	simm.s32 $0x13A80;
	[sflag:s2] =	ssyncadd.s32 $0xFFFFD800  }
0x94: {  	[spmem:s1] =	stream.indirect.scatter.add.f32 [tilespmem:s29], [sflag:$0x5], $0x80, s16, s26, $0xb8;
	[tilespmem:$0x1F200] =	vst v63  }
0x95: {  	_ =	swait.ge [sflag:s6], $0x2800  }
0x96: {  	[sflag:s6] =	ssyncset.done $0x0  }
0x97: {  	[sflag:s6] =	ssyncadd.s32 $0xFFFFD800  }
0x98: {  	_ =	swait.ge [sflag:s24], $0x80  }
0x99: {  	[sflag:s24] =	ssyncset.done $0x0  }
0x9a: {  	[sflag:s24] =	ssyncadd.s32 $0xFFFFFF80  }
0x9b: {  	[tilespmem:s19], [sflag:$0x1] =	stream.indirect.gather [hbm4b:s4+s26], $0x80, s22, s26, $0xb8;
	[tilespmem:$0x1F200] =	vst v63  }
0x9c: {  	s15 =	sadd.s32 $0x20, s14  }
0x9d: {  	[tilespmem:s23], [sflag:$0x8] =	stream.linear.gather [hbm4b:s15+s3], $0x80, $0x38;
	[tilespmem:$0x1F200] =	vst v63  }
0x9e: {  	_ =	swait.ge [sflag:s7], $0x2800  }
0x9f: {  	[sflag:s7] =	ssyncset.done $0x0  }
0xa0: {  	s16 =	simm.s32 $0x13B00;
	[sflag:s7] =	ssyncadd.s32 $0xFFFFD800  }
0xa1: {  	[spmem:s1] =	stream.indirect.scatter.add.f32 [tilespmem:s0], [sflag:$0x6], $0x80, s16, s26, $0xb8;
	[tilespmem:$0x1F200] =	vst v63  }
0xa2: {  	_ =	swait.ge [sflag:s11], $0x2800  }
0xa3: {  	[sflag:s11] =	ssyncset.done $0x0  }
0xa4: {  	[sflag:s11] =	ssyncadd.s32 $0xFFFFD800  }
0xa5: {  	_ =	swait.ge [sflag:s28], $0x80  }
0xa6: {  	[sflag:s28] =	ssyncset.done $0x0  }
0xa7: {  	s13 =	simm.s32 $0x600;
	s14 =	sadd.s32 $0x30, s14;
	[sflag:s28] =	ssyncadd.s32 $0xFFFFFF80  }
.LBB2_4:
0xa8: {  	[tilespmem:s29], [sflag:$0x2] =	stream.indirect.gather [hbm4b:s4+s26], $0x80, s23, s26, $0xb8;
	[tilespmem:$0x1F200] =	vst v63  }
0xa9: {  	p1 =	sne.s32 s13, $0xEA00;
	s15 =	smov.u32 s13;
	s13 =	sadd.s32 $0x600, s13  }
0xaa: {  	[tilespmem:s30], [sflag:$0x9] =	stream.linear.gather [hbm4b:s14+s3], $0x80, $0x38;
	[tilespmem:$0x1F200] =	vst v63  }
0xab: {  	_ =	swait.ge [sflag:s21], $0x2800  }
0xac: {  	s15 =	sshra.s32 s15, $0x2;
	[sflag:s21] =	ssyncset.done $0x0  }
0xad: {  	s16 =	sadd.s32 $0x13A00, s15;
	[sflag:s21] =	ssyncadd.s32 $0xFFFFD800  }
0xae: {  	[spmem:s1] =	stream.indirect.scatter.add.f32 [tilespmem:s19], [sflag:$0x4], $0x80, s16, s26, $0xb8;
	[tilespmem:$0x1F200] =	vst v63  }
0xaf: {  	_ =	swait.ge [sflag:s12], $0x2800  }
0xb0: {  	[sflag:s12] =	ssyncset.done $0x0  }
0xb1: {  	[sflag:s12] =	ssyncadd.s32 $0xFFFFD800  }
0xb2: {  	_ =	swait.ge [sflag:s31], $0x80  }
0xb3: {  	[sflag:s31] =	ssyncset.done $0x0  }
0xb4: {  	[sflag:s31] =	ssyncadd.s32 $0xFFFFFF80  }
0xb5: {  	[tilespmem:s0], [sflag:$0x3] =	stream.indirect.gather [hbm4b:s4+s26], $0x80, s30, s26, $0xb8;
	[tilespmem:$0x1F200] =	vst v63  }
0xb6: {  	s16 =	sadd.s32 $0x10, s14  }
0xb7: {  	[tilespmem:s22], [sflag:$0x7] =	stream.linear.gather [hbm4b:s16+s3], $0x80, $0x38;
	[tilespmem:$0x1F200] =	vst v63  }
0xb8: {  	_ =	swait.ge [sflag:s2], $0x2800  }
0xb9: {  	[sflag:s2] =	ssyncset.done $0x0  }
0xba: {  	s16 =	sadd.s32 $0x13A80, s15;
	[sflag:s2] =	ssyncadd.s32 $0xFFFFD800  }
0xbb: {  	[spmem:s1] =	stream.indirect.scatter.add.f32 [tilespmem:s29], [sflag:$0x5], $0x80, s16, s26, $0xb8;
	[tilespmem:$0x1F200] =	vst v63  }
0xbc: {  	_ =	swait.ge [sflag:s6], $0x2800  }
0xbd: {  	[sflag:s6] =	ssyncset.done $0x0  }
0xbe: {  	[sflag:s6] =	ssyncadd.s32 $0xFFFFD800  }
0xbf: {  	_ =	swait.ge [sflag:s24], $0x80  }
0xc0: {  	[sflag:s24] =	ssyncset.done $0x0  }
0xc1: {  	[sflag:s24] =	ssyncadd.s32 $0xFFFFFF80  }
0xc2: {  	[tilespmem:s19], [sflag:$0x1] =	stream.indirect.gather [hbm4b:s4+s26], $0x80, s22, s26, $0xb8;
	[tilespmem:$0x1F200] =	vst v63  }
0xc3: {  	s16 =	sadd.s32 $0x20, s14  }
0xc4: {  	[tilespmem:s23], [sflag:$0x8] =	stream.linear.gather [hbm4b:s16+s3], $0x80, $0x38;
	[tilespmem:$0x1F200] =	vst v63  }
0xc5: {  	_ =	swait.ge [sflag:s7], $0x2800  }
0xc6: {  	[sflag:s7] =	ssyncset.done $0x0  }
0xc7: {  	s15 =	sadd.s32 $0x13B00, s15;
	[sflag:s7] =	ssyncadd.s32 $0xFFFFD800  }
0xc8: {  	[spmem:s1] =	stream.indirect.scatter.add.f32 [tilespmem:s0], [sflag:$0x6], $0x80, s15, s26, $0xb8;
	[tilespmem:$0x1F200] =	vst v63  }
0xc9: {  	_ =	swait.ge [sflag:s11], $0x2800  }
.Ltmp1:
0xca: {  	[sflag:s11] =	ssyncset.done $0x0;
	(pc) =	sbr.rel @p1 .LBB2_4-.Ltmp1, $4  }
0xcb: {  	[sflag:s11] =	ssyncadd.s32 $0xFFFFD800  }
0xcc: {  	_ =	swait.ge [sflag:s28], $0x80  }
0xcd: {  	[sflag:s28] =	ssyncset.done $0x0  }
0xce: {  	s14 =	sadd.s32 $0x30, s14;
	[sflag:s28] =	ssyncadd.s32 $0xFFFFFF80  }
0xcf: {  	[tilespmem:s29], [sflag:$0x2] =	stream.indirect.gather [hbm4b:s4+s26], $0x80, s23, s26, $0xb8;
	[tilespmem:$0x1F200] =	vst v63  }
0xd0: {  	_ =	swait.ge [sflag:s21], $0x2800  }
0xd1: {  	[sflag:s21] =	ssyncset.done $0x0  }
0xd2: {  	s13 =	simm.s32 $0x17600;
	[sflag:s21] =	ssyncadd.s32 $0xFFFFD800  }
0xd3: {  	[spmem:s1] =	stream.indirect.scatter.add.f32 [tilespmem:s19], [sflag:$0x4], $0x80, s13, s26, $0xb8;
	[tilespmem:$0x1F200] =	vst v63  }
0xd4: {  	_ =	swait.ge [sflag:s2], $0x2800  }
0xd5: {  	[sflag:s2] =	ssyncset.done $0x0  }
0xd6: {  	s14 =	simm.s32 $0x17680;
	[sflag:s2] =	ssyncadd.s32 $0xFFFFD800  }
0xd7: {  	[spmem:s1] =	stream.indirect.scatter.add.f32 [tilespmem:s29], [sflag:$0x5], $0x80, s14, s26, $0xb8;
	[tilespmem:$0x1F200] =	vst v63  }
0xd8: {  	_ =	swait.ge [sflag:s12], $0x2800  }
0xd9: {  	[sflag:s12] =	ssyncset.done $0x0  }
0xda: {  	[sflag:s12] =	ssyncadd.s32 $0xFFFFD800  }
0xdb: {  	_ =	swait.ge [sflag:s6], $0x2800  }
0xdc: {  	[sflag:s6] =	ssyncset.done $0x0  }
0xdd: {  	[sflag:s6] =	ssyncadd.s32 $0xFFFFD800  }
0xde: {  	_ =	swait.ge [sflag:s11], $0x2800  }
0xdf: {  	s15 =	stileid.u32;
	[sflag:s11] =	ssyncset.done $0x0  }
0xe0: {  	s13 =	sshll.u32 s15, $0x6;
	[sflag:s11] =	ssyncadd.s32 $0xFFFFD800  }
0xe1: {  	s13 =	sor.u32 $0x1C0A, s13;
	s14 =	sshrl.u32 s5, $0x3;
	[bflag:$0x0] =	sbarrier.arrive $0xFFFF  }
0xe2: {  	[hbm:s25], [sflag:s13] =	dma.local [spmem:s14], $0x2700  }
0xe3: {  	_ =	swait.ge [sflag:s20], $0x2700  }
0xe4: {  	[sflag:s20] =	ssyncset.done $0x0  }
0xe5: {  	s15 =	sshrl.u32 @!p0 s8, $0x3;
	s14 =	sadd.s32 @!p0 $0x27000, s10;
	[sflag:s20] =	ssyncadd.s32 $0xFFFFD900  }
0xe6: {  	[hbm:s14], [sflag:s13] =	dma.local @!p0 [spmem:s15], $0x100  }
0xe7: {  	s13 =	simm.s32 @!p0 $0xA  }
0xe8: {  	_ =	swait.ge @!p0 [sflag:s13], $0x100  }
0xe9: {  	s18 =	sadd.s32 $0x1, s18;
	s16 =	rddreg [dreg:$0x5]  }
0xea: {  	p1 =	sne.s32 s18, s16  }
.Ltmp2:
0xeb: {  	_ = 	snop;
	(pc) =	sbr.rel @p1 .LBB2_1-.Ltmp2, $3  }
0xec: {  	_ =	sdelay $0x1  }
0xed: {  	[sflag:s13] =	ssyncset.done @!p0 $0x0  }
0xee: {  	s15 =	simm.s32 $0x13880;
	[sflag:s13] =	ssyncadd.s32 @!p0 $0xFFFFFF00  }
0xef: {  	_ =	sfence.sel $0x180000  }
0xf0: {  	[bflag:$0x0] =	sbarrier.arrive $0xFFFF  }
0xf1: {  	_ =	strace $0x90000053  }
0xf2: {  	s0 =	stileid.u32;
	[bflag:$0x2] =	sbarrier.arrive $0xFFFF  }
0xf3: {  	p0 =	sne.s32 s0, $0x0;
	s0 =	rddreg [dreg:$0x2]  }
0xf4: {  	s0 =	sadd.s32 @!p0 $0x100000, s0  }
0xf5: {  	[sflag:s0] =	ssyncadd.tile.s32 @!p0 $0x1;
	_ =	shalt  }
.Lfunc_end2:
_tile_overlayer_lowered:
.L_overlay_start_2:
0xf6: {  	(tag) =	ssettag $0x2  }
0xf7: {  	s0 =	rddreg [dreg:$0x0];
	s2 =	stileid.u32  }
0xf8: {  	s1 =	rddreg [dreg:$0x1];
	p0 =	sne.s32 s2, $0x0  }
0xf9: {  	s3 =	rddreg [dreg:$0x2];
	[bflag:$0x3] =	sbarrier.arrive $0xFFFF;
	s2 =	simm.s32 @!p0 $0x1C0A  }
0xfa: {  	[timem:s3], [sflag:s2] =	dma.local @!p0 [hbm:s0], s1  }
0xfb: {  	s0 =	simm.s32 @!p0 $0xA  }
0xfc: {  	_ =	swait.ge @!p0 [sflag:s0], s1  }
0xfd: {  	s1 =	ssub.s32 @!p0 $0x0, s1;
	[sflag:s0] =	ssyncset.done @!p0 $0x0  }
0xfe: {  	[sflag:s0] =	ssyncadd.s32 @!p0 s1  }
0xff: {  	[bflag:$0x3] =	sbarrier.arrive $0xFFFF  }
0x100: {  	_ =	shalt  }

</sc_bundles>
